<compile_context>
chip_gen: v7x
topology: tpu7x:2x2x1
jax: 0.10.2.dev20260603
libtpu: 0.0.44.dev20260713+nightly
codegen_flags: <defaults>
</compile_context>

<pallas_src>
import functools

import jax
import jax.numpy as jnp
from jax import lax
from jax.experimental import pallas as pl
from jax.experimental.pallas import tpu as pltpu
from jax.experimental.pallas import tpu_sc as plsc

N = 10000
E = 320000
DIN = 128
DH = 256
NCLS = 2
EPS = 1e-5

EC = 128
ER = E // EC
NPAD = 10240
NTILES = 16
NCORES = 2


def _fill_vec(ref, n16, value):
    def body(i, _):
        ref[pl.ds(i * 16, 16)] = jnp.full((16,), value, jnp.float32)
        return 0
    lax.fori_loop(0, n16, body, 0)



def _deg_body(ei_hbm, hist_out, ones_v, zeros_v, idx2_v, hsrc, hdst, sem):
    c = lax.axis_index("c")
    s = lax.axis_index("s")
    _fill_vec(ones_v, EC // 16, 1.0)
    _fill_vec(zeros_v, 640 // 16, 0.0)
    pltpu.sync_copy(zeros_v, hsrc.at[pl.ds(s * 640, 640)])
    pltpu.sync_copy(zeros_v, hdst.at[pl.ds(s * 640, 640)])
    plsc.subcore_barrier()
    def body(i, _):
        r = s + i * NTILES

        @pl.when(r < ER // NCORES)
        def _():
            row = c * (ER // NCORES) + r
            pltpu.sync_copy(ei_hbm.at[:, row], idx2_v)
            pltpu.sync_copy(ones_v, hsrc.at[idx2_v.at[0]], add=True)
            pltpu.sync_copy(ones_v, hdst.at[idx2_v.at[1]], add=True)
        return 0
    lax.fori_loop(0, (ER // NCORES + NTILES - 1) // NTILES, body, 0)
    plsc.subcore_barrier()
    pltpu.sync_copy(hsrc.at[pl.ds(s * 640, 640)], hist_out.at[c, 0, pl.ds(s * 640, 640)])
    pltpu.sync_copy(hdst.at[pl.ds(s * 640, 640)], hist_out.at[c, 1, pl.ds(s * 640, 640)])


def _make_deg_kernel():
    mesh = plsc.VectorSubcoreMesh(core_axis_name="c", subcore_axis_name="s")
    return functools.partial(
        pl.kernel,
        mesh=mesh,
        out_type=jax.ShapeDtypeStruct((NCORES, 2, NPAD), jnp.float32),
        scratch_types=[
            pltpu.VMEM((EC,), jnp.float32),
            pltpu.VMEM((640,), jnp.float32),
            pltpu.VMEM((2, EC), jnp.int32),
            pltpu.VMEM_SHARED((NPAD,), jnp.float32),
            pltpu.VMEM_SHARED((NPAD,), jnp.float32),
            pltpu.SemaphoreType.DMA,
        ],
    )(_deg_body)



HALF = 128


def _agg_body(edge_split, h0_hbm, h1_hbm, ei_hbm, zero_hbm, agg0_out, agg1_out,
              idx2_v, rows_v, acc,
              isem0, isem1, isem2, gsem0, gsem1, gsem2):
    isem = (isem0, isem1, isem2)
    gsem = (gsem0, gsem1, gsem2)
    c = lax.axis_index("c")
    s = lax.axis_index("s")
    pltpu.sync_copy(zero_hbm.at[pl.ds(0, 632)],
                    acc.at[pl.ds(s * 624, 632)])

    @pl.when(s == NTILES - 1)
    def _():
        pltpu.sync_copy(zero_hbm.at[pl.ds(0, 8)], acc.at[pl.ds(N - 8, 8)])
    plsc.subcore_barrier()

    rpc = ER // NCORES if edge_split else ER
    niter = (rpc + NTILES - 1) // NTILES

    def vld(i):
        return jnp.logical_and(i >= 0, s + i * NTILES < rpc)

    def issue_idx(i, b):
        r = s + i * NTILES
        row = c * rpc + r if edge_split else r
        pltpu.async_copy(ei_hbm.at[:, row], idx2_v.at[b], isem[b])

    def wait_idx(b):
        pltpu.make_async_copy(ei_hbm.at[:, 0], idx2_v.at[b], isem[b]).wait()

    def issue_gather(b):
        if edge_split:
            pltpu.async_copy(h0_hbm.at[idx2_v.at[b, 0]], rows_v.at[b], gsem[b])
        else:
            @pl.when(c == 0)
            def _():
                pltpu.async_copy(h0_hbm.at[idx2_v.at[b, 0]], rows_v.at[b],
                                 gsem[b])

            @pl.when(c == 1)
            def _():
                pltpu.async_copy(h1_hbm.at[idx2_v.at[b, 0]], rows_v.at[b],
                                 gsem[b])

    def wait_gather(b):
        pltpu.make_async_copy(h0_hbm.at[idx2_v.at[b, 0]], rows_v.at[b],
                              gsem[b]).wait()

    for i0 in (0, 1):
        @pl.when(vld(i0))
        def _():
            issue_idx(i0, i0)

    for i0 in (0, 1):
        @pl.when(vld(i0))
        def _():
            wait_idx(i0)
            issue_gather(i0)

    @pl.when(vld(2))
    def _():
        issue_idx(2, 2)

    def tri_body(ip, _):
        for b in (0, 1, 2):
            i = ip * 3 + b
            b2 = (b + 2) % 3

            @pl.when(vld(i))
            def _():
                wait_gather(b)
                pltpu.sync_copy(rows_v.at[b], acc.at[idx2_v.at[b, 1]],
                                add=True)

                @pl.when(vld(i + 3))
                def _():
                    issue_idx(i + 3, b)

            @pl.when(vld(i + 2))
            def _():
                wait_idx(b2)
                issue_gather(b2)
        return 0
    lax.fori_loop(0, (niter + 2) // 3, tri_body, 0)
    plsc.subcore_barrier()

    @pl.when(c == 0)
    def _():
        pltpu.sync_copy(acc.at[pl.ds(s * 624, 632)], agg0_out.at[pl.ds(s * 624, 632)])

        @pl.when(s == NTILES - 1)
        def _():
            pltpu.sync_copy(acc.at[pl.ds(N - 8, 8)], agg0_out.at[pl.ds(N - 8, 8)])

    @pl.when(c == 1)
    def _():
        pltpu.sync_copy(acc.at[pl.ds(s * 624, 632)], agg1_out.at[pl.ds(s * 624, 632)])

        @pl.when(s == NTILES - 1)
        def _():
            pltpu.sync_copy(acc.at[pl.ds(N - 8, 8)], agg1_out.at[pl.ds(N - 8, 8)])


def _make_agg_kernel(edge_split):
    mesh = plsc.VectorSubcoreMesh(core_axis_name="c", subcore_axis_name="s")
    return functools.partial(
        pl.kernel,
        mesh=mesh,
        out_type=(
            jax.ShapeDtypeStruct((NPAD, HALF), jnp.float32),
            jax.ShapeDtypeStruct((NPAD, HALF), jnp.float32),
        ),
        scratch_types=[
            pltpu.VMEM((3, 2, EC), jnp.int32),
            pltpu.VMEM((3, EC, HALF), jnp.float32),
            pltpu.VMEM_SHARED((N, HALF), jnp.float32),
        ] + [pltpu.SemaphoreType.DMA] * 6,
    )(functools.partial(_agg_body, edge_split))



def _prep_body(x_ref, hist_ref, hs_ref, degv_ref):
    deg_out = hist_ref[0, 0, :] + hist_ref[1, 0, :]
    deg_in = hist_ref[0, 1, :] + hist_ref[1, 1, :]
    dinv_out = jax.lax.rsqrt(jnp.maximum(deg_out, 1.0))
    dinv_in = jax.lax.rsqrt(jnp.maximum(deg_in, 1.0))
    degv_ref[0, :] = dinv_out
    degv_ref[1, :] = dinv_in
    hs_ref[...] = x_ref[...] * dinv_out[:N, None]


def _tc_prep(features, hist):
    return pl.pallas_call(
        _prep_body,
        out_shape=(
            jax.ShapeDtypeStruct((N, DIN), jnp.float32),
            jax.ShapeDtypeStruct((2, NPAD), jnp.float32),
        ),
    )(features, hist)


BLK = 1024
NBLK = NPAD // BLK


def _mm_body(sum_mode, a0_ref, a1_ref, degv_ref, w_ref, b_ref, t_ref, stats_ref):
    i = pl.program_id(0)
    if sum_mode:
        a = a0_ref[...] + a1_ref[...]
    else:
        a = jnp.concatenate([a0_ref[...], a1_ref[...]], axis=1)
    din = degv_ref[1, pl.ds(i * BLK, BLK)]
    a = a * din[:, None]
    t = jnp.dot(a, w_ref[...], preferred_element_type=jnp.float32, precision=jax.lax.Precision.HIGHEST) + b_ref[...]
    t_ref[...] = t

    @pl.when(i == 0)
    def _():
        stats_ref[...] = jnp.zeros_like(stats_ref)
    rows = jax.lax.broadcasted_iota(jnp.int32, (BLK, 1), 0) + i * BLK
    tm = jnp.where(rows < N, t, 0.0)
    stats_ref[0, :] += jnp.sum(tm, axis=0)
    stats_ref[1, :] += jnp.sum(tm * tm, axis=0)


def _tc_matmul(agg0, agg1, degv, W, b, sum_mode):
    din, dout = W.shape
    return pl.pallas_call(
        functools.partial(_mm_body, sum_mode),
        grid=(NBLK,),
        in_specs=[
            pl.BlockSpec((BLK, HALF), lambda i: (i, 0)),
            pl.BlockSpec((BLK, HALF), lambda i: (i, 0)),
            pl.BlockSpec((2, NPAD), lambda i: (0, 0)),
            pl.BlockSpec((din, dout), lambda i: (0, 0)),
            pl.BlockSpec((dout,), lambda i: (0,)),
        ],
        out_specs=(
            pl.BlockSpec((BLK, dout), lambda i: (i, 0)),
            pl.BlockSpec((2, dout), lambda i: (0, 0)),
        ),
        out_shape=(
            jax.ShapeDtypeStruct((NPAD, dout), jnp.float32),
            jax.ShapeDtypeStruct((2, dout), jnp.float32),
        ),
    )(agg0, agg1, degv, W, b)


def _bn_body(t_ref, stats_ref, g_ref, be_ref, degv_ref, h0_ref, h1_ref):
    i = pl.program_id(0)
    mean = stats_ref[0, :] * (1.0 / N)
    var = stats_ref[1, :] * (1.0 / N) - mean * mean
    inv = jax.lax.rsqrt(var + EPS)
    y = (t_ref[...] - mean[None, :]) * (inv * g_ref[...])[None, :] + be_ref[...][None, :]
    y = jnp.maximum(y, 0.0)
    dout = degv_ref[0, pl.ds(i * BLK, BLK)]
    y = y * dout[:, None]
    h0_ref[...] = y[:, : DH // 2]
    h1_ref[...] = y[:, DH // 2:]


def _tc_bn_split(t, stats, g, be, degv):
    return pl.pallas_call(
        _bn_body,
        grid=(NBLK,),
        in_specs=[
            pl.BlockSpec((BLK, DH), lambda i: (i, 0)),
            pl.BlockSpec((2, DH), lambda i: (0, 0)),
            pl.BlockSpec((DH,), lambda i: (0,)),
            pl.BlockSpec((DH,), lambda i: (0,)),
            pl.BlockSpec((2, NPAD), lambda i: (0, 0)),
        ],
        out_specs=(
            pl.BlockSpec((BLK, DH // 2), lambda i: (i, 0)),
            pl.BlockSpec((BLK, DH // 2), lambda i: (i, 0)),
        ),
        out_shape=(
            jax.ShapeDtypeStruct((NPAD, DH // 2), jnp.float32),
            jax.ShapeDtypeStruct((NPAD, DH // 2), jnp.float32),
        ),
    )(t, stats, g, be, degv)


def _cls_body(t_ref, stats_ref, g_ref, be_ref, wc_ref, bc_ref, o_ref):
    mean = stats_ref[0, :] * (1.0 / N)
    var = stats_ref[1, :] * (1.0 / N) - mean * mean
    inv = jax.lax.rsqrt(var + EPS)
    y = (t_ref[...] - mean[None, :]) * (inv * g_ref[...])[None, :] + be_ref[...][None, :]
    y = jnp.maximum(y, 0.0)
    o_ref[...] = jnp.dot(y, wc_ref[...], preferred_element_type=jnp.float32, precision=jax.lax.Precision.HIGHEST) + bc_ref[...]


def _tc_classifier(t, stats, g, be, wc_pad, bc_pad):
    return pl.pallas_call(
        _cls_body,
        grid=(NBLK,),
        in_specs=[
            pl.BlockSpec((BLK, DH), lambda i: (i, 0)),
            pl.BlockSpec((2, DH), lambda i: (0, 0)),
            pl.BlockSpec((DH,), lambda i: (0,)),
            pl.BlockSpec((DH,), lambda i: (0,)),
            pl.BlockSpec((DH, 128), lambda i: (0, 0)),
            pl.BlockSpec((128,), lambda i: (0,)),
        ],
        out_specs=pl.BlockSpec((BLK, 128), lambda i: (i, 0)),
        out_shape=jax.ShapeDtypeStruct((NPAD, 128), jnp.float32),
    )(t, stats, g, be, wc_pad, bc_pad)



def kernel(features, edge_index, W1, b1, g1, be1, W2, b2, g2, be2,
           W3, b3, g3, be3, Wc, bc):
    ei = edge_index.reshape(2, ER, EC)

    hist = _make_deg_kernel()(ei)
    hs, degv = _tc_prep(features, hist)
    zer = jnp.zeros((632, HALF), jnp.float32)

    agg0, agg1 = _make_agg_kernel(True)(hs, hs, ei, zer)
    t1, st1 = _tc_matmul(agg0, agg1, degv, W1, b1, True)
    h0, h1 = _tc_bn_split(t1, st1, g1, be1, degv)

    agg0, agg1 = _make_agg_kernel(False)(h0, h1, ei, zer)
    t2, st2 = _tc_matmul(agg0, agg1, degv, W2, b2, False)
    h0, h1 = _tc_bn_split(t2, st2, g2, be2, degv)

    agg0, agg1 = _make_agg_kernel(False)(h0, h1, ei, zer)
    t3, st3 = _tc_matmul(agg0, agg1, degv, W3, b3, False)

    wc_pad = jnp.zeros((DH, 128), jnp.float32).at[:, :NCLS].set(Wc)
    bc_pad = jnp.zeros((128,), jnp.float32).at[:NCLS].set(bc)
    out = _tc_classifier(t3, st3, g3, be3, wc_pad, bc_pad)
    return out[:N, :NCLS]

# --- scband reference (transcript-rebuilt; emitter-appended) ---
"""Pipeline reference for scband-gnn-36240934043674 (READ-ONLY COPY).

The authoritative reference and input builder live on the scoring server;
editing this copy changes nothing except your own understanding.
"""

import jax, jax.numpy as jnp
import numpy as np

N = 10000
E = 320000
DIN = 128
DH = 256
NCLS = 2
EPS = 1e-5


def setup_inputs(seed: int = 0) -> dict:
    key = jax.random.key(seed)
    ks = jax.random.split(key, 20)
    inp = {}
    inp["features"] = jax.random.normal(ks[0], (N, DIN), dtype=jnp.float32)
    inp["edge_index"] = jax.random.randint(ks[1], (2, E), 0, N, dtype=jnp.int32)
    # GraphConv layer 1: in->hidden
    inp["W1"] = jax.random.normal(ks[2], (DIN, DH), dtype=jnp.float32) * (1.0 / np.sqrt(DIN))
    inp["b1"] = jnp.zeros((DH,), dtype=jnp.float32)
    inp["g1"] = jnp.ones((DH,), dtype=jnp.float32)
    inp["be1"] = jnp.zeros((DH,), dtype=jnp.float32)
    # GraphConv layer 2: hidden->hidden
    inp["W2"] = jax.random.normal(ks[3], (DH, DH), dtype=jnp.float32) * (1.0 / np.sqrt(DH))
    inp["b2"] = jnp.zeros((DH,), dtype=jnp.float32)
    inp["g2"] = jnp.ones((DH,), dtype=jnp.float32)
    inp["be2"] = jnp.zeros((DH,), dtype=jnp.float32)
    # GraphConv layer 3: hidden->hidden
    inp["W3"] = jax.random.normal(ks[4], (DH, DH), dtype=jnp.float32) * (1.0 / np.sqrt(DH))
    inp["b3"] = jnp.zeros((DH,), dtype=jnp.float32)
    inp["g3"] = jnp.ones((DH,), dtype=jnp.float32)
    inp["be3"] = jnp.zeros((DH,), dtype=jnp.float32)
    # classifier
    inp["Wc"] = jax.random.normal(ks[5], (DH, NCLS), dtype=jnp.float32) * (1.0 / np.sqrt(DH))
    inp["bc"] = jnp.zeros((NCLS,), dtype=jnp.float32)
    return inp


def _graph_conv(x, W, b, src, dst):
    # DGL GraphConv norm='both': D_out^{-1/2} applied to src feats, sum-aggregate
    # over in-edges, D_in^{-1/2} applied at dst, then bias. Degrees clamped at 1.
    ones = jnp.ones((src.shape[0],), dtype=jnp.float32)
    deg_out = jnp.clip(jnp.zeros((N,), jnp.float32).at[src].add(ones), 1.0, None)
    deg_in = jnp.clip(jnp.zeros((N,), jnp.float32).at[dst].add(ones), 1.0, None)
    h = x * (deg_out ** -0.5)[:, None]
    h = h @ W
    agg = jnp.zeros((N, W.shape[1]), dtype=jnp.float32).at[dst].add(h[src])
    agg = agg * (deg_in ** -0.5)[:, None]
    return agg + b


def _bn(h, gamma, beta):
    # BatchNorm1d in training mode: batch statistics (biased variance)
    m = jnp.mean(h, axis=0)
    v = jnp.var(h, axis=0)
    return (h - m) / jnp.sqrt(v + EPS) * gamma + beta


def reference(features, edge_index, W1, b1, g1, be1, W2, b2, g2, be2, W3, b3, g3, be3, Wc, bc):
    src = edge_index[0]
    dst = edge_index[1]
    h = _graph_conv(features, W1, b1, src, dst)
    h = jax.nn.relu(_bn(h, g1, be1))
    # dropout is identity in eval / deterministic reference
    h = _graph_conv(h, W2, b2, src, dst)
    h = jax.nn.relu(_bn(h, g2, be2))
    h = _graph_conv(h, W3, b3, src, dst)
    h = jax.nn.relu(_bn(h, g3, be3))
    return h @ Wc + bc

if __name__ == "__main__":
    import jax
    _d = setup_inputs()
    print(jax.jit(kernel)(*tuple(_d.values())))

</pallas_src>

<mosaic_0001>
#map = affine_map<(d0, d1) -> (0, 0)>
#map1 = affine_map<(d0, d1) -> (0, 0, 0)>
module attributes {stable_mosaic.version = 14 : i64} {
  func.func @_agg_body(%arg0: i32, %arg1: i32, %arg2: memref<10000x128xf32, #tpu.memory_space<hbm>>, %arg3: memref<10000x128xf32, #tpu.memory_space<hbm>>, %arg4: memref<2x2500x128xi32, #tpu.memory_space<hbm>>, %arg5: memref<632x128xf32, #tpu.memory_space<hbm>>, %arg6: memref<10240x128xf32, #tpu.memory_space<hbm>>, %arg7: memref<10240x128xf32, #tpu.memory_space<hbm>>, %arg8: memref<3x2x128xi32, #tpu.memory_space<vmem>>, %arg9: memref<3x128x128xf32, #tpu.memory_space<vmem>>, %arg10: memref<10000x128xf32, #tpu.memory_space<vmem_shared>>, %arg11: memref<!tpu.dma_semaphore, #tpu.memory_space<semaphore_mem>>, %arg12: memref<!tpu.dma_semaphore, #tpu.memory_space<semaphore_mem>>, %arg13: memref<!tpu.dma_semaphore, #tpu.memory_space<semaphore_mem>>, %arg14: memref<!tpu.dma_semaphore, #tpu.memory_space<semaphore_mem>>, %arg15: memref<!tpu.dma_semaphore, #tpu.memory_space<semaphore_mem>>, %arg16: memref<!tpu.dma_semaphore, #tpu.memory_space<semaphore_mem>>) attributes {dimension_semantics = [#tpu.dimension_semantics<core_parallel>, #tpu.dimension_semantics<subcore_parallel>], iteration_bounds = array<i64: 2, 16>, scalar_prefetch = 0 : i64, scratch_operands = 9 : i64, tpu.core_type = #tpu.core_type<sc_vector_subcore>, window_params = [{transform_indices = #map}, {transform_indices = #map}, {transform_indices = #map1}, {transform_indices = #map}, {transform_indices = #map}, {transform_indices = #map}]} {
    %mul3A = arith.constant 624 : i32
    %mul3A_0 = arith.muli %arg1, %mul3A : i32
    "tpu.region"() ({
      %run_scoped3A = tpu.sem_alloc : memref<!tpu.dma_semaphore, #tpu.memory_space<semaphore_mem>>
      %dma_start3A = arith.constant 0 : i32
      %dma_start3A_62 = tpu.memref_slice %arg10[%mul3A_0, %dma_start3A] : memref<10000x128xf32, #tpu.memory_space<vmem_shared>> -> memref<632x128xf32, #tpu.memory_space<vmem_shared>>
      %dma_start3A_63 = arith.constant 0 : i32
      %dma_start3A_64 = arith.constant 0 : i32
      %dma_start3A_65 = tpu.memref_slice %arg5[%dma_start3A_63, %dma_start3A_64] : memref<632x128xf32, #tpu.memory_space<hbm>> -> memref<632x128xf32, #tpu.memory_space<hbm>>
      tpu.enqueue_dma source(%dma_start3A_65 : memref<632x128xf32, #tpu.memory_space<hbm>>) target(%dma_start3A_62 : memref<632x128xf32, #tpu.memory_space<vmem_shared>>) target_semaphore(%run_scoped3A : memref<!tpu.dma_semaphore, #tpu.memory_space<semaphore_mem>>)
      %dma_wait3A = arith.constant 0 : i32
      %dma_wait3A_66 = tpu.memref_slice %arg10[%mul3A_0, %dma_wait3A] : memref<10000x128xf32, #tpu.memory_space<vmem_shared>> -> memref<632x128xf32, #tpu.memory_space<vmem_shared>>
      %dma_wait3A_67 = arith.constant 0 : i32
      %dma_wait3A_68 = arith.constant 0 : i32
      %dma_wait3A_69 = tpu.memref_slice %arg5[%dma_wait3A_67, %dma_wait3A_68] : memref<632x128xf32, #tpu.memory_space<hbm>> -> memref<632x128xf32, #tpu.memory_space<hbm>>
      tpu.wait_dma2 semaphore(%run_scoped3A : memref<!tpu.dma_semaphore, #tpu.memory_space<semaphore_mem>>) src(%dma_wait3A_69 : memref<632x128xf32, #tpu.memory_space<hbm>>) dst(%dma_wait3A_66 : memref<632x128xf32, #tpu.memory_space<vmem_shared>>)
      tpu.yield
    }) : () -> ()
    %eq3A = arith.constant 15 : i32
    %eq3A_1 = arith.cmpi eq, %arg1, %eq3A : i32
    %convert_element_type3A = arith.extui %eq3A_1 : i1 to i32
    %cond3A = arith.constant 0 : i32
    %cond3A_2 = arith.cmpi ne, %convert_element_type3A, %cond3A : i32
    scf.if %cond3A_2 {
      "tpu.region"() ({
        %run_scoped3A = tpu.sem_alloc : memref<!tpu.dma_semaphore, #tpu.memory_space<semaphore_mem>>
        %dma_start3A = arith.constant 9992 : i32
        %dma_start3A_62 = arith.constant 0 : i32
        %dma_start3A_63 = tpu.memref_slice %arg10[%dma_start3A, %dma_start3A_62] : memref<10000x128xf32, #tpu.memory_space<vmem_shared>> -> memref<8x128xf32, #tpu.memory_space<vmem_shared>>
        %dma_start3A_64 = arith.constant 0 : i32
        %dma_start3A_65 = arith.constant 0 : i32
        %dma_start3A_66 = tpu.memref_slice %arg5[%dma_start3A_64, %dma_start3A_65] : memref<632x128xf32, #tpu.memory_space<hbm>> -> memref<8x128xf32, #tpu.memory_space<hbm>>
        tpu.enqueue_dma source(%dma_start3A_66 : memref<8x128xf32, #tpu.memory_space<hbm>>) target(%dma_start3A_63 : memref<8x128xf32, #tpu.memory_space<vmem_shared>>) target_semaphore(%run_scoped3A : memref<!tpu.dma_semaphore, #tpu.memory_space<semaphore_mem>>)
        %dma_wait3A = arith.constant 9992 : i32
        %dma_wait3A_67 = arith.constant 0 : i32
        %dma_wait3A_68 = tpu.memref_slice %arg10[%dma_wait3A, %dma_wait3A_67] : memref<10000x128xf32, #tpu.memory_space<vmem_shared>> -> memref<8x128xf32, #tpu.memory_space<vmem_shared>>
        %dma_wait3A_69 = arith.constant 0 : i32
        %dma_wait3A_70 = arith.constant 0 : i32
        %dma_wait3A_71 = tpu.memref_slice %arg5[%dma_wait3A_69, %dma_wait3A_70] : memref<632x128xf32, #tpu.memory_space<hbm>> -> memref<8x128xf32, #tpu.memory_space<hbm>>
        tpu.wait_dma2 semaphore(%run_scoped3A : memref<!tpu.dma_semaphore, #tpu.memory_space<semaphore_mem>>) src(%dma_wait3A_71 : memref<8x128xf32, #tpu.memory_space<hbm>>) dst(%dma_wait3A_68 : memref<8x128xf32, #tpu.memory_space<vmem_shared>>)
        tpu.yield
      }) : () -> ()
    } else {
    }
    %barrier3A = arith.constant 0 : index
    tpu.barrier barrier_id(%barrier3A)
    %add3A = arith.constant 0 : i32
    %add3A_3 = arith.addi %arg1, %add3A : i32
    %lt3A = arith.constant 1250 : i32
    %lt3A_4 = arith.cmpi slt, %add3A_3, %lt3A : i32
    %and3A = arith.constant true
    %and3A_5 = arith.andi %and3A, %lt3A_4 : i1
    %convert_element_type3A_6 = arith.extui %and3A_5 : i1 to i32
    %cond3A_7 = arith.constant 0 : i32
    %cond3A_8 = arith.cmpi ne, %convert_element_type3A_6, %cond3A_7 : i32
    scf.if %cond3A_8 {
      %add3A_62 = arith.constant 0 : i32
      %add3A_63 = arith.addi %arg1, %add3A_62 : i32
      %mul3A_64 = arith.constant 1250 : i32
      %mul3A_65 = arith.muli %arg0, %mul3A_64 : i32
      %add3A_66 = arith.addi %mul3A_65, %add3A_63 : i32
      %dma_start3A = arith.constant 0 : i32
      %dma_start3A_67 = arith.constant 0 : i32
      %dma_start3A_68 = arith.constant 0 : i32
      %dma_start3A_69 = tpu.memref_slice %arg8[%dma_start3A, %dma_start3A_67, %dma_start3A_68] : memref<3x2x128xi32, #tpu.memory_space<vmem>> -> memref<1x2x128xi32, #tpu.memory_space<vmem>>
      %dma_start3A_70 = tpu.memref_squeeze %dma_start3A_69 : memref<1x2x128xi32, #tpu.memory_space<vmem>> -> memref<2x128xi32, #tpu.memory_space<vmem>>
      %dma_start3A_71 = arith.constant 0 : i32
      %dma_start3A_72 = arith.constant 0 : i32
      %dma_start3A_73 = tpu.memref_slice %arg4[%dma_start3A_71, %add3A_66, %dma_start3A_72] : memref<2x2500x128xi32, #tpu.memory_space<hbm>> -> memref<2x1x128xi32, #tpu.memory_space<hbm>>
      %dma_start3A_74 = tpu.memref_squeeze %dma_start3A_73 : memref<2x1x128xi32, #tpu.memory_space<hbm>> -> memref<2x128xi32, #tpu.memory_space<hbm>>
      %dma_start3A_75 = arith.constant 0 : i32
      %dma_start3A_76 = arith.constant 0 : i32
      %dma_start3A_77 = tpu.memref_slice %arg8[%dma_start3A, %dma_start3A_75, %dma_start3A_76] : memref<3x2x128xi32, #tpu.memory_space<vmem>> -> memref<1x2x128xi32, #tpu.memory_space<vmem>>
      %dma_start3A_78 = tpu.memref_squeeze %dma_start3A_77 : memref<1x2x128xi32, #tpu.memory_space<vmem>> -> memref<2x128xi32, #tpu.memory_space<vmem>>
      %dma_start3A_79 = arith.constant 0 : i32
      %dma_start3A_80 = arith.constant 0 : i32
      %dma_start3A_81 = tpu.memref_slice %arg4[%dma_start3A_79, %add3A_66, %dma_start3A_80] : memref<2x2500x128xi32, #tpu.memory_space<hbm>> -> memref<2x1x128xi32, #tpu.memory_space<hbm>>
      %dma_start3A_82 = tpu.memref_squeeze %dma_start3A_81 : memref<2x1x128xi32, #tpu.memory_space<hbm>> -> memref<2x128xi32, #tpu.memory_space<hbm>>
      tpu.enqueue_dma source(%dma_start3A_82 : memref<2x128xi32, #tpu.memory_space<hbm>>) target(%dma_start3A_78 : memref<2x128xi32, #tpu.memory_space<vmem>>) target_semaphore(%arg11 : memref<!tpu.dma_semaphore, #tpu.memory_space<semaphore_mem>>)
    } else {
    }
    %add3A_9 = arith.constant 16 : i32
    %add3A_10 = arith.addi %arg1, %add3A_9 : i32
    %lt3A_11 = arith.constant 1250 : i32
    %lt3A_12 = arith.cmpi slt, %add3A_10, %lt3A_11 : i32
    %and3A_13 = arith.constant true
    %and3A_14 = arith.andi %and3A_13, %lt3A_12 : i1
    %convert_element_type3A_15 = arith.extui %and3A_14 : i1 to i32
    %cond3A_16 = arith.constant 0 : i32
    %cond3A_17 = arith.cmpi ne, %convert_element_type3A_15, %cond3A_16 : i32
    scf.if %cond3A_17 {
      %add3A_62 = arith.constant 16 : i32
      %add3A_63 = arith.addi %arg1, %add3A_62 : i32
      %mul3A_64 = arith.constant 1250 : i32
      %mul3A_65 = arith.muli %arg0, %mul3A_64 : i32
      %add3A_66 = arith.addi %mul3A_65, %add3A_63 : i32
      %dma_start3A = arith.constant 1 : i32
      %dma_start3A_67 = arith.constant 0 : i32
      %dma_start3A_68 = arith.constant 0 : i32
      %dma_start3A_69 = tpu.memref_slice %arg8[%dma_start3A, %dma_start3A_67, %dma_start3A_68] : memref<3x2x128xi32, #tpu.memory_space<vmem>> -> memref<1x2x128xi32, #tpu.memory_space<vmem>>
      %dma_start3A_70 = tpu.memref_squeeze %dma_start3A_69 : memref<1x2x128xi32, #tpu.memory_space<vmem>> -> memref<2x128xi32, #tpu.memory_space<vmem>>
      %dma_start3A_71 = arith.constant 0 : i32
      %dma_start3A_72 = arith.constant 0 : i32
      %dma_start3A_73 = tpu.memref_slice %arg4[%dma_start3A_71, %add3A_66, %dma_start3A_72] : memref<2x2500x128xi32, #tpu.memory_space<hbm>> -> memref<2x1x128xi32, #tpu.memory_space<hbm>>
      %dma_start3A_74 = tpu.memref_squeeze %dma_start3A_73 : memref<2x1x128xi32, #tpu.memory_space<hbm>> -> memref<2x128xi32, #tpu.memory_space<hbm>>
      %dma_start3A_75 = arith.constant 0 : i32
      %dma_start3A_76 = arith.constant 0 : i32
      %dma_start3A_77 = tpu.memref_slice %arg8[%dma_start3A, %dma_start3A_75, %dma_start3A_76] : memref<3x2x128xi32, #tpu.memory_space<vmem>> -> memref<1x2x128xi32, #tpu.memory_space<vmem>>
      %dma_start3A_78 = tpu.memref_squeeze %dma_start3A_77 : memref<1x2x128xi32, #tpu.memory_space<vmem>> -> memref<2x128xi32, #tpu.memory_space<vmem>>
      %dma_start3A_79 = arith.constant 0 : i32
      %dma_start3A_80 = arith.constant 0 : i32
      %dma_start3A_81 = tpu.memref_slice %arg4[%dma_start3A_79, %add3A_66, %dma_start3A_80] : memref<2x2500x128xi32, #tpu.memory_space<hbm>> -> memref<2x1x128xi32, #tpu.memory_space<hbm>>
      %dma_start3A_82 = tpu.memref_squeeze %dma_start3A_81 : memref<2x1x128xi32, #tpu.memory_space<hbm>> -> memref<2x128xi32, #tpu.memory_space<hbm>>
      tpu.enqueue_dma source(%dma_start3A_82 : memref<2x128xi32, #tpu.memory_space<hbm>>) target(%dma_start3A_78 : memref<2x128xi32, #tpu.memory_space<vmem>>) target_semaphore(%arg12 : memref<!tpu.dma_semaphore, #tpu.memory_space<semaphore_mem>>)
    } else {
    }
    %add3A_18 = arith.constant 0 : i32
    %add3A_19 = arith.addi %arg1, %add3A_18 : i32
    %lt3A_20 = arith.constant 1250 : i32
    %lt3A_21 = arith.cmpi slt, %add3A_19, %lt3A_20 : i32
    %and3A_22 = arith.constant true
    %and3A_23 = arith.andi %and3A_22, %lt3A_21 : i1
    %convert_element_type3A_24 = arith.extui %and3A_23 : i1 to i32
    %cond3A_25 = arith.constant 0 : i32
    %cond3A_26 = arith.cmpi ne, %convert_element_type3A_24, %cond3A_25 : i32
    scf.if %cond3A_26 {
      %dma_wait3A = arith.constant 0 : i32
      %dma_wait3A_62 = arith.constant 0 : i32
      %dma_wait3A_63 = arith.constant 0 : i32
      %dma_wait3A_64 = arith.constant 0 : i32
      %dma_wait3A_65 = tpu.memref_slice %arg8[%dma_wait3A_62, %dma_wait3A_63, %dma_wait3A_64] : memref<3x2x128xi32, #tpu.memory_space<vmem>> -> memref<1x2x128xi32, #tpu.memory_space<vmem>>
      %dma_wait3A_66 = tpu.memref_squeeze %dma_wait3A_65 : memref<1x2x128xi32, #tpu.memory_space<vmem>> -> memref<2x128xi32, #tpu.memory_space<vmem>>
      %dma_wait3A_67 = arith.constant 0 : i32
      %dma_wait3A_68 = arith.constant 0 : i32
      %dma_wait3A_69 = tpu.memref_slice %arg4[%dma_wait3A_67, %dma_wait3A, %dma_wait3A_68] : memref<2x2500x128xi32, #tpu.memory_space<hbm>> -> memref<2x1x128xi32, #tpu.memory_space<hbm>>
      %dma_wait3A_70 = tpu.memref_squeeze %dma_wait3A_69 : memref<2x1x128xi32, #tpu.memory_space<hbm>> -> memref<2x128xi32, #tpu.memory_space<hbm>>
      %dma_wait3A_71 = arith.constant 0 : i32
      %dma_wait3A_72 = arith.constant 0 : i32
      %dma_wait3A_73 = tpu.memref_slice %arg8[%dma_wait3A_62, %dma_wait3A_71, %dma_wait3A_72] : memref<3x2x128xi32, #tpu.memory_space<vmem>> -> memref<1x2x128xi32, #tpu.memory_space<vmem>>
      %dma_wait3A_74 = tpu.memref_squeeze %dma_wait3A_73 : memref<1x2x128xi32, #tpu.memory_space<vmem>> -> memref<2x128xi32, #tpu.memory_space<vmem>>
      %dma_wait3A_75 = arith.constant 0 : i32
      %dma_wait3A_76 = arith.constant 0 : i32
      %dma_wait3A_77 = tpu.memref_slice %arg4[%dma_wait3A_75, %dma_wait3A, %dma_wait3A_76] : memref<2x2500x128xi32, #tpu.memory_space<hbm>> -> memref<2x1x128xi32, #tpu.memory_space<hbm>>
      %dma_wait3A_78 = tpu.memref_squeeze %dma_wait3A_77 : memref<2x1x128xi32, #tpu.memory_space<hbm>> -> memref<2x128xi32, #tpu.memory_space<hbm>>
      tpu.wait_dma2 semaphore(%arg11 : memref<!tpu.dma_semaphore, #tpu.memory_space<semaphore_mem>>) src(%dma_wait3A_78 : memref<2x128xi32, #tpu.memory_space<hbm>>) dst(%dma_wait3A_74 : memref<2x128xi32, #tpu.memory_space<vmem>>)
      %dma_start3A = arith.constant 0 : i32
      %dma_start3A_79 = arith.constant 0 : i32
      %dma_start3A_80 = arith.constant 0 : i32
      %dma_start3A_81 = arith.constant 0 : i32
      %dma_start3A_82 = arith.constant 0 : i32
      %dma_start3A_83 = tpu.memref_slice %arg9[%dma_start3A_80, %dma_start3A_81, %dma_start3A_82] : memref<3x128x128xf32, #tpu.memory_space<vmem>> -> memref<1x128x128xf32, #tpu.memory_space<vmem>>
      %dma_start3A_84 = tpu.memref_squeeze %dma_start3A_83 : memref<1x128x128xf32, #tpu.memory_space<vmem>> -> memref<128x128xf32, #tpu.memory_space<vmem>>
      %dma_start3A_85 = arith.constant 0 : i32
      %dma_start3A_86 = tpu.memref_slice %arg8[%dma_start3A, %dma_start3A_79, %dma_start3A_85] : memref<3x2x128xi32, #tpu.memory_space<vmem>> -> memref<1x1x128xi32, #tpu.memory_space<vmem>>
      %dma_start3A_87 = tpu.memref_squeeze %dma_start3A_86 : memref<1x1x128xi32, #tpu.memory_space<vmem>> -> memref<128xi32, #tpu.memory_space<vmem>>
      %dma_start3A_88 = arith.constant 0 : i32
      %dma_start3A_89 = arith.constant 0 : i32
      %dma_start3A_90 = tpu.memref_slice %arg2[%dma_start3A_88, %dma_start3A_89] : memref<10000x128xf32, #tpu.memory_space<hbm>> -> memref<10000x128xf32, #tpu.memory_space<hbm>>
      tpu.enqueue_indirect_dma source(%dma_start3A_90 : memref<10000x128xf32, #tpu.memory_space<hbm>>) target(%dma_start3A_84 : memref<128x128xf32, #tpu.memory_space<vmem>>) offsets(%dma_start3A_87 : memref<128xi32, #tpu.memory_space<vmem>>) semaphore(%arg14 : memref<!tpu.dma_semaphore, #tpu.memory_space<semaphore_mem>>)
    } else {
    }
    %add3A_27 = arith.constant 16 : i32
    %add3A_28 = arith.addi %arg1, %add3A_27 : i32
    %lt3A_29 = arith.constant 1250 : i32
    %lt3A_30 = arith.cmpi slt, %add3A_28, %lt3A_29 : i32
    %and3A_31 = arith.constant true
    %and3A_32 = arith.andi %and3A_31, %lt3A_30 : i1
    %convert_element_type3A_33 = arith.extui %and3A_32 : i1 to i32
    %cond3A_34 = arith.constant 0 : i32
    %cond3A_35 = arith.cmpi ne, %convert_element_type3A_33, %cond3A_34 : i32
    scf.if %cond3A_35 {
      %dma_wait3A = arith.constant 0 : i32
      %dma_wait3A_62 = arith.constant 1 : i32
      %dma_wait3A_63 = arith.constant 0 : i32
      %dma_wait3A_64 = arith.constant 0 : i32
      %dma_wait3A_65 = tpu.memref_slice %arg8[%dma_wait3A_62, %dma_wait3A_63, %dma_wait3A_64] : memref<3x2x128xi32, #tpu.memory_space<vmem>> -> memref<1x2x128xi32, #tpu.memory_space<vmem>>
      %dma_wait3A_66 = tpu.memref_squeeze %dma_wait3A_65 : memref<1x2x128xi32, #tpu.memory_space<vmem>> -> memref<2x128xi32, #tpu.memory_space<vmem>>
      %dma_wait3A_67 = arith.constant 0 : i32
      %dma_wait3A_68 = arith.constant 0 : i32
      %dma_wait3A_69 = tpu.memref_slice %arg4[%dma_wait3A_67, %dma_wait3A, %dma_wait3A_68] : memref<2x2500x128xi32, #tpu.memory_space<hbm>> -> memref<2x1x128xi32, #tpu.memory_space<hbm>>
      %dma_wait3A_70 = tpu.memref_squeeze %dma_wait3A_69 : memref<2x1x128xi32, #tpu.memory_space<hbm>> -> memref<2x128xi32, #tpu.memory_space<hbm>>
      %dma_wait3A_71 = arith.constant 0 : i32
      %dma_wait3A_72 = arith.constant 0 : i32
      %dma_wait3A_73 = tpu.memref_slice %arg8[%dma_wait3A_62, %dma_wait3A_71, %dma_wait3A_72] : memref<3x2x128xi32, #tpu.memory_space<vmem>> -> memref<1x2x128xi32, #tpu.memory_space<vmem>>
      %dma_wait3A_74 = tpu.memref_squeeze %dma_wait3A_73 : memref<1x2x128xi32, #tpu.memory_space<vmem>> -> memref<2x128xi32, #tpu.memory_space<vmem>>
      %dma_wait3A_75 = arith.constant 0 : i32
      %dma_wait3A_76 = arith.constant 0 : i32
      %dma_wait3A_77 = tpu.memref_slice %arg4[%dma_wait3A_75, %dma_wait3A, %dma_wait3A_76] : memref<2x2500x128xi32, #tpu.memory_space<hbm>> -> memref<2x1x128xi32, #tpu.memory_space<hbm>>
      %dma_wait3A_78 = tpu.memref_squeeze %dma_wait3A_77 : memref<2x1x128xi32, #tpu.memory_space<hbm>> -> memref<2x128xi32, #tpu.memory_space<hbm>>
      tpu.wait_dma2 semaphore(%arg12 : memref<!tpu.dma_semaphore, #tpu.memory_space<semaphore_mem>>) src(%dma_wait3A_78 : memref<2x128xi32, #tpu.memory_space<hbm>>) dst(%dma_wait3A_74 : memref<2x128xi32, #tpu.memory_space<vmem>>)
      %dma_start3A = arith.constant 1 : i32
      %dma_start3A_79 = arith.constant 0 : i32
      %dma_start3A_80 = arith.constant 1 : i32
      %dma_start3A_81 = arith.constant 0 : i32
      %dma_start3A_82 = arith.constant 0 : i32
      %dma_start3A_83 = tpu.memref_slice %arg9[%dma_start3A_80, %dma_start3A_81, %dma_start3A_82] : memref<3x128x128xf32, #tpu.memory_space<vmem>> -> memref<1x128x128xf32, #tpu.memory_space<vmem>>
      %dma_start3A_84 = tpu.memref_squeeze %dma_start3A_83 : memref<1x128x128xf32, #tpu.memory_space<vmem>> -> memref<128x128xf32, #tpu.memory_space<vmem>>
      %dma_start3A_85 = arith.constant 0 : i32
      %dma_start3A_86 = tpu.memref_slice %arg8[%dma_start3A, %dma_start3A_79, %dma_start3A_85] : memref<3x2x128xi32, #tpu.memory_space<vmem>> -> memref<1x1x128xi32, #tpu.memory_space<vmem>>
      %dma_start3A_87 = tpu.memref_squeeze %dma_start3A_86 : memref<1x1x128xi32, #tpu.memory_space<vmem>> -> memref<128xi32, #tpu.memory_space<vmem>>
      %dma_start3A_88 = arith.constant 0 : i32
      %dma_start3A_89 = arith.constant 0 : i32
      %dma_start3A_90 = tpu.memref_slice %arg2[%dma_start3A_88, %dma_start3A_89] : memref<10000x128xf32, #tpu.memory_space<hbm>> -> memref<10000x128xf32, #tpu.memory_space<hbm>>
      tpu.enqueue_indirect_dma source(%dma_start3A_90 : memref<10000x128xf32, #tpu.memory_space<hbm>>) target(%dma_start3A_84 : memref<128x128xf32, #tpu.memory_space<vmem>>) offsets(%dma_start3A_87 : memref<128xi32, #tpu.memory_space<vmem>>) semaphore(%arg15 : memref<!tpu.dma_semaphore, #tpu.memory_space<semaphore_mem>>)
    } else {
    }
    %add3A_36 = arith.constant 32 : i32
    %add3A_37 = arith.addi %arg1, %add3A_36 : i32
    %lt3A_38 = arith.constant 1250 : i32
    %lt3A_39 = arith.cmpi slt, %add3A_37, %lt3A_38 : i32
    %and3A_40 = arith.constant true
    %and3A_41 = arith.andi %and3A_40, %lt3A_39 : i1
    %convert_element_type3A_42 = arith.extui %and3A_41 : i1 to i32
    %cond3A_43 = arith.constant 0 : i32
    %cond3A_44 = arith.cmpi ne, %convert_element_type3A_42, %cond3A_43 : i32
    scf.if %cond3A_44 {
      %add3A_62 = arith.constant 32 : i32
      %add3A_63 = arith.addi %arg1, %add3A_62 : i32
      %mul3A_64 = arith.constant 1250 : i32
      %mul3A_65 = arith.muli %arg0, %mul3A_64 : i32
      %add3A_66 = arith.addi %mul3A_65, %add3A_63 : i32
      %dma_start3A = arith.constant 2 : i32
      %dma_start3A_67 = arith.constant 0 : i32
      %dma_start3A_68 = arith.constant 0 : i32
      %dma_start3A_69 = tpu.memref_slice %arg8[%dma_start3A, %dma_start3A_67, %dma_start3A_68] : memref<3x2x128xi32, #tpu.memory_space<vmem>> -> memref<1x2x128xi32, #tpu.memory_space<vmem>>
      %dma_start3A_70 = tpu.memref_squeeze %dma_start3A_69 : memref<1x2x128xi32, #tpu.memory_space<vmem>> -> memref<2x128xi32, #tpu.memory_space<vmem>>
      %dma_start3A_71 = arith.constant 0 : i32
      %dma_start3A_72 = arith.constant 0 : i32
      %dma_start3A_73 = tpu.memref_slice %arg4[%dma_start3A_71, %add3A_66, %dma_start3A_72] : memref<2x2500x128xi32, #tpu.memory_space<hbm>> -> memref<2x1x128xi32, #tpu.memory_space<hbm>>
      %dma_start3A_74 = tpu.memref_squeeze %dma_start3A_73 : memref<2x1x128xi32, #tpu.memory_space<hbm>> -> memref<2x128xi32, #tpu.memory_space<hbm>>
      %dma_start3A_75 = arith.constant 0 : i32
      %dma_start3A_76 = arith.constant 0 : i32
      %dma_start3A_77 = tpu.memref_slice %arg8[%dma_start3A, %dma_start3A_75, %dma_start3A_76] : memref<3x2x128xi32, #tpu.memory_space<vmem>> -> memref<1x2x128xi32, #tpu.memory_space<vmem>>
      %dma_start3A_78 = tpu.memref_squeeze %dma_start3A_77 : memref<1x2x128xi32, #tpu.memory_space<vmem>> -> memref<2x128xi32, #tpu.memory_space<vmem>>
      %dma_start3A_79 = arith.constant 0 : i32
      %dma_start3A_80 = arith.constant 0 : i32
      %dma_start3A_81 = tpu.memref_slice %arg4[%dma_start3A_79, %add3A_66, %dma_start3A_80] : memref<2x2500x128xi32, #tpu.memory_space<hbm>> -> memref<2x1x128xi32, #tpu.memory_space<hbm>>
      %dma_start3A_82 = tpu.memref_squeeze %dma_start3A_81 : memref<2x1x128xi32, #tpu.memory_space<hbm>> -> memref<2x128xi32, #tpu.memory_space<hbm>>
      tpu.enqueue_dma source(%dma_start3A_82 : memref<2x128xi32, #tpu.memory_space<hbm>>) target(%dma_start3A_78 : memref<2x128xi32, #tpu.memory_space<vmem>>) target_semaphore(%arg13 : memref<!tpu.dma_semaphore, #tpu.memory_space<semaphore_mem>>)
    } else {
    }
    %scan3A = arith.constant 0 : i32
    %scan3A_45 = arith.constant 0 : i32
    %scan3A_46 = arith.constant 27 : i32
    %scan3A_47 = arith.addi %scan3A_45, %scan3A_46 : i32
    %scan3A_48 = arith.constant 1 : i32
    %scan3A_49 = scf.for %scan3A_62 = %scan3A_45 to %scan3A_47 step %scan3A_48 iter_args(%scan3A_63 = %scan3A) -> (i32)  : i32 {
      %mul3A_64 = arith.constant 3 : i32
      %mul3A_65 = arith.muli %scan3A_62, %mul3A_64 : i32
      %add3A_66 = arith.constant 0 : i32
      %add3A_67 = arith.addi %mul3A_65, %add3A_66 : i32
      %ge3A = arith.constant 0 : i32
      %ge3A_68 = arith.cmpi sge, %add3A_67, %ge3A : i32
      %mul3A_69 = arith.constant 16 : i32
      %mul3A_70 = arith.muli %add3A_67, %mul3A_69 : i32
      %add3A_71 = arith.addi %arg1, %mul3A_70 : i32
      %lt3A_72 = arith.constant 1250 : i32
      %lt3A_73 = arith.cmpi slt, %add3A_71, %lt3A_72 : i32
      %and3A_74 = arith.andi %ge3A_68, %lt3A_73 : i1
      %convert_element_type3A_75 = arith.extui %and3A_74 : i1 to i32
      %cond3A_76 = arith.constant 0 : i32
      %cond3A_77 = arith.cmpi ne, %convert_element_type3A_75, %cond3A_76 : i32
      scf.if %cond3A_77 {
        %dma_wait3A = arith.constant 0 : i32
        %dma_wait3A_148 = arith.constant 0 : i32
        %dma_wait3A_149 = arith.constant 0 : i32
        %dma_wait3A_150 = arith.constant 0 : i32
        %dma_wait3A_151 = arith.constant 0 : i32
        %dma_wait3A_152 = tpu.memref_slice %arg9[%dma_wait3A_149, %dma_wait3A_150, %dma_wait3A_151] : memref<3x128x128xf32, #tpu.memory_space<vmem>> -> memref<1x128x128xf32, #tpu.memory_space<vmem>>
        %dma_wait3A_153 = tpu.memref_squeeze %dma_wait3A_152 : memref<1x128x128xf32, #tpu.memory_space<vmem>> -> memref<128x128xf32, #tpu.memory_space<vmem>>
        %dma_wait3A_154 = arith.constant 0 : i32
        %dma_wait3A_155 = tpu.memref_slice %arg8[%dma_wait3A, %dma_wait3A_148, %dma_wait3A_154] : memref<3x2x128xi32, #tpu.memory_space<vmem>> -> memref<1x1x128xi32, #tpu.memory_space<vmem>>
        %dma_wait3A_156 = tpu.memref_squeeze %dma_wait3A_155 : memref<1x1x128xi32, #tpu.memory_space<vmem>> -> memref<128xi32, #tpu.memory_space<vmem>>
        %dma_wait3A_157 = arith.constant 0 : i32
        %dma_wait3A_158 = arith.constant 0 : i32
        %dma_wait3A_159 = tpu.memref_slice %arg2[%dma_wait3A_157, %dma_wait3A_158] : memref<10000x128xf32, #tpu.memory_space<hbm>> -> memref<10000x128xf32, #tpu.memory_space<hbm>>
        tpu.wait_indirect_dma semaphore(%arg14 : memref<!tpu.dma_semaphore, #tpu.memory_space<semaphore_mem>>) src(%dma_wait3A_159 : memref<10000x128xf32, #tpu.memory_space<hbm>>) dst(%dma_wait3A_153 : memref<128x128xf32, #tpu.memory_space<vmem>>)
        %run_scoped3A = arith.constant 0 : i32
        %run_scoped3A_160 = arith.constant 0 : i32
        %run_scoped3A_161 = arith.constant 1 : i32
        "tpu.region"() ({
          %run_scoped3A_175 = tpu.sem_alloc : memref<!tpu.dma_semaphore, #tpu.memory_space<semaphore_mem>>
          %dma_start3A = arith.constant 0 : i32
          %dma_start3A_176 = arith.constant 0 : i32
          %dma_start3A_177 = tpu.memref_slice %arg9[%run_scoped3A, %dma_start3A, %dma_start3A_176] : memref<3x128x128xf32, #tpu.memory_space<vmem>> -> memref<1x128x128xf32, #tpu.memory_space<vmem>>
          %dma_start3A_178 = tpu.memref_squeeze %dma_start3A_177 : memref<1x128x128xf32, #tpu.memory_space<vmem>> -> memref<128x128xf32, #tpu.memory_space<vmem>>
          %dma_start3A_179 = arith.constant 0 : i32
          %dma_start3A_180 = tpu.memref_slice %arg8[%run_scoped3A_160, %run_scoped3A_161, %dma_start3A_179] : memref<3x2x128xi32, #tpu.memory_space<vmem>> -> memref<1x1x128xi32, #tpu.memory_space<vmem>>
          %dma_start3A_181 = tpu.memref_squeeze %dma_start3A_180 : memref<1x1x128xi32, #tpu.memory_space<vmem>> -> memref<128xi32, #tpu.memory_space<vmem>>
          %dma_start3A_182 = arith.constant 0 : i32
          %dma_start3A_183 = arith.constant 0 : i32
          %dma_start3A_184 = tpu.memref_slice %arg10[%dma_start3A_182, %dma_start3A_183] : memref<10000x128xf32, #tpu.memory_space<vmem_shared>> -> memref<10000x128xf32, #tpu.memory_space<vmem_shared>>
          tpu.enqueue_indirect_dma source(%dma_start3A_178 : memref<128x128xf32, #tpu.memory_space<vmem>>) target(%dma_start3A_184 : memref<10000x128xf32, #tpu.memory_space<vmem_shared>>) offsets(%dma_start3A_181 : memref<128xi32, #tpu.memory_space<vmem>>) semaphore(%run_scoped3A_175 : memref<!tpu.dma_semaphore, #tpu.memory_space<semaphore_mem>>) {add = true}
          %dma_wait3A_185 = arith.constant 0 : i32
          %dma_wait3A_186 = arith.constant 0 : i32
          %dma_wait3A_187 = tpu.memref_slice %arg9[%run_scoped3A, %dma_wait3A_185, %dma_wait3A_186] : memref<3x128x128xf32, #tpu.memory_space<vmem>> -> memref<1x128x128xf32, #tpu.memory_space<vmem>>
          %dma_wait3A_188 = tpu.memref_squeeze %dma_wait3A_187 : memref<1x128x128xf32, #tpu.memory_space<vmem>> -> memref<128x128xf32, #tpu.memory_space<vmem>>
          %dma_wait3A_189 = arith.constant 0 : i32
          %dma_wait3A_190 = tpu.memref_slice %arg8[%run_scoped3A_160, %run_scoped3A_161, %dma_wait3A_189] : memref<3x2x128xi32, #tpu.memory_space<vmem>> -> memref<1x1x128xi32, #tpu.memory_space<vmem>>
          %dma_wait3A_191 = tpu.memref_squeeze %dma_wait3A_190 : memref<1x1x128xi32, #tpu.memory_space<vmem>> -> memref<128xi32, #tpu.memory_space<vmem>>
          %dma_wait3A_192 = arith.constant 0 : i32
          %dma_wait3A_193 = arith.constant 0 : i32
          %dma_wait3A_194 = tpu.memref_slice %arg10[%dma_wait3A_192, %dma_wait3A_193] : memref<10000x128xf32, #tpu.memory_space<vmem_shared>> -> memref<10000x128xf32, #tpu.memory_space<vmem_shared>>
          tpu.wait_indirect_dma semaphore(%run_scoped3A_175 : memref<!tpu.dma_semaphore, #tpu.memory_space<semaphore_mem>>) src(%dma_wait3A_188 : memref<128x128xf32, #tpu.memory_space<vmem>>) dst(%dma_wait3A_194 : memref<10000x128xf32, #tpu.memory_space<vmem_shared>>)
          tpu.yield
        }) : () -> ()
        %add3A_162 = arith.constant 3 : i32
        %add3A_163 = arith.addi %add3A_67, %add3A_162 : i32
        %ge3A_164 = arith.constant 0 : i32
        %ge3A_165 = arith.cmpi sge, %add3A_163, %ge3A_164 : i32
        %mul3A_166 = arith.constant 16 : i32
        %mul3A_167 = arith.muli %add3A_163, %mul3A_166 : i32
        %add3A_168 = arith.addi %arg1, %mul3A_167 : i32
        %lt3A_169 = arith.constant 1250 : i32
        %lt3A_170 = arith.cmpi slt, %add3A_168, %lt3A_169 : i32
        %and3A_171 = arith.andi %ge3A_165, %lt3A_170 : i1
        %convert_element_type3A_172 = arith.extui %and3A_171 : i1 to i32
        %cond3A_173 = arith.constant 0 : i32
        %cond3A_174 = arith.cmpi ne, %convert_element_type3A_172, %cond3A_173 : i32
        scf.if %cond3A_174 {
          %add3A_175 = arith.constant 3 : i32
          %add3A_176 = arith.addi %add3A_67, %add3A_175 : i32
          %mul3A_177 = arith.constant 16 : i32
          %mul3A_178 = arith.muli %add3A_176, %mul3A_177 : i32
          %add3A_179 = arith.addi %arg1, %mul3A_178 : i32
          %mul3A_180 = arith.constant 1250 : i32
          %mul3A_181 = arith.muli %arg0, %mul3A_180 : i32
          %add3A_182 = arith.addi %mul3A_181, %add3A_179 : i32
          %dma_start3A = arith.constant 0 : i32
          %dma_start3A_183 = arith.constant 0 : i32
          %dma_start3A_184 = arith.constant 0 : i32
          %dma_start3A_185 = tpu.memref_slice %arg8[%dma_start3A, %dma_start3A_183, %dma_start3A_184] : memref<3x2x128xi32, #tpu.memory_space<vmem>> -> memref<1x2x128xi32, #tpu.memory_space<vmem>>
          %dma_start3A_186 = tpu.memref_squeeze %dma_start3A_185 : memref<1x2x128xi32, #tpu.memory_space<vmem>> -> memref<2x128xi32, #tpu.memory_space<vmem>>
          %dma_start3A_187 = arith.constant 0 : i32
          %dma_start3A_188 = arith.constant 0 : i32
          %dma_start3A_189 = tpu.memref_slice %arg4[%dma_start3A_187, %add3A_182, %dma_start3A_188] : memref<2x2500x128xi32, #tpu.memory_space<hbm>> -> memref<2x1x128xi32, #tpu.memory_space<hbm>>
          %dma_start3A_190 = tpu.memref_squeeze %dma_start3A_189 : memref<2x1x128xi32, #tpu.memory_space<hbm>> -> memref<2x128xi32, #tpu.memory_space<hbm>>
          %dma_start3A_191 = arith.constant 0 : i32
          %dma_start3A_192 = arith.constant 0 : i32
          %dma_start3A_193 = tpu.memref_slice %arg8[%dma_start3A, %dma_start3A_191, %dma_start3A_192] : memref<3x2x128xi32, #tpu.memory_space<vmem>> -> memref<1x2x128xi32, #tpu.memory_space<vmem>>
          %dma_start3A_194 = tpu.memref_squeeze %dma_start3A_193 : memref<1x2x128xi32, #tpu.memory_space<vmem>> -> memref<2x128xi32, #tpu.memory_space<vmem>>
          %dma_start3A_195 = arith.constant 0 : i32
          %dma_start3A_196 = arith.constant 0 : i32
          %dma_start3A_197 = tpu.memref_slice %arg4[%dma_start3A_195, %add3A_182, %dma_start3A_196] : memref<2x2500x128xi32, #tpu.memory_space<hbm>> -> memref<2x1x128xi32, #tpu.memory_space<hbm>>
          %dma_start3A_198 = tpu.memref_squeeze %dma_start3A_197 : memref<2x1x128xi32, #tpu.memory_space<hbm>> -> memref<2x128xi32, #tpu.memory_space<hbm>>
          tpu.enqueue_dma source(%dma_start3A_198 : memref<2x128xi32, #tpu.memory_space<hbm>>) target(%dma_start3A_194 : memref<2x128xi32, #tpu.memory_space<vmem>>) target_semaphore(%arg11 : memref<!tpu.dma_semaphore, #tpu.memory_space<semaphore_mem>>)
        } else {
        }
      } else {
      }
      %add3A_78 = arith.constant 2 : i32
      %add3A_79 = arith.addi %add3A_67, %add3A_78 : i32
      %ge3A_80 = arith.constant 0 : i32
      %ge3A_81 = arith.cmpi sge, %add3A_79, %ge3A_80 : i32
      %mul3A_82 = arith.constant 16 : i32
      %mul3A_83 = arith.muli %add3A_79, %mul3A_82 : i32
      %add3A_84 = arith.addi %arg1, %mul3A_83 : i32
      %lt3A_85 = arith.constant 1250 : i32
      %lt3A_86 = arith.cmpi slt, %add3A_84, %lt3A_85 : i32
      %and3A_87 = arith.andi %ge3A_81, %lt3A_86 : i1
      %convert_element_type3A_88 = arith.extui %and3A_87 : i1 to i32
      %cond3A_89 = arith.constant 0 : i32
      %cond3A_90 = arith.cmpi ne, %convert_element_type3A_88, %cond3A_89 : i32
      scf.if %cond3A_90 {
        %dma_wait3A = arith.constant 0 : i32
        %dma_wait3A_148 = arith.constant 2 : i32
        %dma_wait3A_149 = arith.constant 0 : i32
        %dma_wait3A_150 = arith.constant 0 : i32
        %dma_wait3A_151 = tpu.memref_slice %arg8[%dma_wait3A_148, %dma_wait3A_149, %dma_wait3A_150] : memref<3x2x128xi32, #tpu.memory_space<vmem>> -> memref<1x2x128xi32, #tpu.memory_space<vmem>>
        %dma_wait3A_152 = tpu.memref_squeeze %dma_wait3A_151 : memref<1x2x128xi32, #tpu.memory_space<vmem>> -> memref<2x128xi32, #tpu.memory_space<vmem>>
        %dma_wait3A_153 = arith.constant 0 : i32
        %dma_wait3A_154 = arith.constant 0 : i32
        %dma_wait3A_155 = tpu.memref_slice %arg4[%dma_wait3A_153, %dma_wait3A, %dma_wait3A_154] : memref<2x2500x128xi32, #tpu.memory_space<hbm>> -> memref<2x1x128xi32, #tpu.memory_space<hbm>>
        %dma_wait3A_156 = tpu.memref_squeeze %dma_wait3A_155 : memref<2x1x128xi32, #tpu.memory_space<hbm>> -> memref<2x128xi32, #tpu.memory_space<hbm>>
        %dma_wait3A_157 = arith.constant 0 : i32
        %dma_wait3A_158 = arith.constant 0 : i32
        %dma_wait3A_159 = tpu.memref_slice %arg8[%dma_wait3A_148, %dma_wait3A_157, %dma_wait3A_158] : memref<3x2x128xi32, #tpu.memory_space<vmem>> -> memref<1x2x128xi32, #tpu.memory_space<vmem>>
        %dma_wait3A_160 = tpu.memref_squeeze %dma_wait3A_159 : memref<1x2x128xi32, #tpu.memory_space<vmem>> -> memref<2x128xi32, #tpu.memory_space<vmem>>
        %dma_wait3A_161 = arith.constant 0 : i32
        %dma_wait3A_162 = arith.constant 0 : i32
        %dma_wait3A_163 = tpu.memref_slice %arg4[%dma_wait3A_161, %dma_wait3A, %dma_wait3A_162] : memref<2x2500x128xi32, #tpu.memory_space<hbm>> -> memref<2x1x128xi32, #tpu.memory_space<hbm>>
        %dma_wait3A_164 = tpu.memref_squeeze %dma_wait3A_163 : memref<2x1x128xi32, #tpu.memory_space<hbm>> -> memref<2x128xi32, #tpu.memory_space<hbm>>
        tpu.wait_dma2 semaphore(%arg13 : memref<!tpu.dma_semaphore, #tpu.memory_space<semaphore_mem>>) src(%dma_wait3A_164 : memref<2x128xi32, #tpu.memory_space<hbm>>) dst(%dma_wait3A_160 : memref<2x128xi32, #tpu.memory_space<vmem>>)
        %dma_start3A = arith.constant 2 : i32
        %dma_start3A_165 = arith.constant 0 : i32
        %dma_start3A_166 = arith.constant 2 : i32
        %dma_start3A_167 = arith.constant 0 : i32
        %dma_start3A_168 = arith.constant 0 : i32
        %dma_start3A_169 = tpu.memref_slice %arg9[%dma_start3A_166, %dma_start3A_167, %dma_start3A_168] : memref<3x128x128xf32, #tpu.memory_space<vmem>> -> memref<1x128x128xf32, #tpu.memory_space<vmem>>
        %dma_start3A_170 = tpu.memref_squeeze %dma_start3A_169 : memref<1x128x128xf32, #tpu.memory_space<vmem>> -> memref<128x128xf32, #tpu.memory_space<vmem>>
        %dma_start3A_171 = arith.constant 0 : i32
        %dma_start3A_172 = tpu.memref_slice %arg8[%dma_start3A, %dma_start3A_165, %dma_start3A_171] : memref<3x2x128xi32, #tpu.memory_space<vmem>> -> memref<1x1x128xi32, #tpu.memory_space<vmem>>
        %dma_start3A_173 = tpu.memref_squeeze %dma_start3A_172 : memref<1x1x128xi32, #tpu.memory_space<vmem>> -> memref<128xi32, #tpu.memory_space<vmem>>
        %dma_start3A_174 = arith.constant 0 : i32
        %dma_start3A_175 = arith.constant 0 : i32
        %dma_start3A_176 = tpu.memref_slice %arg2[%dma_start3A_174, %dma_start3A_175] : memref<10000x128xf32, #tpu.memory_space<hbm>> -> memref<10000x128xf32, #tpu.memory_space<hbm>>
        tpu.enqueue_indirect_dma source(%dma_start3A_176 : memref<10000x128xf32, #tpu.memory_space<hbm>>) target(%dma_start3A_170 : memref<128x128xf32, #tpu.memory_space<vmem>>) offsets(%dma_start3A_173 : memref<128xi32, #tpu.memory_space<vmem>>) semaphore(%arg16 : memref<!tpu.dma_semaphore, #tpu.memory_space<semaphore_mem>>)
      } else {
      }
      %mul3A_91 = arith.constant 3 : i32
      %mul3A_92 = arith.muli %scan3A_62, %mul3A_91 : i32
      %add3A_93 = arith.constant 1 : i32
      %add3A_94 = arith.addi %mul3A_92, %add3A_93 : i32
      %ge3A_95 = arith.constant 0 : i32
      %ge3A_96 = arith.cmpi sge, %add3A_94, %ge3A_95 : i32
      %mul3A_97 = arith.constant 16 : i32
      %mul3A_98 = arith.muli %add3A_94, %mul3A_97 : i32
      %add3A_99 = arith.addi %arg1, %mul3A_98 : i32
      %lt3A_100 = arith.constant 1250 : i32
      %lt3A_101 = arith.cmpi slt, %add3A_99, %lt3A_100 : i32
      %and3A_102 = arith.andi %ge3A_96, %lt3A_101 : i1
      %convert_element_type3A_103 = arith.extui %and3A_102 : i1 to i32
      %cond3A_104 = arith.constant 0 : i32
      %cond3A_105 = arith.cmpi ne, %convert_element_type3A_103, %cond3A_104 : i32
      scf.if %cond3A_105 {
        %dma_wait3A = arith.constant 1 : i32
        %dma_wait3A_148 = arith.constant 0 : i32
        %dma_wait3A_149 = arith.constant 1 : i32
        %dma_wait3A_150 = arith.constant 0 : i32
        %dma_wait3A_151 = arith.constant 0 : i32
        %dma_wait3A_152 = tpu.memref_slice %arg9[%dma_wait3A_149, %dma_wait3A_150, %dma_wait3A_151] : memref<3x128x128xf32, #tpu.memory_space<vmem>> -> memref<1x128x128xf32, #tpu.memory_space<vmem>>
        %dma_wait3A_153 = tpu.memref_squeeze %dma_wait3A_152 : memref<1x128x128xf32, #tpu.memory_space<vmem>> -> memref<128x128xf32, #tpu.memory_space<vmem>>
        %dma_wait3A_154 = arith.constant 0 : i32
        %dma_wait3A_155 = tpu.memref_slice %arg8[%dma_wait3A, %dma_wait3A_148, %dma_wait3A_154] : memref<3x2x128xi32, #tpu.memory_space<vmem>> -> memref<1x1x128xi32, #tpu.memory_space<vmem>>
        %dma_wait3A_156 = tpu.memref_squeeze %dma_wait3A_155 : memref<1x1x128xi32, #tpu.memory_space<vmem>> -> memref<128xi32, #tpu.memory_space<vmem>>
        %dma_wait3A_157 = arith.constant 0 : i32
        %dma_wait3A_158 = arith.constant 0 : i32
        %dma_wait3A_159 = tpu.memref_slice %arg2[%dma_wait3A_157, %dma_wait3A_158] : memref<10000x128xf32, #tpu.memory_space<hbm>> -> memref<10000x128xf32, #tpu.memory_space<hbm>>
        tpu.wait_indirect_dma semaphore(%arg15 : memref<!tpu.dma_semaphore, #tpu.memory_space<semaphore_mem>>) src(%dma_wait3A_159 : memref<10000x128xf32, #tpu.memory_space<hbm>>) dst(%dma_wait3A_153 : memref<128x128xf32, #tpu.memory_space<vmem>>)
        %run_scoped3A = arith.constant 1 : i32
        %run_scoped3A_160 = arith.constant 1 : i32
        %run_scoped3A_161 = arith.constant 1 : i32
        "tpu.region"() ({
          %run_scoped3A_175 = tpu.sem_alloc : memref<!tpu.dma_semaphore, #tpu.memory_space<semaphore_mem>>
          %dma_start3A = arith.constant 0 : i32
          %dma_start3A_176 = arith.constant 0 : i32
          %dma_start3A_177 = tpu.memref_slice %arg9[%run_scoped3A, %dma_start3A, %dma_start3A_176] : memref<3x128x128xf32, #tpu.memory_space<vmem>> -> memref<1x128x128xf32, #tpu.memory_space<vmem>>
          %dma_start3A_178 = tpu.memref_squeeze %dma_start3A_177 : memref<1x128x128xf32, #tpu.memory_space<vmem>> -> memref<128x128xf32, #tpu.memory_space<vmem>>
          %dma_start3A_179 = arith.constant 0 : i32
          %dma_start3A_180 = tpu.memref_slice %arg8[%run_scoped3A_160, %run_scoped3A_161, %dma_start3A_179] : memref<3x2x128xi32, #tpu.memory_space<vmem>> -> memref<1x1x128xi32, #tpu.memory_space<vmem>>
          %dma_start3A_181 = tpu.memref_squeeze %dma_start3A_180 : memref<1x1x128xi32, #tpu.memory_space<vmem>> -> memref<128xi32, #tpu.memory_space<vmem>>
          %dma_start3A_182 = arith.constant 0 : i32
          %dma_start3A_183 = arith.constant 0 : i32
          %dma_start3A_184 = tpu.memref_slice %arg10[%dma_start3A_182, %dma_start3A_183] : memref<10000x128xf32, #tpu.memory_space<vmem_shared>> -> memref<10000x128xf32, #tpu.memory_space<vmem_shared>>
          tpu.enqueue_indirect_dma source(%dma_start3A_178 : memref<128x128xf32, #tpu.memory_space<vmem>>) target(%dma_start3A_184 : memref<10000x128xf32, #tpu.memory_space<vmem_shared>>) offsets(%dma_start3A_181 : memref<128xi32, #tpu.memory_space<vmem>>) semaphore(%run_scoped3A_175 : memref<!tpu.dma_semaphore, #tpu.memory_space<semaphore_mem>>) {add = true}
          %dma_wait3A_185 = arith.constant 0 : i32
          %dma_wait3A_186 = arith.constant 0 : i32
          %dma_wait3A_187 = tpu.memref_slice %arg9[%run_scoped3A, %dma_wait3A_185, %dma_wait3A_186] : memref<3x128x128xf32, #tpu.memory_space<vmem>> -> memref<1x128x128xf32, #tpu.memory_space<vmem>>
          %dma_wait3A_188 = tpu.memref_squeeze %dma_wait3A_187 : memref<1x128x128xf32, #tpu.memory_space<vmem>> -> memref<128x128xf32, #tpu.memory_space<vmem>>
          %dma_wait3A_189 = arith.constant 0 : i32
          %dma_wait3A_190 = tpu.memref_slice %arg8[%run_scoped3A_160, %run_scoped3A_161, %dma_wait3A_189] : memref<3x2x128xi32, #tpu.memory_space<vmem>> -> memref<1x1x128xi32, #tpu.memory_space<vmem>>
          %dma_wait3A_191 = tpu.memref_squeeze %dma_wait3A_190 : memref<1x1x128xi32, #tpu.memory_space<vmem>> -> memref<128xi32, #tpu.memory_space<vmem>>
          %dma_wait3A_192 = arith.constant 0 : i32
          %dma_wait3A_193 = arith.constant 0 : i32
          %dma_wait3A_194 = tpu.memref_slice %arg10[%dma_wait3A_192, %dma_wait3A_193] : memref<10000x128xf32, #tpu.memory_space<vmem_shared>> -> memref<10000x128xf32, #tpu.memory_space<vmem_shared>>
          tpu.wait_indirect_dma semaphore(%run_scoped3A_175 : memref<!tpu.dma_semaphore, #tpu.memory_space<semaphore_mem>>) src(%dma_wait3A_188 : memref<128x128xf32, #tpu.memory_space<vmem>>) dst(%dma_wait3A_194 : memref<10000x128xf32, #tpu.memory_space<vmem_shared>>)
          tpu.yield
        }) : () -> ()
        %add3A_162 = arith.constant 3 : i32
        %add3A_163 = arith.addi %add3A_94, %add3A_162 : i32
        %ge3A_164 = arith.constant 0 : i32
        %ge3A_165 = arith.cmpi sge, %add3A_163, %ge3A_164 : i32
        %mul3A_166 = arith.constant 16 : i32
        %mul3A_167 = arith.muli %add3A_163, %mul3A_166 : i32
        %add3A_168 = arith.addi %arg1, %mul3A_167 : i32
        %lt3A_169 = arith.constant 1250 : i32
        %lt3A_170 = arith.cmpi slt, %add3A_168, %lt3A_169 : i32
        %and3A_171 = arith.andi %ge3A_165, %lt3A_170 : i1
        %convert_element_type3A_172 = arith.extui %and3A_171 : i1 to i32
        %cond3A_173 = arith.constant 0 : i32
        %cond3A_174 = arith.cmpi ne, %convert_element_type3A_172, %cond3A_173 : i32
        scf.if %cond3A_174 {
          %add3A_175 = arith.constant 3 : i32
          %add3A_176 = arith.addi %add3A_94, %add3A_175 : i32
          %mul3A_177 = arith.constant 16 : i32
          %mul3A_178 = arith.muli %add3A_176, %mul3A_177 : i32
          %add3A_179 = arith.addi %arg1, %mul3A_178 : i32
          %mul3A_180 = arith.constant 1250 : i32
          %mul3A_181 = arith.muli %arg0, %mul3A_180 : i32
          %add3A_182 = arith.addi %mul3A_181, %add3A_179 : i32
          %dma_start3A = arith.constant 1 : i32
          %dma_start3A_183 = arith.constant 0 : i32
          %dma_start3A_184 = arith.constant 0 : i32
          %dma_start3A_185 = tpu.memref_slice %arg8[%dma_start3A, %dma_start3A_183, %dma_start3A_184] : memref<3x2x128xi32, #tpu.memory_space<vmem>> -> memref<1x2x128xi32, #tpu.memory_space<vmem>>
          %dma_start3A_186 = tpu.memref_squeeze %dma_start3A_185 : memref<1x2x128xi32, #tpu.memory_space<vmem>> -> memref<2x128xi32, #tpu.memory_space<vmem>>
          %dma_start3A_187 = arith.constant 0 : i32
          %dma_start3A_188 = arith.constant 0 : i32
          %dma_start3A_189 = tpu.memref_slice %arg4[%dma_start3A_187, %add3A_182, %dma_start3A_188] : memref<2x2500x128xi32, #tpu.memory_space<hbm>> -> memref<2x1x128xi32, #tpu.memory_space<hbm>>
          %dma_start3A_190 = tpu.memref_squeeze %dma_start3A_189 : memref<2x1x128xi32, #tpu.memory_space<hbm>> -> memref<2x128xi32, #tpu.memory_space<hbm>>
          %dma_start3A_191 = arith.constant 0 : i32
          %dma_start3A_192 = arith.constant 0 : i32
          %dma_start3A_193 = tpu.memref_slice %arg8[%dma_start3A, %dma_start3A_191, %dma_start3A_192] : memref<3x2x128xi32, #tpu.memory_space<vmem>> -> memref<1x2x128xi32, #tpu.memory_space<vmem>>
          %dma_start3A_194 = tpu.memref_squeeze %dma_start3A_193 : memref<1x2x128xi32, #tpu.memory_space<vmem>> -> memref<2x128xi32, #tpu.memory_space<vmem>>
          %dma_start3A_195 = arith.constant 0 : i32
          %dma_start3A_196 = arith.constant 0 : i32
          %dma_start3A_197 = tpu.memref_slice %arg4[%dma_start3A_195, %add3A_182, %dma_start3A_196] : memref<2x2500x128xi32, #tpu.memory_space<hbm>> -> memref<2x1x128xi32, #tpu.memory_space<hbm>>
          %dma_start3A_198 = tpu.memref_squeeze %dma_start3A_197 : memref<2x1x128xi32, #tpu.memory_space<hbm>> -> memref<2x128xi32, #tpu.memory_space<hbm>>
          tpu.enqueue_dma source(%dma_start3A_198 : memref<2x128xi32, #tpu.memory_space<hbm>>) target(%dma_start3A_194 : memref<2x128xi32, #tpu.memory_space<vmem>>) target_semaphore(%arg12 : memref<!tpu.dma_semaphore, #tpu.memory_space<semaphore_mem>>)
        } else {
        }
      } else {
      }
      %add3A_106 = arith.constant 2 : i32
      %add3A_107 = arith.addi %add3A_94, %add3A_106 : i32
      %ge3A_108 = arith.constant 0 : i32
      %ge3A_109 = arith.cmpi sge, %add3A_107, %ge3A_108 : i32
      %mul3A_110 = arith.constant 16 : i32
      %mul3A_111 = arith.muli %add3A_107, %mul3A_110 : i32
      %add3A_112 = arith.addi %arg1, %mul3A_111 : i32
      %lt3A_113 = arith.constant 1250 : i32
      %lt3A_114 = arith.cmpi slt, %add3A_112, %lt3A_113 : i32
      %and3A_115 = arith.andi %ge3A_109, %lt3A_114 : i1
      %convert_element_type3A_116 = arith.extui %and3A_115 : i1 to i32
      %cond3A_117 = arith.constant 0 : i32
      %cond3A_118 = arith.cmpi ne, %convert_element_type3A_116, %cond3A_117 : i32
      scf.if %cond3A_118 {
        %dma_wait3A = arith.constant 0 : i32
        %dma_wait3A_148 = arith.constant 0 : i32
        %dma_wait3A_149 = arith.constant 0 : i32
        %dma_wait3A_150 = arith.constant 0 : i32
        %dma_wait3A_151 = tpu.memref_slice %arg8[%dma_wait3A_148, %dma_wait3A_149, %dma_wait3A_150] : memref<3x2x128xi32, #tpu.memory_space<vmem>> -> memref<1x2x128xi32, #tpu.memory_space<vmem>>
        %dma_wait3A_152 = tpu.memref_squeeze %dma_wait3A_151 : memref<1x2x128xi32, #tpu.memory_space<vmem>> -> memref<2x128xi32, #tpu.memory_space<vmem>>
        %dma_wait3A_153 = arith.constant 0 : i32
        %dma_wait3A_154 = arith.constant 0 : i32
        %dma_wait3A_155 = tpu.memref_slice %arg4[%dma_wait3A_153, %dma_wait3A, %dma_wait3A_154] : memref<2x2500x128xi32, #tpu.memory_space<hbm>> -> memref<2x1x128xi32, #tpu.memory_space<hbm>>
        %dma_wait3A_156 = tpu.memref_squeeze %dma_wait3A_155 : memref<2x1x128xi32, #tpu.memory_space<hbm>> -> memref<2x128xi32, #tpu.memory_space<hbm>>
        %dma_wait3A_157 = arith.constant 0 : i32
        %dma_wait3A_158 = arith.constant 0 : i32
        %dma_wait3A_159 = tpu.memref_slice %arg8[%dma_wait3A_148, %dma_wait3A_157, %dma_wait3A_158] : memref<3x2x128xi32, #tpu.memory_space<vmem>> -> memref<1x2x128xi32, #tpu.memory_space<vmem>>
        %dma_wait3A_160 = tpu.memref_squeeze %dma_wait3A_159 : memref<1x2x128xi32, #tpu.memory_space<vmem>> -> memref<2x128xi32, #tpu.memory_space<vmem>>
        %dma_wait3A_161 = arith.constant 0 : i32
        %dma_wait3A_162 = arith.constant 0 : i32
        %dma_wait3A_163 = tpu.memref_slice %arg4[%dma_wait3A_161, %dma_wait3A, %dma_wait3A_162] : memref<2x2500x128xi32, #tpu.memory_space<hbm>> -> memref<2x1x128xi32, #tpu.memory_space<hbm>>
        %dma_wait3A_164 = tpu.memref_squeeze %dma_wait3A_163 : memref<2x1x128xi32, #tpu.memory_space<hbm>> -> memref<2x128xi32, #tpu.memory_space<hbm>>
        tpu.wait_dma2 semaphore(%arg11 : memref<!tpu.dma_semaphore, #tpu.memory_space<semaphore_mem>>) src(%dma_wait3A_164 : memref<2x128xi32, #tpu.memory_space<hbm>>) dst(%dma_wait3A_160 : memref<2x128xi32, #tpu.memory_space<vmem>>)
        %dma_start3A = arith.constant 0 : i32
        %dma_start3A_165 = arith.constant 0 : i32
        %dma_start3A_166 = arith.constant 0 : i32
        %dma_start3A_167 = arith.constant 0 : i32
        %dma_start3A_168 = arith.constant 0 : i32
        %dma_start3A_169 = tpu.memref_slice %arg9[%dma_start3A_166, %dma_start3A_167, %dma_start3A_168] : memref<3x128x128xf32, #tpu.memory_space<vmem>> -> memref<1x128x128xf32, #tpu.memory_space<vmem>>
        %dma_start3A_170 = tpu.memref_squeeze %dma_start3A_169 : memref<1x128x128xf32, #tpu.memory_space<vmem>> -> memref<128x128xf32, #tpu.memory_space<vmem>>
        %dma_start3A_171 = arith.constant 0 : i32
        %dma_start3A_172 = tpu.memref_slice %arg8[%dma_start3A, %dma_start3A_165, %dma_start3A_171] : memref<3x2x128xi32, #tpu.memory_space<vmem>> -> memref<1x1x128xi32, #tpu.memory_space<vmem>>
        %dma_start3A_173 = tpu.memref_squeeze %dma_start3A_172 : memref<1x1x128xi32, #tpu.memory_space<vmem>> -> memref<128xi32, #tpu.memory_space<vmem>>
        %dma_start3A_174 = arith.constant 0 : i32
        %dma_start3A_175 = arith.constant 0 : i32
        %dma_start3A_176 = tpu.memref_slice %arg2[%dma_start3A_174, %dma_start3A_175] : memref<10000x128xf32, #tpu.memory_space<hbm>> -> memref<10000x128xf32, #tpu.memory_space<hbm>>
        tpu.enqueue_indirect_dma source(%dma_start3A_176 : memref<10000x128xf32, #tpu.memory_space<hbm>>) target(%dma_start3A_170 : memref<128x128xf32, #tpu.memory_space<vmem>>) offsets(%dma_start3A_173 : memref<128xi32, #tpu.memory_space<vmem>>) semaphore(%arg14 : memref<!tpu.dma_semaphore, #tpu.memory_space<semaphore_mem>>)
      } else {
      }
      %mul3A_119 = arith.constant 3 : i32
      %mul3A_120 = arith.muli %scan3A_62, %mul3A_119 : i32
      %add3A_121 = arith.constant 2 : i32
      %add3A_122 = arith.addi %mul3A_120, %add3A_121 : i32
      %ge3A_123 = arith.constant 0 : i32
      %ge3A_124 = arith.cmpi sge, %add3A_122, %ge3A_123 : i32
      %mul3A_125 = arith.constant 16 : i32
      %mul3A_126 = arith.muli %add3A_122, %mul3A_125 : i32
      %add3A_127 = arith.addi %arg1, %mul3A_126 : i32
      %lt3A_128 = arith.constant 1250 : i32
      %lt3A_129 = arith.cmpi slt, %add3A_127, %lt3A_128 : i32
      %and3A_130 = arith.andi %ge3A_124, %lt3A_129 : i1
      %convert_element_type3A_131 = arith.extui %and3A_130 : i1 to i32
      %cond3A_132 = arith.constant 0 : i32
      %cond3A_133 = arith.cmpi ne, %convert_element_type3A_131, %cond3A_132 : i32
      scf.if %cond3A_133 {
        %dma_wait3A = arith.constant 2 : i32
        %dma_wait3A_148 = arith.constant 0 : i32
        %dma_wait3A_149 = arith.constant 2 : i32
        %dma_wait3A_150 = arith.constant 0 : i32
        %dma_wait3A_151 = arith.constant 0 : i32
        %dma_wait3A_152 = tpu.memref_slice %arg9[%dma_wait3A_149, %dma_wait3A_150, %dma_wait3A_151] : memref<3x128x128xf32, #tpu.memory_space<vmem>> -> memref<1x128x128xf32, #tpu.memory_space<vmem>>
        %dma_wait3A_153 = tpu.memref_squeeze %dma_wait3A_152 : memref<1x128x128xf32, #tpu.memory_space<vmem>> -> memref<128x128xf32, #tpu.memory_space<vmem>>
        %dma_wait3A_154 = arith.constant 0 : i32
        %dma_wait3A_155 = tpu.memref_slice %arg8[%dma_wait3A, %dma_wait3A_148, %dma_wait3A_154] : memref<3x2x128xi32, #tpu.memory_space<vmem>> -> memref<1x1x128xi32, #tpu.memory_space<vmem>>
        %dma_wait3A_156 = tpu.memref_squeeze %dma_wait3A_155 : memref<1x1x128xi32, #tpu.memory_space<vmem>> -> memref<128xi32, #tpu.memory_space<vmem>>
        %dma_wait3A_157 = arith.constant 0 : i32
        %dma_wait3A_158 = arith.constant 0 : i32
        %dma_wait3A_159 = tpu.memref_slice %arg2[%dma_wait3A_157, %dma_wait3A_158] : memref<10000x128xf32, #tpu.memory_space<hbm>> -> memref<10000x128xf32, #tpu.memory_space<hbm>>
        tpu.wait_indirect_dma semaphore(%arg16 : memref<!tpu.dma_semaphore, #tpu.memory_space<semaphore_mem>>) src(%dma_wait3A_159 : memref<10000x128xf32, #tpu.memory_space<hbm>>) dst(%dma_wait3A_153 : memref<128x128xf32, #tpu.memory_space<vmem>>)
        %run_scoped3A = arith.constant 2 : i32
        %run_scoped3A_160 = arith.constant 2 : i32
        %run_scoped3A_161 = arith.constant 1 : i32
        "tpu.region"() ({
          %run_scoped3A_175 = tpu.sem_alloc : memref<!tpu.dma_semaphore, #tpu.memory_space<semaphore_mem>>
          %dma_start3A = arith.constant 0 : i32
          %dma_start3A_176 = arith.constant 0 : i32
          %dma_start3A_177 = tpu.memref_slice %arg9[%run_scoped3A, %dma_start3A, %dma_start3A_176] : memref<3x128x128xf32, #tpu.memory_space<vmem>> -> memref<1x128x128xf32, #tpu.memory_space<vmem>>
          %dma_start3A_178 = tpu.memref_squeeze %dma_start3A_177 : memref<1x128x128xf32, #tpu.memory_space<vmem>> -> memref<128x128xf32, #tpu.memory_space<vmem>>
          %dma_start3A_179 = arith.constant 0 : i32
          %dma_start3A_180 = tpu.memref_slice %arg8[%run_scoped3A_160, %run_scoped3A_161, %dma_start3A_179] : memref<3x2x128xi32, #tpu.memory_space<vmem>> -> memref<1x1x128xi32, #tpu.memory_space<vmem>>
          %dma_start3A_181 = tpu.memref_squeeze %dma_start3A_180 : memref<1x1x128xi32, #tpu.memory_space<vmem>> -> memref<128xi32, #tpu.memory_space<vmem>>
          %dma_start3A_182 = arith.constant 0 : i32
          %dma_start3A_183 = arith.constant 0 : i32
          %dma_start3A_184 = tpu.memref_slice %arg10[%dma_start3A_182, %dma_start3A_183] : memref<10000x128xf32, #tpu.memory_space<vmem_shared>> -> memref<10000x128xf32, #tpu.memory_space<vmem_shared>>
          tpu.enqueue_indirect_dma source(%dma_start3A_178 : memref<128x128xf32, #tpu.memory_space<vmem>>) target(%dma_start3A_184 : memref<10000x128xf32, #tpu.memory_space<vmem_shared>>) offsets(%dma_start3A_181 : memref<128xi32, #tpu.memory_space<vmem>>) semaphore(%run_scoped3A_175 : memref<!tpu.dma_semaphore, #tpu.memory_space<semaphore_mem>>) {add = true}
          %dma_wait3A_185 = arith.constant 0 : i32
          %dma_wait3A_186 = arith.constant 0 : i32
          %dma_wait3A_187 = tpu.memref_slice %arg9[%run_scoped3A, %dma_wait3A_185, %dma_wait3A_186] : memref<3x128x128xf32, #tpu.memory_space<vmem>> -> memref<1x128x128xf32, #tpu.memory_space<vmem>>
          %dma_wait3A_188 = tpu.memref_squeeze %dma_wait3A_187 : memref<1x128x128xf32, #tpu.memory_space<vmem>> -> memref<128x128xf32, #tpu.memory_space<vmem>>
          %dma_wait3A_189 = arith.constant 0 : i32
          %dma_wait3A_190 = tpu.memref_slice %arg8[%run_scoped3A_160, %run_scoped3A_161, %dma_wait3A_189] : memref<3x2x128xi32, #tpu.memory_space<vmem>> -> memref<1x1x128xi32, #tpu.memory_space<vmem>>
          %dma_wait3A_191 = tpu.memref_squeeze %dma_wait3A_190 : memref<1x1x128xi32, #tpu.memory_space<vmem>> -> memref<128xi32, #tpu.memory_space<vmem>>
          %dma_wait3A_192 = arith.constant 0 : i32
          %dma_wait3A_193 = arith.constant 0 : i32
          %dma_wait3A_194 = tpu.memref_slice %arg10[%dma_wait3A_192, %dma_wait3A_193] : memref<10000x128xf32, #tpu.memory_space<vmem_shared>> -> memref<10000x128xf32, #tpu.memory_space<vmem_shared>>
          tpu.wait_indirect_dma semaphore(%run_scoped3A_175 : memref<!tpu.dma_semaphore, #tpu.memory_space<semaphore_mem>>) src(%dma_wait3A_188 : memref<128x128xf32, #tpu.memory_space<vmem>>) dst(%dma_wait3A_194 : memref<10000x128xf32, #tpu.memory_space<vmem_shared>>)
          tpu.yield
        }) : () -> ()
        %add3A_162 = arith.constant 3 : i32
        %add3A_163 = arith.addi %add3A_122, %add3A_162 : i32
        %ge3A_164 = arith.constant 0 : i32
        %ge3A_165 = arith.cmpi sge, %add3A_163, %ge3A_164 : i32
        %mul3A_166 = arith.constant 16 : i32
        %mul3A_167 = arith.muli %add3A_163, %mul3A_166 : i32
        %add3A_168 = arith.addi %arg1, %mul3A_167 : i32
        %lt3A_169 = arith.constant 1250 : i32
        %lt3A_170 = arith.cmpi slt, %add3A_168, %lt3A_169 : i32
        %and3A_171 = arith.andi %ge3A_165, %lt3A_170 : i1
        %convert_element_type3A_172 = arith.extui %and3A_171 : i1 to i32
        %cond3A_173 = arith.constant 0 : i32
        %cond3A_174 = arith.cmpi ne, %convert_element_type3A_172, %cond3A_173 : i32
        scf.if %cond3A_174 {
          %add3A_175 = arith.constant 3 : i32
          %add3A_176 = arith.addi %add3A_122, %add3A_175 : i32
          %mul3A_177 = arith.constant 16 : i32
          %mul3A_178 = arith.muli %add3A_176, %mul3A_177 : i32
          %add3A_179 = arith.addi %arg1, %mul3A_178 : i32
          %mul3A_180 = arith.constant 1250 : i32
          %mul3A_181 = arith.muli %arg0, %mul3A_180 : i32
          %add3A_182 = arith.addi %mul3A_181, %add3A_179 : i32
          %dma_start3A = arith.constant 2 : i32
          %dma_start3A_183 = arith.constant 0 : i32
          %dma_start3A_184 = arith.constant 0 : i32
          %dma_start3A_185 = tpu.memref_slice %arg8[%dma_start3A, %dma_start3A_183, %dma_start3A_184] : memref<3x2x128xi32, #tpu.memory_space<vmem>> -> memref<1x2x128xi32, #tpu.memory_space<vmem>>
          %dma_start3A_186 = tpu.memref_squeeze %dma_start3A_185 : memref<1x2x128xi32, #tpu.memory_space<vmem>> -> memref<2x128xi32, #tpu.memory_space<vmem>>
          %dma_start3A_187 = arith.constant 0 : i32
          %dma_start3A_188 = arith.constant 0 : i32
          %dma_start3A_189 = tpu.memref_slice %arg4[%dma_start3A_187, %add3A_182, %dma_start3A_188] : memref<2x2500x128xi32, #tpu.memory_space<hbm>> -> memref<2x1x128xi32, #tpu.memory_space<hbm>>
          %dma_start3A_190 = tpu.memref_squeeze %dma_start3A_189 : memref<2x1x128xi32, #tpu.memory_space<hbm>> -> memref<2x128xi32, #tpu.memory_space<hbm>>
          %dma_start3A_191 = arith.constant 0 : i32
          %dma_start3A_192 = arith.constant 0 : i32
          %dma_start3A_193 = tpu.memref_slice %arg8[%dma_start3A, %dma_start3A_191, %dma_start3A_192] : memref<3x2x128xi32, #tpu.memory_space<vmem>> -> memref<1x2x128xi32, #tpu.memory_space<vmem>>
          %dma_start3A_194 = tpu.memref_squeeze %dma_start3A_193 : memref<1x2x128xi32, #tpu.memory_space<vmem>> -> memref<2x128xi32, #tpu.memory_space<vmem>>
          %dma_start3A_195 = arith.constant 0 : i32
          %dma_start3A_196 = arith.constant 0 : i32
          %dma_start3A_197 = tpu.memref_slice %arg4[%dma_start3A_195, %add3A_182, %dma_start3A_196] : memref<2x2500x128xi32, #tpu.memory_space<hbm>> -> memref<2x1x128xi32, #tpu.memory_space<hbm>>
          %dma_start3A_198 = tpu.memref_squeeze %dma_start3A_197 : memref<2x1x128xi32, #tpu.memory_space<hbm>> -> memref<2x128xi32, #tpu.memory_space<hbm>>
          tpu.enqueue_dma source(%dma_start3A_198 : memref<2x128xi32, #tpu.memory_space<hbm>>) target(%dma_start3A_194 : memref<2x128xi32, #tpu.memory_space<vmem>>) target_semaphore(%arg13 : memref<!tpu.dma_semaphore, #tpu.memory_space<semaphore_mem>>)
        } else {
        }
      } else {
      }
      %add3A_134 = arith.constant 2 : i32
      %add3A_135 = arith.addi %add3A_122, %add3A_134 : i32
      %ge3A_136 = arith.constant 0 : i32
      %ge3A_137 = arith.cmpi sge, %add3A_135, %ge3A_136 : i32
      %mul3A_138 = arith.constant 16 : i32
      %mul3A_139 = arith.muli %add3A_135, %mul3A_138 : i32
      %add3A_140 = arith.addi %arg1, %mul3A_139 : i32
      %lt3A_141 = arith.constant 1250 : i32
      %lt3A_142 = arith.cmpi slt, %add3A_140, %lt3A_141 : i32
      %and3A_143 = arith.andi %ge3A_137, %lt3A_142 : i1
      %convert_element_type3A_144 = arith.extui %and3A_143 : i1 to i32
      %cond3A_145 = arith.constant 0 : i32
      %cond3A_146 = arith.cmpi ne, %convert_element_type3A_144, %cond3A_145 : i32
      scf.if %cond3A_146 {
        %dma_wait3A = arith.constant 0 : i32
        %dma_wait3A_148 = arith.constant 1 : i32
        %dma_wait3A_149 = arith.constant 0 : i32
        %dma_wait3A_150 = arith.constant 0 : i32
        %dma_wait3A_151 = tpu.memref_slice %arg8[%dma_wait3A_148, %dma_wait3A_149, %dma_wait3A_150] : memref<3x2x128xi32, #tpu.memory_space<vmem>> -> memref<1x2x128xi32, #tpu.memory_space<vmem>>
        %dma_wait3A_152 = tpu.memref_squeeze %dma_wait3A_151 : memref<1x2x128xi32, #tpu.memory_space<vmem>> -> memref<2x128xi32, #tpu.memory_space<vmem>>
        %dma_wait3A_153 = arith.constant 0 : i32
        %dma_wait3A_154 = arith.constant 0 : i32
        %dma_wait3A_155 = tpu.memref_slice %arg4[%dma_wait3A_153, %dma_wait3A, %dma_wait3A_154] : memref<2x2500x128xi32, #tpu.memory_space<hbm>> -> memref<2x1x128xi32, #tpu.memory_space<hbm>>
        %dma_wait3A_156 = tpu.memref_squeeze %dma_wait3A_155 : memref<2x1x128xi32, #tpu.memory_space<hbm>> -> memref<2x128xi32, #tpu.memory_space<hbm>>
        %dma_wait3A_157 = arith.constant 0 : i32
        %dma_wait3A_158 = arith.constant 0 : i32
        %dma_wait3A_159 = tpu.memref_slice %arg8[%dma_wait3A_148, %dma_wait3A_157, %dma_wait3A_158] : memref<3x2x128xi32, #tpu.memory_space<vmem>> -> memref<1x2x128xi32, #tpu.memory_space<vmem>>
        %dma_wait3A_160 = tpu.memref_squeeze %dma_wait3A_159 : memref<1x2x128xi32, #tpu.memory_space<vmem>> -> memref<2x128xi32, #tpu.memory_space<vmem>>
        %dma_wait3A_161 = arith.constant 0 : i32
        %dma_wait3A_162 = arith.constant 0 : i32
        %dma_wait3A_163 = tpu.memref_slice %arg4[%dma_wait3A_161, %dma_wait3A, %dma_wait3A_162] : memref<2x2500x128xi32, #tpu.memory_space<hbm>> -> memref<2x1x128xi32, #tpu.memory_space<hbm>>
        %dma_wait3A_164 = tpu.memref_squeeze %dma_wait3A_163 : memref<2x1x128xi32, #tpu.memory_space<hbm>> -> memref<2x128xi32, #tpu.memory_space<hbm>>
        tpu.wait_dma2 semaphore(%arg12 : memref<!tpu.dma_semaphore, #tpu.memory_space<semaphore_mem>>) src(%dma_wait3A_164 : memref<2x128xi32, #tpu.memory_space<hbm>>) dst(%dma_wait3A_160 : memref<2x128xi32, #tpu.memory_space<vmem>>)
        %dma_start3A = arith.constant 1 : i32
        %dma_start3A_165 = arith.constant 0 : i32
        %dma_start3A_166 = arith.constant 1 : i32
        %dma_start3A_167 = arith.constant 0 : i32
        %dma_start3A_168 = arith.constant 0 : i32
        %dma_start3A_169 = tpu.memref_slice %arg9[%dma_start3A_166, %dma_start3A_167, %dma_start3A_168] : memref<3x128x128xf32, #tpu.memory_space<vmem>> -> memref<1x128x128xf32, #tpu.memory_space<vmem>>
        %dma_start3A_170 = tpu.memref_squeeze %dma_start3A_169 : memref<1x128x128xf32, #tpu.memory_space<vmem>> -> memref<128x128xf32, #tpu.memory_space<vmem>>
        %dma_start3A_171 = arith.constant 0 : i32
        %dma_start3A_172 = tpu.memref_slice %arg8[%dma_start3A, %dma_start3A_165, %dma_start3A_171] : memref<3x2x128xi32, #tpu.memory_space<vmem>> -> memref<1x1x128xi32, #tpu.memory_space<vmem>>
        %dma_start3A_173 = tpu.memref_squeeze %dma_start3A_172 : memref<1x1x128xi32, #tpu.memory_space<vmem>> -> memref<128xi32, #tpu.memory_space<vmem>>
        %dma_start3A_174 = arith.constant 0 : i32
        %dma_start3A_175 = arith.constant 0 : i32
        %dma_start3A_176 = tpu.memref_slice %arg2[%dma_start3A_174, %dma_start3A_175] : memref<10000x128xf32, #tpu.memory_space<hbm>> -> memref<10000x128xf32, #tpu.memory_space<hbm>>
        tpu.enqueue_indirect_dma source(%dma_start3A_176 : memref<10000x128xf32, #tpu.memory_space<hbm>>) target(%dma_start3A_170 : memref<128x128xf32, #tpu.memory_space<vmem>>) offsets(%dma_start3A_173 : memref<128xi32, #tpu.memory_space<vmem>>) semaphore(%arg15 : memref<!tpu.dma_semaphore, #tpu.memory_space<semaphore_mem>>)
      } else {
      }
      %scan3A_147 = arith.constant 0 : i32
      scf.yield %scan3A_147 : i32
    }
    %scan3A_50 = arith.constant 27 : i32
    %barrier3A_51 = arith.constant 0 : index
    tpu.barrier barrier_id(%barrier3A_51)
    %eq3A_52 = arith.constant 0 : i32
    %eq3A_53 = arith.cmpi eq, %arg0, %eq3A_52 : i32
    %convert_element_type3A_54 = arith.extui %eq3A_53 : i1 to i32
    %cond3A_55 = arith.constant 0 : i32
    %cond3A_56 = arith.cmpi ne, %convert_element_type3A_54, %cond3A_55 : i32
    scf.if %cond3A_56 {
      %mul3A_62 = arith.constant 624 : i32
      %mul3A_63 = arith.muli %arg1, %mul3A_62 : i32
      %mul3A_64 = arith.constant 624 : i32
      %mul3A_65 = arith.muli %arg1, %mul3A_64 : i32
      "tpu.region"() ({
        %run_scoped3A = tpu.sem_alloc : memref<!tpu.dma_semaphore, #tpu.memory_space<semaphore_mem>>
        %dma_start3A = arith.constant 0 : i32
        %dma_start3A_71 = tpu.memref_slice %arg6[%mul3A_65, %dma_start3A] : memref<10240x128xf32, #tpu.memory_space<hbm>> -> memref<632x128xf32, #tpu.memory_space<hbm>>
        %dma_start3A_72 = arith.constant 0 : i32
        %dma_start3A_73 = tpu.memref_slice %arg10[%mul3A_63, %dma_start3A_72] : memref<10000x128xf32, #tpu.memory_space<vmem_shared>> -> memref<632x128xf32, #tpu.memory_space<vmem_shared>>
        tpu.enqueue_dma source(%dma_start3A_73 : memref<632x128xf32, #tpu.memory_space<vmem_shared>>) target(%dma_start3A_71 : memref<632x128xf32, #tpu.memory_space<hbm>>) target_semaphore(%run_scoped3A : memref<!tpu.dma_semaphore, #tpu.memory_space<semaphore_mem>>)
        %dma_wait3A = arith.constant 0 : i32
        %dma_wait3A_74 = tpu.memref_slice %arg6[%mul3A_65, %dma_wait3A] : memref<10240x128xf32, #tpu.memory_space<hbm>> -> memref<632x128xf32, #tpu.memory_space<hbm>>
        %dma_wait3A_75 = arith.constant 0 : i32
        %dma_wait3A_76 = tpu.memref_slice %arg10[%mul3A_63, %dma_wait3A_75] : memref<10000x128xf32, #tpu.memory_space<vmem_shared>> -> memref<632x128xf32, #tpu.memory_space<vmem_shared>>
        tpu.wait_dma2 semaphore(%run_scoped3A : memref<!tpu.dma_semaphore, #tpu.memory_space<semaphore_mem>>) src(%dma_wait3A_76 : memref<632x128xf32, #tpu.memory_space<vmem_shared>>) dst(%dma_wait3A_74 : memref<632x128xf32, #tpu.memory_space<hbm>>)
        tpu.yield
      }) : () -> ()
      %eq3A_66 = arith.constant 15 : i32
      %eq3A_67 = arith.cmpi eq, %arg1, %eq3A_66 : i32
      %convert_element_type3A_68 = arith.extui %eq3A_67 : i1 to i32
      %cond3A_69 = arith.constant 0 : i32
      %cond3A_70 = arith.cmpi ne, %convert_element_type3A_68, %cond3A_69 : i32
      scf.if %cond3A_70 {
        "tpu.region"() ({
          %run_scoped3A = tpu.sem_alloc : memref<!tpu.dma_semaphore, #tpu.memory_space<semaphore_mem>>
          %dma_start3A = arith.constant 9992 : i32
          %dma_start3A_71 = arith.constant 0 : i32
          %dma_start3A_72 = tpu.memref_slice %arg6[%dma_start3A, %dma_start3A_71] : memref<10240x128xf32, #tpu.memory_space<hbm>> -> memref<8x128xf32, #tpu.memory_space<hbm>>
          %dma_start3A_73 = arith.constant 9992 : i32
          %dma_start3A_74 = arith.constant 0 : i32
          %dma_start3A_75 = tpu.memref_slice %arg10[%dma_start3A_73, %dma_start3A_74] : memref<10000x128xf32, #tpu.memory_space<vmem_shared>> -> memref<8x128xf32, #tpu.memory_space<vmem_shared>>
          tpu.enqueue_dma source(%dma_start3A_75 : memref<8x128xf32, #tpu.memory_space<vmem_shared>>) target(%dma_start3A_72 : memref<8x128xf32, #tpu.memory_space<hbm>>) target_semaphore(%run_scoped3A : memref<!tpu.dma_semaphore, #tpu.memory_space<semaphore_mem>>)
          %dma_wait3A = arith.constant 9992 : i32
          %dma_wait3A_76 = arith.constant 0 : i32
          %dma_wait3A_77 = tpu.memref_slice %arg6[%dma_wait3A, %dma_wait3A_76] : memref<10240x128xf32, #tpu.memory_space<hbm>> -> memref<8x128xf32, #tpu.memory_space<hbm>>
          %dma_wait3A_78 = arith.constant 9992 : i32
          %dma_wait3A_79 = arith.constant 0 : i32
          %dma_wait3A_80 = tpu.memref_slice %arg10[%dma_wait3A_78, %dma_wait3A_79] : memref<10000x128xf32, #tpu.memory_space<vmem_shared>> -> memref<8x128xf32, #tpu.memory_space<vmem_shared>>
          tpu.wait_dma2 semaphore(%run_scoped3A : memref<!tpu.dma_semaphore, #tpu.memory_space<semaphore_mem>>) src(%dma_wait3A_80 : memref<8x128xf32, #tpu.memory_space<vmem_shared>>) dst(%dma_wait3A_77 : memref<8x128xf32, #tpu.memory_space<hbm>>)
          tpu.yield
        }) : () -> ()
      } else {
      }
    } else {
    }
    %eq3A_57 = arith.constant 1 : i32
    %eq3A_58 = arith.cmpi eq, %arg0, %eq3A_57 : i32
    %convert_element_type3A_59 = arith.extui %eq3A_58 : i1 to i32
    %cond3A_60 = arith.constant 0 : i32
    %cond3A_61 = arith.cmpi ne, %convert_element_type3A_59, %cond3A_60 : i32
    scf.if %cond3A_61 {
      %mul3A_62 = arith.constant 624 : i32
      %mul3A_63 = arith.muli %arg1, %mul3A_62 : i32
      %mul3A_64 = arith.constant 624 : i32
      %mul3A_65 = arith.muli %arg1, %mul3A_64 : i32
      "tpu.region"() ({
        %run_scoped3A = tpu.sem_alloc : memref<!tpu.dma_semaphore, #tpu.memory_space<semaphore_mem>>
        %dma_start3A = arith.constant 0 : i32
        %dma_start3A_71 = tpu.memref_slice %arg7[%mul3A_65, %dma_start3A] : memref<10240x128xf32, #tpu.memory_space<hbm>> -> memref<632x128xf32, #tpu.memory_space<hbm>>
        %dma_start3A_72 = arith.constant 0 : i32
        %dma_start3A_73 = tpu.memref_slice %arg10[%mul3A_63, %dma_start3A_72] : memref<10000x128xf32, #tpu.memory_space<vmem_shared>> -> memref<632x128xf32, #tpu.memory_space<vmem_shared>>
        tpu.enqueue_dma source(%dma_start3A_73 : memref<632x128xf32, #tpu.memory_space<vmem_shared>>) target(%dma_start3A_71 : memref<632x128xf32, #tpu.memory_space<hbm>>) target_semaphore(%run_scoped3A : memref<!tpu.dma_semaphore, #tpu.memory_space<semaphore_mem>>)
        %dma_wait3A = arith.constant 0 : i32
        %dma_wait3A_74 = tpu.memref_slice %arg7[%mul3A_65, %dma_wait3A] : memref<10240x128xf32, #tpu.memory_space<hbm>> -> memref<632x128xf32, #tpu.memory_space<hbm>>
        %dma_wait3A_75 = arith.constant 0 : i32
        %dma_wait3A_76 = tpu.memref_slice %arg10[%mul3A_63, %dma_wait3A_75] : memref<10000x128xf32, #tpu.memory_space<vmem_shared>> -> memref<632x128xf32, #tpu.memory_space<vmem_shared>>
        tpu.wait_dma2 semaphore(%run_scoped3A : memref<!tpu.dma_semaphore, #tpu.memory_space<semaphore_mem>>) src(%dma_wait3A_76 : memref<632x128xf32, #tpu.memory_space<vmem_shared>>) dst(%dma_wait3A_74 : memref<632x128xf32, #tpu.memory_space<hbm>>)
        tpu.yield
      }) : () -> ()
      %eq3A_66 = arith.constant 15 : i32
      %eq3A_67 = arith.cmpi eq, %arg1, %eq3A_66 : i32
      %convert_element_type3A_68 = arith.extui %eq3A_67 : i1 to i32
      %cond3A_69 = arith.constant 0 : i32
      %cond3A_70 = arith.cmpi ne, %convert_element_type3A_68, %cond3A_69 : i32
      scf.if %cond3A_70 {
        "tpu.region"() ({
          %run_scoped3A = tpu.sem_alloc : memref<!tpu.dma_semaphore, #tpu.memory_space<semaphore_mem>>
          %dma_start3A = arith.constant 9992 : i32
          %dma_start3A_71 = arith.constant 0 : i32
          %dma_start3A_72 = tpu.memref_slice %arg7[%dma_start3A, %dma_start3A_71] : memref<10240x128xf32, #tpu.memory_space<hbm>> -> memref<8x128xf32, #tpu.memory_space<hbm>>
          %dma_start3A_73 = arith.constant 9992 : i32
          %dma_start3A_74 = arith.constant 0 : i32
          %dma_start3A_75 = tpu.memref_slice %arg10[%dma_start3A_73, %dma_start3A_74] : memref<10000x128xf32, #tpu.memory_space<vmem_shared>> -> memref<8x128xf32, #tpu.memory_space<vmem_shared>>
          tpu.enqueue_dma source(%dma_start3A_75 : memref<8x128xf32, #tpu.memory_space<vmem_shared>>) target(%dma_start3A_72 : memref<8x128xf32, #tpu.memory_space<hbm>>) target_semaphore(%run_scoped3A : memref<!tpu.dma_semaphore, #tpu.memory_space<semaphore_mem>>)
          %dma_wait3A = arith.constant 9992 : i32
          %dma_wait3A_76 = arith.constant 0 : i32
          %dma_wait3A_77 = tpu.memref_slice %arg7[%dma_wait3A, %dma_wait3A_76] : memref<10240x128xf32, #tpu.memory_space<hbm>> -> memref<8x128xf32, #tpu.memory_space<hbm>>
          %dma_wait3A_78 = arith.constant 9992 : i32
          %dma_wait3A_79 = arith.constant 0 : i32
          %dma_wait3A_80 = tpu.memref_slice %arg10[%dma_wait3A_78, %dma_wait3A_79] : memref<10000x128xf32, #tpu.memory_space<vmem_shared>> -> memref<8x128xf32, #tpu.memory_space<vmem_shared>>
          tpu.wait_dma2 semaphore(%run_scoped3A : memref<!tpu.dma_semaphore, #tpu.memory_space<semaphore_mem>>) src(%dma_wait3A_80 : memref<8x128xf32, #tpu.memory_space<vmem_shared>>) dst(%dma_wait3A_77 : memref<8x128xf32, #tpu.memory_space<hbm>>)
          tpu.yield
        }) : () -> ()
      } else {
      }
    } else {
    }
    return
  }
}

#map = affine_map<(d0, d1) -> (0, 0)>
#map1 = affine_map<(d0, d1) -> (0, 0, 0)>
module attributes {stable_mosaic.version = 14 : i64} {
  func.func @_agg_body(%arg0: i32, %arg1: i32, %arg2: memref<10240x128xf32, #tpu.memory_space<hbm>>, %arg3: memref<10240x128xf32, #tpu.memory_space<hbm>>, %arg4: memref<2x2500x128xi32, #tpu.memory_space<hbm>>, %arg5: memref<632x128xf32, #tpu.memory_space<hbm>>, %arg6: memref<10240x128xf32, #tpu.memory_space<hbm>>, %arg7: memref<10240x128xf32, #tpu.memory_space<hbm>>, %arg8: memref<3x2x128xi32, #tpu.memory_space<vmem>>, %arg9: memref<3x128x128xf32, #tpu.memory_space<vmem>>, %arg10: memref<10000x128xf32, #tpu.memory_space<vmem_shared>>, %arg11: memref<!tpu.dma_semaphore, #tpu.memory_space<semaphore_mem>>, %arg12: memref<!tpu.dma_semaphore, #tpu.memory_space<semaphore_mem>>, %arg13: memref<!tpu.dma_semaphore, #tpu.memory_space<semaphore_mem>>, %arg14: memref<!tpu.dma_semaphore, #tpu.memory_space<semaphore_mem>>, %arg15: memref<!tpu.dma_semaphore, #tpu.memory_space<semaphore_mem>>, %arg16: memref<!tpu.dma_semaphore, #tpu.memory_space<semaphore_mem>>) attributes {dimension_semantics = [#tpu.dimension_semantics<core_parallel>, #tpu.dimension_semantics<subcore_parallel>], iteration_bounds = array<i64: 2, 16>, scalar_prefetch = 0 : i64, scratch_operands = 9 : i64, tpu.core_type = #tpu.core_type<sc_vector_subcore>, window_params = [{transform_indices = #map}, {transform_indices = #map}, {transform_indices = #map1}, {transform_indices = #map}, {transform_indices = #map}, {transform_indices = #map}]} {
    %mul3A = arith.constant 624 : i32
    %mul3A_0 = arith.muli %arg1, %mul3A : i32
    "tpu.region"() ({
      %run_scoped3A = tpu.sem_alloc : memref<!tpu.dma_semaphore, #tpu.memory_space<semaphore_mem>>
      %dma_start3A = arith.constant 0 : i32
      %dma_start3A_62 = tpu.memref_slice %arg10[%mul3A_0, %dma_start3A] : memref<10000x128xf32, #tpu.memory_space<vmem_shared>> -> memref<632x128xf32, #tpu.memory_space<vmem_shared>>
      %dma_start3A_63 = arith.constant 0 : i32
      %dma_start3A_64 = arith.constant 0 : i32
      %dma_start3A_65 = tpu.memref_slice %arg5[%dma_start3A_63, %dma_start3A_64] : memref<632x128xf32, #tpu.memory_space<hbm>> -> memref<632x128xf32, #tpu.memory_space<hbm>>
      tpu.enqueue_dma source(%dma_start3A_65 : memref<632x128xf32, #tpu.memory_space<hbm>>) target(%dma_start3A_62 : memref<632x128xf32, #tpu.memory_space<vmem_shared>>) target_semaphore(%run_scoped3A : memref<!tpu.dma_semaphore, #tpu.memory_space<semaphore_mem>>)
      %dma_wait3A = arith.constant 0 : i32
      %dma_wait3A_66 = tpu.memref_slice %arg10[%mul3A_0, %dma_wait3A] : memref<10000x128xf32, #tpu.memory_space<vmem_shared>> -> memref<632x128xf32, #tpu.memory_space<vmem_shared>>
      %dma_wait3A_67 = arith.constant 0 : i32
      %dma_wait3A_68 = arith.constant 0 : i32
      %dma_wait3A_69 = tpu.memref_slice %arg5[%dma_wait3A_67, %dma_wait3A_68] : memref<632x128xf32, #tpu.memory_space<hbm>> -> memref<632x128xf32, #tpu.memory_space<hbm>>
      tpu.wait_dma2 semaphore(%run_scoped3A : memref<!tpu.dma_semaphore, #tpu.memory_space<semaphore_mem>>) src(%dma_wait3A_69 : memref<632x128xf32, #tpu.memory_space<hbm>>) dst(%dma_wait3A_66 : memref<632x128xf32, #tpu.memory_space<vmem_shared>>)
      tpu.yield
    }) : () -> ()
    %eq3A = arith.constant 15 : i32
    %eq3A_1 = arith.cmpi eq, %arg1, %eq3A : i32
    %convert_element_type3A = arith.extui %eq3A_1 : i1 to i32
    %cond3A = arith.constant 0 : i32
    %cond3A_2 = arith.cmpi ne, %convert_element_type3A, %cond3A : i32
    scf.if %cond3A_2 {
      "tpu.region"() ({
        %run_scoped3A = tpu.sem_alloc : memref<!tpu.dma_semaphore, #tpu.memory_space<semaphore_mem>>
        %dma_start3A = arith.constant 9992 : i32
        %dma_start3A_62 = arith.constant 0 : i32
        %dma_start3A_63 = tpu.memref_slice %arg10[%dma_start3A, %dma_start3A_62] : memref<10000x128xf32, #tpu.memory_space<vmem_shared>> -> memref<8x128xf32, #tpu.memory_space<vmem_shared>>
        %dma_start3A_64 = arith.constant 0 : i32
        %dma_start3A_65 = arith.constant 0 : i32
        %dma_start3A_66 = tpu.memref_slice %arg5[%dma_start3A_64, %dma_start3A_65] : memref<632x128xf32, #tpu.memory_space<hbm>> -> memref<8x128xf32, #tpu.memory_space<hbm>>
        tpu.enqueue_dma source(%dma_start3A_66 : memref<8x128xf32, #tpu.memory_space<hbm>>) target(%dma_start3A_63 : memref<8x128xf32, #tpu.memory_space<vmem_shared>>) target_semaphore(%run_scoped3A : memref<!tpu.dma_semaphore, #tpu.memory_space<semaphore_mem>>)
        %dma_wait3A = arith.constant 9992 : i32
        %dma_wait3A_67 = arith.constant 0 : i32
        %dma_wait3A_68 = tpu.memref_slice %arg10[%dma_wait3A, %dma_wait3A_67] : memref<10000x128xf32, #tpu.memory_space<vmem_shared>> -> memref<8x128xf32, #tpu.memory_space<vmem_shared>>
        %dma_wait3A_69 = arith.constant 0 : i32
        %dma_wait3A_70 = arith.constant 0 : i32
        %dma_wait3A_71 = tpu.memref_slice %arg5[%dma_wait3A_69, %dma_wait3A_70] : memref<632x128xf32, #tpu.memory_space<hbm>> -> memref<8x128xf32, #tpu.memory_space<hbm>>
        tpu.wait_dma2 semaphore(%run_scoped3A : memref<!tpu.dma_semaphore, #tpu.memory_space<semaphore_mem>>) src(%dma_wait3A_71 : memref<8x128xf32, #tpu.memory_space<hbm>>) dst(%dma_wait3A_68 : memref<8x128xf32, #tpu.memory_space<vmem_shared>>)
        tpu.yield
      }) : () -> ()
    } else {
    }
    %barrier3A = arith.constant 0 : index
    tpu.barrier barrier_id(%barrier3A)
    %add3A = arith.constant 0 : i32
    %add3A_3 = arith.addi %arg1, %add3A : i32
    %lt3A = arith.constant 2500 : i32
    %lt3A_4 = arith.cmpi slt, %add3A_3, %lt3A : i32
    %and3A = arith.constant true
    %and3A_5 = arith.andi %and3A, %lt3A_4 : i1
    %convert_element_type3A_6 = arith.extui %and3A_5 : i1 to i32
    %cond3A_7 = arith.constant 0 : i32
    %cond3A_8 = arith.cmpi ne, %convert_element_type3A_6, %cond3A_7 : i32
    scf.if %cond3A_8 {
      %add3A_62 = arith.constant 0 : i32
      %add3A_63 = arith.addi %arg1, %add3A_62 : i32
      %dma_start3A = arith.constant 0 : i32
      %dma_start3A_64 = arith.constant 0 : i32
      %dma_start3A_65 = arith.constant 0 : i32
      %dma_start3A_66 = tpu.memref_slice %arg8[%dma_start3A, %dma_start3A_64, %dma_start3A_65] : memref<3x2x128xi32, #tpu.memory_space<vmem>> -> memref<1x2x128xi32, #tpu.memory_space<vmem>>
      %dma_start3A_67 = tpu.memref_squeeze %dma_start3A_66 : memref<1x2x128xi32, #tpu.memory_space<vmem>> -> memref<2x128xi32, #tpu.memory_space<vmem>>
      %dma_start3A_68 = arith.constant 0 : i32
      %dma_start3A_69 = arith.constant 0 : i32
      %dma_start3A_70 = tpu.memref_slice %arg4[%dma_start3A_68, %add3A_63, %dma_start3A_69] : memref<2x2500x128xi32, #tpu.memory_space<hbm>> -> memref<2x1x128xi32, #tpu.memory_space<hbm>>
      %dma_start3A_71 = tpu.memref_squeeze %dma_start3A_70 : memref<2x1x128xi32, #tpu.memory_space<hbm>> -> memref<2x128xi32, #tpu.memory_space<hbm>>
      %dma_start3A_72 = arith.constant 0 : i32
      %dma_start3A_73 = arith.constant 0 : i32
      %dma_start3A_74 = tpu.memref_slice %arg8[%dma_start3A, %dma_start3A_72, %dma_start3A_73] : memref<3x2x128xi32, #tpu.memory_space<vmem>> -> memref<1x2x128xi32, #tpu.memory_space<vmem>>
      %dma_start3A_75 = tpu.memref_squeeze %dma_start3A_74 : memref<1x2x128xi32, #tpu.memory_space<vmem>> -> memref<2x128xi32, #tpu.memory_space<vmem>>
      %dma_start3A_76 = arith.constant 0 : i32
      %dma_start3A_77 = arith.constant 0 : i32
      %dma_start3A_78 = tpu.memref_slice %arg4[%dma_start3A_76, %add3A_63, %dma_start3A_77] : memref<2x2500x128xi32, #tpu.memory_space<hbm>> -> memref<2x1x128xi32, #tpu.memory_space<hbm>>
      %dma_start3A_79 = tpu.memref_squeeze %dma_start3A_78 : memref<2x1x128xi32, #tpu.memory_space<hbm>> -> memref<2x128xi32, #tpu.memory_space<hbm>>
      tpu.enqueue_dma source(%dma_start3A_79 : memref<2x128xi32, #tpu.memory_space<hbm>>) target(%dma_start3A_75 : memref<2x128xi32, #tpu.memory_space<vmem>>) target_semaphore(%arg11 : memref<!tpu.dma_semaphore, #tpu.memory_space<semaphore_mem>>)
    } else {
    }
    %add3A_9 = arith.constant 16 : i32
    %add3A_10 = arith.addi %arg1, %add3A_9 : i32
    %lt3A_11 = arith.constant 2500 : i32
    %lt3A_12 = arith.cmpi slt, %add3A_10, %lt3A_11 : i32
    %and3A_13 = arith.constant true
    %and3A_14 = arith.andi %and3A_13, %lt3A_12 : i1
    %convert_element_type3A_15 = arith.extui %and3A_14 : i1 to i32
    %cond3A_16 = arith.constant 0 : i32
    %cond3A_17 = arith.cmpi ne, %convert_element_type3A_15, %cond3A_16 : i32
    scf.if %cond3A_17 {
      %add3A_62 = arith.constant 16 : i32
      %add3A_63 = arith.addi %arg1, %add3A_62 : i32
      %dma_start3A = arith.constant 1 : i32
      %dma_start3A_64 = arith.constant 0 : i32
      %dma_start3A_65 = arith.constant 0 : i32
      %dma_start3A_66 = tpu.memref_slice %arg8[%dma_start3A, %dma_start3A_64, %dma_start3A_65] : memref<3x2x128xi32, #tpu.memory_space<vmem>> -> memref<1x2x128xi32, #tpu.memory_space<vmem>>
      %dma_start3A_67 = tpu.memref_squeeze %dma_start3A_66 : memref<1x2x128xi32, #tpu.memory_space<vmem>> -> memref<2x128xi32, #tpu.memory_space<vmem>>
      %dma_start3A_68 = arith.constant 0 : i32
      %dma_start3A_69 = arith.constant 0 : i32
      %dma_start3A_70 = tpu.memref_slice %arg4[%dma_start3A_68, %add3A_63, %dma_start3A_69] : memref<2x2500x128xi32, #tpu.memory_space<hbm>> -> memref<2x1x128xi32, #tpu.memory_space<hbm>>
      %dma_start3A_71 = tpu.memref_squeeze %dma_start3A_70 : memref<2x1x128xi32, #tpu.memory_space<hbm>> -> memref<2x128xi32, #tpu.memory_space<hbm>>
      %dma_start3A_72 = arith.constant 0 : i32
      %dma_start3A_73 = arith.constant 0 : i32
      %dma_start3A_74 = tpu.memref_slice %arg8[%dma_start3A, %dma_start3A_72, %dma_start3A_73] : memref<3x2x128xi32, #tpu.memory_space<vmem>> -> memref<1x2x128xi32, #tpu.memory_space<vmem>>
      %dma_start3A_75 = tpu.memref_squeeze %dma_start3A_74 : memref<1x2x128xi32, #tpu.memory_space<vmem>> -> memref<2x128xi32, #tpu.memory_space<vmem>>
      %dma_start3A_76 = arith.constant 0 : i32
      %dma_start3A_77 = arith.constant 0 : i32
      %dma_start3A_78 = tpu.memref_slice %arg4[%dma_start3A_76, %add3A_63, %dma_start3A_77] : memref<2x2500x128xi32, #tpu.memory_space<hbm>> -> memref<2x1x128xi32, #tpu.memory_space<hbm>>
      %dma_start3A_79 = tpu.memref_squeeze %dma_start3A_78 : memref<2x1x128xi32, #tpu.memory_space<hbm>> -> memref<2x128xi32, #tpu.memory_space<hbm>>
      tpu.enqueue_dma source(%dma_start3A_79 : memref<2x128xi32, #tpu.memory_space<hbm>>) target(%dma_start3A_75 : memref<2x128xi32, #tpu.memory_space<vmem>>) target_semaphore(%arg12 : memref<!tpu.dma_semaphore, #tpu.memory_space<semaphore_mem>>)
    } else {
    }
    %add3A_18 = arith.constant 0 : i32
    %add3A_19 = arith.addi %arg1, %add3A_18 : i32
    %lt3A_20 = arith.constant 2500 : i32
    %lt3A_21 = arith.cmpi slt, %add3A_19, %lt3A_20 : i32
    %and3A_22 = arith.constant true
    %and3A_23 = arith.andi %and3A_22, %lt3A_21 : i1
    %convert_element_type3A_24 = arith.extui %and3A_23 : i1 to i32
    %cond3A_25 = arith.constant 0 : i32
    %cond3A_26 = arith.cmpi ne, %convert_element_type3A_24, %cond3A_25 : i32
    scf.if %cond3A_26 {
      %dma_wait3A = arith.constant 0 : i32
      %dma_wait3A_62 = arith.constant 0 : i32
      %dma_wait3A_63 = arith.constant 0 : i32
      %dma_wait3A_64 = arith.constant 0 : i32
      %dma_wait3A_65 = tpu.memref_slice %arg8[%dma_wait3A_62, %dma_wait3A_63, %dma_wait3A_64] : memref<3x2x128xi32, #tpu.memory_space<vmem>> -> memref<1x2x128xi32, #tpu.memory_space<vmem>>
      %dma_wait3A_66 = tpu.memref_squeeze %dma_wait3A_65 : memref<1x2x128xi32, #tpu.memory_space<vmem>> -> memref<2x128xi32, #tpu.memory_space<vmem>>
      %dma_wait3A_67 = arith.constant 0 : i32
      %dma_wait3A_68 = arith.constant 0 : i32
      %dma_wait3A_69 = tpu.memref_slice %arg4[%dma_wait3A_67, %dma_wait3A, %dma_wait3A_68] : memref<2x2500x128xi32, #tpu.memory_space<hbm>> -> memref<2x1x128xi32, #tpu.memory_space<hbm>>
      %dma_wait3A_70 = tpu.memref_squeeze %dma_wait3A_69 : memref<2x1x128xi32, #tpu.memory_space<hbm>> -> memref<2x128xi32, #tpu.memory_space<hbm>>
      %dma_wait3A_71 = arith.constant 0 : i32
      %dma_wait3A_72 = arith.constant 0 : i32
      %dma_wait3A_73 = tpu.memref_slice %arg8[%dma_wait3A_62, %dma_wait3A_71, %dma_wait3A_72] : memref<3x2x128xi32, #tpu.memory_space<vmem>> -> memref<1x2x128xi32, #tpu.memory_space<vmem>>
      %dma_wait3A_74 = tpu.memref_squeeze %dma_wait3A_73 : memref<1x2x128xi32, #tpu.memory_space<vmem>> -> memref<2x128xi32, #tpu.memory_space<vmem>>
      %dma_wait3A_75 = arith.constant 0 : i32
      %dma_wait3A_76 = arith.constant 0 : i32
      %dma_wait3A_77 = tpu.memref_slice %arg4[%dma_wait3A_75, %dma_wait3A, %dma_wait3A_76] : memref<2x2500x128xi32, #tpu.memory_space<hbm>> -> memref<2x1x128xi32, #tpu.memory_space<hbm>>
      %dma_wait3A_78 = tpu.memref_squeeze %dma_wait3A_77 : memref<2x1x128xi32, #tpu.memory_space<hbm>> -> memref<2x128xi32, #tpu.memory_space<hbm>>
      tpu.wait_dma2 semaphore(%arg11 : memref<!tpu.dma_semaphore, #tpu.memory_space<semaphore_mem>>) src(%dma_wait3A_78 : memref<2x128xi32, #tpu.memory_space<hbm>>) dst(%dma_wait3A_74 : memref<2x128xi32, #tpu.memory_space<vmem>>)
      %eq3A_79 = arith.constant 0 : i32
      %eq3A_80 = arith.cmpi eq, %arg0, %eq3A_79 : i32
      %convert_element_type3A_81 = arith.extui %eq3A_80 : i1 to i32
      %cond3A_82 = arith.constant 0 : i32
      %cond3A_83 = arith.cmpi ne, %convert_element_type3A_81, %cond3A_82 : i32
      scf.if %cond3A_83 {
        %dma_start3A = arith.constant 0 : i32
        %dma_start3A_89 = arith.constant 0 : i32
        %dma_start3A_90 = arith.constant 0 : i32
        %dma_start3A_91 = arith.constant 0 : i32
        %dma_start3A_92 = arith.constant 0 : i32
        %dma_start3A_93 = tpu.memref_slice %arg9[%dma_start3A_90, %dma_start3A_91, %dma_start3A_92] : memref<3x128x128xf32, #tpu.memory_space<vmem>> -> memref<1x128x128xf32, #tpu.memory_space<vmem>>
        %dma_start3A_94 = tpu.memref_squeeze %dma_start3A_93 : memref<1x128x128xf32, #tpu.memory_space<vmem>> -> memref<128x128xf32, #tpu.memory_space<vmem>>
        %dma_start3A_95 = arith.constant 0 : i32
        %dma_start3A_96 = tpu.memref_slice %arg8[%dma_start3A, %dma_start3A_89, %dma_start3A_95] : memref<3x2x128xi32, #tpu.memory_space<vmem>> -> memref<1x1x128xi32, #tpu.memory_space<vmem>>
        %dma_start3A_97 = tpu.memref_squeeze %dma_start3A_96 : memref<1x1x128xi32, #tpu.memory_space<vmem>> -> memref<128xi32, #tpu.memory_space<vmem>>
        %dma_start3A_98 = arith.constant 0 : i32
        %dma_start3A_99 = arith.constant 0 : i32
        %dma_start3A_100 = tpu.memref_slice %arg2[%dma_start3A_98, %dma_start3A_99] : memref<10240x128xf32, #tpu.memory_space<hbm>> -> memref<10240x128xf32, #tpu.memory_space<hbm>>
        tpu.enqueue_indirect_dma source(%dma_start3A_100 : memref<10240x128xf32, #tpu.memory_space<hbm>>) target(%dma_start3A_94 : memref<128x128xf32, #tpu.memory_space<vmem>>) offsets(%dma_start3A_97 : memref<128xi32, #tpu.memory_space<vmem>>) semaphore(%arg14 : memref<!tpu.dma_semaphore, #tpu.memory_space<semaphore_mem>>)
      } else {
      }
      %eq3A_84 = arith.constant 1 : i32
      %eq3A_85 = arith.cmpi eq, %arg0, %eq3A_84 : i32
      %convert_element_type3A_86 = arith.extui %eq3A_85 : i1 to i32
      %cond3A_87 = arith.constant 0 : i32
      %cond3A_88 = arith.cmpi ne, %convert_element_type3A_86, %cond3A_87 : i32
      scf.if %cond3A_88 {
        %dma_start3A = arith.constant 0 : i32
        %dma_start3A_89 = arith.constant 0 : i32
        %dma_start3A_90 = arith.constant 0 : i32
        %dma_start3A_91 = arith.constant 0 : i32
        %dma_start3A_92 = arith.constant 0 : i32
        %dma_start3A_93 = tpu.memref_slice %arg9[%dma_start3A_90, %dma_start3A_91, %dma_start3A_92] : memref<3x128x128xf32, #tpu.memory_space<vmem>> -> memref<1x128x128xf32, #tpu.memory_space<vmem>>
        %dma_start3A_94 = tpu.memref_squeeze %dma_start3A_93 : memref<1x128x128xf32, #tpu.memory_space<vmem>> -> memref<128x128xf32, #tpu.memory_space<vmem>>
        %dma_start3A_95 = arith.constant 0 : i32
        %dma_start3A_96 = tpu.memref_slice %arg8[%dma_start3A, %dma_start3A_89, %dma_start3A_95] : memref<3x2x128xi32, #tpu.memory_space<vmem>> -> memref<1x1x128xi32, #tpu.memory_space<vmem>>
        %dma_start3A_97 = tpu.memref_squeeze %dma_start3A_96 : memref<1x1x128xi32, #tpu.memory_space<vmem>> -> memref<128xi32, #tpu.memory_space<vmem>>
        %dma_start3A_98 = arith.constant 0 : i32
        %dma_start3A_99 = arith.constant 0 : i32
        %dma_start3A_100 = tpu.memref_slice %arg3[%dma_start3A_98, %dma_start3A_99] : memref<10240x128xf32, #tpu.memory_space<hbm>> -> memref<10240x128xf32, #tpu.memory_space<hbm>>
        tpu.enqueue_indirect_dma source(%dma_start3A_100 : memref<10240x128xf32, #tpu.memory_space<hbm>>) target(%dma_start3A_94 : memref<128x128xf32, #tpu.memory_space<vmem>>) offsets(%dma_start3A_97 : memref<128xi32, #tpu.memory_space<vmem>>) semaphore(%arg14 : memref<!tpu.dma_semaphore, #tpu.memory_space<semaphore_mem>>)
      } else {
      }
    } else {
    }
    %add3A_27 = arith.constant 16 : i32
    %add3A_28 = arith.addi %arg1, %add3A_27 : i32
    %lt3A_29 = arith.constant 2500 : i32
    %lt3A_30 = arith.cmpi slt, %add3A_28, %lt3A_29 : i32
    %and3A_31 = arith.constant true
    %and3A_32 = arith.andi %and3A_31, %lt3A_30 : i1
    %convert_element_type3A_33 = arith.extui %and3A_32 : i1 to i32
    %cond3A_34 = arith.constant 0 : i32
    %cond3A_35 = arith.cmpi ne, %convert_element_type3A_33, %cond3A_34 : i32
    scf.if %cond3A_35 {
      %dma_wait3A = arith.constant 0 : i32
      %dma_wait3A_62 = arith.constant 1 : i32
      %dma_wait3A_63 = arith.constant 0 : i32
      %dma_wait3A_64 = arith.constant 0 : i32
      %dma_wait3A_65 = tpu.memref_slice %arg8[%dma_wait3A_62, %dma_wait3A_63, %dma_wait3A_64] : memref<3x2x128xi32, #tpu.memory_space<vmem>> -> memref<1x2x128xi32, #tpu.memory_space<vmem>>
      %dma_wait3A_66 = tpu.memref_squeeze %dma_wait3A_65 : memref<1x2x128xi32, #tpu.memory_space<vmem>> -> memref<2x128xi32, #tpu.memory_space<vmem>>
      %dma_wait3A_67 = arith.constant 0 : i32
      %dma_wait3A_68 = arith.constant 0 : i32
      %dma_wait3A_69 = tpu.memref_slice %arg4[%dma_wait3A_67, %dma_wait3A, %dma_wait3A_68] : memref<2x2500x128xi32, #tpu.memory_space<hbm>> -> memref<2x1x128xi32, #tpu.memory_space<hbm>>
      %dma_wait3A_70 = tpu.memref_squeeze %dma_wait3A_69 : memref<2x1x128xi32, #tpu.memory_space<hbm>> -> memref<2x128xi32, #tpu.memory_space<hbm>>
      %dma_wait3A_71 = arith.constant 0 : i32
      %dma_wait3A_72 = arith.constant 0 : i32
      %dma_wait3A_73 = tpu.memref_slice %arg8[%dma_wait3A_62, %dma_wait3A_71, %dma_wait3A_72] : memref<3x2x128xi32, #tpu.memory_space<vmem>> -> memref<1x2x128xi32, #tpu.memory_space<vmem>>
      %dma_wait3A_74 = tpu.memref_squeeze %dma_wait3A_73 : memref<1x2x128xi32, #tpu.memory_space<vmem>> -> memref<2x128xi32, #tpu.memory_space<vmem>>
      %dma_wait3A_75 = arith.constant 0 : i32
      %dma_wait3A_76 = arith.constant 0 : i32
      %dma_wait3A_77 = tpu.memref_slice %arg4[%dma_wait3A_75, %dma_wait3A, %dma_wait3A_76] : memref<2x2500x128xi32, #tpu.memory_space<hbm>> -> memref<2x1x128xi32, #tpu.memory_space<hbm>>
      %dma_wait3A_78 = tpu.memref_squeeze %dma_wait3A_77 : memref<2x1x128xi32, #tpu.memory_space<hbm>> -> memref<2x128xi32, #tpu.memory_space<hbm>>
      tpu.wait_dma2 semaphore(%arg12 : memref<!tpu.dma_semaphore, #tpu.memory_space<semaphore_mem>>) src(%dma_wait3A_78 : memref<2x128xi32, #tpu.memory_space<hbm>>) dst(%dma_wait3A_74 : memref<2x128xi32, #tpu.memory_space<vmem>>)
      %eq3A_79 = arith.constant 0 : i32
      %eq3A_80 = arith.cmpi eq, %arg0, %eq3A_79 : i32
      %convert_element_type3A_81 = arith.extui %eq3A_80 : i1 to i32
      %cond3A_82 = arith.constant 0 : i32
      %cond3A_83 = arith.cmpi ne, %convert_element_type3A_81, %cond3A_82 : i32
      scf.if %cond3A_83 {
        %dma_start3A = arith.constant 1 : i32
        %dma_start3A_89 = arith.constant 0 : i32
        %dma_start3A_90 = arith.constant 1 : i32
        %dma_start3A_91 = arith.constant 0 : i32
        %dma_start3A_92 = arith.constant 0 : i32
        %dma_start3A_93 = tpu.memref_slice %arg9[%dma_start3A_90, %dma_start3A_91, %dma_start3A_92] : memref<3x128x128xf32, #tpu.memory_space<vmem>> -> memref<1x128x128xf32, #tpu.memory_space<vmem>>
        %dma_start3A_94 = tpu.memref_squeeze %dma_start3A_93 : memref<1x128x128xf32, #tpu.memory_space<vmem>> -> memref<128x128xf32, #tpu.memory_space<vmem>>
        %dma_start3A_95 = arith.constant 0 : i32
        %dma_start3A_96 = tpu.memref_slice %arg8[%dma_start3A, %dma_start3A_89, %dma_start3A_95] : memref<3x2x128xi32, #tpu.memory_space<vmem>> -> memref<1x1x128xi32, #tpu.memory_space<vmem>>
        %dma_start3A_97 = tpu.memref_squeeze %dma_start3A_96 : memref<1x1x128xi32, #tpu.memory_space<vmem>> -> memref<128xi32, #tpu.memory_space<vmem>>
        %dma_start3A_98 = arith.constant 0 : i32
        %dma_start3A_99 = arith.constant 0 : i32
        %dma_start3A_100 = tpu.memref_slice %arg2[%dma_start3A_98, %dma_start3A_99] : memref<10240x128xf32, #tpu.memory_space<hbm>> -> memref<10240x128xf32, #tpu.memory_space<hbm>>
        tpu.enqueue_indirect_dma source(%dma_start3A_100 : memref<10240x128xf32, #tpu.memory_space<hbm>>) target(%dma_start3A_94 : memref<128x128xf32, #tpu.memory_space<vmem>>) offsets(%dma_start3A_97 : memref<128xi32, #tpu.memory_space<vmem>>) semaphore(%arg15 : memref<!tpu.dma_semaphore, #tpu.memory_space<semaphore_mem>>)
      } else {
      }
      %eq3A_84 = arith.constant 1 : i32
      %eq3A_85 = arith.cmpi eq, %arg0, %eq3A_84 : i32
      %convert_element_type3A_86 = arith.extui %eq3A_85 : i1 to i32
      %cond3A_87 = arith.constant 0 : i32
      %cond3A_88 = arith.cmpi ne, %convert_element_type3A_86, %cond3A_87 : i32
      scf.if %cond3A_88 {
        %dma_start3A = arith.constant 1 : i32
        %dma_start3A_89 = arith.constant 0 : i32
        %dma_start3A_90 = arith.constant 1 : i32
        %dma_start3A_91 = arith.constant 0 : i32
        %dma_start3A_92 = arith.constant 0 : i32
        %dma_start3A_93 = tpu.memref_slice %arg9[%dma_start3A_90, %dma_start3A_91, %dma_start3A_92] : memref<3x128x128xf32, #tpu.memory_space<vmem>> -> memref<1x128x128xf32, #tpu.memory_space<vmem>>
        %dma_start3A_94 = tpu.memref_squeeze %dma_start3A_93 : memref<1x128x128xf32, #tpu.memory_space<vmem>> -> memref<128x128xf32, #tpu.memory_space<vmem>>
        %dma_start3A_95 = arith.constant 0 : i32
        %dma_start3A_96 = tpu.memref_slice %arg8[%dma_start3A, %dma_start3A_89, %dma_start3A_95] : memref<3x2x128xi32, #tpu.memory_space<vmem>> -> memref<1x1x128xi32, #tpu.memory_space<vmem>>
        %dma_start3A_97 = tpu.memref_squeeze %dma_start3A_96 : memref<1x1x128xi32, #tpu.memory_space<vmem>> -> memref<128xi32, #tpu.memory_space<vmem>>
        %dma_start3A_98 = arith.constant 0 : i32
        %dma_start3A_99 = arith.constant 0 : i32
        %dma_start3A_100 = tpu.memref_slice %arg3[%dma_start3A_98, %dma_start3A_99] : memref<10240x128xf32, #tpu.memory_space<hbm>> -> memref<10240x128xf32, #tpu.memory_space<hbm>>
        tpu.enqueue_indirect_dma source(%dma_start3A_100 : memref<10240x128xf32, #tpu.memory_space<hbm>>) target(%dma_start3A_94 : memref<128x128xf32, #tpu.memory_space<vmem>>) offsets(%dma_start3A_97 : memref<128xi32, #tpu.memory_space<vmem>>) semaphore(%arg15 : memref<!tpu.dma_semaphore, #tpu.memory_space<semaphore_mem>>)
      } else {
      }
    } else {
    }
    %add3A_36 = arith.constant 32 : i32
    %add3A_37 = arith.addi %arg1, %add3A_36 : i32
    %lt3A_38 = arith.constant 2500 : i32
    %lt3A_39 = arith.cmpi slt, %add3A_37, %lt3A_38 : i32
    %and3A_40 = arith.constant true
    %and3A_41 = arith.andi %and3A_40, %lt3A_39 : i1
    %convert_element_type3A_42 = arith.extui %and3A_41 : i1 to i32
    %cond3A_43 = arith.constant 0 : i32
    %cond3A_44 = arith.cmpi ne, %convert_element_type3A_42, %cond3A_43 : i32
    scf.if %cond3A_44 {
      %add3A_62 = arith.constant 32 : i32
      %add3A_63 = arith.addi %arg1, %add3A_62 : i32
      %dma_start3A = arith.constant 2 : i32
      %dma_start3A_64 = arith.constant 0 : i32
      %dma_start3A_65 = arith.constant 0 : i32
      %dma_start3A_66 = tpu.memref_slice %arg8[%dma_start3A, %dma_start3A_64, %dma_start3A_65] : memref<3x2x128xi32, #tpu.memory_space<vmem>> -> memref<1x2x128xi32, #tpu.memory_space<vmem>>
      %dma_start3A_67 = tpu.memref_squeeze %dma_start3A_66 : memref<1x2x128xi32, #tpu.memory_space<vmem>> -> memref<2x128xi32, #tpu.memory_space<vmem>>
      %dma_start3A_68 = arith.constant 0 : i32
      %dma_start3A_69 = arith.constant 0 : i32
      %dma_start3A_70 = tpu.memref_slice %arg4[%dma_start3A_68, %add3A_63, %dma_start3A_69] : memref<2x2500x128xi32, #tpu.memory_space<hbm>> -> memref<2x1x128xi32, #tpu.memory_space<hbm>>
      %dma_start3A_71 = tpu.memref_squeeze %dma_start3A_70 : memref<2x1x128xi32, #tpu.memory_space<hbm>> -> memref<2x128xi32, #tpu.memory_space<hbm>>
      %dma_start3A_72 = arith.constant 0 : i32
      %dma_start3A_73 = arith.constant 0 : i32
      %dma_start3A_74 = tpu.memref_slice %arg8[%dma_start3A, %dma_start3A_72, %dma_start3A_73] : memref<3x2x128xi32, #tpu.memory_space<vmem>> -> memref<1x2x128xi32, #tpu.memory_space<vmem>>
      %dma_start3A_75 = tpu.memref_squeeze %dma_start3A_74 : memref<1x2x128xi32, #tpu.memory_space<vmem>> -> memref<2x128xi32, #tpu.memory_space<vmem>>
      %dma_start3A_76 = arith.constant 0 : i32
      %dma_start3A_77 = arith.constant 0 : i32
      %dma_start3A_78 = tpu.memref_slice %arg4[%dma_start3A_76, %add3A_63, %dma_start3A_77] : memref<2x2500x128xi32, #tpu.memory_space<hbm>> -> memref<2x1x128xi32, #tpu.memory_space<hbm>>
      %dma_start3A_79 = tpu.memref_squeeze %dma_start3A_78 : memref<2x1x128xi32, #tpu.memory_space<hbm>> -> memref<2x128xi32, #tpu.memory_space<hbm>>
      tpu.enqueue_dma source(%dma_start3A_79 : memref<2x128xi32, #tpu.memory_space<hbm>>) target(%dma_start3A_75 : memref<2x128xi32, #tpu.memory_space<vmem>>) target_semaphore(%arg13 : memref<!tpu.dma_semaphore, #tpu.memory_space<semaphore_mem>>)
    } else {
    }
    %scan3A = arith.constant 0 : i32
    %scan3A_45 = arith.constant 0 : i32
    %scan3A_46 = arith.constant 53 : i32
    %scan3A_47 = arith.addi %scan3A_45, %scan3A_46 : i32
    %scan3A_48 = arith.constant 1 : i32
    %scan3A_49 = scf.for %scan3A_62 = %scan3A_45 to %scan3A_47 step %scan3A_48 iter_args(%scan3A_63 = %scan3A) -> (i32)  : i32 {
      %mul3A_64 = arith.constant 3 : i32
      %mul3A_65 = arith.muli %scan3A_62, %mul3A_64 : i32
      %add3A_66 = arith.constant 0 : i32
      %add3A_67 = arith.addi %mul3A_65, %add3A_66 : i32
      %ge3A = arith.constant 0 : i32
      %ge3A_68 = arith.cmpi sge, %add3A_67, %ge3A : i32
      %mul3A_69 = arith.constant 16 : i32
      %mul3A_70 = arith.muli %add3A_67, %mul3A_69 : i32
      %add3A_71 = arith.addi %arg1, %mul3A_70 : i32
      %lt3A_72 = arith.constant 2500 : i32
      %lt3A_73 = arith.cmpi slt, %add3A_71, %lt3A_72 : i32
      %and3A_74 = arith.andi %ge3A_68, %lt3A_73 : i1
      %convert_element_type3A_75 = arith.extui %and3A_74 : i1 to i32
      %cond3A_76 = arith.constant 0 : i32
      %cond3A_77 = arith.cmpi ne, %convert_element_type3A_75, %cond3A_76 : i32
      scf.if %cond3A_77 {
        %dma_wait3A = arith.constant 0 : i32
        %dma_wait3A_148 = arith.constant 0 : i32
        %dma_wait3A_149 = arith.constant 0 : i32
        %dma_wait3A_150 = arith.constant 0 : i32
        %dma_wait3A_151 = arith.constant 0 : i32
        %dma_wait3A_152 = tpu.memref_slice %arg9[%dma_wait3A_149, %dma_wait3A_150, %dma_wait3A_151] : memref<3x128x128xf32, #tpu.memory_space<vmem>> -> memref<1x128x128xf32, #tpu.memory_space<vmem>>
        %dma_wait3A_153 = tpu.memref_squeeze %dma_wait3A_152 : memref<1x128x128xf32, #tpu.memory_space<vmem>> -> memref<128x128xf32, #tpu.memory_space<vmem>>
        %dma_wait3A_154 = arith.constant 0 : i32
        %dma_wait3A_155 = tpu.memref_slice %arg8[%dma_wait3A, %dma_wait3A_148, %dma_wait3A_154] : memref<3x2x128xi32, #tpu.memory_space<vmem>> -> memref<1x1x128xi32, #tpu.memory_space<vmem>>
        %dma_wait3A_156 = tpu.memref_squeeze %dma_wait3A_155 : memref<1x1x128xi32, #tpu.memory_space<vmem>> -> memref<128xi32, #tpu.memory_space<vmem>>
        %dma_wait3A_157 = arith.constant 0 : i32
        %dma_wait3A_158 = arith.constant 0 : i32
        %dma_wait3A_159 = tpu.memref_slice %arg2[%dma_wait3A_157, %dma_wait3A_158] : memref<10240x128xf32, #tpu.memory_space<hbm>> -> memref<10240x128xf32, #tpu.memory_space<hbm>>
        tpu.wait_indirect_dma semaphore(%arg14 : memref<!tpu.dma_semaphore, #tpu.memory_space<semaphore_mem>>) src(%dma_wait3A_159 : memref<10240x128xf32, #tpu.memory_space<hbm>>) dst(%dma_wait3A_153 : memref<128x128xf32, #tpu.memory_space<vmem>>)
        %run_scoped3A = arith.constant 0 : i32
        %run_scoped3A_160 = arith.constant 0 : i32
        %run_scoped3A_161 = arith.constant 1 : i32
        "tpu.region"() ({
          %run_scoped3A_175 = tpu.sem_alloc : memref<!tpu.dma_semaphore, #tpu.memory_space<semaphore_mem>>
          %dma_start3A = arith.constant 0 : i32
          %dma_start3A_176 = arith.constant 0 : i32
          %dma_start3A_177 = tpu.memref_slice %arg9[%run_scoped3A, %dma_start3A, %dma_start3A_176] : memref<3x128x128xf32, #tpu.memory_space<vmem>> -> memref<1x128x128xf32, #tpu.memory_space<vmem>>
          %dma_start3A_178 = tpu.memref_squeeze %dma_start3A_177 : memref<1x128x128xf32, #tpu.memory_space<vmem>> -> memref<128x128xf32, #tpu.memory_space<vmem>>
          %dma_start3A_179 = arith.constant 0 : i32
          %dma_start3A_180 = tpu.memref_slice %arg8[%run_scoped3A_160, %run_scoped3A_161, %dma_start3A_179] : memref<3x2x128xi32, #tpu.memory_space<vmem>> -> memref<1x1x128xi32, #tpu.memory_space<vmem>>
          %dma_start3A_181 = tpu.memref_squeeze %dma_start3A_180 : memref<1x1x128xi32, #tpu.memory_space<vmem>> -> memref<128xi32, #tpu.memory_space<vmem>>
          %dma_start3A_182 = arith.constant 0 : i32
          %dma_start3A_183 = arith.constant 0 : i32
          %dma_start3A_184 = tpu.memref_slice %arg10[%dma_start3A_182, %dma_start3A_183] : memref<10000x128xf32, #tpu.memory_space<vmem_shared>> -> memref<10000x128xf32, #tpu.memory_space<vmem_shared>>
          tpu.enqueue_indirect_dma source(%dma_start3A_178 : memref<128x128xf32, #tpu.memory_space<vmem>>) target(%dma_start3A_184 : memref<10000x128xf32, #tpu.memory_space<vmem_shared>>) offsets(%dma_start3A_181 : memref<128xi32, #tpu.memory_space<vmem>>) semaphore(%run_scoped3A_175 : memref<!tpu.dma_semaphore, #tpu.memory_space<semaphore_mem>>) {add = true}
          %dma_wait3A_185 = arith.constant 0 : i32
          %dma_wait3A_186 = arith.constant 0 : i32
          %dma_wait3A_187 = tpu.memref_slice %arg9[%run_scoped3A, %dma_wait3A_185, %dma_wait3A_186] : memref<3x128x128xf32, #tpu.memory_space<vmem>> -> memref<1x128x128xf32, #tpu.memory_space<vmem>>
          %dma_wait3A_188 = tpu.memref_squeeze %dma_wait3A_187 : memref<1x128x128xf32, #tpu.memory_space<vmem>> -> memref<128x128xf32, #tpu.memory_space<vmem>>
          %dma_wait3A_189 = arith.constant 0 : i32
          %dma_wait3A_190 = tpu.memref_slice %arg8[%run_scoped3A_160, %run_scoped3A_161, %dma_wait3A_189] : memref<3x2x128xi32, #tpu.memory_space<vmem>> -> memref<1x1x128xi32, #tpu.memory_space<vmem>>
          %dma_wait3A_191 = tpu.memref_squeeze %dma_wait3A_190 : memref<1x1x128xi32, #tpu.memory_space<vmem>> -> memref<128xi32, #tpu.memory_space<vmem>>
          %dma_wait3A_192 = arith.constant 0 : i32
          %dma_wait3A_193 = arith.constant 0 : i32
          %dma_wait3A_194 = tpu.memref_slice %arg10[%dma_wait3A_192, %dma_wait3A_193] : memref<10000x128xf32, #tpu.memory_space<vmem_shared>> -> memref<10000x128xf32, #tpu.memory_space<vmem_shared>>
          tpu.wait_indirect_dma semaphore(%run_scoped3A_175 : memref<!tpu.dma_semaphore, #tpu.memory_space<semaphore_mem>>) src(%dma_wait3A_188 : memref<128x128xf32, #tpu.memory_space<vmem>>) dst(%dma_wait3A_194 : memref<10000x128xf32, #tpu.memory_space<vmem_shared>>)
          tpu.yield
        }) : () -> ()
        %add3A_162 = arith.constant 3 : i32
        %add3A_163 = arith.addi %add3A_67, %add3A_162 : i32
        %ge3A_164 = arith.constant 0 : i32
        %ge3A_165 = arith.cmpi sge, %add3A_163, %ge3A_164 : i32
        %mul3A_166 = arith.constant 16 : i32
        %mul3A_167 = arith.muli %add3A_163, %mul3A_166 : i32
        %add3A_168 = arith.addi %arg1, %mul3A_167 : i32
        %lt3A_169 = arith.constant 2500 : i32
        %lt3A_170 = arith.cmpi slt, %add3A_168, %lt3A_169 : i32
        %and3A_171 = arith.andi %ge3A_165, %lt3A_170 : i1
        %convert_element_type3A_172 = arith.extui %and3A_171 : i1 to i32
        %cond3A_173 = arith.constant 0 : i32
        %cond3A_174 = arith.cmpi ne, %convert_element_type3A_172, %cond3A_173 : i32
        scf.if %cond3A_174 {
          %add3A_175 = arith.constant 3 : i32
          %add3A_176 = arith.addi %add3A_67, %add3A_175 : i32
          %mul3A_177 = arith.constant 16 : i32
          %mul3A_178 = arith.muli %add3A_176, %mul3A_177 : i32
          %add3A_179 = arith.addi %arg1, %mul3A_178 : i32
          %dma_start3A = arith.constant 0 : i32
          %dma_start3A_180 = arith.constant 0 : i32
          %dma_start3A_181 = arith.constant 0 : i32
          %dma_start3A_182 = tpu.memref_slice %arg8[%dma_start3A, %dma_start3A_180, %dma_start3A_181] : memref<3x2x128xi32, #tpu.memory_space<vmem>> -> memref<1x2x128xi32, #tpu.memory_space<vmem>>
          %dma_start3A_183 = tpu.memref_squeeze %dma_start3A_182 : memref<1x2x128xi32, #tpu.memory_space<vmem>> -> memref<2x128xi32, #tpu.memory_space<vmem>>
          %dma_start3A_184 = arith.constant 0 : i32
          %dma_start3A_185 = arith.constant 0 : i32
          %dma_start3A_186 = tpu.memref_slice %arg4[%dma_start3A_184, %add3A_179, %dma_start3A_185] : memref<2x2500x128xi32, #tpu.memory_space<hbm>> -> memref<2x1x128xi32, #tpu.memory_space<hbm>>
          %dma_start3A_187 = tpu.memref_squeeze %dma_start3A_186 : memref<2x1x128xi32, #tpu.memory_space<hbm>> -> memref<2x128xi32, #tpu.memory_space<hbm>>
          %dma_start3A_188 = arith.constant 0 : i32
          %dma_start3A_189 = arith.constant 0 : i32
          %dma_start3A_190 = tpu.memref_slice %arg8[%dma_start3A, %dma_start3A_188, %dma_start3A_189] : memref<3x2x128xi32, #tpu.memory_space<vmem>> -> memref<1x2x128xi32, #tpu.memory_space<vmem>>
          %dma_start3A_191 = tpu.memref_squeeze %dma_start3A_190 : memref<1x2x128xi32, #tpu.memory_space<vmem>> -> memref<2x128xi32, #tpu.memory_space<vmem>>
          %dma_start3A_192 = arith.constant 0 : i32
          %dma_start3A_193 = arith.constant 0 : i32
          %dma_start3A_194 = tpu.memref_slice %arg4[%dma_start3A_192, %add3A_179, %dma_start3A_193] : memref<2x2500x128xi32, #tpu.memory_space<hbm>> -> memref<2x1x128xi32, #tpu.memory_space<hbm>>
          %dma_start3A_195 = tpu.memref_squeeze %dma_start3A_194 : memref<2x1x128xi32, #tpu.memory_space<hbm>> -> memref<2x128xi32, #tpu.memory_space<hbm>>
          tpu.enqueue_dma source(%dma_start3A_195 : memref<2x128xi32, #tpu.memory_space<hbm>>) target(%dma_start3A_191 : memref<2x128xi32, #tpu.memory_space<vmem>>) target_semaphore(%arg11 : memref<!tpu.dma_semaphore, #tpu.memory_space<semaphore_mem>>)
        } else {
        }
      } else {
      }
      %add3A_78 = arith.constant 2 : i32
      %add3A_79 = arith.addi %add3A_67, %add3A_78 : i32
      %ge3A_80 = arith.constant 0 : i32
      %ge3A_81 = arith.cmpi sge, %add3A_79, %ge3A_80 : i32
      %mul3A_82 = arith.constant 16 : i32
      %mul3A_83 = arith.muli %add3A_79, %mul3A_82 : i32
      %add3A_84 = arith.addi %arg1, %mul3A_83 : i32
      %lt3A_85 = arith.constant 2500 : i32
      %lt3A_86 = arith.cmpi slt, %add3A_84, %lt3A_85 : i32
      %and3A_87 = arith.andi %ge3A_81, %lt3A_86 : i1
      %convert_element_type3A_88 = arith.extui %and3A_87 : i1 to i32
      %cond3A_89 = arith.constant 0 : i32
      %cond3A_90 = arith.cmpi ne, %convert_element_type3A_88, %cond3A_89 : i32
      scf.if %cond3A_90 {
        %dma_wait3A = arith.constant 0 : i32
        %dma_wait3A_148 = arith.constant 2 : i32
        %dma_wait3A_149 = arith.constant 0 : i32
        %dma_wait3A_150 = arith.constant 0 : i32
        %dma_wait3A_151 = tpu.memref_slice %arg8[%dma_wait3A_148, %dma_wait3A_149, %dma_wait3A_150] : memref<3x2x128xi32, #tpu.memory_space<vmem>> -> memref<1x2x128xi32, #tpu.memory_space<vmem>>
        %dma_wait3A_152 = tpu.memref_squeeze %dma_wait3A_151 : memref<1x2x128xi32, #tpu.memory_space<vmem>> -> memref<2x128xi32, #tpu.memory_space<vmem>>
        %dma_wait3A_153 = arith.constant 0 : i32
        %dma_wait3A_154 = arith.constant 0 : i32
        %dma_wait3A_155 = tpu.memref_slice %arg4[%dma_wait3A_153, %dma_wait3A, %dma_wait3A_154] : memref<2x2500x128xi32, #tpu.memory_space<hbm>> -> memref<2x1x128xi32, #tpu.memory_space<hbm>>
        %dma_wait3A_156 = tpu.memref_squeeze %dma_wait3A_155 : memref<2x1x128xi32, #tpu.memory_space<hbm>> -> memref<2x128xi32, #tpu.memory_space<hbm>>
        %dma_wait3A_157 = arith.constant 0 : i32
        %dma_wait3A_158 = arith.constant 0 : i32
        %dma_wait3A_159 = tpu.memref_slice %arg8[%dma_wait3A_148, %dma_wait3A_157, %dma_wait3A_158] : memref<3x2x128xi32, #tpu.memory_space<vmem>> -> memref<1x2x128xi32, #tpu.memory_space<vmem>>
        %dma_wait3A_160 = tpu.memref_squeeze %dma_wait3A_159 : memref<1x2x128xi32, #tpu.memory_space<vmem>> -> memref<2x128xi32, #tpu.memory_space<vmem>>
        %dma_wait3A_161 = arith.constant 0 : i32
        %dma_wait3A_162 = arith.constant 0 : i32
        %dma_wait3A_163 = tpu.memref_slice %arg4[%dma_wait3A_161, %dma_wait3A, %dma_wait3A_162] : memref<2x2500x128xi32, #tpu.memory_space<hbm>> -> memref<2x1x128xi32, #tpu.memory_space<hbm>>
        %dma_wait3A_164 = tpu.memref_squeeze %dma_wait3A_163 : memref<2x1x128xi32, #tpu.memory_space<hbm>> -> memref<2x128xi32, #tpu.memory_space<hbm>>
        tpu.wait_dma2 semaphore(%arg13 : memref<!tpu.dma_semaphore, #tpu.memory_space<semaphore_mem>>) src(%dma_wait3A_164 : memref<2x128xi32, #tpu.memory_space<hbm>>) dst(%dma_wait3A_160 : memref<2x128xi32, #tpu.memory_space<vmem>>)
        %eq3A_165 = arith.constant 0 : i32
        %eq3A_166 = arith.cmpi eq, %arg0, %eq3A_165 : i32
        %convert_element_type3A_167 = arith.extui %eq3A_166 : i1 to i32
        %cond3A_168 = arith.constant 0 : i32
        %cond3A_169 = arith.cmpi ne, %convert_element_type3A_167, %cond3A_168 : i32
        scf.if %cond3A_169 {
          %dma_start3A = arith.constant 2 : i32
          %dma_start3A_175 = arith.constant 0 : i32
          %dma_start3A_176 = arith.constant 2 : i32
          %dma_start3A_177 = arith.constant 0 : i32
          %dma_start3A_178 = arith.constant 0 : i32
          %dma_start3A_179 = tpu.memref_slice %arg9[%dma_start3A_176, %dma_start3A_177, %dma_start3A_178] : memref<3x128x128xf32, #tpu.memory_space<vmem>> -> memref<1x128x128xf32, #tpu.memory_space<vmem>>
          %dma_start3A_180 = tpu.memref_squeeze %dma_start3A_179 : memref<1x128x128xf32, #tpu.memory_space<vmem>> -> memref<128x128xf32, #tpu.memory_space<vmem>>
          %dma_start3A_181 = arith.constant 0 : i32
          %dma_start3A_182 = tpu.memref_slice %arg8[%dma_start3A, %dma_start3A_175, %dma_start3A_181] : memref<3x2x128xi32, #tpu.memory_space<vmem>> -> memref<1x1x128xi32, #tpu.memory_space<vmem>>
          %dma_start3A_183 = tpu.memref_squeeze %dma_start3A_182 : memref<1x1x128xi32, #tpu.memory_space<vmem>> -> memref<128xi32, #tpu.memory_space<vmem>>
          %dma_start3A_184 = arith.constant 0 : i32
          %dma_start3A_185 = arith.constant 0 : i32
          %dma_start3A_186 = tpu.memref_slice %arg2[%dma_start3A_184, %dma_start3A_185] : memref<10240x128xf32, #tpu.memory_space<hbm>> -> memref<10240x128xf32, #tpu.memory_space<hbm>>
          tpu.enqueue_indirect_dma source(%dma_start3A_186 : memref<10240x128xf32, #tpu.memory_space<hbm>>) target(%dma_start3A_180 : memref<128x128xf32, #tpu.memory_space<vmem>>) offsets(%dma_start3A_183 : memref<128xi32, #tpu.memory_space<vmem>>) semaphore(%arg16 : memref<!tpu.dma_semaphore, #tpu.memory_space<semaphore_mem>>)
        } else {
        }
        %eq3A_170 = arith.constant 1 : i32
        %eq3A_171 = arith.cmpi eq, %arg0, %eq3A_170 : i32
        %convert_element_type3A_172 = arith.extui %eq3A_171 : i1 to i32
        %cond3A_173 = arith.constant 0 : i32
        %cond3A_174 = arith.cmpi ne, %convert_element_type3A_172, %cond3A_173 : i32
        scf.if %cond3A_174 {
          %dma_start3A = arith.constant 2 : i32
          %dma_start3A_175 = arith.constant 0 : i32
          %dma_start3A_176 = arith.constant 2 : i32
          %dma_start3A_177 = arith.constant 0 : i32
          %dma_start3A_178 = arith.constant 0 : i32
          %dma_start3A_179 = tpu.memref_slice %arg9[%dma_start3A_176, %dma_start3A_177, %dma_start3A_178] : memref<3x128x128xf32, #tpu.memory_space<vmem>> -> memref<1x128x128xf32, #tpu.memory_space<vmem>>
          %dma_start3A_180 = tpu.memref_squeeze %dma_start3A_179 : memref<1x128x128xf32, #tpu.memory_space<vmem>> -> memref<128x128xf32, #tpu.memory_space<vmem>>
          %dma_start3A_181 = arith.constant 0 : i32
          %dma_start3A_182 = tpu.memref_slice %arg8[%dma_start3A, %dma_start3A_175, %dma_start3A_181] : memref<3x2x128xi32, #tpu.memory_space<vmem>> -> memref<1x1x128xi32, #tpu.memory_space<vmem>>
          %dma_start3A_183 = tpu.memref_squeeze %dma_start3A_182 : memref<1x1x128xi32, #tpu.memory_space<vmem>> -> memref<128xi32, #tpu.memory_space<vmem>>
          %dma_start3A_184 = arith.constant 0 : i32
          %dma_start3A_185 = arith.constant 0 : i32
          %dma_start3A_186 = tpu.memref_slice %arg3[%dma_start3A_184, %dma_start3A_185] : memref<10240x128xf32, #tpu.memory_space<hbm>> -> memref<10240x128xf32, #tpu.memory_space<hbm>>
          tpu.enqueue_indirect_dma source(%dma_start3A_186 : memref<10240x128xf32, #tpu.memory_space<hbm>>) target(%dma_start3A_180 : memref<128x128xf32, #tpu.memory_space<vmem>>) offsets(%dma_start3A_183 : memref<128xi32, #tpu.memory_space<vmem>>) semaphore(%arg16 : memref<!tpu.dma_semaphore, #tpu.memory_space<semaphore_mem>>)
        } else {
        }
      } else {
      }
      %mul3A_91 = arith.constant 3 : i32
      %mul3A_92 = arith.muli %scan3A_62, %mul3A_91 : i32
      %add3A_93 = arith.constant 1 : i32
      %add3A_94 = arith.addi %mul3A_92, %add3A_93 : i32
      %ge3A_95 = arith.constant 0 : i32
      %ge3A_96 = arith.cmpi sge, %add3A_94, %ge3A_95 : i32
      %mul3A_97 = arith.constant 16 : i32
      %mul3A_98 = arith.muli %add3A_94, %mul3A_97 : i32
      %add3A_99 = arith.addi %arg1, %mul3A_98 : i32
      %lt3A_100 = arith.constant 2500 : i32
      %lt3A_101 = arith.cmpi slt, %add3A_99, %lt3A_100 : i32
      %and3A_102 = arith.andi %ge3A_96, %lt3A_101 : i1
      %convert_element_type3A_103 = arith.extui %and3A_102 : i1 to i32
      %cond3A_104 = arith.constant 0 : i32
      %cond3A_105 = arith.cmpi ne, %convert_element_type3A_103, %cond3A_104 : i32
      scf.if %cond3A_105 {
        %dma_wait3A = arith.constant 1 : i32
        %dma_wait3A_148 = arith.constant 0 : i32
        %dma_wait3A_149 = arith.constant 1 : i32
        %dma_wait3A_150 = arith.constant 0 : i32
        %dma_wait3A_151 = arith.constant 0 : i32
        %dma_wait3A_152 = tpu.memref_slice %arg9[%dma_wait3A_149, %dma_wait3A_150, %dma_wait3A_151] : memref<3x128x128xf32, #tpu.memory_space<vmem>> -> memref<1x128x128xf32, #tpu.memory_space<vmem>>
        %dma_wait3A_153 = tpu.memref_squeeze %dma_wait3A_152 : memref<1x128x128xf32, #tpu.memory_space<vmem>> -> memref<128x128xf32, #tpu.memory_space<vmem>>
        %dma_wait3A_154 = arith.constant 0 : i32
        %dma_wait3A_155 = tpu.memref_slice %arg8[%dma_wait3A, %dma_wait3A_148, %dma_wait3A_154] : memref<3x2x128xi32, #tpu.memory_space<vmem>> -> memref<1x1x128xi32, #tpu.memory_space<vmem>>
        %dma_wait3A_156 = tpu.memref_squeeze %dma_wait3A_155 : memref<1x1x128xi32, #tpu.memory_space<vmem>> -> memref<128xi32, #tpu.memory_space<vmem>>
        %dma_wait3A_157 = arith.constant 0 : i32
        %dma_wait3A_158 = arith.constant 0 : i32
        %dma_wait3A_159 = tpu.memref_slice %arg2[%dma_wait3A_157, %dma_wait3A_158] : memref<10240x128xf32, #tpu.memory_space<hbm>> -> memref<10240x128xf32, #tpu.memory_space<hbm>>
        tpu.wait_indirect_dma semaphore(%arg15 : memref<!tpu.dma_semaphore, #tpu.memory_space<semaphore_mem>>) src(%dma_wait3A_159 : memref<10240x128xf32, #tpu.memory_space<hbm>>) dst(%dma_wait3A_153 : memref<128x128xf32, #tpu.memory_space<vmem>>)
        %run_scoped3A = arith.constant 1 : i32
        %run_scoped3A_160 = arith.constant 1 : i32
        %run_scoped3A_161 = arith.constant 1 : i32
        "tpu.region"() ({
          %run_scoped3A_175 = tpu.sem_alloc : memref<!tpu.dma_semaphore, #tpu.memory_space<semaphore_mem>>
          %dma_start3A = arith.constant 0 : i32
          %dma_start3A_176 = arith.constant 0 : i32
          %dma_start3A_177 = tpu.memref_slice %arg9[%run_scoped3A, %dma_start3A, %dma_start3A_176] : memref<3x128x128xf32, #tpu.memory_space<vmem>> -> memref<1x128x128xf32, #tpu.memory_space<vmem>>
          %dma_start3A_178 = tpu.memref_squeeze %dma_start3A_177 : memref<1x128x128xf32, #tpu.memory_space<vmem>> -> memref<128x128xf32, #tpu.memory_space<vmem>>
          %dma_start3A_179 = arith.constant 0 : i32
          %dma_start3A_180 = tpu.memref_slice %arg8[%run_scoped3A_160, %run_scoped3A_161, %dma_start3A_179] : memref<3x2x128xi32, #tpu.memory_space<vmem>> -> memref<1x1x128xi32, #tpu.memory_space<vmem>>
          %dma_start3A_181 = tpu.memref_squeeze %dma_start3A_180 : memref<1x1x128xi32, #tpu.memory_space<vmem>> -> memref<128xi32, #tpu.memory_space<vmem>>
          %dma_start3A_182 = arith.constant 0 : i32
          %dma_start3A_183 = arith.constant 0 : i32
          %dma_start3A_184 = tpu.memref_slice %arg10[%dma_start3A_182, %dma_start3A_183] : memref<10000x128xf32, #tpu.memory_space<vmem_shared>> -> memref<10000x128xf32, #tpu.memory_space<vmem_shared>>
          tpu.enqueue_indirect_dma source(%dma_start3A_178 : memref<128x128xf32, #tpu.memory_space<vmem>>) target(%dma_start3A_184 : memref<10000x128xf32, #tpu.memory_space<vmem_shared>>) offsets(%dma_start3A_181 : memref<128xi32, #tpu.memory_space<vmem>>) semaphore(%run_scoped3A_175 : memref<!tpu.dma_semaphore, #tpu.memory_space<semaphore_mem>>) {add = true}
          %dma_wait3A_185 = arith.constant 0 : i32
          %dma_wait3A_186 = arith.constant 0 : i32
          %dma_wait3A_187 = tpu.memref_slice %arg9[%run_scoped3A, %dma_wait3A_185, %dma_wait3A_186] : memref<3x128x128xf32, #tpu.memory_space<vmem>> -> memref<1x128x128xf32, #tpu.memory_space<vmem>>
          %dma_wait3A_188 = tpu.memref_squeeze %dma_wait3A_187 : memref<1x128x128xf32, #tpu.memory_space<vmem>> -> memref<128x128xf32, #tpu.memory_space<vmem>>
          %dma_wait3A_189 = arith.constant 0 : i32
          %dma_wait3A_190 = tpu.memref_slice %arg8[%run_scoped3A_160, %run_scoped3A_161, %dma_wait3A_189] : memref<3x2x128xi32, #tpu.memory_space<vmem>> -> memref<1x1x128xi32, #tpu.memory_space<vmem>>
          %dma_wait3A_191 = tpu.memref_squeeze %dma_wait3A_190 : memref<1x1x128xi32, #tpu.memory_space<vmem>> -> memref<128xi32, #tpu.memory_space<vmem>>
          %dma_wait3A_192 = arith.constant 0 : i32
          %dma_wait3A_193 = arith.constant 0 : i32
          %dma_wait3A_194 = tpu.memref_slice %arg10[%dma_wait3A_192, %dma_wait3A_193] : memref<10000x128xf32, #tpu.memory_space<vmem_shared>> -> memref<10000x128xf32, #tpu.memory_space<vmem_shared>>
          tpu.wait_indirect_dma semaphore(%run_scoped3A_175 : memref<!tpu.dma_semaphore, #tpu.memory_space<semaphore_mem>>) src(%dma_wait3A_188 : memref<128x128xf32, #tpu.memory_space<vmem>>) dst(%dma_wait3A_194 : memref<10000x128xf32, #tpu.memory_space<vmem_shared>>)
          tpu.yield
        }) : () -> ()
        %add3A_162 = arith.constant 3 : i32
        %add3A_163 = arith.addi %add3A_94, %add3A_162 : i32
        %ge3A_164 = arith.constant 0 : i32
        %ge3A_165 = arith.cmpi sge, %add3A_163, %ge3A_164 : i32
        %mul3A_166 = arith.constant 16 : i32
        %mul3A_167 = arith.muli %add3A_163, %mul3A_166 : i32
        %add3A_168 = arith.addi %arg1, %mul3A_167 : i32
        %lt3A_169 = arith.constant 2500 : i32
        %lt3A_170 = arith.cmpi slt, %add3A_168, %lt3A_169 : i32
        %and3A_171 = arith.andi %ge3A_165, %lt3A_170 : i1
        %convert_element_type3A_172 = arith.extui %and3A_171 : i1 to i32
        %cond3A_173 = arith.constant 0 : i32
        %cond3A_174 = arith.cmpi ne, %convert_element_type3A_172, %cond3A_173 : i32
        scf.if %cond3A_174 {
          %add3A_175 = arith.constant 3 : i32
          %add3A_176 = arith.addi %add3A_94, %add3A_175 : i32
          %mul3A_177 = arith.constant 16 : i32
          %mul3A_178 = arith.muli %add3A_176, %mul3A_177 : i32
          %add3A_179 = arith.addi %arg1, %mul3A_178 : i32
          %dma_start3A = arith.constant 1 : i32
          %dma_start3A_180 = arith.constant 0 : i32
          %dma_start3A_181 = arith.constant 0 : i32
          %dma_start3A_182 = tpu.memref_slice %arg8[%dma_start3A, %dma_start3A_180, %dma_start3A_181] : memref<3x2x128xi32, #tpu.memory_space<vmem>> -> memref<1x2x128xi32, #tpu.memory_space<vmem>>
          %dma_start3A_183 = tpu.memref_squeeze %dma_start3A_182 : memref<1x2x128xi32, #tpu.memory_space<vmem>> -> memref<2x128xi32, #tpu.memory_space<vmem>>
          %dma_start3A_184 = arith.constant 0 : i32
          %dma_start3A_185 = arith.constant 0 : i32
          %dma_start3A_186 = tpu.memref_slice %arg4[%dma_start3A_184, %add3A_179, %dma_start3A_185] : memref<2x2500x128xi32, #tpu.memory_space<hbm>> -> memref<2x1x128xi32, #tpu.memory_space<hbm>>
          %dma_start3A_187 = tpu.memref_squeeze %dma_start3A_186 : memref<2x1x128xi32, #tpu.memory_space<hbm>> -> memref<2x128xi32, #tpu.memory_space<hbm>>
          %dma_start3A_188 = arith.constant 0 : i32
          %dma_start3A_189 = arith.constant 0 : i32
          %dma_start3A_190 = tpu.memref_slice %arg8[%dma_start3A, %dma_start3A_188, %dma_start3A_189] : memref<3x2x128xi32, #tpu.memory_space<vmem>> -> memref<1x2x128xi32, #tpu.memory_space<vmem>>
          %dma_start3A_191 = tpu.memref_squeeze %dma_start3A_190 : memref<1x2x128xi32, #tpu.memory_space<vmem>> -> memref<2x128xi32, #tpu.memory_space<vmem>>
          %dma_start3A_192 = arith.constant 0 : i32
          %dma_start3A_193 = arith.constant 0 : i32
          %dma_start3A_194 = tpu.memref_slice %arg4[%dma_start3A_192, %add3A_179, %dma_start3A_193] : memref<2x2500x128xi32, #tpu.memory_space<hbm>> -> memref<2x1x128xi32, #tpu.memory_space<hbm>>
          %dma_start3A_195 = tpu.memref_squeeze %dma_start3A_194 : memref<2x1x128xi32, #tpu.memory_space<hbm>> -> memref<2x128xi32, #tpu.memory_space<hbm>>
          tpu.enqueue_dma source(%dma_start3A_195 : memref<2x128xi32, #tpu.memory_space<hbm>>) target(%dma_start3A_191 : memref<2x128xi32, #tpu.memory_space<vmem>>) target_semaphore(%arg12 : memref<!tpu.dma_semaphore, #tpu.memory_space<semaphore_mem>>)
        } else {
        }
      } else {
      }
      %add3A_106 = arith.constant 2 : i32
      %add3A_107 = arith.addi %add3A_94, %add3A_106 : i32
      %ge3A_108 = arith.constant 0 : i32
      %ge3A_109 = arith.cmpi sge, %add3A_107, %ge3A_108 : i32
      %mul3A_110 = arith.constant 16 : i32
      %mul3A_111 = arith.muli %add3A_107, %mul3A_110 : i32
      %add3A_112 = arith.addi %arg1, %mul3A_111 : i32
      %lt3A_113 = arith.constant 2500 : i32
      %lt3A_114 = arith.cmpi slt, %add3A_112, %lt3A_113 : i32
      %and3A_115 = arith.andi %ge3A_109, %lt3A_114 : i1
      %convert_element_type3A_116 = arith.extui %and3A_115 : i1 to i32
      %cond3A_117 = arith.constant 0 : i32
      %cond3A_118 = arith.cmpi ne, %convert_element_type3A_116, %cond3A_117 : i32
      scf.if %cond3A_118 {
        %dma_wait3A = arith.constant 0 : i32
        %dma_wait3A_148 = arith.constant 0 : i32
        %dma_wait3A_149 = arith.constant 0 : i32
        %dma_wait3A_150 = arith.constant 0 : i32
        %dma_wait3A_151 = tpu.memref_slice %arg8[%dma_wait3A_148, %dma_wait3A_149, %dma_wait3A_150] : memref<3x2x128xi32, #tpu.memory_space<vmem>> -> memref<1x2x128xi32, #tpu.memory_space<vmem>>
        %dma_wait3A_152 = tpu.memref_squeeze %dma_wait3A_151 : memref<1x2x128xi32, #tpu.memory_space<vmem>> -> memref<2x128xi32, #tpu.memory_space<vmem>>
        %dma_wait3A_153 = arith.constant 0 : i32
        %dma_wait3A_154 = arith.constant 0 : i32
        %dma_wait3A_155 = tpu.memref_slice %arg4[%dma_wait3A_153, %dma_wait3A, %dma_wait3A_154] : memref<2x2500x128xi32, #tpu.memory_space<hbm>> -> memref<2x1x128xi32, #tpu.memory_space<hbm>>
        %dma_wait3A_156 = tpu.memref_squeeze %dma_wait3A_155 : memref<2x1x128xi32, #tpu.memory_space<hbm>> -> memref<2x128xi32, #tpu.memory_space<hbm>>
        %dma_wait3A_157 = arith.constant 0 : i32
        %dma_wait3A_158 = arith.constant 0 : i32
        %dma_wait3A_159 = tpu.memref_slice %arg8[%dma_wait3A_148, %dma_wait3A_157, %dma_wait3A_158] : memref<3x2x128xi32, #tpu.memory_space<vmem>> -> memref<1x2x128xi32, #tpu.memory_space<vmem>>
        %dma_wait3A_160 = tpu.memref_squeeze %dma_wait3A_159 : memref<1x2x128xi32, #tpu.memory_space<vmem>> -> memref<2x128xi32, #tpu.memory_space<vmem>>
        %dma_wait3A_161 = arith.constant 0 : i32
        %dma_wait3A_162 = arith.constant 0 : i32
        %dma_wait3A_163 = tpu.memref_slice %arg4[%dma_wait3A_161, %dma_wait3A, %dma_wait3A_162] : memref<2x2500x128xi32, #tpu.memory_space<hbm>> -> memref<2x1x128xi32, #tpu.memory_space<hbm>>
        %dma_wait3A_164 = tpu.memref_squeeze %dma_wait3A_163 : memref<2x1x128xi32, #tpu.memory_space<hbm>> -> memref<2x128xi32, #tpu.memory_space<hbm>>
        tpu.wait_dma2 semaphore(%arg11 : memref<!tpu.dma_semaphore, #tpu.memory_space<semaphore_mem>>) src(%dma_wait3A_164 : memref<2x128xi32, #tpu.memory_space<hbm>>) dst(%dma_wait3A_160 : memref<2x128xi32, #tpu.memory_space<vmem>>)
        %eq3A_165 = arith.constant 0 : i32
        %eq3A_166 = arith.cmpi eq, %arg0, %eq3A_165 : i32
        %convert_element_type3A_167 = arith.extui %eq3A_166 : i1 to i32
        %cond3A_168 = arith.constant 0 : i32
        %cond3A_169 = arith.cmpi ne, %convert_element_type3A_167, %cond3A_168 : i32
        scf.if %cond3A_169 {
          %dma_start3A = arith.constant 0 : i32
          %dma_start3A_175 = arith.constant 0 : i32
          %dma_start3A_176 = arith.constant 0 : i32
          %dma_start3A_177 = arith.constant 0 : i32
          %dma_start3A_178 = arith.constant 0 : i32
          %dma_start3A_179 = tpu.memref_slice %arg9[%dma_start3A_176, %dma_start3A_177, %dma_start3A_178] : memref<3x128x128xf32, #tpu.memory_space<vmem>> -> memref<1x128x128xf32, #tpu.memory_space<vmem>>
          %dma_start3A_180 = tpu.memref_squeeze %dma_start3A_179 : memref<1x128x128xf32, #tpu.memory_space<vmem>> -> memref<128x128xf32, #tpu.memory_space<vmem>>
          %dma_start3A_181 = arith.constant 0 : i32
          %dma_start3A_182 = tpu.memref_slice %arg8[%dma_start3A, %dma_start3A_175, %dma_start3A_181] : memref<3x2x128xi32, #tpu.memory_space<vmem>> -> memref<1x1x128xi32, #tpu.memory_space<vmem>>
          %dma_start3A_183 = tpu.memref_squeeze %dma_start3A_182 : memref<1x1x128xi32, #tpu.memory_space<vmem>> -> memref<128xi32, #tpu.memory_space<vmem>>
          %dma_start3A_184 = arith.constant 0 : i32
          %dma_start3A_185 = arith.constant 0 : i32
          %dma_start3A_186 = tpu.memref_slice %arg2[%dma_start3A_184, %dma_start3A_185] : memref<10240x128xf32, #tpu.memory_space<hbm>> -> memref<10240x128xf32, #tpu.memory_space<hbm>>
          tpu.enqueue_indirect_dma source(%dma_start3A_186 : memref<10240x128xf32, #tpu.memory_space<hbm>>) target(%dma_start3A_180 : memref<128x128xf32, #tpu.memory_space<vmem>>) offsets(%dma_start3A_183 : memref<128xi32, #tpu.memory_space<vmem>>) semaphore(%arg14 : memref<!tpu.dma_semaphore, #tpu.memory_space<semaphore_mem>>)
        } else {
        }
        %eq3A_170 = arith.constant 1 : i32
        %eq3A_171 = arith.cmpi eq, %arg0, %eq3A_170 : i32
        %convert_element_type3A_172 = arith.extui %eq3A_171 : i1 to i32
        %cond3A_173 = arith.constant 0 : i32
        %cond3A_174 = arith.cmpi ne, %convert_element_type3A_172, %cond3A_173 : i32
        scf.if %cond3A_174 {
          %dma_start3A = arith.constant 0 : i32
          %dma_start3A_175 = arith.constant 0 : i32
          %dma_start3A_176 = arith.constant 0 : i32
          %dma_start3A_177 = arith.constant 0 : i32
          %dma_start3A_178 = arith.constant 0 : i32
          %dma_start3A_179 = tpu.memref_slice %arg9[%dma_start3A_176, %dma_start3A_177, %dma_start3A_178] : memref<3x128x128xf32, #tpu.memory_space<vmem>> -> memref<1x128x128xf32, #tpu.memory_space<vmem>>
          %dma_start3A_180 = tpu.memref_squeeze %dma_start3A_179 : memref<1x128x128xf32, #tpu.memory_space<vmem>> -> memref<128x128xf32, #tpu.memory_space<vmem>>
          %dma_start3A_181 = arith.constant 0 : i32
          %dma_start3A_182 = tpu.memref_slice %arg8[%dma_start3A, %dma_start3A_175, %dma_start3A_181] : memref<3x2x128xi32, #tpu.memory_space<vmem>> -> memref<1x1x128xi32, #tpu.memory_space<vmem>>
          %dma_start3A_183 = tpu.memref_squeeze %dma_start3A_182 : memref<1x1x128xi32, #tpu.memory_space<vmem>> -> memref<128xi32, #tpu.memory_space<vmem>>
          %dma_start3A_184 = arith.constant 0 : i32
          %dma_start3A_185 = arith.constant 0 : i32
          %dma_start3A_186 = tpu.memref_slice %arg3[%dma_start3A_184, %dma_start3A_185] : memref<10240x128xf32, #tpu.memory_space<hbm>> -> memref<10240x128xf32, #tpu.memory_space<hbm>>
          tpu.enqueue_indirect_dma source(%dma_start3A_186 : memref<10240x128xf32, #tpu.memory_space<hbm>>) target(%dma_start3A_180 : memref<128x128xf32, #tpu.memory_space<vmem>>) offsets(%dma_start3A_183 : memref<128xi32, #tpu.memory_space<vmem>>) semaphore(%arg14 : memref<!tpu.dma_semaphore, #tpu.memory_space<semaphore_mem>>)
        } else {
        }
      } else {
      }
      %mul3A_119 = arith.constant 3 : i32
      %mul3A_120 = arith.muli %scan3A_62, %mul3A_119 : i32
      %add3A_121 = arith.constant 2 : i32
      %add3A_122 = arith.addi %mul3A_120, %add3A_121 : i32
      %ge3A_123 = arith.constant 0 : i32
      %ge3A_124 = arith.cmpi sge, %add3A_122, %ge3A_123 : i32
      %mul3A_125 = arith.constant 16 : i32
      %mul3A_126 = arith.muli %add3A_122, %mul3A_125 : i32
      %add3A_127 = arith.addi %arg1, %mul3A_126 : i32
      %lt3A_128 = arith.constant 2500 : i32
      %lt3A_129 = arith.cmpi slt, %add3A_127, %lt3A_128 : i32
      %and3A_130 = arith.andi %ge3A_124, %lt3A_129 : i1
      %convert_element_type3A_131 = arith.extui %and3A_130 : i1 to i32
      %cond3A_132 = arith.constant 0 : i32
      %cond3A_133 = arith.cmpi ne, %convert_element_type3A_131, %cond3A_132 : i32
      scf.if %cond3A_133 {
        %dma_wait3A = arith.constant 2 : i32
        %dma_wait3A_148 = arith.constant 0 : i32
        %dma_wait3A_149 = arith.constant 2 : i32
        %dma_wait3A_150 = arith.constant 0 : i32
        %dma_wait3A_151 = arith.constant 0 : i32
        %dma_wait3A_152 = tpu.memref_slice %arg9[%dma_wait3A_149, %dma_wait3A_150, %dma_wait3A_151] : memref<3x128x128xf32, #tpu.memory_space<vmem>> -> memref<1x128x128xf32, #tpu.memory_space<vmem>>
        %dma_wait3A_153 = tpu.memref_squeeze %dma_wait3A_152 : memref<1x128x128xf32, #tpu.memory_space<vmem>> -> memref<128x128xf32, #tpu.memory_space<vmem>>
        %dma_wait3A_154 = arith.constant 0 : i32
        %dma_wait3A_155 = tpu.memref_slice %arg8[%dma_wait3A, %dma_wait3A_148, %dma_wait3A_154] : memref<3x2x128xi32, #tpu.memory_space<vmem>> -> memref<1x1x128xi32, #tpu.memory_space<vmem>>
        %dma_wait3A_156 = tpu.memref_squeeze %dma_wait3A_155 : memref<1x1x128xi32, #tpu.memory_space<vmem>> -> memref<128xi32, #tpu.memory_space<vmem>>
        %dma_wait3A_157 = arith.constant 0 : i32
        %dma_wait3A_158 = arith.constant 0 : i32
        %dma_wait3A_159 = tpu.memref_slice %arg2[%dma_wait3A_157, %dma_wait3A_158] : memref<10240x128xf32, #tpu.memory_space<hbm>> -> memref<10240x128xf32, #tpu.memory_space<hbm>>
        tpu.wait_indirect_dma semaphore(%arg16 : memref<!tpu.dma_semaphore, #tpu.memory_space<semaphore_mem>>) src(%dma_wait3A_159 : memref<10240x128xf32, #tpu.memory_space<hbm>>) dst(%dma_wait3A_153 : memref<128x128xf32, #tpu.memory_space<vmem>>)
        %run_scoped3A = arith.constant 2 : i32
        %run_scoped3A_160 = arith.constant 2 : i32
        %run_scoped3A_161 = arith.constant 1 : i32
        "tpu.region"() ({
          %run_scoped3A_175 = tpu.sem_alloc : memref<!tpu.dma_semaphore, #tpu.memory_space<semaphore_mem>>
          %dma_start3A = arith.constant 0 : i32
          %dma_start3A_176 = arith.constant 0 : i32
          %dma_start3A_177 = tpu.memref_slice %arg9[%run_scoped3A, %dma_start3A, %dma_start3A_176] : memref<3x128x128xf32, #tpu.memory_space<vmem>> -> memref<1x128x128xf32, #tpu.memory_space<vmem>>
          %dma_start3A_178 = tpu.memref_squeeze %dma_start3A_177 : memref<1x128x128xf32, #tpu.memory_space<vmem>> -> memref<128x128xf32, #tpu.memory_space<vmem>>
          %dma_start3A_179 = arith.constant 0 : i32
          %dma_start3A_180 = tpu.memref_slice %arg8[%run_scoped3A_160, %run_scoped3A_161, %dma_start3A_179] : memref<3x2x128xi32, #tpu.memory_space<vmem>> -> memref<1x1x128xi32, #tpu.memory_space<vmem>>
          %dma_start3A_181 = tpu.memref_squeeze %dma_start3A_180 : memref<1x1x128xi32, #tpu.memory_space<vmem>> -> memref<128xi32, #tpu.memory_space<vmem>>
          %dma_start3A_182 = arith.constant 0 : i32
          %dma_start3A_183 = arith.constant 0 : i32
          %dma_start3A_184 = tpu.memref_slice %arg10[%dma_start3A_182, %dma_start3A_183] : memref<10000x128xf32, #tpu.memory_space<vmem_shared>> -> memref<10000x128xf32, #tpu.memory_space<vmem_shared>>
          tpu.enqueue_indirect_dma source(%dma_start3A_178 : memref<128x128xf32, #tpu.memory_space<vmem>>) target(%dma_start3A_184 : memref<10000x128xf32, #tpu.memory_space<vmem_shared>>) offsets(%dma_start3A_181 : memref<128xi32, #tpu.memory_space<vmem>>) semaphore(%run_scoped3A_175 : memref<!tpu.dma_semaphore, #tpu.memory_space<semaphore_mem>>) {add = true}
          %dma_wait3A_185 = arith.constant 0 : i32
          %dma_wait3A_186 = arith.constant 0 : i32
          %dma_wait3A_187 = tpu.memref_slice %arg9[%run_scoped3A, %dma_wait3A_185, %dma_wait3A_186] : memref<3x128x128xf32, #tpu.memory_space<vmem>> -> memref<1x128x128xf32, #tpu.memory_space<vmem>>
          %dma_wait3A_188 = tpu.memref_squeeze %dma_wait3A_187 : memref<1x128x128xf32, #tpu.memory_space<vmem>> -> memref<128x128xf32, #tpu.memory_space<vmem>>
          %dma_wait3A_189 = arith.constant 0 : i32
          %dma_wait3A_190 = tpu.memref_slice %arg8[%run_scoped3A_160, %run_scoped3A_161, %dma_wait3A_189] : memref<3x2x128xi32, #tpu.memory_space<vmem>> -> memref<1x1x128xi32, #tpu.memory_space<vmem>>
          %dma_wait3A_191 = tpu.memref_squeeze %dma_wait3A_190 : memref<1x1x128xi32, #tpu.memory_space<vmem>> -> memref<128xi32, #tpu.memory_space<vmem>>
          %dma_wait3A_192 = arith.constant 0 : i32
          %dma_wait3A_193 = arith.constant 0 : i32
          %dma_wait3A_194 = tpu.memref_slice %arg10[%dma_wait3A_192, %dma_wait3A_193] : memref<10000x128xf32, #tpu.memory_space<vmem_shared>> -> memref<10000x128xf32, #tpu.memory_space<vmem_shared>>
          tpu.wait_indirect_dma semaphore(%run_scoped3A_175 : memref<!tpu.dma_semaphore, #tpu.memory_space<semaphore_mem>>) src(%dma_wait3A_188 : memref<128x128xf32, #tpu.memory_space<vmem>>) dst(%dma_wait3A_194 : memref<10000x128xf32, #tpu.memory_space<vmem_shared>>)
          tpu.yield
        }) : () -> ()
        %add3A_162 = arith.constant 3 : i32
        %add3A_163 = arith.addi %add3A_122, %add3A_162 : i32
        %ge3A_164 = arith.constant 0 : i32
        %ge3A_165 = arith.cmpi sge, %add3A_163, %ge3A_164 : i32
        %mul3A_166 = arith.constant 16 : i32
        %mul3A_167 = arith.muli %add3A_163, %mul3A_166 : i32
        %add3A_168 = arith.addi %arg1, %mul3A_167 : i32
        %lt3A_169 = arith.constant 2500 : i32
        %lt3A_170 = arith.cmpi slt, %add3A_168, %lt3A_169 : i32
        %and3A_171 = arith.andi %ge3A_165, %lt3A_170 : i1
        %convert_element_type3A_172 = arith.extui %and3A_171 : i1 to i32
        %cond3A_173 = arith.constant 0 : i32
        %cond3A_174 = arith.cmpi ne, %convert_element_type3A_172, %cond3A_173 : i32
        scf.if %cond3A_174 {
          %add3A_175 = arith.constant 3 : i32
          %add3A_176 = arith.addi %add3A_122, %add3A_175 : i32
          %mul3A_177 = arith.constant 16 : i32
          %mul3A_178 = arith.muli %add3A_176, %mul3A_177 : i32
          %add3A_179 = arith.addi %arg1, %mul3A_178 : i32
          %dma_start3A = arith.constant 2 : i32
          %dma_start3A_180 = arith.constant 0 : i32
          %dma_start3A_181 = arith.constant 0 : i32
          %dma_start3A_182 = tpu.memref_slice %arg8[%dma_start3A, %dma_start3A_180, %dma_start3A_181] : memref<3x2x128xi32, #tpu.memory_space<vmem>> -> memref<1x2x128xi32, #tpu.memory_space<vmem>>
          %dma_start3A_183 = tpu.memref_squeeze %dma_start3A_182 : memref<1x2x128xi32, #tpu.memory_space<vmem>> -> memref<2x128xi32, #tpu.memory_space<vmem>>
          %dma_start3A_184 = arith.constant 0 : i32
          %dma_start3A_185 = arith.constant 0 : i32
          %dma_start3A_186 = tpu.memref_slice %arg4[%dma_start3A_184, %add3A_179, %dma_start3A_185] : memref<2x2500x128xi32, #tpu.memory_space<hbm>> -> memref<2x1x128xi32, #tpu.memory_space<hbm>>
          %dma_start3A_187 = tpu.memref_squeeze %dma_start3A_186 : memref<2x1x128xi32, #tpu.memory_space<hbm>> -> memref<2x128xi32, #tpu.memory_space<hbm>>
          %dma_start3A_188 = arith.constant 0 : i32
          %dma_start3A_189 = arith.constant 0 : i32
          %dma_start3A_190 = tpu.memref_slice %arg8[%dma_start3A, %dma_start3A_188, %dma_start3A_189] : memref<3x2x128xi32, #tpu.memory_space<vmem>> -> memref<1x2x128xi32, #tpu.memory_space<vmem>>
          %dma_start3A_191 = tpu.memref_squeeze %dma_start3A_190 : memref<1x2x128xi32, #tpu.memory_space<vmem>> -> memref<2x128xi32, #tpu.memory_space<vmem>>
          %dma_start3A_192 = arith.constant 0 : i32
          %dma_start3A_193 = arith.constant 0 : i32
          %dma_start3A_194 = tpu.memref_slice %arg4[%dma_start3A_192, %add3A_179, %dma_start3A_193] : memref<2x2500x128xi32, #tpu.memory_space<hbm>> -> memref<2x1x128xi32, #tpu.memory_space<hbm>>
          %dma_start3A_195 = tpu.memref_squeeze %dma_start3A_194 : memref<2x1x128xi32, #tpu.memory_space<hbm>> -> memref<2x128xi32, #tpu.memory_space<hbm>>
          tpu.enqueue_dma source(%dma_start3A_195 : memref<2x128xi32, #tpu.memory_space<hbm>>) target(%dma_start3A_191 : memref<2x128xi32, #tpu.memory_space<vmem>>) target_semaphore(%arg13 : memref<!tpu.dma_semaphore, #tpu.memory_space<semaphore_mem>>)
        } else {
        }
      } else {
      }
      %add3A_134 = arith.constant 2 : i32
      %add3A_135 = arith.addi %add3A_122, %add3A_134 : i32
      %ge3A_136 = arith.constant 0 : i32
      %ge3A_137 = arith.cmpi sge, %add3A_135, %ge3A_136 : i32
      %mul3A_138 = arith.constant 16 : i32
      %mul3A_139 = arith.muli %add3A_135, %mul3A_138 : i32
      %add3A_140 = arith.addi %arg1, %mul3A_139 : i32
      %lt3A_141 = arith.constant 2500 : i32
      %lt3A_142 = arith.cmpi slt, %add3A_140, %lt3A_141 : i32
      %and3A_143 = arith.andi %ge3A_137, %lt3A_142 : i1
      %convert_element_type3A_144 = arith.extui %and3A_143 : i1 to i32
      %cond3A_145 = arith.constant 0 : i32
      %cond3A_146 = arith.cmpi ne, %convert_element_type3A_144, %cond3A_145 : i32
      scf.if %cond3A_146 {
        %dma_wait3A = arith.constant 0 : i32
        %dma_wait3A_148 = arith.constant 1 : i32
        %dma_wait3A_149 = arith.constant 0 : i32
        %dma_wait3A_150 = arith.constant 0 : i32
        %dma_wait3A_151 = tpu.memref_slice %arg8[%dma_wait3A_148, %dma_wait3A_149, %dma_wait3A_150] : memref<3x2x128xi32, #tpu.memory_space<vmem>> -> memref<1x2x128xi32, #tpu.memory_space<vmem>>
        %dma_wait3A_152 = tpu.memref_squeeze %dma_wait3A_151 : memref<1x2x128xi32, #tpu.memory_space<vmem>> -> memref<2x128xi32, #tpu.memory_space<vmem>>
        %dma_wait3A_153 = arith.constant 0 : i32
        %dma_wait3A_154 = arith.constant 0 : i32
        %dma_wait3A_155 = tpu.memref_slice %arg4[%dma_wait3A_153, %dma_wait3A, %dma_wait3A_154] : memref<2x2500x128xi32, #tpu.memory_space<hbm>> -> memref<2x1x128xi32, #tpu.memory_space<hbm>>
        %dma_wait3A_156 = tpu.memref_squeeze %dma_wait3A_155 : memref<2x1x128xi32, #tpu.memory_space<hbm>> -> memref<2x128xi32, #tpu.memory_space<hbm>>
        %dma_wait3A_157 = arith.constant 0 : i32
        %dma_wait3A_158 = arith.constant 0 : i32
        %dma_wait3A_159 = tpu.memref_slice %arg8[%dma_wait3A_148, %dma_wait3A_157, %dma_wait3A_158] : memref<3x2x128xi32, #tpu.memory_space<vmem>> -> memref<1x2x128xi32, #tpu.memory_space<vmem>>
        %dma_wait3A_160 = tpu.memref_squeeze %dma_wait3A_159 : memref<1x2x128xi32, #tpu.memory_space<vmem>> -> memref<2x128xi32, #tpu.memory_space<vmem>>
        %dma_wait3A_161 = arith.constant 0 : i32
        %dma_wait3A_162 = arith.constant 0 : i32
        %dma_wait3A_163 = tpu.memref_slice %arg4[%dma_wait3A_161, %dma_wait3A, %dma_wait3A_162] : memref<2x2500x128xi32, #tpu.memory_space<hbm>> -> memref<2x1x128xi32, #tpu.memory_space<hbm>>
        %dma_wait3A_164 = tpu.memref_squeeze %dma_wait3A_163 : memref<2x1x128xi32, #tpu.memory_space<hbm>> -> memref<2x128xi32, #tpu.memory_space<hbm>>
        tpu.wait_dma2 semaphore(%arg12 : memref<!tpu.dma_semaphore, #tpu.memory_space<semaphore_mem>>) src(%dma_wait3A_164 : memref<2x128xi32, #tpu.memory_space<hbm>>) dst(%dma_wait3A_160 : memref<2x128xi32, #tpu.memory_space<vmem>>)
        %eq3A_165 = arith.constant 0 : i32
        %eq3A_166 = arith.cmpi eq, %arg0, %eq3A_165 : i32
        %convert_element_type3A_167 = arith.extui %eq3A_166 : i1 to i32
        %cond3A_168 = arith.constant 0 : i32
        %cond3A_169 = arith.cmpi ne, %convert_element_type3A_167, %cond3A_168 : i32
        scf.if %cond3A_169 {
          %dma_start3A = arith.constant 1 : i32
          %dma_start3A_175 = arith.constant 0 : i32
          %dma_start3A_176 = arith.constant 1 : i32
          %dma_start3A_177 = arith.constant 0 : i32
          %dma_start3A_178 = arith.constant 0 : i32
          %dma_start3A_179 = tpu.memref_slice %arg9[%dma_start3A_176, %dma_start3A_177, %dma_start3A_178] : memref<3x128x128xf32, #tpu.memory_space<vmem>> -> memref<1x128x128xf32, #tpu.memory_space<vmem>>
          %dma_start3A_180 = tpu.memref_squeeze %dma_start3A_179 : memref<1x128x128xf32, #tpu.memory_space<vmem>> -> memref<128x128xf32, #tpu.memory_space<vmem>>
          %dma_start3A_181 = arith.constant 0 : i32
          %dma_start3A_182 = tpu.memref_slice %arg8[%dma_start3A, %dma_start3A_175, %dma_start3A_181] : memref<3x2x128xi32, #tpu.memory_space<vmem>> -> memref<1x1x128xi32, #tpu.memory_space<vmem>>
          %dma_start3A_183 = tpu.memref_squeeze %dma_start3A_182 : memref<1x1x128xi32, #tpu.memory_space<vmem>> -> memref<128xi32, #tpu.memory_space<vmem>>
          %dma_start3A_184 = arith.constant 0 : i32
          %dma_start3A_185 = arith.constant 0 : i32
          %dma_start3A_186 = tpu.memref_slice %arg2[%dma_start3A_184, %dma_start3A_185] : memref<10240x128xf32, #tpu.memory_space<hbm>> -> memref<10240x128xf32, #tpu.memory_space<hbm>>
          tpu.enqueue_indirect_dma source(%dma_start3A_186 : memref<10240x128xf32, #tpu.memory_space<hbm>>) target(%dma_start3A_180 : memref<128x128xf32, #tpu.memory_space<vmem>>) offsets(%dma_start3A_183 : memref<128xi32, #tpu.memory_space<vmem>>) semaphore(%arg15 : memref<!tpu.dma_semaphore, #tpu.memory_space<semaphore_mem>>)
        } else {
        }
        %eq3A_170 = arith.constant 1 : i32
        %eq3A_171 = arith.cmpi eq, %arg0, %eq3A_170 : i32
        %convert_element_type3A_172 = arith.extui %eq3A_171 : i1 to i32
        %cond3A_173 = arith.constant 0 : i32
        %cond3A_174 = arith.cmpi ne, %convert_element_type3A_172, %cond3A_173 : i32
        scf.if %cond3A_174 {
          %dma_start3A = arith.constant 1 : i32
          %dma_start3A_175 = arith.constant 0 : i32
          %dma_start3A_176 = arith.constant 1 : i32
          %dma_start3A_177 = arith.constant 0 : i32
          %dma_start3A_178 = arith.constant 0 : i32
          %dma_start3A_179 = tpu.memref_slice %arg9[%dma_start3A_176, %dma_start3A_177, %dma_start3A_178] : memref<3x128x128xf32, #tpu.memory_space<vmem>> -> memref<1x128x128xf32, #tpu.memory_space<vmem>>
          %dma_start3A_180 = tpu.memref_squeeze %dma_start3A_179 : memref<1x128x128xf32, #tpu.memory_space<vmem>> -> memref<128x128xf32, #tpu.memory_space<vmem>>
          %dma_start3A_181 = arith.constant 0 : i32
          %dma_start3A_182 = tpu.memref_slice %arg8[%dma_start3A, %dma_start3A_175, %dma_start3A_181] : memref<3x2x128xi32, #tpu.memory_space<vmem>> -> memref<1x1x128xi32, #tpu.memory_space<vmem>>
          %dma_start3A_183 = tpu.memref_squeeze %dma_start3A_182 : memref<1x1x128xi32, #tpu.memory_space<vmem>> -> memref<128xi32, #tpu.memory_space<vmem>>
          %dma_start3A_184 = arith.constant 0 : i32
          %dma_start3A_185 = arith.constant 0 : i32
          %dma_start3A_186 = tpu.memref_slice %arg3[%dma_start3A_184, %dma_start3A_185] : memref<10240x128xf32, #tpu.memory_space<hbm>> -> memref<10240x128xf32, #tpu.memory_space<hbm>>
          tpu.enqueue_indirect_dma source(%dma_start3A_186 : memref<10240x128xf32, #tpu.memory_space<hbm>>) target(%dma_start3A_180 : memref<128x128xf32, #tpu.memory_space<vmem>>) offsets(%dma_start3A_183 : memref<128xi32, #tpu.memory_space<vmem>>) semaphore(%arg15 : memref<!tpu.dma_semaphore, #tpu.memory_space<semaphore_mem>>)
        } else {
        }
      } else {
      }
      %scan3A_147 = arith.constant 0 : i32
      scf.yield %scan3A_147 : i32
    }
    %scan3A_50 = arith.constant 53 : i32
    %barrier3A_51 = arith.constant 0 : index
    tpu.barrier barrier_id(%barrier3A_51)
    %eq3A_52 = arith.constant 0 : i32
    %eq3A_53 = arith.cmpi eq, %arg0, %eq3A_52 : i32
    %convert_element_type3A_54 = arith.extui %eq3A_53 : i1 to i32
    %cond3A_55 = arith.constant 0 : i32
    %cond3A_56 = arith.cmpi ne, %convert_element_type3A_54, %cond3A_55 : i32
    scf.if %cond3A_56 {
      %mul3A_62 = arith.constant 624 : i32
      %mul3A_63 = arith.muli %arg1, %mul3A_62 : i32
      %mul3A_64 = arith.constant 624 : i32
      %mul3A_65 = arith.muli %arg1, %mul3A_64 : i32
      "tpu.region"() ({
        %run_scoped3A = tpu.sem_alloc : memref<!tpu.dma_semaphore, #tpu.memory_space<semaphore_mem>>
        %dma_start3A = arith.constant 0 : i32
        %dma_start3A_71 = tpu.memref_slice %arg6[%mul3A_65, %dma_start3A] : memref<10240x128xf32, #tpu.memory_space<hbm>> -> memref<632x128xf32, #tpu.memory_space<hbm>>
        %dma_start3A_72 = arith.constant 0 : i32
        %dma_start3A_73 = tpu.memref_slice %arg10[%mul3A_63, %dma_start3A_72] : memref<10000x128xf32, #tpu.memory_space<vmem_shared>> -> memref<632x128xf32, #tpu.memory_space<vmem_shared>>
        tpu.enqueue_dma source(%dma_start3A_73 : memref<632x128xf32, #tpu.memory_space<vmem_shared>>) target(%dma_start3A_71 : memref<632x128xf32, #tpu.memory_space<hbm>>) target_semaphore(%run_scoped3A : memref<!tpu.dma_semaphore, #tpu.memory_space<semaphore_mem>>)
        %dma_wait3A = arith.constant 0 : i32
        %dma_wait3A_74 = tpu.memref_slice %arg6[%mul3A_65, %dma_wait3A] : memref<10240x128xf32, #tpu.memory_space<hbm>> -> memref<632x128xf32, #tpu.memory_space<hbm>>
        %dma_wait3A_75 = arith.constant 0 : i32
        %dma_wait3A_76 = tpu.memref_slice %arg10[%mul3A_63, %dma_wait3A_75] : memref<10000x128xf32, #tpu.memory_space<vmem_shared>> -> memref<632x128xf32, #tpu.memory_space<vmem_shared>>
        tpu.wait_dma2 semaphore(%run_scoped3A : memref<!tpu.dma_semaphore, #tpu.memory_space<semaphore_mem>>) src(%dma_wait3A_76 : memref<632x128xf32, #tpu.memory_space<vmem_shared>>) dst(%dma_wait3A_74 : memref<632x128xf32, #tpu.memory_space<hbm>>)
        tpu.yield
      }) : () -> ()
      %eq3A_66 = arith.constant 15 : i32
      %eq3A_67 = arith.cmpi eq, %arg1, %eq3A_66 : i32
      %convert_element_type3A_68 = arith.extui %eq3A_67 : i1 to i32
      %cond3A_69 = arith.constant 0 : i32
      %cond3A_70 = arith.cmpi ne, %convert_element_type3A_68, %cond3A_69 : i32
      scf.if %cond3A_70 {
        "tpu.region"() ({
          %run_scoped3A = tpu.sem_alloc : memref<!tpu.dma_semaphore, #tpu.memory_space<semaphore_mem>>
          %dma_start3A = arith.constant 9992 : i32
          %dma_start3A_71 = arith.constant 0 : i32
          %dma_start3A_72 = tpu.memref_slice %arg6[%dma_start3A, %dma_start3A_71] : memref<10240x128xf32, #tpu.memory_space<hbm>> -> memref<8x128xf32, #tpu.memory_space<hbm>>
          %dma_start3A_73 = arith.constant 9992 : i32
          %dma_start3A_74 = arith.constant 0 : i32
          %dma_start3A_75 = tpu.memref_slice %arg10[%dma_start3A_73, %dma_start3A_74] : memref<10000x128xf32, #tpu.memory_space<vmem_shared>> -> memref<8x128xf32, #tpu.memory_space<vmem_shared>>
          tpu.enqueue_dma source(%dma_start3A_75 : memref<8x128xf32, #tpu.memory_space<vmem_shared>>) target(%dma_start3A_72 : memref<8x128xf32, #tpu.memory_space<hbm>>) target_semaphore(%run_scoped3A : memref<!tpu.dma_semaphore, #tpu.memory_space<semaphore_mem>>)
          %dma_wait3A = arith.constant 9992 : i32
          %dma_wait3A_76 = arith.constant 0 : i32
          %dma_wait3A_77 = tpu.memref_slice %arg6[%dma_wait3A, %dma_wait3A_76] : memref<10240x128xf32, #tpu.memory_space<hbm>> -> memref<8x128xf32, #tpu.memory_space<hbm>>
          %dma_wait3A_78 = arith.constant 9992 : i32
          %dma_wait3A_79 = arith.constant 0 : i32
          %dma_wait3A_80 = tpu.memref_slice %arg10[%dma_wait3A_78, %dma_wait3A_79] : memref<10000x128xf32, #tpu.memory_space<vmem_shared>> -> memref<8x128xf32, #tpu.memory_space<vmem_shared>>
          tpu.wait_dma2 semaphore(%run_scoped3A : memref<!tpu.dma_semaphore, #tpu.memory_space<semaphore_mem>>) src(%dma_wait3A_80 : memref<8x128xf32, #tpu.memory_space<vmem_shared>>) dst(%dma_wait3A_77 : memref<8x128xf32, #tpu.memory_space<hbm>>)
          tpu.yield
        }) : () -> ()
      } else {
      }
    } else {
    }
    %eq3A_57 = arith.constant 1 : i32
    %eq3A_58 = arith.cmpi eq, %arg0, %eq3A_57 : i32
    %convert_element_type3A_59 = arith.extui %eq3A_58 : i1 to i32
    %cond3A_60 = arith.constant 0 : i32
    %cond3A_61 = arith.cmpi ne, %convert_element_type3A_59, %cond3A_60 : i32
    scf.if %cond3A_61 {
      %mul3A_62 = arith.constant 624 : i32
      %mul3A_63 = arith.muli %arg1, %mul3A_62 : i32
      %mul3A_64 = arith.constant 624 : i32
      %mul3A_65 = arith.muli %arg1, %mul3A_64 : i32
      "tpu.region"() ({
        %run_scoped3A = tpu.sem_alloc : memref<!tpu.dma_semaphore, #tpu.memory_space<semaphore_mem>>
        %dma_start3A = arith.constant 0 : i32
        %dma_start3A_71 = tpu.memref_slice %arg7[%mul3A_65, %dma_start3A] : memref<10240x128xf32, #tpu.memory_space<hbm>> -> memref<632x128xf32, #tpu.memory_space<hbm>>
        %dma_start3A_72 = arith.constant 0 : i32
        %dma_start3A_73 = tpu.memref_slice %arg10[%mul3A_63, %dma_start3A_72] : memref<10000x128xf32, #tpu.memory_space<vmem_shared>> -> memref<632x128xf32, #tpu.memory_space<vmem_shared>>
        tpu.enqueue_dma source(%dma_start3A_73 : memref<632x128xf32, #tpu.memory_space<vmem_shared>>) target(%dma_start3A_71 : memref<632x128xf32, #tpu.memory_space<hbm>>) target_semaphore(%run_scoped3A : memref<!tpu.dma_semaphore, #tpu.memory_space<semaphore_mem>>)
        %dma_wait3A = arith.constant 0 : i32
        %dma_wait3A_74 = tpu.memref_slice %arg7[%mul3A_65, %dma_wait3A] : memref<10240x128xf32, #tpu.memory_space<hbm>> -> memref<632x128xf32, #tpu.memory_space<hbm>>
        %dma_wait3A_75 = arith.constant 0 : i32
        %dma_wait3A_76 = tpu.memref_slice %arg10[%mul3A_63, %dma_wait3A_75] : memref<10000x128xf32, #tpu.memory_space<vmem_shared>> -> memref<632x128xf32, #tpu.memory_space<vmem_shared>>
        tpu.wait_dma2 semaphore(%run_scoped3A : memref<!tpu.dma_semaphore, #tpu.memory_space<semaphore_mem>>) src(%dma_wait3A_76 : memref<632x128xf32, #tpu.memory_space<vmem_shared>>) dst(%dma_wait3A_74 : memref<632x128xf32, #tpu.memory_space<hbm>>)
        tpu.yield
      }) : () -> ()
      %eq3A_66 = arith.constant 15 : i32
      %eq3A_67 = arith.cmpi eq, %arg1, %eq3A_66 : i32
      %convert_element_type3A_68 = arith.extui %eq3A_67 : i1 to i32
      %cond3A_69 = arith.constant 0 : i32
      %cond3A_70 = arith.cmpi ne, %convert_element_type3A_68, %cond3A_69 : i32
      scf.if %cond3A_70 {
        "tpu.region"() ({
          %run_scoped3A = tpu.sem_alloc : memref<!tpu.dma_semaphore, #tpu.memory_space<semaphore_mem>>
          %dma_start3A = arith.constant 9992 : i32
          %dma_start3A_71 = arith.constant 0 : i32
          %dma_start3A_72 = tpu.memref_slice %arg7[%dma_start3A, %dma_start3A_71] : memref<10240x128xf32, #tpu.memory_space<hbm>> -> memref<8x128xf32, #tpu.memory_space<hbm>>
          %dma_start3A_73 = arith.constant 9992 : i32
          %dma_start3A_74 = arith.constant 0 : i32
          %dma_start3A_75 = tpu.memref_slice %arg10[%dma_start3A_73, %dma_start3A_74] : memref<10000x128xf32, #tpu.memory_space<vmem_shared>> -> memref<8x128xf32, #tpu.memory_space<vmem_shared>>
          tpu.enqueue_dma source(%dma_start3A_75 : memref<8x128xf32, #tpu.memory_space<vmem_shared>>) target(%dma_start3A_72 : memref<8x128xf32, #tpu.memory_space<hbm>>) target_semaphore(%run_scoped3A : memref<!tpu.dma_semaphore, #tpu.memory_space<semaphore_mem>>)
          %dma_wait3A = arith.constant 9992 : i32
          %dma_wait3A_76 = arith.constant 0 : i32
          %dma_wait3A_77 = tpu.memref_slice %arg7[%dma_wait3A, %dma_wait3A_76] : memref<10240x128xf32, #tpu.memory_space<hbm>> -> memref<8x128xf32, #tpu.memory_space<hbm>>
          %dma_wait3A_78 = arith.constant 9992 : i32
          %dma_wait3A_79 = arith.constant 0 : i32
          %dma_wait3A_80 = tpu.memref_slice %arg10[%dma_wait3A_78, %dma_wait3A_79] : memref<10000x128xf32, #tpu.memory_space<vmem_shared>> -> memref<8x128xf32, #tpu.memory_space<vmem_shared>>
          tpu.wait_dma2 semaphore(%run_scoped3A : memref<!tpu.dma_semaphore, #tpu.memory_space<semaphore_mem>>) src(%dma_wait3A_80 : memref<8x128xf32, #tpu.memory_space<vmem_shared>>) dst(%dma_wait3A_77 : memref<8x128xf32, #tpu.memory_space<hbm>>)
          tpu.yield
        }) : () -> ()
      } else {
      }
    } else {
    }
    return
  }
}

#map = affine_map<(d0, d1) -> (0, 0, 0)>
module attributes {stable_mosaic.version = 14 : i64} {
  func.func @_deg_body(%arg0: i32, %arg1: i32, %arg2: memref<2x2500x128xi32, #tpu.memory_space<hbm>>, %arg3: memref<2x2x10240xf32, #tpu.memory_space<hbm>>, %arg4: memref<128xf32, #tpu.memory_space<vmem>>, %arg5: memref<640xf32, #tpu.memory_space<vmem>>, %arg6: memref<2x128xi32, #tpu.memory_space<vmem>>, %arg7: memref<10240xf32, #tpu.memory_space<vmem_shared>>, %arg8: memref<10240xf32, #tpu.memory_space<vmem_shared>>, %arg9: memref<!tpu.dma_semaphore, #tpu.memory_space<semaphore_mem>>) attributes {dimension_semantics = [#tpu.dimension_semantics<core_parallel>, #tpu.dimension_semantics<subcore_parallel>], iteration_bounds = array<i64: 2, 16>, scalar_prefetch = 0 : i64, scratch_operands = 6 : i64, tpu.core_type = #tpu.core_type<sc_vector_subcore>, window_params = [{transform_indices = #map}, {transform_indices = #map}]} {
    %scan3A = arith.constant 0 : i32
    %scan3A_0 = arith.constant 0 : i32
    %scan3A_1 = arith.constant 8 : i32
    %scan3A_2 = arith.addi %scan3A_0, %scan3A_1 : i32
    %scan3A_3 = arith.constant 1 : i32
    %scan3A_4 = scf.for %scan3A_33 = %scan3A_0 to %scan3A_2 step %scan3A_3 iter_args(%scan3A_34 = %scan3A) -> (i32)  : i32 {
      %broadcast_in_dim3A = arith.constant 1.000000e+00 : f32
      %broadcast_in_dim3A_35 = vector.broadcast %broadcast_in_dim3A : f32 to vector<16xf32>
      %mul3A_36 = arith.constant 16 : i32
      %mul3A_37 = arith.muli %scan3A_33, %mul3A_36 : i32
      %swap3A = arith.index_cast %mul3A_37 : i32 to index
      %swap3A_38 = tpu.vector_load %arg4[%swap3A] {strides = array<i32>} : memref<128xf32, #tpu.memory_space<vmem>>, vector<16xf32>,
      %swap3A_39 = vector.shape_cast %swap3A_38 : vector<16xf32> to vector<16xf32>
      %swap3A_40 = vector.shape_cast %broadcast_in_dim3A_35 : vector<16xf32> to vector<16xf32>
      tpu.vector_store %arg4[%swap3A], %swap3A_40 {strides = array<i32>} : memref<128xf32, #tpu.memory_space<vmem>>, vector<16xf32>,
      %scan3A_41 = arith.constant 0 : i32
      scf.yield %scan3A_41 : i32
    }
    %scan3A_5 = arith.constant 8 : i32
    %scan3A_6 = arith.constant 0 : i32
    %scan3A_7 = arith.constant 0 : i32
    %scan3A_8 = arith.constant 40 : i32
    %scan3A_9 = arith.addi %scan3A_7, %scan3A_8 : i32
    %scan3A_10 = arith.constant 1 : i32
    %scan3A_11 = scf.for %scan3A_33 = %scan3A_7 to %scan3A_9 step %scan3A_10 iter_args(%scan3A_34 = %scan3A_6) -> (i32)  : i32 {
      %broadcast_in_dim3A = arith.constant 0.000000e+00 : f32
      %broadcast_in_dim3A_35 = vector.broadcast %broadcast_in_dim3A : f32 to vector<16xf32>
      %mul3A_36 = arith.constant 16 : i32
      %mul3A_37 = arith.muli %scan3A_33, %mul3A_36 : i32
      %swap3A = arith.index_cast %mul3A_37 : i32 to index
      %swap3A_38 = tpu.vector_load %arg5[%swap3A] {strides = array<i32>} : memref<640xf32, #tpu.memory_space<vmem>>, vector<16xf32>,
      %swap3A_39 = vector.shape_cast %swap3A_38 : vector<16xf32> to vector<16xf32>
      %swap3A_40 = vector.shape_cast %broadcast_in_dim3A_35 : vector<16xf32> to vector<16xf32>
      tpu.vector_store %arg5[%swap3A], %swap3A_40 {strides = array<i32>} : memref<640xf32, #tpu.memory_space<vmem>>, vector<16xf32>,
      %scan3A_41 = arith.constant 0 : i32
      scf.yield %scan3A_41 : i32
    }
    %scan3A_12 = arith.constant 40 : i32
    %mul3A = arith.constant 640 : i32
    %mul3A_13 = arith.muli %arg1, %mul3A : i32
    "tpu.region"() ({
      %run_scoped3A_33 = tpu.sem_alloc : memref<!tpu.dma_semaphore, #tpu.memory_space<semaphore_mem>>
      %dma_start3A = tpu.memref_slice %arg7[%mul3A_13] : memref<10240xf32, #tpu.memory_space<vmem_shared>> -> memref<640xf32, #tpu.memory_space<vmem_shared>>
      %dma_start3A_34 = tpu.memref_slice %arg7[%mul3A_13] : memref<10240xf32, #tpu.memory_space<vmem_shared>> -> memref<640xf32, #tpu.memory_space<vmem_shared>>
      tpu.enqueue_dma source(%arg5 : memref<640xf32, #tpu.memory_space<vmem>>) target(%dma_start3A_34 : memref<640xf32, #tpu.memory_space<vmem_shared>>) target_semaphore(%run_scoped3A_33 : memref<!tpu.dma_semaphore, #tpu.memory_space<semaphore_mem>>)
      %dma_wait3A = tpu.memref_slice %arg7[%mul3A_13] : memref<10240xf32, #tpu.memory_space<vmem_shared>> -> memref<640xf32, #tpu.memory_space<vmem_shared>>
      %dma_wait3A_35 = tpu.memref_slice %arg7[%mul3A_13] : memref<10240xf32, #tpu.memory_space<vmem_shared>> -> memref<640xf32, #tpu.memory_space<vmem_shared>>
      tpu.wait_dma2 semaphore(%run_scoped3A_33 : memref<!tpu.dma_semaphore, #tpu.memory_space<semaphore_mem>>) src(%arg5 : memref<640xf32, #tpu.memory_space<vmem>>) dst(%dma_wait3A_35 : memref<640xf32, #tpu.memory_space<vmem_shared>>)
      tpu.yield
    }) : () -> ()
    %mul3A_14 = arith.constant 640 : i32
    %mul3A_15 = arith.muli %arg1, %mul3A_14 : i32
    "tpu.region"() ({
      %run_scoped3A_33 = tpu.sem_alloc : memref<!tpu.dma_semaphore, #tpu.memory_space<semaphore_mem>>
      %dma_start3A = tpu.memref_slice %arg8[%mul3A_15] : memref<10240xf32, #tpu.memory_space<vmem_shared>> -> memref<640xf32, #tpu.memory_space<vmem_shared>>
      %dma_start3A_34 = tpu.memref_slice %arg8[%mul3A_15] : memref<10240xf32, #tpu.memory_space<vmem_shared>> -> memref<640xf32, #tpu.memory_space<vmem_shared>>
      tpu.enqueue_dma source(%arg5 : memref<640xf32, #tpu.memory_space<vmem>>) target(%dma_start3A_34 : memref<640xf32, #tpu.memory_space<vmem_shared>>) target_semaphore(%run_scoped3A_33 : memref<!tpu.dma_semaphore, #tpu.memory_space<semaphore_mem>>)
      %dma_wait3A = tpu.memref_slice %arg8[%mul3A_15] : memref<10240xf32, #tpu.memory_space<vmem_shared>> -> memref<640xf32, #tpu.memory_space<vmem_shared>>
      %dma_wait3A_35 = tpu.memref_slice %arg8[%mul3A_15] : memref<10240xf32, #tpu.memory_space<vmem_shared>> -> memref<640xf32, #tpu.memory_space<vmem_shared>>
      tpu.wait_dma2 semaphore(%run_scoped3A_33 : memref<!tpu.dma_semaphore, #tpu.memory_space<semaphore_mem>>) src(%arg5 : memref<640xf32, #tpu.memory_space<vmem>>) dst(%dma_wait3A_35 : memref<640xf32, #tpu.memory_space<vmem_shared>>)
      tpu.yield
    }) : () -> ()
    %barrier3A = arith.constant 0 : index
    tpu.barrier barrier_id(%barrier3A)
    %scan3A_16 = arith.constant 0 : i32
    %scan3A_17 = arith.constant 0 : i32
    %scan3A_18 = arith.constant 79 : i32
    %scan3A_19 = arith.addi %scan3A_17, %scan3A_18 : i32
    %scan3A_20 = arith.constant 1 : i32
    %scan3A_21 = scf.for %scan3A_33 = %scan3A_17 to %scan3A_19 step %scan3A_20 iter_args(%scan3A_34 = %scan3A_16) -> (i32)  : i32 {
      %mul3A_35 = arith.constant 16 : i32
      %mul3A_36 = arith.muli %scan3A_33, %mul3A_35 : i32
      %add3A = arith.addi %arg1, %mul3A_36 : i32
      %lt3A = arith.constant 1250 : i32
      %lt3A_37 = arith.cmpi slt, %add3A, %lt3A : i32
      %convert_element_type3A = arith.extui %lt3A_37 : i1 to i32
      %cond3A = arith.constant 0 : i32
      %cond3A_38 = arith.cmpi ne, %convert_element_type3A, %cond3A : i32
      scf.if %cond3A_38 {
        %mul3A_40 = arith.constant 1250 : i32
        %mul3A_41 = arith.muli %arg0, %mul3A_40 : i32
        %add3A_42 = arith.addi %mul3A_41, %add3A : i32
        "tpu.region"() ({
          %run_scoped3A_45 = tpu.sem_alloc : memref<!tpu.dma_semaphore, #tpu.memory_space<semaphore_mem>>
          %dma_start3A = arith.constant 0 : i32
          %dma_start3A_46 = arith.constant 0 : i32
          %dma_start3A_47 = tpu.memref_slice %arg2[%dma_start3A, %add3A_42, %dma_start3A_46] : memref<2x2500x128xi32, #tpu.memory_space<hbm>> -> memref<2x1x128xi32, #tpu.memory_space<hbm>>
          %dma_start3A_48 = tpu.memref_squeeze %dma_start3A_47 : memref<2x1x128xi32, #tpu.memory_space<hbm>> -> memref<2x128xi32, #tpu.memory_space<hbm>>
          %dma_start3A_49 = arith.constant 0 : i32
          %dma_start3A_50 = arith.constant 0 : i32
          %dma_start3A_51 = tpu.memref_slice %arg2[%dma_start3A_49, %add3A_42, %dma_start3A_50] : memref<2x2500x128xi32, #tpu.memory_space<hbm>> -> memref<2x1x128xi32, #tpu.memory_space<hbm>>
          %dma_start3A_52 = tpu.memref_squeeze %dma_start3A_51 : memref<2x1x128xi32, #tpu.memory_space<hbm>> -> memref<2x128xi32, #tpu.memory_space<hbm>>
          tpu.enqueue_dma source(%dma_start3A_52 : memref<2x128xi32, #tpu.memory_space<hbm>>) target(%arg6 : memref<2x128xi32, #tpu.memory_space<vmem>>) target_semaphore(%run_scoped3A_45 : memref<!tpu.dma_semaphore, #tpu.memory_space<semaphore_mem>>)
          %dma_wait3A = arith.constant 0 : i32
          %dma_wait3A_53 = arith.constant 0 : i32
          %dma_wait3A_54 = tpu.memref_slice %arg2[%dma_wait3A, %add3A_42, %dma_wait3A_53] : memref<2x2500x128xi32, #tpu.memory_space<hbm>> -> memref<2x1x128xi32, #tpu.memory_space<hbm>>
          %dma_wait3A_55 = tpu.memref_squeeze %dma_wait3A_54 : memref<2x1x128xi32, #tpu.memory_space<hbm>> -> memref<2x128xi32, #tpu.memory_space<hbm>>
          %dma_wait3A_56 = arith.constant 0 : i32
          %dma_wait3A_57 = arith.constant 0 : i32
          %dma_wait3A_58 = tpu.memref_slice %arg2[%dma_wait3A_56, %add3A_42, %dma_wait3A_57] : memref<2x2500x128xi32, #tpu.memory_space<hbm>> -> memref<2x1x128xi32, #tpu.memory_space<hbm>>
          %dma_wait3A_59 = tpu.memref_squeeze %dma_wait3A_58 : memref<2x1x128xi32, #tpu.memory_space<hbm>> -> memref<2x128xi32, #tpu.memory_space<hbm>>
          tpu.wait_dma2 semaphore(%run_scoped3A_45 : memref<!tpu.dma_semaphore, #tpu.memory_space<semaphore_mem>>) src(%dma_wait3A_59 : memref<2x128xi32, #tpu.memory_space<hbm>>) dst(%arg6 : memref<2x128xi32, #tpu.memory_space<vmem>>)
          tpu.yield
        }) : () -> ()
        %run_scoped3A_43 = arith.constant 0 : i32
        "tpu.region"() ({
          %run_scoped3A_45 = tpu.sem_alloc : memref<!tpu.dma_semaphore, #tpu.memory_space<semaphore_mem>>
          %dma_start3A = arith.constant 0 : i32
          %dma_start3A_46 = tpu.memref_slice %arg6[%run_scoped3A_43, %dma_start3A] : memref<2x128xi32, #tpu.memory_space<vmem>> -> memref<1x128xi32, #tpu.memory_space<vmem>>
          %dma_start3A_47 = tpu.memref_squeeze %dma_start3A_46 : memref<1x128xi32, #tpu.memory_space<vmem>> -> memref<128xi32, #tpu.memory_space<vmem>>
          %dma_start3A_48 = arith.constant 0 : i32
          %dma_start3A_49 = tpu.memref_slice %arg7[%dma_start3A_48] : memref<10240xf32, #tpu.memory_space<vmem_shared>> -> memref<10240xf32, #tpu.memory_space<vmem_shared>>
          tpu.enqueue_indirect_dma source(%arg4 : memref<128xf32, #tpu.memory_space<vmem>>) target(%dma_start3A_49 : memref<10240xf32, #tpu.memory_space<vmem_shared>>) offsets(%dma_start3A_47 : memref<128xi32, #tpu.memory_space<vmem>>) semaphore(%run_scoped3A_45 : memref<!tpu.dma_semaphore, #tpu.memory_space<semaphore_mem>>) {add = true}
          %dma_wait3A = arith.constant 0 : i32
          %dma_wait3A_50 = tpu.memref_slice %arg6[%run_scoped3A_43, %dma_wait3A] : memref<2x128xi32, #tpu.memory_space<vmem>> -> memref<1x128xi32, #tpu.memory_space<vmem>>
          %dma_wait3A_51 = tpu.memref_squeeze %dma_wait3A_50 : memref<1x128xi32, #tpu.memory_space<vmem>> -> memref<128xi32, #tpu.memory_space<vmem>>
          %dma_wait3A_52 = arith.constant 0 : i32
          %dma_wait3A_53 = tpu.memref_slice %arg7[%dma_wait3A_52] : memref<10240xf32, #tpu.memory_space<vmem_shared>> -> memref<10240xf32, #tpu.memory_space<vmem_shared>>
          tpu.wait_indirect_dma semaphore(%run_scoped3A_45 : memref<!tpu.dma_semaphore, #tpu.memory_space<semaphore_mem>>) src(%arg4 : memref<128xf32, #tpu.memory_space<vmem>>) dst(%dma_wait3A_53 : memref<10240xf32, #tpu.memory_space<vmem_shared>>)
          tpu.yield
        }) : () -> ()
        %run_scoped3A_44 = arith.constant 1 : i32
        "tpu.region"() ({
          %run_scoped3A_45 = tpu.sem_alloc : memref<!tpu.dma_semaphore, #tpu.memory_space<semaphore_mem>>
          %dma_start3A = arith.constant 0 : i32
          %dma_start3A_46 = tpu.memref_slice %arg6[%run_scoped3A_44, %dma_start3A] : memref<2x128xi32, #tpu.memory_space<vmem>> -> memref<1x128xi32, #tpu.memory_space<vmem>>
          %dma_start3A_47 = tpu.memref_squeeze %dma_start3A_46 : memref<1x128xi32, #tpu.memory_space<vmem>> -> memref<128xi32, #tpu.memory_space<vmem>>
          %dma_start3A_48 = arith.constant 0 : i32
          %dma_start3A_49 = tpu.memref_slice %arg8[%dma_start3A_48] : memref<10240xf32, #tpu.memory_space<vmem_shared>> -> memref<10240xf32, #tpu.memory_space<vmem_shared>>
          tpu.enqueue_indirect_dma source(%arg4 : memref<128xf32, #tpu.memory_space<vmem>>) target(%dma_start3A_49 : memref<10240xf32, #tpu.memory_space<vmem_shared>>) offsets(%dma_start3A_47 : memref<128xi32, #tpu.memory_space<vmem>>) semaphore(%run_scoped3A_45 : memref<!tpu.dma_semaphore, #tpu.memory_space<semaphore_mem>>) {add = true}
          %dma_wait3A = arith.constant 0 : i32
          %dma_wait3A_50 = tpu.memref_slice %arg6[%run_scoped3A_44, %dma_wait3A] : memref<2x128xi32, #tpu.memory_space<vmem>> -> memref<1x128xi32, #tpu.memory_space<vmem>>
          %dma_wait3A_51 = tpu.memref_squeeze %dma_wait3A_50 : memref<1x128xi32, #tpu.memory_space<vmem>> -> memref<128xi32, #tpu.memory_space<vmem>>
          %dma_wait3A_52 = arith.constant 0 : i32
          %dma_wait3A_53 = tpu.memref_slice %arg8[%dma_wait3A_52] : memref<10240xf32, #tpu.memory_space<vmem_shared>> -> memref<10240xf32, #tpu.memory_space<vmem_shared>>
          tpu.wait_indirect_dma semaphore(%run_scoped3A_45 : memref<!tpu.dma_semaphore, #tpu.memory_space<semaphore_mem>>) src(%arg4 : memref<128xf32, #tpu.memory_space<vmem>>) dst(%dma_wait3A_53 : memref<10240xf32, #tpu.memory_space<vmem_shared>>)
          tpu.yield
        }) : () -> ()
      } else {
      }
      %scan3A_39 = arith.constant 0 : i32
      scf.yield %scan3A_39 : i32
    }
    %scan3A_22 = arith.constant 79 : i32
    %barrier3A_23 = arith.constant 0 : index
    tpu.barrier barrier_id(%barrier3A_23)
    %mul3A_24 = arith.constant 640 : i32
    %mul3A_25 = arith.muli %arg1, %mul3A_24 : i32
    %mul3A_26 = arith.constant 640 : i32
    %mul3A_27 = arith.muli %arg1, %mul3A_26 : i32
    %run_scoped3A = arith.constant 0 : i32
    "tpu.region"() ({
      %run_scoped3A_33 = tpu.sem_alloc : memref<!tpu.dma_semaphore, #tpu.memory_space<semaphore_mem>>
      %dma_start3A = tpu.memref_slice %arg3[%arg0, %run_scoped3A, %mul3A_27] : memref<2x2x10240xf32, #tpu.memory_space<hbm>> -> memref<1x1x640xf32, #tpu.memory_space<hbm>>
      %dma_start3A_34 = tpu.memref_squeeze %dma_start3A : memref<1x1x640xf32, #tpu.memory_space<hbm>> -> memref<640xf32, #tpu.memory_space<hbm>>
      %dma_start3A_35 = tpu.memref_slice %arg7[%mul3A_25] : memref<10240xf32, #tpu.memory_space<vmem_shared>> -> memref<640xf32, #tpu.memory_space<vmem_shared>>
      tpu.enqueue_dma source(%dma_start3A_35 : memref<640xf32, #tpu.memory_space<vmem_shared>>) target(%dma_start3A_34 : memref<640xf32, #tpu.memory_space<hbm>>) target_semaphore(%run_scoped3A_33 : memref<!tpu.dma_semaphore, #tpu.memory_space<semaphore_mem>>)
      %dma_wait3A = tpu.memref_slice %arg3[%arg0, %run_scoped3A, %mul3A_27] : memref<2x2x10240xf32, #tpu.memory_space<hbm>> -> memref<1x1x640xf32, #tpu.memory_space<hbm>>
      %dma_wait3A_36 = tpu.memref_squeeze %dma_wait3A : memref<1x1x640xf32, #tpu.memory_space<hbm>> -> memref<640xf32, #tpu.memory_space<hbm>>
      %dma_wait3A_37 = tpu.memref_slice %arg7[%mul3A_25] : memref<10240xf32, #tpu.memory_space<vmem_shared>> -> memref<640xf32, #tpu.memory_space<vmem_shared>>
      tpu.wait_dma2 semaphore(%run_scoped3A_33 : memref<!tpu.dma_semaphore, #tpu.memory_space<semaphore_mem>>) src(%dma_wait3A_37 : memref<640xf32, #tpu.memory_space<vmem_shared>>) dst(%dma_wait3A_36 : memref<640xf32, #tpu.memory_space<hbm>>)
      tpu.yield
    }) : () -> ()
    %mul3A_28 = arith.constant 640 : i32
    %mul3A_29 = arith.muli %arg1, %mul3A_28 : i32
    %mul3A_30 = arith.constant 640 : i32
    %mul3A_31 = arith.muli %arg1, %mul3A_30 : i32
    %run_scoped3A_32 = arith.constant 1 : i32
    "tpu.region"() ({
      %run_scoped3A_33 = tpu.sem_alloc : memref<!tpu.dma_semaphore, #tpu.memory_space<semaphore_mem>>
      %dma_start3A = tpu.memref_slice %arg3[%arg0, %run_scoped3A_32, %mul3A_31] : memref<2x2x10240xf32, #tpu.memory_space<hbm>> -> memref<1x1x640xf32, #tpu.memory_space<hbm>>
      %dma_start3A_34 = tpu.memref_squeeze %dma_start3A : memref<1x1x640xf32, #tpu.memory_space<hbm>> -> memref<640xf32, #tpu.memory_space<hbm>>
      %dma_start3A_35 = tpu.memref_slice %arg8[%mul3A_29] : memref<10240xf32, #tpu.memory_space<vmem_shared>> -> memref<640xf32, #tpu.memory_space<vmem_shared>>
      tpu.enqueue_dma source(%dma_start3A_35 : memref<640xf32, #tpu.memory_space<vmem_shared>>) target(%dma_start3A_34 : memref<640xf32, #tpu.memory_space<hbm>>) target_semaphore(%run_scoped3A_33 : memref<!tpu.dma_semaphore, #tpu.memory_space<semaphore_mem>>)
      %dma_wait3A = tpu.memref_slice %arg3[%arg0, %run_scoped3A_32, %mul3A_31] : memref<2x2x10240xf32, #tpu.memory_space<hbm>> -> memref<1x1x640xf32, #tpu.memory_space<hbm>>
      %dma_wait3A_36 = tpu.memref_squeeze %dma_wait3A : memref<1x1x640xf32, #tpu.memory_space<hbm>> -> memref<640xf32, #tpu.memory_space<hbm>>
      %dma_wait3A_37 = tpu.memref_slice %arg8[%mul3A_29] : memref<10240xf32, #tpu.memory_space<vmem_shared>> -> memref<640xf32, #tpu.memory_space<vmem_shared>>
      tpu.wait_dma2 semaphore(%run_scoped3A_33 : memref<!tpu.dma_semaphore, #tpu.memory_space<semaphore_mem>>) src(%dma_wait3A_37 : memref<640xf32, #tpu.memory_space<vmem_shared>>) dst(%dma_wait3A_36 : memref<640xf32, #tpu.memory_space<hbm>>)
      tpu.yield
    }) : () -> ()
    return
  }
}

#map = affine_map<(d0, d1) -> (0, 0)>
#map1 = affine_map<(d0, d1) -> (0, 0, 0)>
module attributes {stable_mosaic.version = 14 : i64} {
  func.func @_agg_body(%arg0: i32, %arg1: i32, %arg2: memref<10240x128xf32, #tpu.memory_space<hbm>>, %arg3: memref<10240x128xf32, #tpu.memory_space<hbm>>, %arg4: memref<2x2500x128xi32, #tpu.memory_space<hbm>>, %arg5: memref<632x128xf32, #tpu.memory_space<hbm>>, %arg6: memref<10240x128xf32, #tpu.memory_space<hbm>>, %arg7: memref<10240x128xf32, #tpu.memory_space<hbm>>, %arg8: memref<3x2x128xi32, #tpu.memory_space<vmem>>, %arg9: memref<3x128x128xf32, #tpu.memory_space<vmem>>, %arg10: memref<10000x128xf32, #tpu.memory_space<vmem_shared>>, %arg11: memref<!tpu.dma_semaphore, #tpu.memory_space<semaphore_mem>>, %arg12: memref<!tpu.dma_semaphore, #tpu.memory_space<semaphore_mem>>, %arg13: memref<!tpu.dma_semaphore, #tpu.memory_space<semaphore_mem>>, %arg14: memref<!tpu.dma_semaphore, #tpu.memory_space<semaphore_mem>>, %arg15: memref<!tpu.dma_semaphore, #tpu.memory_space<semaphore_mem>>, %arg16: memref<!tpu.dma_semaphore, #tpu.memory_space<semaphore_mem>>) attributes {dimension_semantics = [#tpu.dimension_semantics<core_parallel>, #tpu.dimension_semantics<subcore_parallel>], iteration_bounds = array<i64: 2, 16>, scalar_prefetch = 0 : i64, scratch_operands = 9 : i64, tpu.core_type = #tpu.core_type<sc_vector_subcore>, window_params = [{transform_indices = #map}, {transform_indices = #map}, {transform_indices = #map1}, {transform_indices = #map}, {transform_indices = #map}, {transform_indices = #map}]} {
    %mul3A = arith.constant 624 : i32
    %mul3A_0 = arith.muli %arg1, %mul3A : i32
    "tpu.region"() ({
      %run_scoped3A = tpu.sem_alloc : memref<!tpu.dma_semaphore, #tpu.memory_space<semaphore_mem>>
      %dma_start3A = arith.constant 0 : i32
      %dma_start3A_62 = tpu.memref_slice %arg10[%mul3A_0, %dma_start3A] : memref<10000x128xf32, #tpu.memory_space<vmem_shared>> -> memref<632x128xf32, #tpu.memory_space<vmem_shared>>
      %dma_start3A_63 = arith.constant 0 : i32
      %dma_start3A_64 = arith.constant 0 : i32
      %dma_start3A_65 = tpu.memref_slice %arg5[%dma_start3A_63, %dma_start3A_64] : memref<632x128xf32, #tpu.memory_space<hbm>> -> memref<632x128xf32, #tpu.memory_space<hbm>>
      tpu.enqueue_dma source(%dma_start3A_65 : memref<632x128xf32, #tpu.memory_space<hbm>>) target(%dma_start3A_62 : memref<632x128xf32, #tpu.memory_space<vmem_shared>>) target_semaphore(%run_scoped3A : memref<!tpu.dma_semaphore, #tpu.memory_space<semaphore_mem>>)
      %dma_wait3A = arith.constant 0 : i32
      %dma_wait3A_66 = tpu.memref_slice %arg10[%mul3A_0, %dma_wait3A] : memref<10000x128xf32, #tpu.memory_space<vmem_shared>> -> memref<632x128xf32, #tpu.memory_space<vmem_shared>>
      %dma_wait3A_67 = arith.constant 0 : i32
      %dma_wait3A_68 = arith.constant 0 : i32
      %dma_wait3A_69 = tpu.memref_slice %arg5[%dma_wait3A_67, %dma_wait3A_68] : memref<632x128xf32, #tpu.memory_space<hbm>> -> memref<632x128xf32, #tpu.memory_space<hbm>>
      tpu.wait_dma2 semaphore(%run_scoped3A : memref<!tpu.dma_semaphore, #tpu.memory_space<semaphore_mem>>) src(%dma_wait3A_69 : memref<632x128xf32, #tpu.memory_space<hbm>>) dst(%dma_wait3A_66 : memref<632x128xf32, #tpu.memory_space<vmem_shared>>)
      tpu.yield
    }) : () -> ()
    %eq3A = arith.constant 15 : i32
    %eq3A_1 = arith.cmpi eq, %arg1, %eq3A : i32
    %convert_element_type3A = arith.extui %eq3A_1 : i1 to i32
    %cond3A = arith.constant 0 : i32
    %cond3A_2 = arith.cmpi ne, %convert_element_type3A, %cond3A : i32
    scf.if %cond3A_2 {
      "tpu.region"() ({
        %run_scoped3A = tpu.sem_alloc : memref<!tpu.dma_semaphore, #tpu.memory_space<semaphore_mem>>
        %dma_start3A = arith.constant 9992 : i32
        %dma_start3A_62 = arith.constant 0 : i32
        %dma_start3A_63 = tpu.memref_slice %arg10[%dma_start3A, %dma_start3A_62] : memref<10000x128xf32, #tpu.memory_space<vmem_shared>> -> memref<8x128xf32, #tpu.memory_space<vmem_shared>>
        %dma_start3A_64 = arith.constant 0 : i32
        %dma_start3A_65 = arith.constant 0 : i32
        %dma_start3A_66 = tpu.memref_slice %arg5[%dma_start3A_64, %dma_start3A_65] : memref<632x128xf32, #tpu.memory_space<hbm>> -> memref<8x128xf32, #tpu.memory_space<hbm>>
        tpu.enqueue_dma source(%dma_start3A_66 : memref<8x128xf32, #tpu.memory_space<hbm>>) target(%dma_start3A_63 : memref<8x128xf32, #tpu.memory_space<vmem_shared>>) target_semaphore(%run_scoped3A : memref<!tpu.dma_semaphore, #tpu.memory_space<semaphore_mem>>)
        %dma_wait3A = arith.constant 9992 : i32
        %dma_wait3A_67 = arith.constant 0 : i32
        %dma_wait3A_68 = tpu.memref_slice %arg10[%dma_wait3A, %dma_wait3A_67] : memref<10000x128xf32, #tpu.memory_space<vmem_shared>> -> memref<8x128xf32, #tpu.memory_space<vmem_shared>>
        %dma_wait3A_69 = arith.constant 0 : i32
        %dma_wait3A_70 = arith.constant 0 : i32
        %dma_wait3A_71 = tpu.memref_slice %arg5[%dma_wait3A_69, %dma_wait3A_70] : memref<632x128xf32, #tpu.memory_space<hbm>> -> memref<8x128xf32, #tpu.memory_space<hbm>>
        tpu.wait_dma2 semaphore(%run_scoped3A : memref<!tpu.dma_semaphore, #tpu.memory_space<semaphore_mem>>) src(%dma_wait3A_71 : memref<8x128xf32, #tpu.memory_space<hbm>>) dst(%dma_wait3A_68 : memref<8x128xf32, #tpu.memory_space<vmem_shared>>)
        tpu.yield
      }) : () -> ()
    } else {
    }
    %barrier3A = arith.constant 0 : index
    tpu.barrier barrier_id(%barrier3A)
    %add3A = arith.constant 0 : i32
    %add3A_3 = arith.addi %arg1, %add3A : i32
    %lt3A = arith.constant 2500 : i32
    %lt3A_4 = arith.cmpi slt, %add3A_3, %lt3A : i32
    %and3A = arith.constant true
    %and3A_5 = arith.andi %and3A, %lt3A_4 : i1
    %convert_element_type3A_6 = arith.extui %and3A_5 : i1 to i32
    %cond3A_7 = arith.constant 0 : i32
    %cond3A_8 = arith.cmpi ne, %convert_element_type3A_6, %cond3A_7 : i32
    scf.if %cond3A_8 {
      %add3A_62 = arith.constant 0 : i32
      %add3A_63 = arith.addi %arg1, %add3A_62 : i32
      %dma_start3A = arith.constant 0 : i32
      %dma_start3A_64 = arith.constant 0 : i32
      %dma_start3A_65 = arith.constant 0 : i32
      %dma_start3A_66 = tpu.memref_slice %arg8[%dma_start3A, %dma_start3A_64, %dma_start3A_65] : memref<3x2x128xi32, #tpu.memory_space<vmem>> -> memref<1x2x128xi32, #tpu.memory_space<vmem>>
      %dma_start3A_67 = tpu.memref_squeeze %dma_start3A_66 : memref<1x2x128xi32, #tpu.memory_space<vmem>> -> memref<2x128xi32, #tpu.memory_space<vmem>>
      %dma_start3A_68 = arith.constant 0 : i32
      %dma_start3A_69 = arith.constant 0 : i32
      %dma_start3A_70 = tpu.memref_slice %arg4[%dma_start3A_68, %add3A_63, %dma_start3A_69] : memref<2x2500x128xi32, #tpu.memory_space<hbm>> -> memref<2x1x128xi32, #tpu.memory_space<hbm>>
      %dma_start3A_71 = tpu.memref_squeeze %dma_start3A_70 : memref<2x1x128xi32, #tpu.memory_space<hbm>> -> memref<2x128xi32, #tpu.memory_space<hbm>>
      %dma_start3A_72 = arith.constant 0 : i32
      %dma_start3A_73 = arith.constant 0 : i32
      %dma_start3A_74 = tpu.memref_slice %arg8[%dma_start3A, %dma_start3A_72, %dma_start3A_73] : memref<3x2x128xi32, #tpu.memory_space<vmem>> -> memref<1x2x128xi32, #tpu.memory_space<vmem>>
      %dma_start3A_75 = tpu.memref_squeeze %dma_start3A_74 : memref<1x2x128xi32, #tpu.memory_space<vmem>> -> memref<2x128xi32, #tpu.memory_space<vmem>>
      %dma_start3A_76 = arith.constant 0 : i32
      %dma_start3A_77 = arith.constant 0 : i32
      %dma_start3A_78 = tpu.memref_slice %arg4[%dma_start3A_76, %add3A_63, %dma_start3A_77] : memref<2x2500x128xi32, #tpu.memory_space<hbm>> -> memref<2x1x128xi32, #tpu.memory_space<hbm>>
      %dma_start3A_79 = tpu.memref_squeeze %dma_start3A_78 : memref<2x1x128xi32, #tpu.memory_space<hbm>> -> memref<2x128xi32, #tpu.memory_space<hbm>>
      tpu.enqueue_dma source(%dma_start3A_79 : memref<2x128xi32, #tpu.memory_space<hbm>>) target(%dma_start3A_75 : memref<2x128xi32, #tpu.memory_space<vmem>>) target_semaphore(%arg11 : memref<!tpu.dma_semaphore, #tpu.memory_space<semaphore_mem>>)
    } else {
    }
    %add3A_9 = arith.constant 16 : i32
    %add3A_10 = arith.addi %arg1, %add3A_9 : i32
    %lt3A_11 = arith.constant 2500 : i32
    %lt3A_12 = arith.cmpi slt, %add3A_10, %lt3A_11 : i32
    %and3A_13 = arith.constant true
    %and3A_14 = arith.andi %and3A_13, %lt3A_12 : i1
    %convert_element_type3A_15 = arith.extui %and3A_14 : i1 to i32
    %cond3A_16 = arith.constant 0 : i32
    %cond3A_17 = arith.cmpi ne, %convert_element_type3A_15, %cond3A_16 : i32
    scf.if %cond3A_17 {
      %add3A_62 = arith.constant 16 : i32
      %add3A_63 = arith.addi %arg1, %add3A_62 : i32
      %dma_start3A = arith.constant 1 : i32
      %dma_start3A_64 = arith.constant 0 : i32
      %dma_start3A_65 = arith.constant 0 : i32
      %dma_start3A_66 = tpu.memref_slice %arg8[%dma_start3A, %dma_start3A_64, %dma_start3A_65] : memref<3x2x128xi32, #tpu.memory_space<vmem>> -> memref<1x2x128xi32, #tpu.memory_space<vmem>>
      %dma_start3A_67 = tpu.memref_squeeze %dma_start3A_66 : memref<1x2x128xi32, #tpu.memory_space<vmem>> -> memref<2x128xi32, #tpu.memory_space<vmem>>
      %dma_start3A_68 = arith.constant 0 : i32
      %dma_start3A_69 = arith.constant 0 : i32
      %dma_start3A_70 = tpu.memref_slice %arg4[%dma_start3A_68, %add3A_63, %dma_start3A_69] : memref<2x2500x128xi32, #tpu.memory_space<hbm>> -> memref<2x1x128xi32, #tpu.memory_space<hbm>>
      %dma_start3A_71 = tpu.memref_squeeze %dma_start3A_70 : memref<2x1x128xi32, #tpu.memory_space<hbm>> -> memref<2x128xi32, #tpu.memory_space<hbm>>
      %dma_start3A_72 = arith.constant 0 : i32
      %dma_start3A_73 = arith.constant 0 : i32
      %dma_start3A_74 = tpu.memref_slice %arg8[%dma_start3A, %dma_start3A_72, %dma_start3A_73] : memref<3x2x128xi32, #tpu.memory_space<vmem>> -> memref<1x2x128xi32, #tpu.memory_space<vmem>>
      %dma_start3A_75 = tpu.memref_squeeze %dma_start3A_74 : memref<1x2x128xi32, #tpu.memory_space<vmem>> -> memref<2x128xi32, #tpu.memory_space<vmem>>
      %dma_start3A_76 = arith.constant 0 : i32
      %dma_start3A_77 = arith.constant 0 : i32
      %dma_start3A_78 = tpu.memref_slice %arg4[%dma_start3A_76, %add3A_63, %dma_start3A_77] : memref<2x2500x128xi32, #tpu.memory_space<hbm>> -> memref<2x1x128xi32, #tpu.memory_space<hbm>>
      %dma_start3A_79 = tpu.memref_squeeze %dma_start3A_78 : memref<2x1x128xi32, #tpu.memory_space<hbm>> -> memref<2x128xi32, #tpu.memory_space<hbm>>
      tpu.enqueue_dma source(%dma_start3A_79 : memref<2x128xi32, #tpu.memory_space<hbm>>) target(%dma_start3A_75 : memref<2x128xi32, #tpu.memory_space<vmem>>) target_semaphore(%arg12 : memref<!tpu.dma_semaphore, #tpu.memory_space<semaphore_mem>>)
    } else {
    }
    %add3A_18 = arith.constant 0 : i32
    %add3A_19 = arith.addi %arg1, %add3A_18 : i32
    %lt3A_20 = arith.constant 2500 : i32
    %lt3A_21 = arith.cmpi slt, %add3A_19, %lt3A_20 : i32
    %and3A_22 = arith.constant true
    %and3A_23 = arith.andi %and3A_22, %lt3A_21 : i1
    %convert_element_type3A_24 = arith.extui %and3A_23 : i1 to i32
    %cond3A_25 = arith.constant 0 : i32
    %cond3A_26 = arith.cmpi ne, %convert_element_type3A_24, %cond3A_25 : i32
    scf.if %cond3A_26 {
      %dma_wait3A = arith.constant 0 : i32
      %dma_wait3A_62 = arith.constant 0 : i32
      %dma_wait3A_63 = arith.constant 0 : i32
      %dma_wait3A_64 = arith.constant 0 : i32
      %dma_wait3A_65 = tpu.memref_slice %arg8[%dma_wait3A_62, %dma_wait3A_63, %dma_wait3A_64] : memref<3x2x128xi32, #tpu.memory_space<vmem>> -> memref<1x2x128xi32, #tpu.memory_space<vmem>>
      %dma_wait3A_66 = tpu.memref_squeeze %dma_wait3A_65 : memref<1x2x128xi32, #tpu.memory_space<vmem>> -> memref<2x128xi32, #tpu.memory_space<vmem>>
      %dma_wait3A_67 = arith.constant 0 : i32
      %dma_wait3A_68 = arith.constant 0 : i32
      %dma_wait3A_69 = tpu.memref_slice %arg4[%dma_wait3A_67, %dma_wait3A, %dma_wait3A_68] : memref<2x2500x128xi32, #tpu.memory_space<hbm>> -> memref<2x1x128xi32, #tpu.memory_space<hbm>>
      %dma_wait3A_70 = tpu.memref_squeeze %dma_wait3A_69 : memref<2x1x128xi32, #tpu.memory_space<hbm>> -> memref<2x128xi32, #tpu.memory_space<hbm>>
      %dma_wait3A_71 = arith.constant 0 : i32
      %dma_wait3A_72 = arith.constant 0 : i32
      %dma_wait3A_73 = tpu.memref_slice %arg8[%dma_wait3A_62, %dma_wait3A_71, %dma_wait3A_72] : memref<3x2x128xi32, #tpu.memory_space<vmem>> -> memref<1x2x128xi32, #tpu.memory_space<vmem>>
      %dma_wait3A_74 = tpu.memref_squeeze %dma_wait3A_73 : memref<1x2x128xi32, #tpu.memory_space<vmem>> -> memref<2x128xi32, #tpu.memory_space<vmem>>
      %dma_wait3A_75 = arith.constant 0 : i32
      %dma_wait3A_76 = arith.constant 0 : i32
      %dma_wait3A_77 = tpu.memref_slice %arg4[%dma_wait3A_75, %dma_wait3A, %dma_wait3A_76] : memref<2x2500x128xi32, #tpu.memory_space<hbm>> -> memref<2x1x128xi32, #tpu.memory_space<hbm>>
      %dma_wait3A_78 = tpu.memref_squeeze %dma_wait3A_77 : memref<2x1x128xi32, #tpu.memory_space<hbm>> -> memref<2x128xi32, #tpu.memory_space<hbm>>
      tpu.wait_dma2 semaphore(%arg11 : memref<!tpu.dma_semaphore, #tpu.memory_space<semaphore_mem>>) src(%dma_wait3A_78 : memref<2x128xi32, #tpu.memory_space<hbm>>) dst(%dma_wait3A_74 : memref<2x128xi32, #tpu.memory_space<vmem>>)
      %eq3A_79 = arith.constant 0 : i32
      %eq3A_80 = arith.cmpi eq, %arg0, %eq3A_79 : i32
      %convert_element_type3A_81 = arith.extui %eq3A_80 : i1 to i32
      %cond3A_82 = arith.constant 0 : i32
      %cond3A_83 = arith.cmpi ne, %convert_element_type3A_81, %cond3A_82 : i32
      scf.if %cond3A_83 {
        %dma_start3A = arith.constant 0 : i32
        %dma_start3A_89 = arith.constant 0 : i32
        %dma_start3A_90 = arith.constant 0 : i32
        %dma_start3A_91 = arith.constant 0 : i32
        %dma_start3A_92 = arith.constant 0 : i32
        %dma_start3A_93 = tpu.memref_slice %arg9[%dma_start3A_90, %dma_start3A_91, %dma_start3A_92] : memref<3x128x128xf32, #tpu.memory_space<vmem>> -> memref<1x128x128xf32, #tpu.memory_space<vmem>>
        %dma_start3A_94 = tpu.memref_squeeze %dma_start3A_93 : memref<1x128x128xf32, #tpu.memory_space<vmem>> -> memref<128x128xf32, #tpu.memory_space<vmem>>
        %dma_start3A_95 = arith.constant 0 : i32
        %dma_start3A_96 = tpu.memref_slice %arg8[%dma_start3A, %dma_start3A_89, %dma_start3A_95] : memref<3x2x128xi32, #tpu.memory_space<vmem>> -> memref<1x1x128xi32, #tpu.memory_space<vmem>>
        %dma_start3A_97 = tpu.memref_squeeze %dma_start3A_96 : memref<1x1x128xi32, #tpu.memory_space<vmem>> -> memref<128xi32, #tpu.memory_space<vmem>>
        %dma_start3A_98 = arith.constant 0 : i32
        %dma_start3A_99 = arith.constant 0 : i32
        %dma_start3A_100 = tpu.memref_slice %arg2[%dma_start3A_98, %dma_start3A_99] : memref<10240x128xf32, #tpu.memory_space<hbm>> -> memref<10240x128xf32, #tpu.memory_space<hbm>>
        tpu.enqueue_indirect_dma source(%dma_start3A_100 : memref<10240x128xf32, #tpu.memory_space<hbm>>) target(%dma_start3A_94 : memref<128x128xf32, #tpu.memory_space<vmem>>) offsets(%dma_start3A_97 : memref<128xi32, #tpu.memory_space<vmem>>) semaphore(%arg14 : memref<!tpu.dma_semaphore, #tpu.memory_space<semaphore_mem>>)
      } else {
      }
      %eq3A_84 = arith.constant 1 : i32
      %eq3A_85 = arith.cmpi eq, %arg0, %eq3A_84 : i32
      %convert_element_type3A_86 = arith.extui %eq3A_85 : i1 to i32
      %cond3A_87 = arith.constant 0 : i32
      %cond3A_88 = arith.cmpi ne, %convert_element_type3A_86, %cond3A_87 : i32
      scf.if %cond3A_88 {
        %dma_start3A = arith.constant 0 : i32
        %dma_start3A_89 = arith.constant 0 : i32
        %dma_start3A_90 = arith.constant 0 : i32
        %dma_start3A_91 = arith.constant 0 : i32
        %dma_start3A_92 = arith.constant 0 : i32
        %dma_start3A_93 = tpu.memref_slice %arg9[%dma_start3A_90, %dma_start3A_91, %dma_start3A_92] : memref<3x128x128xf32, #tpu.memory_space<vmem>> -> memref<1x128x128xf32, #tpu.memory_space<vmem>>
        %dma_start3A_94 = tpu.memref_squeeze %dma_start3A_93 : memref<1x128x128xf32, #tpu.memory_space<vmem>> -> memref<128x128xf32, #tpu.memory_space<vmem>>
        %dma_start3A_95 = arith.constant 0 : i32
        %dma_start3A_96 = tpu.memref_slice %arg8[%dma_start3A, %dma_start3A_89, %dma_start3A_95] : memref<3x2x128xi32, #tpu.memory_space<vmem>> -> memref<1x1x128xi32, #tpu.memory_space<vmem>>
        %dma_start3A_97 = tpu.memref_squeeze %dma_start3A_96 : memref<1x1x128xi32, #tpu.memory_space<vmem>> -> memref<128xi32, #tpu.memory_space<vmem>>
        %dma_start3A_98 = arith.constant 0 : i32
        %dma_start3A_99 = arith.constant 0 : i32
        %dma_start3A_100 = tpu.memref_slice %arg3[%dma_start3A_98, %dma_start3A_99] : memref<10240x128xf32, #tpu.memory_space<hbm>> -> memref<10240x128xf32, #tpu.memory_space<hbm>>
        tpu.enqueue_indirect_dma source(%dma_start3A_100 : memref<10240x128xf32, #tpu.memory_space<hbm>>) target(%dma_start3A_94 : memref<128x128xf32, #tpu.memory_space<vmem>>) offsets(%dma_start3A_97 : memref<128xi32, #tpu.memory_space<vmem>>) semaphore(%arg14 : memref<!tpu.dma_semaphore, #tpu.memory_space<semaphore_mem>>)
      } else {
      }
    } else {
    }
    %add3A_27 = arith.constant 16 : i32
    %add3A_28 = arith.addi %arg1, %add3A_27 : i32
    %lt3A_29 = arith.constant 2500 : i32
    %lt3A_30 = arith.cmpi slt, %add3A_28, %lt3A_29 : i32
    %and3A_31 = arith.constant true
    %and3A_32 = arith.andi %and3A_31, %lt3A_30 : i1
    %convert_element_type3A_33 = arith.extui %and3A_32 : i1 to i32
    %cond3A_34 = arith.constant 0 : i32
    %cond3A_35 = arith.cmpi ne, %convert_element_type3A_33, %cond3A_34 : i32
    scf.if %cond3A_35 {
      %dma_wait3A = arith.constant 0 : i32
      %dma_wait3A_62 = arith.constant 1 : i32
      %dma_wait3A_63 = arith.constant 0 : i32
      %dma_wait3A_64 = arith.constant 0 : i32
      %dma_wait3A_65 = tpu.memref_slice %arg8[%dma_wait3A_62, %dma_wait3A_63, %dma_wait3A_64] : memref<3x2x128xi32, #tpu.memory_space<vmem>> -> memref<1x2x128xi32, #tpu.memory_space<vmem>>
      %dma_wait3A_66 = tpu.memref_squeeze %dma_wait3A_65 : memref<1x2x128xi32, #tpu.memory_space<vmem>> -> memref<2x128xi32, #tpu.memory_space<vmem>>
      %dma_wait3A_67 = arith.constant 0 : i32
      %dma_wait3A_68 = arith.constant 0 : i32
      %dma_wait3A_69 = tpu.memref_slice %arg4[%dma_wait3A_67, %dma_wait3A, %dma_wait3A_68] : memref<2x2500x128xi32, #tpu.memory_space<hbm>> -> memref<2x1x128xi32, #tpu.memory_space<hbm>>
      %dma_wait3A_70 = tpu.memref_squeeze %dma_wait3A_69 : memref<2x1x128xi32, #tpu.memory_space<hbm>> -> memref<2x128xi32, #tpu.memory_space<hbm>>
      %dma_wait3A_71 = arith.constant 0 : i32
      %dma_wait3A_72 = arith.constant 0 : i32
      %dma_wait3A_73 = tpu.memref_slice %arg8[%dma_wait3A_62, %dma_wait3A_71, %dma_wait3A_72] : memref<3x2x128xi32, #tpu.memory_space<vmem>> -> memref<1x2x128xi32, #tpu.memory_space<vmem>>
      %dma_wait3A_74 = tpu.memref_squeeze %dma_wait3A_73 : memref<1x2x128xi32, #tpu.memory_space<vmem>> -> memref<2x128xi32, #tpu.memory_space<vmem>>
      %dma_wait3A_75 = arith.constant 0 : i32
      %dma_wait3A_76 = arith.constant 0 : i32
      %dma_wait3A_77 = tpu.memref_slice %arg4[%dma_wait3A_75, %dma_wait3A, %dma_wait3A_76] : memref<2x2500x128xi32, #tpu.memory_space<hbm>> -> memref<2x1x128xi32, #tpu.memory_space<hbm>>
      %dma_wait3A_78 = tpu.memref_squeeze %dma_wait3A_77 : memref<2x1x128xi32, #tpu.memory_space<hbm>> -> memref<2x128xi32, #tpu.memory_space<hbm>>
      tpu.wait_dma2 semaphore(%arg12 : memref<!tpu.dma_semaphore, #tpu.memory_space<semaphore_mem>>) src(%dma_wait3A_78 : memref<2x128xi32, #tpu.memory_space<hbm>>) dst(%dma_wait3A_74 : memref<2x128xi32, #tpu.memory_space<vmem>>)
      %eq3A_79 = arith.constant 0 : i32
      %eq3A_80 = arith.cmpi eq, %arg0, %eq3A_79 : i32
      %convert_element_type3A_81 = arith.extui %eq3A_80 : i1 to i32
      %cond3A_82 = arith.constant 0 : i32
      %cond3A_83 = arith.cmpi ne, %convert_element_type3A_81, %cond3A_82 : i32
      scf.if %cond3A_83 {
        %dma_start3A = arith.constant 1 : i32
        %dma_start3A_89 = arith.constant 0 : i32
        %dma_start3A_90 = arith.constant 1 : i32
        %dma_start3A_91 = arith.constant 0 : i32
        %dma_start3A_92 = arith.constant 0 : i32
        %dma_start3A_93 = tpu.memref_slice %arg9[%dma_start3A_90, %dma_start3A_91, %dma_start3A_92] : memref<3x128x128xf32, #tpu.memory_space<vmem>> -> memref<1x128x128xf32, #tpu.memory_space<vmem>>
        %dma_start3A_94 = tpu.memref_squeeze %dma_start3A_93 : memref<1x128x128xf32, #tpu.memory_space<vmem>> -> memref<128x128xf32, #tpu.memory_space<vmem>>
        %dma_start3A_95 = arith.constant 0 : i32
        %dma_start3A_96 = tpu.memref_slice %arg8[%dma_start3A, %dma_start3A_89, %dma_start3A_95] : memref<3x2x128xi32, #tpu.memory_space<vmem>> -> memref<1x1x128xi32, #tpu.memory_space<vmem>>
        %dma_start3A_97 = tpu.memref_squeeze %dma_start3A_96 : memref<1x1x128xi32, #tpu.memory_space<vmem>> -> memref<128xi32, #tpu.memory_space<vmem>>
        %dma_start3A_98 = arith.constant 0 : i32
        %dma_start3A_99 = arith.constant 0 : i32
        %dma_start3A_100 = tpu.memref_slice %arg2[%dma_start3A_98, %dma_start3A_99] : memref<10240x128xf32, #tpu.memory_space<hbm>> -> memref<10240x128xf32, #tpu.memory_space<hbm>>
        tpu.enqueue_indirect_dma source(%dma_start3A_100 : memref<10240x128xf32, #tpu.memory_space<hbm>>) target(%dma_start3A_94 : memref<128x128xf32, #tpu.memory_space<vmem>>) offsets(%dma_start3A_97 : memref<128xi32, #tpu.memory_space<vmem>>) semaphore(%arg15 : memref<!tpu.dma_semaphore, #tpu.memory_space<semaphore_mem>>)
      } else {
      }
      %eq3A_84 = arith.constant 1 : i32
      %eq3A_85 = arith.cmpi eq, %arg0, %eq3A_84 : i32
      %convert_element_type3A_86 = arith.extui %eq3A_85 : i1 to i32
      %cond3A_87 = arith.constant 0 : i32
      %cond3A_88 = arith.cmpi ne, %convert_element_type3A_86, %cond3A_87 : i32
      scf.if %cond3A_88 {
        %dma_start3A = arith.constant 1 : i32
        %dma_start3A_89 = arith.constant 0 : i32
        %dma_start3A_90 = arith.constant 1 : i32
        %dma_start3A_91 = arith.constant 0 : i32
        %dma_start3A_92 = arith.constant 0 : i32
        %dma_start3A_93 = tpu.memref_slice %arg9[%dma_start3A_90, %dma_start3A_91, %dma_start3A_92] : memref<3x128x128xf32, #tpu.memory_space<vmem>> -> memref<1x128x128xf32, #tpu.memory_space<vmem>>
        %dma_start3A_94 = tpu.memref_squeeze %dma_start3A_93 : memref<1x128x128xf32, #tpu.memory_space<vmem>> -> memref<128x128xf32, #tpu.memory_space<vmem>>
        %dma_start3A_95 = arith.constant 0 : i32
        %dma_start3A_96 = tpu.memref_slice %arg8[%dma_start3A, %dma_start3A_89, %dma_start3A_95] : memref<3x2x128xi32, #tpu.memory_space<vmem>> -> memref<1x1x128xi32, #tpu.memory_space<vmem>>
        %dma_start3A_97 = tpu.memref_squeeze %dma_start3A_96 : memref<1x1x128xi32, #tpu.memory_space<vmem>> -> memref<128xi32, #tpu.memory_space<vmem>>
        %dma_start3A_98 = arith.constant 0 : i32
        %dma_start3A_99 = arith.constant 0 : i32
        %dma_start3A_100 = tpu.memref_slice %arg3[%dma_start3A_98, %dma_start3A_99] : memref<10240x128xf32, #tpu.memory_space<hbm>> -> memref<10240x128xf32, #tpu.memory_space<hbm>>
        tpu.enqueue_indirect_dma source(%dma_start3A_100 : memref<10240x128xf32, #tpu.memory_space<hbm>>) target(%dma_start3A_94 : memref<128x128xf32, #tpu.memory_space<vmem>>) offsets(%dma_start3A_97 : memref<128xi32, #tpu.memory_space<vmem>>) semaphore(%arg15 : memref<!tpu.dma_semaphore, #tpu.memory_space<semaphore_mem>>)
      } else {
      }
    } else {
    }
    %add3A_36 = arith.constant 32 : i32
    %add3A_37 = arith.addi %arg1, %add3A_36 : i32
    %lt3A_38 = arith.constant 2500 : i32
    %lt3A_39 = arith.cmpi slt, %add3A_37, %lt3A_38 : i32
    %and3A_40 = arith.constant true
    %and3A_41 = arith.andi %and3A_40, %lt3A_39 : i1
    %convert_element_type3A_42 = arith.extui %and3A_41 : i1 to i32
    %cond3A_43 = arith.constant 0 : i32
    %cond3A_44 = arith.cmpi ne, %convert_element_type3A_42, %cond3A_43 : i32
    scf.if %cond3A_44 {
      %add3A_62 = arith.constant 32 : i32
      %add3A_63 = arith.addi %arg1, %add3A_62 : i32
      %dma_start3A = arith.constant 2 : i32
      %dma_start3A_64 = arith.constant 0 : i32
      %dma_start3A_65 = arith.constant 0 : i32
      %dma_start3A_66 = tpu.memref_slice %arg8[%dma_start3A, %dma_start3A_64, %dma_start3A_65] : memref<3x2x128xi32, #tpu.memory_space<vmem>> -> memref<1x2x128xi32, #tpu.memory_space<vmem>>
      %dma_start3A_67 = tpu.memref_squeeze %dma_start3A_66 : memref<1x2x128xi32, #tpu.memory_space<vmem>> -> memref<2x128xi32, #tpu.memory_space<vmem>>
      %dma_start3A_68 = arith.constant 0 : i32
      %dma_start3A_69 = arith.constant 0 : i32
      %dma_start3A_70 = tpu.memref_slice %arg4[%dma_start3A_68, %add3A_63, %dma_start3A_69] : memref<2x2500x128xi32, #tpu.memory_space<hbm>> -> memref<2x1x128xi32, #tpu.memory_space<hbm>>
      %dma_start3A_71 = tpu.memref_squeeze %dma_start3A_70 : memref<2x1x128xi32, #tpu.memory_space<hbm>> -> memref<2x128xi32, #tpu.memory_space<hbm>>
      %dma_start3A_72 = arith.constant 0 : i32
      %dma_start3A_73 = arith.constant 0 : i32
      %dma_start3A_74 = tpu.memref_slice %arg8[%dma_start3A, %dma_start3A_72, %dma_start3A_73] : memref<3x2x128xi32, #tpu.memory_space<vmem>> -> memref<1x2x128xi32, #tpu.memory_space<vmem>>
      %dma_start3A_75 = tpu.memref_squeeze %dma_start3A_74 : memref<1x2x128xi32, #tpu.memory_space<vmem>> -> memref<2x128xi32, #tpu.memory_space<vmem>>
      %dma_start3A_76 = arith.constant 0 : i32
      %dma_start3A_77 = arith.constant 0 : i32
      %dma_start3A_78 = tpu.memref_slice %arg4[%dma_start3A_76, %add3A_63, %dma_start3A_77] : memref<2x2500x128xi32, #tpu.memory_space<hbm>> -> memref<2x1x128xi32, #tpu.memory_space<hbm>>
      %dma_start3A_79 = tpu.memref_squeeze %dma_start3A_78 : memref<2x1x128xi32, #tpu.memory_space<hbm>> -> memref<2x128xi32, #tpu.memory_space<hbm>>
      tpu.enqueue_dma source(%dma_start3A_79 : memref<2x128xi32, #tpu.memory_space<hbm>>) target(%dma_start3A_75 : memref<2x128xi32, #tpu.memory_space<vmem>>) target_semaphore(%arg13 : memref<!tpu.dma_semaphore, #tpu.memory_space<semaphore_mem>>)
    } else {
    }
    %scan3A = arith.constant 0 : i32
    %scan3A_45 = arith.constant 0 : i32
    %scan3A_46 = arith.constant 53 : i32
    %scan3A_47 = arith.addi %scan3A_45, %scan3A_46 : i32
    %scan3A_48 = arith.constant 1 : i32
    %scan3A_49 = scf.for %scan3A_62 = %scan3A_45 to %scan3A_47 step %scan3A_48 iter_args(%scan3A_63 = %scan3A) -> (i32)  : i32 {
      %mul3A_64 = arith.constant 3 : i32
      %mul3A_65 = arith.muli %scan3A_62, %mul3A_64 : i32
      %add3A_66 = arith.constant 0 : i32
      %add3A_67 = arith.addi %mul3A_65, %add3A_66 : i32
      %ge3A = arith.constant 0 : i32
      %ge3A_68 = arith.cmpi sge, %add3A_67, %ge3A : i32
      %mul3A_69 = arith.constant 16 : i32
      %mul3A_70 = arith.muli %add3A_67, %mul3A_69 : i32
      %add3A_71 = arith.addi %arg1, %mul3A_70 : i32
      %lt3A_72 = arith.constant 2500 : i32
      %lt3A_73 = arith.cmpi slt, %add3A_71, %lt3A_72 : i32
      %and3A_74 = arith.andi %ge3A_68, %lt3A_73 : i1
      %convert_element_type3A_75 = arith.extui %and3A_74 : i1 to i32
      %cond3A_76 = arith.constant 0 : i32
      %cond3A_77 = arith.cmpi ne, %convert_element_type3A_75, %cond3A_76 : i32
      scf.if %cond3A_77 {
        %dma_wait3A = arith.constant 0 : i32
        %dma_wait3A_148 = arith.constant 0 : i32
        %dma_wait3A_149 = arith.constant 0 : i32
        %dma_wait3A_150 = arith.constant 0 : i32
        %dma_wait3A_151 = arith.constant 0 : i32
        %dma_wait3A_152 = tpu.memref_slice %arg9[%dma_wait3A_149, %dma_wait3A_150, %dma_wait3A_151] : memref<3x128x128xf32, #tpu.memory_space<vmem>> -> memref<1x128x128xf32, #tpu.memory_space<vmem>>
        %dma_wait3A_153 = tpu.memref_squeeze %dma_wait3A_152 : memref<1x128x128xf32, #tpu.memory_space<vmem>> -> memref<128x128xf32, #tpu.memory_space<vmem>>
        %dma_wait3A_154 = arith.constant 0 : i32
        %dma_wait3A_155 = tpu.memref_slice %arg8[%dma_wait3A, %dma_wait3A_148, %dma_wait3A_154] : memref<3x2x128xi32, #tpu.memory_space<vmem>> -> memref<1x1x128xi32, #tpu.memory_space<vmem>>
        %dma_wait3A_156 = tpu.memref_squeeze %dma_wait3A_155 : memref<1x1x128xi32, #tpu.memory_space<vmem>> -> memref<128xi32, #tpu.memory_space<vmem>>
        %dma_wait3A_157 = arith.constant 0 : i32
        %dma_wait3A_158 = arith.constant 0 : i32
        %dma_wait3A_159 = tpu.memref_slice %arg2[%dma_wait3A_157, %dma_wait3A_158] : memref<10240x128xf32, #tpu.memory_space<hbm>> -> memref<10240x128xf32, #tpu.memory_space<hbm>>
        tpu.wait_indirect_dma semaphore(%arg14 : memref<!tpu.dma_semaphore, #tpu.memory_space<semaphore_mem>>) src(%dma_wait3A_159 : memref<10240x128xf32, #tpu.memory_space<hbm>>) dst(%dma_wait3A_153 : memref<128x128xf32, #tpu.memory_space<vmem>>)
        %run_scoped3A = arith.constant 0 : i32
        %run_scoped3A_160 = arith.constant 0 : i32
        %run_scoped3A_161 = arith.constant 1 : i32
        "tpu.region"() ({
          %run_scoped3A_175 = tpu.sem_alloc : memref<!tpu.dma_semaphore, #tpu.memory_space<semaphore_mem>>
          %dma_start3A = arith.constant 0 : i32
          %dma_start3A_176 = arith.constant 0 : i32
          %dma_start3A_177 = tpu.memref_slice %arg9[%run_scoped3A, %dma_start3A, %dma_start3A_176] : memref<3x128x128xf32, #tpu.memory_space<vmem>> -> memref<1x128x128xf32, #tpu.memory_space<vmem>>
          %dma_start3A_178 = tpu.memref_squeeze %dma_start3A_177 : memref<1x128x128xf32, #tpu.memory_space<vmem>> -> memref<128x128xf32, #tpu.memory_space<vmem>>
          %dma_start3A_179 = arith.constant 0 : i32
          %dma_start3A_180 = tpu.memref_slice %arg8[%run_scoped3A_160, %run_scoped3A_161, %dma_start3A_179] : memref<3x2x128xi32, #tpu.memory_space<vmem>> -> memref<1x1x128xi32, #tpu.memory_space<vmem>>
          %dma_start3A_181 = tpu.memref_squeeze %dma_start3A_180 : memref<1x1x128xi32, #tpu.memory_space<vmem>> -> memref<128xi32, #tpu.memory_space<vmem>>
          %dma_start3A_182 = arith.constant 0 : i32
          %dma_start3A_183 = arith.constant 0 : i32
          %dma_start3A_184 = tpu.memref_slice %arg10[%dma_start3A_182, %dma_start3A_183] : memref<10000x128xf32, #tpu.memory_space<vmem_shared>> -> memref<10000x128xf32, #tpu.memory_space<vmem_shared>>
          tpu.enqueue_indirect_dma source(%dma_start3A_178 : memref<128x128xf32, #tpu.memory_space<vmem>>) target(%dma_start3A_184 : memref<10000x128xf32, #tpu.memory_space<vmem_shared>>) offsets(%dma_start3A_181 : memref<128xi32, #tpu.memory_space<vmem>>) semaphore(%run_scoped3A_175 : memref<!tpu.dma_semaphore, #tpu.memory_space<semaphore_mem>>) {add = true}
          %dma_wait3A_185 = arith.constant 0 : i32
          %dma_wait3A_186 = arith.constant 0 : i32
          %dma_wait3A_187 = tpu.memref_slice %arg9[%run_scoped3A, %dma_wait3A_185, %dma_wait3A_186] : memref<3x128x128xf32, #tpu.memory_space<vmem>> -> memref<1x128x128xf32, #tpu.memory_space<vmem>>
          %dma_wait3A_188 = tpu.memref_squeeze %dma_wait3A_187 : memref<1x128x128xf32, #tpu.memory_space<vmem>> -> memref<128x128xf32, #tpu.memory_space<vmem>>
          %dma_wait3A_189 = arith.constant 0 : i32
          %dma_wait3A_190 = tpu.memref_slice %arg8[%run_scoped3A_160, %run_scoped3A_161, %dma_wait3A_189] : memref<3x2x128xi32, #tpu.memory_space<vmem>> -> memref<1x1x128xi32, #tpu.memory_space<vmem>>
          %dma_wait3A_191 = tpu.memref_squeeze %dma_wait3A_190 : memref<1x1x128xi32, #tpu.memory_space<vmem>> -> memref<128xi32, #tpu.memory_space<vmem>>
          %dma_wait3A_192 = arith.constant 0 : i32
          %dma_wait3A_193 = arith.constant 0 : i32
          %dma_wait3A_194 = tpu.memref_slice %arg10[%dma_wait3A_192, %dma_wait3A_193] : memref<10000x128xf32, #tpu.memory_space<vmem_shared>> -> memref<10000x128xf32, #tpu.memory_space<vmem_shared>>
          tpu.wait_indirect_dma semaphore(%run_scoped3A_175 : memref<!tpu.dma_semaphore, #tpu.memory_space<semaphore_mem>>) src(%dma_wait3A_188 : memref<128x128xf32, #tpu.memory_space<vmem>>) dst(%dma_wait3A_194 : memref<10000x128xf32, #tpu.memory_space<vmem_shared>>)
          tpu.yield
        }) : () -> ()
        %add3A_162 = arith.constant 3 : i32
        %add3A_163 = arith.addi %add3A_67, %add3A_162 : i32
        %ge3A_164 = arith.constant 0 : i32
        %ge3A_165 = arith.cmpi sge, %add3A_163, %ge3A_164 : i32
        %mul3A_166 = arith.constant 16 : i32
        %mul3A_167 = arith.muli %add3A_163, %mul3A_166 : i32
        %add3A_168 = arith.addi %arg1, %mul3A_167 : i32
        %lt3A_169 = arith.constant 2500 : i32
        %lt3A_170 = arith.cmpi slt, %add3A_168, %lt3A_169 : i32
        %and3A_171 = arith.andi %ge3A_165, %lt3A_170 : i1
        %convert_element_type3A_172 = arith.extui %and3A_171 : i1 to i32
        %cond3A_173 = arith.constant 0 : i32
        %cond3A_174 = arith.cmpi ne, %convert_element_type3A_172, %cond3A_173 : i32
        scf.if %cond3A_174 {
          %add3A_175 = arith.constant 3 : i32
          %add3A_176 = arith.addi %add3A_67, %add3A_175 : i32
          %mul3A_177 = arith.constant 16 : i32
          %mul3A_178 = arith.muli %add3A_176, %mul3A_177 : i32
          %add3A_179 = arith.addi %arg1, %mul3A_178 : i32
          %dma_start3A = arith.constant 0 : i32
          %dma_start3A_180 = arith.constant 0 : i32
          %dma_start3A_181 = arith.constant 0 : i32
          %dma_start3A_182 = tpu.memref_slice %arg8[%dma_start3A, %dma_start3A_180, %dma_start3A_181] : memref<3x2x128xi32, #tpu.memory_space<vmem>> -> memref<1x2x128xi32, #tpu.memory_space<vmem>>
          %dma_start3A_183 = tpu.memref_squeeze %dma_start3A_182 : memref<1x2x128xi32, #tpu.memory_space<vmem>> -> memref<2x128xi32, #tpu.memory_space<vmem>>
          %dma_start3A_184 = arith.constant 0 : i32
          %dma_start3A_185 = arith.constant 0 : i32
          %dma_start3A_186 = tpu.memref_slice %arg4[%dma_start3A_184, %add3A_179, %dma_start3A_185] : memref<2x2500x128xi32, #tpu.memory_space<hbm>> -> memref<2x1x128xi32, #tpu.memory_space<hbm>>
          %dma_start3A_187 = tpu.memref_squeeze %dma_start3A_186 : memref<2x1x128xi32, #tpu.memory_space<hbm>> -> memref<2x128xi32, #tpu.memory_space<hbm>>
          %dma_start3A_188 = arith.constant 0 : i32
          %dma_start3A_189 = arith.constant 0 : i32
          %dma_start3A_190 = tpu.memref_slice %arg8[%dma_start3A, %dma_start3A_188, %dma_start3A_189] : memref<3x2x128xi32, #tpu.memory_space<vmem>> -> memref<1x2x128xi32, #tpu.memory_space<vmem>>
          %dma_start3A_191 = tpu.memref_squeeze %dma_start3A_190 : memref<1x2x128xi32, #tpu.memory_space<vmem>> -> memref<2x128xi32, #tpu.memory_space<vmem>>
          %dma_start3A_192 = arith.constant 0 : i32
          %dma_start3A_193 = arith.constant 0 : i32
          %dma_start3A_194 = tpu.memref_slice %arg4[%dma_start3A_192, %add3A_179, %dma_start3A_193] : memref<2x2500x128xi32, #tpu.memory_space<hbm>> -> memref<2x1x128xi32, #tpu.memory_space<hbm>>
          %dma_start3A_195 = tpu.memref_squeeze %dma_start3A_194 : memref<2x1x128xi32, #tpu.memory_space<hbm>> -> memref<2x128xi32, #tpu.memory_space<hbm>>
          tpu.enqueue_dma source(%dma_start3A_195 : memref<2x128xi32, #tpu.memory_space<hbm>>) target(%dma_start3A_191 : memref<2x128xi32, #tpu.memory_space<vmem>>) target_semaphore(%arg11 : memref<!tpu.dma_semaphore, #tpu.memory_space<semaphore_mem>>)
        } else {
        }
      } else {
      }
      %add3A_78 = arith.constant 2 : i32
      %add3A_79 = arith.addi %add3A_67, %add3A_78 : i32
      %ge3A_80 = arith.constant 0 : i32
      %ge3A_81 = arith.cmpi sge, %add3A_79, %ge3A_80 : i32
      %mul3A_82 = arith.constant 16 : i32
      %mul3A_83 = arith.muli %add3A_79, %mul3A_82 : i32
      %add3A_84 = arith.addi %arg1, %mul3A_83 : i32
      %lt3A_85 = arith.constant 2500 : i32
      %lt3A_86 = arith.cmpi slt, %add3A_84, %lt3A_85 : i32
      %and3A_87 = arith.andi %ge3A_81, %lt3A_86 : i1
      %convert_element_type3A_88 = arith.extui %and3A_87 : i1 to i32
      %cond3A_89 = arith.constant 0 : i32
      %cond3A_90 = arith.cmpi ne, %convert_element_type3A_88, %cond3A_89 : i32
      scf.if %cond3A_90 {
        %dma_wait3A = arith.constant 0 : i32
        %dma_wait3A_148 = arith.constant 2 : i32
        %dma_wait3A_149 = arith.constant 0 : i32
        %dma_wait3A_150 = arith.constant 0 : i32
        %dma_wait3A_151 = tpu.memref_slice %arg8[%dma_wait3A_148, %dma_wait3A_149, %dma_wait3A_150] : memref<3x2x128xi32, #tpu.memory_space<vmem>> -> memref<1x2x128xi32, #tpu.memory_space<vmem>>
        %dma_wait3A_152 = tpu.memref_squeeze %dma_wait3A_151 : memref<1x2x128xi32, #tpu.memory_space<vmem>> -> memref<2x128xi32, #tpu.memory_space<vmem>>
        %dma_wait3A_153 = arith.constant 0 : i32
        %dma_wait3A_154 = arith.constant 0 : i32
        %dma_wait3A_155 = tpu.memref_slice %arg4[%dma_wait3A_153, %dma_wait3A, %dma_wait3A_154] : memref<2x2500x128xi32, #tpu.memory_space<hbm>> -> memref<2x1x128xi32, #tpu.memory_space<hbm>>
        %dma_wait3A_156 = tpu.memref_squeeze %dma_wait3A_155 : memref<2x1x128xi32, #tpu.memory_space<hbm>> -> memref<2x128xi32, #tpu.memory_space<hbm>>
        %dma_wait3A_157 = arith.constant 0 : i32
        %dma_wait3A_158 = arith.constant 0 : i32
        %dma_wait3A_159 = tpu.memref_slice %arg8[%dma_wait3A_148, %dma_wait3A_157, %dma_wait3A_158] : memref<3x2x128xi32, #tpu.memory_space<vmem>> -> memref<1x2x128xi32, #tpu.memory_space<vmem>>
        %dma_wait3A_160 = tpu.memref_squeeze %dma_wait3A_159 : memref<1x2x128xi32, #tpu.memory_space<vmem>> -> memref<2x128xi32, #tpu.memory_space<vmem>>
        %dma_wait3A_161 = arith.constant 0 : i32
        %dma_wait3A_162 = arith.constant 0 : i32
        %dma_wait3A_163 = tpu.memref_slice %arg4[%dma_wait3A_161, %dma_wait3A, %dma_wait3A_162] : memref<2x2500x128xi32, #tpu.memory_space<hbm>> -> memref<2x1x128xi32, #tpu.memory_space<hbm>>
        %dma_wait3A_164 = tpu.memref_squeeze %dma_wait3A_163 : memref<2x1x128xi32, #tpu.memory_space<hbm>> -> memref<2x128xi32, #tpu.memory_space<hbm>>
        tpu.wait_dma2 semaphore(%arg13 : memref<!tpu.dma_semaphore, #tpu.memory_space<semaphore_mem>>) src(%dma_wait3A_164 : memref<2x128xi32, #tpu.memory_space<hbm>>) dst(%dma_wait3A_160 : memref<2x128xi32, #tpu.memory_space<vmem>>)
        %eq3A_165 = arith.constant 0 : i32
        %eq3A_166 = arith.cmpi eq, %arg0, %eq3A_165 : i32
        %convert_element_type3A_167 = arith.extui %eq3A_166 : i1 to i32
        %cond3A_168 = arith.constant 0 : i32
        %cond3A_169 = arith.cmpi ne, %convert_element_type3A_167, %cond3A_168 : i32
        scf.if %cond3A_169 {
          %dma_start3A = arith.constant 2 : i32
          %dma_start3A_175 = arith.constant 0 : i32
          %dma_start3A_176 = arith.constant 2 : i32
          %dma_start3A_177 = arith.constant 0 : i32
          %dma_start3A_178 = arith.constant 0 : i32
          %dma_start3A_179 = tpu.memref_slice %arg9[%dma_start3A_176, %dma_start3A_177, %dma_start3A_178] : memref<3x128x128xf32, #tpu.memory_space<vmem>> -> memref<1x128x128xf32, #tpu.memory_space<vmem>>
          %dma_start3A_180 = tpu.memref_squeeze %dma_start3A_179 : memref<1x128x128xf32, #tpu.memory_space<vmem>> -> memref<128x128xf32, #tpu.memory_space<vmem>>
          %dma_start3A_181 = arith.constant 0 : i32
          %dma_start3A_182 = tpu.memref_slice %arg8[%dma_start3A, %dma_start3A_175, %dma_start3A_181] : memref<3x2x128xi32, #tpu.memory_space<vmem>> -> memref<1x1x128xi32, #tpu.memory_space<vmem>>
          %dma_start3A_183 = tpu.memref_squeeze %dma_start3A_182 : memref<1x1x128xi32, #tpu.memory_space<vmem>> -> memref<128xi32, #tpu.memory_space<vmem>>
          %dma_start3A_184 = arith.constant 0 : i32
          %dma_start3A_185 = arith.constant 0 : i32
          %dma_start3A_186 = tpu.memref_slice %arg2[%dma_start3A_184, %dma_start3A_185] : memref<10240x128xf32, #tpu.memory_space<hbm>> -> memref<10240x128xf32, #tpu.memory_space<hbm>>
          tpu.enqueue_indirect_dma source(%dma_start3A_186 : memref<10240x128xf32, #tpu.memory_space<hbm>>) target(%dma_start3A_180 : memref<128x128xf32, #tpu.memory_space<vmem>>) offsets(%dma_start3A_183 : memref<128xi32, #tpu.memory_space<vmem>>) semaphore(%arg16 : memref<!tpu.dma_semaphore, #tpu.memory_space<semaphore_mem>>)
        } else {
        }
        %eq3A_170 = arith.constant 1 : i32
        %eq3A_171 = arith.cmpi eq, %arg0, %eq3A_170 : i32
        %convert_element_type3A_172 = arith.extui %eq3A_171 : i1 to i32
        %cond3A_173 = arith.constant 0 : i32
        %cond3A_174 = arith.cmpi ne, %convert_element_type3A_172, %cond3A_173 : i32
        scf.if %cond3A_174 {
          %dma_start3A = arith.constant 2 : i32
          %dma_start3A_175 = arith.constant 0 : i32
          %dma_start3A_176 = arith.constant 2 : i32
          %dma_start3A_177 = arith.constant 0 : i32
          %dma_start3A_178 = arith.constant 0 : i32
          %dma_start3A_179 = tpu.memref_slice %arg9[%dma_start3A_176, %dma_start3A_177, %dma_start3A_178] : memref<3x128x128xf32, #tpu.memory_space<vmem>> -> memref<1x128x128xf32, #tpu.memory_space<vmem>>
          %dma_start3A_180 = tpu.memref_squeeze %dma_start3A_179 : memref<1x128x128xf32, #tpu.memory_space<vmem>> -> memref<128x128xf32, #tpu.memory_space<vmem>>
          %dma_start3A_181 = arith.constant 0 : i32
          %dma_start3A_182 = tpu.memref_slice %arg8[%dma_start3A, %dma_start3A_175, %dma_start3A_181] : memref<3x2x128xi32, #tpu.memory_space<vmem>> -> memref<1x1x128xi32, #tpu.memory_space<vmem>>
          %dma_start3A_183 = tpu.memref_squeeze %dma_start3A_182 : memref<1x1x128xi32, #tpu.memory_space<vmem>> -> memref<128xi32, #tpu.memory_space<vmem>>
          %dma_start3A_184 = arith.constant 0 : i32
          %dma_start3A_185 = arith.constant 0 : i32
          %dma_start3A_186 = tpu.memref_slice %arg3[%dma_start3A_184, %dma_start3A_185] : memref<10240x128xf32, #tpu.memory_space<hbm>> -> memref<10240x128xf32, #tpu.memory_space<hbm>>
          tpu.enqueue_indirect_dma source(%dma_start3A_186 : memref<10240x128xf32, #tpu.memory_space<hbm>>) target(%dma_start3A_180 : memref<128x128xf32, #tpu.memory_space<vmem>>) offsets(%dma_start3A_183 : memref<128xi32, #tpu.memory_space<vmem>>) semaphore(%arg16 : memref<!tpu.dma_semaphore, #tpu.memory_space<semaphore_mem>>)
        } else {
        }
      } else {
      }
      %mul3A_91 = arith.constant 3 : i32
      %mul3A_92 = arith.muli %scan3A_62, %mul3A_91 : i32
      %add3A_93 = arith.constant 1 : i32
      %add3A_94 = arith.addi %mul3A_92, %add3A_93 : i32
      %ge3A_95 = arith.constant 0 : i32
      %ge3A_96 = arith.cmpi sge, %add3A_94, %ge3A_95 : i32
      %mul3A_97 = arith.constant 16 : i32
      %mul3A_98 = arith.muli %add3A_94, %mul3A_97 : i32
      %add3A_99 = arith.addi %arg1, %mul3A_98 : i32
      %lt3A_100 = arith.constant 2500 : i32
      %lt3A_101 = arith.cmpi slt, %add3A_99, %lt3A_100 : i32
      %and3A_102 = arith.andi %ge3A_96, %lt3A_101 : i1
      %convert_element_type3A_103 = arith.extui %and3A_102 : i1 to i32
      %cond3A_104 = arith.constant 0 : i32
      %cond3A_105 = arith.cmpi ne, %convert_element_type3A_103, %cond3A_104 : i32
      scf.if %cond3A_105 {
        %dma_wait3A = arith.constant 1 : i32
        %dma_wait3A_148 = arith.constant 0 : i32
        %dma_wait3A_149 = arith.constant 1 : i32
        %dma_wait3A_150 = arith.constant 0 : i32
        %dma_wait3A_151 = arith.constant 0 : i32
        %dma_wait3A_152 = tpu.memref_slice %arg9[%dma_wait3A_149, %dma_wait3A_150, %dma_wait3A_151] : memref<3x128x128xf32, #tpu.memory_space<vmem>> -> memref<1x128x128xf32, #tpu.memory_space<vmem>>
        %dma_wait3A_153 = tpu.memref_squeeze %dma_wait3A_152 : memref<1x128x128xf32, #tpu.memory_space<vmem>> -> memref<128x128xf32, #tpu.memory_space<vmem>>
        %dma_wait3A_154 = arith.constant 0 : i32
        %dma_wait3A_155 = tpu.memref_slice %arg8[%dma_wait3A, %dma_wait3A_148, %dma_wait3A_154] : memref<3x2x128xi32, #tpu.memory_space<vmem>> -> memref<1x1x128xi32, #tpu.memory_space<vmem>>
        %dma_wait3A_156 = tpu.memref_squeeze %dma_wait3A_155 : memref<1x1x128xi32, #tpu.memory_space<vmem>> -> memref<128xi32, #tpu.memory_space<vmem>>
        %dma_wait3A_157 = arith.constant 0 : i32
        %dma_wait3A_158 = arith.constant 0 : i32
        %dma_wait3A_159 = tpu.memref_slice %arg2[%dma_wait3A_157, %dma_wait3A_158] : memref<10240x128xf32, #tpu.memory_space<hbm>> -> memref<10240x128xf32, #tpu.memory_space<hbm>>
        tpu.wait_indirect_dma semaphore(%arg15 : memref<!tpu.dma_semaphore, #tpu.memory_space<semaphore_mem>>) src(%dma_wait3A_159 : memref<10240x128xf32, #tpu.memory_space<hbm>>) dst(%dma_wait3A_153 : memref<128x128xf32, #tpu.memory_space<vmem>>)
        %run_scoped3A = arith.constant 1 : i32
        %run_scoped3A_160 = arith.constant 1 : i32
        %run_scoped3A_161 = arith.constant 1 : i32
        "tpu.region"() ({
          %run_scoped3A_175 = tpu.sem_alloc : memref<!tpu.dma_semaphore, #tpu.memory_space<semaphore_mem>>
          %dma_start3A = arith.constant 0 : i32
          %dma_start3A_176 = arith.constant 0 : i32
          %dma_start3A_177 = tpu.memref_slice %arg9[%run_scoped3A, %dma_start3A, %dma_start3A_176] : memref<3x128x128xf32, #tpu.memory_space<vmem>> -> memref<1x128x128xf32, #tpu.memory_space<vmem>>
          %dma_start3A_178 = tpu.memref_squeeze %dma_start3A_177 : memref<1x128x128xf32, #tpu.memory_space<vmem>> -> memref<128x128xf32, #tpu.memory_space<vmem>>
          %dma_start3A_179 = arith.constant 0 : i32
          %dma_start3A_180 = tpu.memref_slice %arg8[%run_scoped3A_160, %run_scoped3A_161, %dma_start3A_179] : memref<3x2x128xi32, #tpu.memory_space<vmem>> -> memref<1x1x128xi32, #tpu.memory_space<vmem>>
          %dma_start3A_181 = tpu.memref_squeeze %dma_start3A_180 : memref<1x1x128xi32, #tpu.memory_space<vmem>> -> memref<128xi32, #tpu.memory_space<vmem>>
          %dma_start3A_182 = arith.constant 0 : i32
          %dma_start3A_183 = arith.constant 0 : i32
          %dma_start3A_184 = tpu.memref_slice %arg10[%dma_start3A_182, %dma_start3A_183] : memref<10000x128xf32, #tpu.memory_space<vmem_shared>> -> memref<10000x128xf32, #tpu.memory_space<vmem_shared>>
          tpu.enqueue_indirect_dma source(%dma_start3A_178 : memref<128x128xf32, #tpu.memory_space<vmem>>) target(%dma_start3A_184 : memref<10000x128xf32, #tpu.memory_space<vmem_shared>>) offsets(%dma_start3A_181 : memref<128xi32, #tpu.memory_space<vmem>>) semaphore(%run_scoped3A_175 : memref<!tpu.dma_semaphore, #tpu.memory_space<semaphore_mem>>) {add = true}
          %dma_wait3A_185 = arith.constant 0 : i32
          %dma_wait3A_186 = arith.constant 0 : i32
          %dma_wait3A_187 = tpu.memref_slice %arg9[%run_scoped3A, %dma_wait3A_185, %dma_wait3A_186] : memref<3x128x128xf32, #tpu.memory_space<vmem>> -> memref<1x128x128xf32, #tpu.memory_space<vmem>>
          %dma_wait3A_188 = tpu.memref_squeeze %dma_wait3A_187 : memref<1x128x128xf32, #tpu.memory_space<vmem>> -> memref<128x128xf32, #tpu.memory_space<vmem>>
          %dma_wait3A_189 = arith.constant 0 : i32
          %dma_wait3A_190 = tpu.memref_slice %arg8[%run_scoped3A_160, %run_scoped3A_161, %dma_wait3A_189] : memref<3x2x128xi32, #tpu.memory_space<vmem>> -> memref<1x1x128xi32, #tpu.memory_space<vmem>>
          %dma_wait3A_191 = tpu.memref_squeeze %dma_wait3A_190 : memref<1x1x128xi32, #tpu.memory_space<vmem>> -> memref<128xi32, #tpu.memory_space<vmem>>
          %dma_wait3A_192 = arith.constant 0 : i32
          %dma_wait3A_193 = arith.constant 0 : i32
          %dma_wait3A_194 = tpu.memref_slice %arg10[%dma_wait3A_192, %dma_wait3A_193] : memref<10000x128xf32, #tpu.memory_space<vmem_shared>> -> memref<10000x128xf32, #tpu.memory_space<vmem_shared>>
          tpu.wait_indirect_dma semaphore(%run_scoped3A_175 : memref<!tpu.dma_semaphore, #tpu.memory_space<semaphore_mem>>) src(%dma_wait3A_188 : memref<128x128xf32, #tpu.memory_space<vmem>>) dst(%dma_wait3A_194 : memref<10000x128xf32, #tpu.memory_space<vmem_shared>>)
          tpu.yield
        }) : () -> ()
        %add3A_162 = arith.constant 3 : i32
        %add3A_163 = arith.addi %add3A_94, %add3A_162 : i32
        %ge3A_164 = arith.constant 0 : i32
        %ge3A_165 = arith.cmpi sge, %add3A_163, %ge3A_164 : i32
        %mul3A_166 = arith.constant 16 : i32
        %mul3A_167 = arith.muli %add3A_163, %mul3A_166 : i32
        %add3A_168 = arith.addi %arg1, %mul3A_167 : i32
        %lt3A_169 = arith.constant 2500 : i32
        %lt3A_170 = arith.cmpi slt, %add3A_168, %lt3A_169 : i32
        %and3A_171 = arith.andi %ge3A_165, %lt3A_170 : i1
        %convert_element_type3A_172 = arith.extui %and3A_171 : i1 to i32
        %cond3A_173 = arith.constant 0 : i32
        %cond3A_174 = arith.cmpi ne, %convert_element_type3A_172, %cond3A_173 : i32
        scf.if %cond3A_174 {
          %add3A_175 = arith.constant 3 : i32
          %add3A_176 = arith.addi %add3A_94, %add3A_175 : i32
          %mul3A_177 = arith.constant 16 : i32
          %mul3A_178 = arith.muli %add3A_176, %mul3A_177 : i32
          %add3A_179 = arith.addi %arg1, %mul3A_178 : i32
          %dma_start3A = arith.constant 1 : i32
          %dma_start3A_180 = arith.constant 0 : i32
          %dma_start3A_181 = arith.constant 0 : i32
          %dma_start3A_182 = tpu.memref_slice %arg8[%dma_start3A, %dma_start3A_180, %dma_start3A_181] : memref<3x2x128xi32, #tpu.memory_space<vmem>> -> memref<1x2x128xi32, #tpu.memory_space<vmem>>
          %dma_start3A_183 = tpu.memref_squeeze %dma_start3A_182 : memref<1x2x128xi32, #tpu.memory_space<vmem>> -> memref<2x128xi32, #tpu.memory_space<vmem>>
          %dma_start3A_184 = arith.constant 0 : i32
          %dma_start3A_185 = arith.constant 0 : i32
          %dma_start3A_186 = tpu.memref_slice %arg4[%dma_start3A_184, %add3A_179, %dma_start3A_185] : memref<2x2500x128xi32, #tpu.memory_space<hbm>> -> memref<2x1x128xi32, #tpu.memory_space<hbm>>
          %dma_start3A_187 = tpu.memref_squeeze %dma_start3A_186 : memref<2x1x128xi32, #tpu.memory_space<hbm>> -> memref<2x128xi32, #tpu.memory_space<hbm>>
          %dma_start3A_188 = arith.constant 0 : i32
          %dma_start3A_189 = arith.constant 0 : i32
          %dma_start3A_190 = tpu.memref_slice %arg8[%dma_start3A, %dma_start3A_188, %dma_start3A_189] : memref<3x2x128xi32, #tpu.memory_space<vmem>> -> memref<1x2x128xi32, #tpu.memory_space<vmem>>
          %dma_start3A_191 = tpu.memref_squeeze %dma_start3A_190 : memref<1x2x128xi32, #tpu.memory_space<vmem>> -> memref<2x128xi32, #tpu.memory_space<vmem>>
          %dma_start3A_192 = arith.constant 0 : i32
          %dma_start3A_193 = arith.constant 0 : i32
          %dma_start3A_194 = tpu.memref_slice %arg4[%dma_start3A_192, %add3A_179, %dma_start3A_193] : memref<2x2500x128xi32, #tpu.memory_space<hbm>> -> memref<2x1x128xi32, #tpu.memory_space<hbm>>
          %dma_start3A_195 = tpu.memref_squeeze %dma_start3A_194 : memref<2x1x128xi32, #tpu.memory_space<hbm>> -> memref<2x128xi32, #tpu.memory_space<hbm>>
          tpu.enqueue_dma source(%dma_start3A_195 : memref<2x128xi32, #tpu.memory_space<hbm>>) target(%dma_start3A_191 : memref<2x128xi32, #tpu.memory_space<vmem>>) target_semaphore(%arg12 : memref<!tpu.dma_semaphore, #tpu.memory_space<semaphore_mem>>)
        } else {
        }
      } else {
      }
      %add3A_106 = arith.constant 2 : i32
      %add3A_107 = arith.addi %add3A_94, %add3A_106 : i32
      %ge3A_108 = arith.constant 0 : i32
      %ge3A_109 = arith.cmpi sge, %add3A_107, %ge3A_108 : i32
      %mul3A_110 = arith.constant 16 : i32
      %mul3A_111 = arith.muli %add3A_107, %mul3A_110 : i32
      %add3A_112 = arith.addi %arg1, %mul3A_111 : i32
      %lt3A_113 = arith.constant 2500 : i32
      %lt3A_114 = arith.cmpi slt, %add3A_112, %lt3A_113 : i32
      %and3A_115 = arith.andi %ge3A_109, %lt3A_114 : i1
      %convert_element_type3A_116 = arith.extui %and3A_115 : i1 to i32
      %cond3A_117 = arith.constant 0 : i32
      %cond3A_118 = arith.cmpi ne, %convert_element_type3A_116, %cond3A_117 : i32
      scf.if %cond3A_118 {
        %dma_wait3A = arith.constant 0 : i32
        %dma_wait3A_148 = arith.constant 0 : i32
        %dma_wait3A_149 = arith.constant 0 : i32
        %dma_wait3A_150 = arith.constant 0 : i32
        %dma_wait3A_151 = tpu.memref_slice %arg8[%dma_wait3A_148, %dma_wait3A_149, %dma_wait3A_150] : memref<3x2x128xi32, #tpu.memory_space<vmem>> -> memref<1x2x128xi32, #tpu.memory_space<vmem>>
        %dma_wait3A_152 = tpu.memref_squeeze %dma_wait3A_151 : memref<1x2x128xi32, #tpu.memory_space<vmem>> -> memref<2x128xi32, #tpu.memory_space<vmem>>
        %dma_wait3A_153 = arith.constant 0 : i32
        %dma_wait3A_154 = arith.constant 0 : i32
        %dma_wait3A_155 = tpu.memref_slice %arg4[%dma_wait3A_153, %dma_wait3A, %dma_wait3A_154] : memref<2x2500x128xi32, #tpu.memory_space<hbm>> -> memref<2x1x128xi32, #tpu.memory_space<hbm>>
        %dma_wait3A_156 = tpu.memref_squeeze %dma_wait3A_155 : memref<2x1x128xi32, #tpu.memory_space<hbm>> -> memref<2x128xi32, #tpu.memory_space<hbm>>
        %dma_wait3A_157 = arith.constant 0 : i32
        %dma_wait3A_158 = arith.constant 0 : i32
        %dma_wait3A_159 = tpu.memref_slice %arg8[%dma_wait3A_148, %dma_wait3A_157, %dma_wait3A_158] : memref<3x2x128xi32, #tpu.memory_space<vmem>> -> memref<1x2x128xi32, #tpu.memory_space<vmem>>
        %dma_wait3A_160 = tpu.memref_squeeze %dma_wait3A_159 : memref<1x2x128xi32, #tpu.memory_space<vmem>> -> memref<2x128xi32, #tpu.memory_space<vmem>>
        %dma_wait3A_161 = arith.constant 0 : i32
        %dma_wait3A_162 = arith.constant 0 : i32
        %dma_wait3A_163 = tpu.memref_slice %arg4[%dma_wait3A_161, %dma_wait3A, %dma_wait3A_162] : memref<2x2500x128xi32, #tpu.memory_space<hbm>> -> memref<2x1x128xi32, #tpu.memory_space<hbm>>
        %dma_wait3A_164 = tpu.memref_squeeze %dma_wait3A_163 : memref<2x1x128xi32, #tpu.memory_space<hbm>> -> memref<2x128xi32, #tpu.memory_space<hbm>>
        tpu.wait_dma2 semaphore(%arg11 : memref<!tpu.dma_semaphore, #tpu.memory_space<semaphore_mem>>) src(%dma_wait3A_164 : memref<2x128xi32, #tpu.memory_space<hbm>>) dst(%dma_wait3A_160 : memref<2x128xi32, #tpu.memory_space<vmem>>)
        %eq3A_165 = arith.constant 0 : i32
        %eq3A_166 = arith.cmpi eq, %arg0, %eq3A_165 : i32
        %convert_element_type3A_167 = arith.extui %eq3A_166 : i1 to i32
        %cond3A_168 = arith.constant 0 : i32
        %cond3A_169 = arith.cmpi ne, %convert_element_type3A_167, %cond3A_168 : i32
        scf.if %cond3A_169 {
          %dma_start3A = arith.constant 0 : i32
          %dma_start3A_175 = arith.constant 0 : i32
          %dma_start3A_176 = arith.constant 0 : i32
          %dma_start3A_177 = arith.constant 0 : i32
          %dma_start3A_178 = arith.constant 0 : i32
          %dma_start3A_179 = tpu.memref_slice %arg9[%dma_start3A_176, %dma_start3A_177, %dma_start3A_178] : memref<3x128x128xf32, #tpu.memory_space<vmem>> -> memref<1x128x128xf32, #tpu.memory_space<vmem>>
          %dma_start3A_180 = tpu.memref_squeeze %dma_start3A_179 : memref<1x128x128xf32, #tpu.memory_space<vmem>> -> memref<128x128xf32, #tpu.memory_space<vmem>>
          %dma_start3A_181 = arith.constant 0 : i32
          %dma_start3A_182 = tpu.memref_slice %arg8[%dma_start3A, %dma_start3A_175, %dma_start3A_181] : memref<3x2x128xi32, #tpu.memory_space<vmem>> -> memref<1x1x128xi32, #tpu.memory_space<vmem>>
          %dma_start3A_183 = tpu.memref_squeeze %dma_start3A_182 : memref<1x1x128xi32, #tpu.memory_space<vmem>> -> memref<128xi32, #tpu.memory_space<vmem>>
          %dma_start3A_184 = arith.constant 0 : i32
          %dma_start3A_185 = arith.constant 0 : i32
          %dma_start3A_186 = tpu.memref_slice %arg2[%dma_start3A_184, %dma_start3A_185] : memref<10240x128xf32, #tpu.memory_space<hbm>> -> memref<10240x128xf32, #tpu.memory_space<hbm>>
          tpu.enqueue_indirect_dma source(%dma_start3A_186 : memref<10240x128xf32, #tpu.memory_space<hbm>>) target(%dma_start3A_180 : memref<128x128xf32, #tpu.memory_space<vmem>>) offsets(%dma_start3A_183 : memref<128xi32, #tpu.memory_space<vmem>>) semaphore(%arg14 : memref<!tpu.dma_semaphore, #tpu.memory_space<semaphore_mem>>)
        } else {
        }
        %eq3A_170 = arith.constant 1 : i32
        %eq3A_171 = arith.cmpi eq, %arg0, %eq3A_170 : i32
        %convert_element_type3A_172 = arith.extui %eq3A_171 : i1 to i32
        %cond3A_173 = arith.constant 0 : i32
        %cond3A_174 = arith.cmpi ne, %convert_element_type3A_172, %cond3A_173 : i32
        scf.if %cond3A_174 {
          %dma_start3A = arith.constant 0 : i32
          %dma_start3A_175 = arith.constant 0 : i32
          %dma_start3A_176 = arith.constant 0 : i32
          %dma_start3A_177 = arith.constant 0 : i32
          %dma_start3A_178 = arith.constant 0 : i32
          %dma_start3A_179 = tpu.memref_slice %arg9[%dma_start3A_176, %dma_start3A_177, %dma_start3A_178] : memref<3x128x128xf32, #tpu.memory_space<vmem>> -> memref<1x128x128xf32, #tpu.memory_space<vmem>>
          %dma_start3A_180 = tpu.memref_squeeze %dma_start3A_179 : memref<1x128x128xf32, #tpu.memory_space<vmem>> -> memref<128x128xf32, #tpu.memory_space<vmem>>
          %dma_start3A_181 = arith.constant 0 : i32
          %dma_start3A_182 = tpu.memref_slice %arg8[%dma_start3A, %dma_start3A_175, %dma_start3A_181] : memref<3x2x128xi32, #tpu.memory_space<vmem>> -> memref<1x1x128xi32, #tpu.memory_space<vmem>>
          %dma_start3A_183 = tpu.memref_squeeze %dma_start3A_182 : memref<1x1x128xi32, #tpu.memory_space<vmem>> -> memref<128xi32, #tpu.memory_space<vmem>>
          %dma_start3A_184 = arith.constant 0 : i32
          %dma_start3A_185 = arith.constant 0 : i32
          %dma_start3A_186 = tpu.memref_slice %arg3[%dma_start3A_184, %dma_start3A_185] : memref<10240x128xf32, #tpu.memory_space<hbm>> -> memref<10240x128xf32, #tpu.memory_space<hbm>>
          tpu.enqueue_indirect_dma source(%dma_start3A_186 : memref<10240x128xf32, #tpu.memory_space<hbm>>) target(%dma_start3A_180 : memref<128x128xf32, #tpu.memory_space<vmem>>) offsets(%dma_start3A_183 : memref<128xi32, #tpu.memory_space<vmem>>) semaphore(%arg14 : memref<!tpu.dma_semaphore, #tpu.memory_space<semaphore_mem>>)
        } else {
        }
      } else {
      }
      %mul3A_119 = arith.constant 3 : i32
      %mul3A_120 = arith.muli %scan3A_62, %mul3A_119 : i32
      %add3A_121 = arith.constant 2 : i32
      %add3A_122 = arith.addi %mul3A_120, %add3A_121 : i32
      %ge3A_123 = arith.constant 0 : i32
      %ge3A_124 = arith.cmpi sge, %add3A_122, %ge3A_123 : i32
      %mul3A_125 = arith.constant 16 : i32
      %mul3A_126 = arith.muli %add3A_122, %mul3A_125 : i32
      %add3A_127 = arith.addi %arg1, %mul3A_126 : i32
      %lt3A_128 = arith.constant 2500 : i32
      %lt3A_129 = arith.cmpi slt, %add3A_127, %lt3A_128 : i32
      %and3A_130 = arith.andi %ge3A_124, %lt3A_129 : i1
      %convert_element_type3A_131 = arith.extui %and3A_130 : i1 to i32
      %cond3A_132 = arith.constant 0 : i32
      %cond3A_133 = arith.cmpi ne, %convert_element_type3A_131, %cond3A_132 : i32
      scf.if %cond3A_133 {
        %dma_wait3A = arith.constant 2 : i32
        %dma_wait3A_148 = arith.constant 0 : i32
        %dma_wait3A_149 = arith.constant 2 : i32
        %dma_wait3A_150 = arith.constant 0 : i32
        %dma_wait3A_151 = arith.constant 0 : i32
        %dma_wait3A_152 = tpu.memref_slice %arg9[%dma_wait3A_149, %dma_wait3A_150, %dma_wait3A_151] : memref<3x128x128xf32, #tpu.memory_space<vmem>> -> memref<1x128x128xf32, #tpu.memory_space<vmem>>
        %dma_wait3A_153 = tpu.memref_squeeze %dma_wait3A_152 : memref<1x128x128xf32, #tpu.memory_space<vmem>> -> memref<128x128xf32, #tpu.memory_space<vmem>>
        %dma_wait3A_154 = arith.constant 0 : i32
        %dma_wait3A_155 = tpu.memref_slice %arg8[%dma_wait3A, %dma_wait3A_148, %dma_wait3A_154] : memref<3x2x128xi32, #tpu.memory_space<vmem>> -> memref<1x1x128xi32, #tpu.memory_space<vmem>>
        %dma_wait3A_156 = tpu.memref_squeeze %dma_wait3A_155 : memref<1x1x128xi32, #tpu.memory_space<vmem>> -> memref<128xi32, #tpu.memory_space<vmem>>
        %dma_wait3A_157 = arith.constant 0 : i32
        %dma_wait3A_158 = arith.constant 0 : i32
        %dma_wait3A_159 = tpu.memref_slice %arg2[%dma_wait3A_157, %dma_wait3A_158] : memref<10240x128xf32, #tpu.memory_space<hbm>> -> memref<10240x128xf32, #tpu.memory_space<hbm>>
        tpu.wait_indirect_dma semaphore(%arg16 : memref<!tpu.dma_semaphore, #tpu.memory_space<semaphore_mem>>) src(%dma_wait3A_159 : memref<10240x128xf32, #tpu.memory_space<hbm>>) dst(%dma_wait3A_153 : memref<128x128xf32, #tpu.memory_space<vmem>>)
        %run_scoped3A = arith.constant 2 : i32
        %run_scoped3A_160 = arith.constant 2 : i32
        %run_scoped3A_161 = arith.constant 1 : i32
        "tpu.region"() ({
          %run_scoped3A_175 = tpu.sem_alloc : memref<!tpu.dma_semaphore, #tpu.memory_space<semaphore_mem>>
          %dma_start3A = arith.constant 0 : i32
          %dma_start3A_176 = arith.constant 0 : i32
          %dma_start3A_177 = tpu.memref_slice %arg9[%run_scoped3A, %dma_start3A, %dma_start3A_176] : memref<3x128x128xf32, #tpu.memory_space<vmem>> -> memref<1x128x128xf32, #tpu.memory_space<vmem>>
          %dma_start3A_178 = tpu.memref_squeeze %dma_start3A_177 : memref<1x128x128xf32, #tpu.memory_space<vmem>> -> memref<128x128xf32, #tpu.memory_space<vmem>>
          %dma_start3A_179 = arith.constant 0 : i32
          %dma_start3A_180 = tpu.memref_slice %arg8[%run_scoped3A_160, %run_scoped3A_161, %dma_start3A_179] : memref<3x2x128xi32, #tpu.memory_space<vmem>> -> memref<1x1x128xi32, #tpu.memory_space<vmem>>
          %dma_start3A_181 = tpu.memref_squeeze %dma_start3A_180 : memref<1x1x128xi32, #tpu.memory_space<vmem>> -> memref<128xi32, #tpu.memory_space<vmem>>
          %dma_start3A_182 = arith.constant 0 : i32
          %dma_start3A_183 = arith.constant 0 : i32
          %dma_start3A_184 = tpu.memref_slice %arg10[%dma_start3A_182, %dma_start3A_183] : memref<10000x128xf32, #tpu.memory_space<vmem_shared>> -> memref<10000x128xf32, #tpu.memory_space<vmem_shared>>
          tpu.enqueue_indirect_dma source(%dma_start3A_178 : memref<128x128xf32, #tpu.memory_space<vmem>>) target(%dma_start3A_184 : memref<10000x128xf32, #tpu.memory_space<vmem_shared>>) offsets(%dma_start3A_181 : memref<128xi32, #tpu.memory_space<vmem>>) semaphore(%run_scoped3A_175 : memref<!tpu.dma_semaphore, #tpu.memory_space<semaphore_mem>>) {add = true}
          %dma_wait3A_185 = arith.constant 0 : i32
          %dma_wait3A_186 = arith.constant 0 : i32
          %dma_wait3A_187 = tpu.memref_slice %arg9[%run_scoped3A, %dma_wait3A_185, %dma_wait3A_186] : memref<3x128x128xf32, #tpu.memory_space<vmem>> -> memref<1x128x128xf32, #tpu.memory_space<vmem>>
          %dma_wait3A_188 = tpu.memref_squeeze %dma_wait3A_187 : memref<1x128x128xf32, #tpu.memory_space<vmem>> -> memref<128x128xf32, #tpu.memory_space<vmem>>
          %dma_wait3A_189 = arith.constant 0 : i32
          %dma_wait3A_190 = tpu.memref_slice %arg8[%run_scoped3A_160, %run_scoped3A_161, %dma_wait3A_189] : memref<3x2x128xi32, #tpu.memory_space<vmem>> -> memref<1x1x128xi32, #tpu.memory_space<vmem>>
          %dma_wait3A_191 = tpu.memref_squeeze %dma_wait3A_190 : memref<1x1x128xi32, #tpu.memory_space<vmem>> -> memref<128xi32, #tpu.memory_space<vmem>>
          %dma_wait3A_192 = arith.constant 0 : i32
          %dma_wait3A_193 = arith.constant 0 : i32
          %dma_wait3A_194 = tpu.memref_slice %arg10[%dma_wait3A_192, %dma_wait3A_193] : memref<10000x128xf32, #tpu.memory_space<vmem_shared>> -> memref<10000x128xf32, #tpu.memory_space<vmem_shared>>
          tpu.wait_indirect_dma semaphore(%run_scoped3A_175 : memref<!tpu.dma_semaphore, #tpu.memory_space<semaphore_mem>>) src(%dma_wait3A_188 : memref<128x128xf32, #tpu.memory_space<vmem>>) dst(%dma_wait3A_194 : memref<10000x128xf32, #tpu.memory_space<vmem_shared>>)
          tpu.yield
        }) : () -> ()
        %add3A_162 = arith.constant 3 : i32
        %add3A_163 = arith.addi %add3A_122, %add3A_162 : i32
        %ge3A_164 = arith.constant 0 : i32
        %ge3A_165 = arith.cmpi sge, %add3A_163, %ge3A_164 : i32
        %mul3A_166 = arith.constant 16 : i32
        %mul3A_167 = arith.muli %add3A_163, %mul3A_166 : i32
        %add3A_168 = arith.addi %arg1, %mul3A_167 : i32
        %lt3A_169 = arith.constant 2500 : i32
        %lt3A_170 = arith.cmpi slt, %add3A_168, %lt3A_169 : i32
        %and3A_171 = arith.andi %ge3A_165, %lt3A_170 : i1
        %convert_element_type3A_172 = arith.extui %and3A_171 : i1 to i32
        %cond3A_173 = arith.constant 0 : i32
        %cond3A_174 = arith.cmpi ne, %convert_element_type3A_172, %cond3A_173 : i32
        scf.if %cond3A_174 {
          %add3A_175 = arith.constant 3 : i32
          %add3A_176 = arith.addi %add3A_122, %add3A_175 : i32
          %mul3A_177 = arith.constant 16 : i32
          %mul3A_178 = arith.muli %add3A_176, %mul3A_177 : i32
          %add3A_179 = arith.addi %arg1, %mul3A_178 : i32
          %dma_start3A = arith.constant 2 : i32
          %dma_start3A_180 = arith.constant 0 : i32
          %dma_start3A_181 = arith.constant 0 : i32
          %dma_start3A_182 = tpu.memref_slice %arg8[%dma_start3A, %dma_start3A_180, %dma_start3A_181] : memref<3x2x128xi32, #tpu.memory_space<vmem>> -> memref<1x2x128xi32, #tpu.memory_space<vmem>>
          %dma_start3A_183 = tpu.memref_squeeze %dma_start3A_182 : memref<1x2x128xi32, #tpu.memory_space<vmem>> -> memref<2x128xi32, #tpu.memory_space<vmem>>
          %dma_start3A_184 = arith.constant 0 : i32
          %dma_start3A_185 = arith.constant 0 : i32
          %dma_start3A_186 = tpu.memref_slice %arg4[%dma_start3A_184, %add3A_179, %dma_start3A_185] : memref<2x2500x128xi32, #tpu.memory_space<hbm>> -> memref<2x1x128xi32, #tpu.memory_space<hbm>>
          %dma_start3A_187 = tpu.memref_squeeze %dma_start3A_186 : memref<2x1x128xi32, #tpu.memory_space<hbm>> -> memref<2x128xi32, #tpu.memory_space<hbm>>
          %dma_start3A_188 = arith.constant 0 : i32
          %dma_start3A_189 = arith.constant 0 : i32
          %dma_start3A_190 = tpu.memref_slice %arg8[%dma_start3A, %dma_start3A_188, %dma_start3A_189] : memref<3x2x128xi32, #tpu.memory_space<vmem>> -> memref<1x2x128xi32, #tpu.memory_space<vmem>>
          %dma_start3A_191 = tpu.memref_squeeze %dma_start3A_190 : memref<1x2x128xi32, #tpu.memory_space<vmem>> -> memref<2x128xi32, #tpu.memory_space<vmem>>
          %dma_start3A_192 = arith.constant 0 : i32
          %dma_start3A_193 = arith.constant 0 : i32
          %dma_start3A_194 = tpu.memref_slice %arg4[%dma_start3A_192, %add3A_179, %dma_start3A_193] : memref<2x2500x128xi32, #tpu.memory_space<hbm>> -> memref<2x1x128xi32, #tpu.memory_space<hbm>>
          %dma_start3A_195 = tpu.memref_squeeze %dma_start3A_194 : memref<2x1x128xi32, #tpu.memory_space<hbm>> -> memref<2x128xi32, #tpu.memory_space<hbm>>
          tpu.enqueue_dma source(%dma_start3A_195 : memref<2x128xi32, #tpu.memory_space<hbm>>) target(%dma_start3A_191 : memref<2x128xi32, #tpu.memory_space<vmem>>) target_semaphore(%arg13 : memref<!tpu.dma_semaphore, #tpu.memory_space<semaphore_mem>>)
        } else {
        }
      } else {
      }
      %add3A_134 = arith.constant 2 : i32
      %add3A_135 = arith.addi %add3A_122, %add3A_134 : i32
      %ge3A_136 = arith.constant 0 : i32
      %ge3A_137 = arith.cmpi sge, %add3A_135, %ge3A_136 : i32
      %mul3A_138 = arith.constant 16 : i32
      %mul3A_139 = arith.muli %add3A_135, %mul3A_138 : i32
      %add3A_140 = arith.addi %arg1, %mul3A_139 : i32
      %lt3A_141 = arith.constant 2500 : i32
      %lt3A_142 = arith.cmpi slt, %add3A_140, %lt3A_141 : i32
      %and3A_143 = arith.andi %ge3A_137, %lt3A_142 : i1
      %convert_element_type3A_144 = arith.extui %and3A_143 : i1 to i32
      %cond3A_145 = arith.constant 0 : i32
      %cond3A_146 = arith.cmpi ne, %convert_element_type3A_144, %cond3A_145 : i32
      scf.if %cond3A_146 {
        %dma_wait3A = arith.constant 0 : i32
        %dma_wait3A_148 = arith.constant 1 : i32
        %dma_wait3A_149 = arith.constant 0 : i32
        %dma_wait3A_150 = arith.constant 0 : i32
        %dma_wait3A_151 = tpu.memref_slice %arg8[%dma_wait3A_148, %dma_wait3A_149, %dma_wait3A_150] : memref<3x2x128xi32, #tpu.memory_space<vmem>> -> memref<1x2x128xi32, #tpu.memory_space<vmem>>
        %dma_wait3A_152 = tpu.memref_squeeze %dma_wait3A_151 : memref<1x2x128xi32, #tpu.memory_space<vmem>> -> memref<2x128xi32, #tpu.memory_space<vmem>>
        %dma_wait3A_153 = arith.constant 0 : i32
        %dma_wait3A_154 = arith.constant 0 : i32
        %dma_wait3A_155 = tpu.memref_slice %arg4[%dma_wait3A_153, %dma_wait3A, %dma_wait3A_154] : memref<2x2500x128xi32, #tpu.memory_space<hbm>> -> memref<2x1x128xi32, #tpu.memory_space<hbm>>
        %dma_wait3A_156 = tpu.memref_squeeze %dma_wait3A_155 : memref<2x1x128xi32, #tpu.memory_space<hbm>> -> memref<2x128xi32, #tpu.memory_space<hbm>>
        %dma_wait3A_157 = arith.constant 0 : i32
        %dma_wait3A_158 = arith.constant 0 : i32
        %dma_wait3A_159 = tpu.memref_slice %arg8[%dma_wait3A_148, %dma_wait3A_157, %dma_wait3A_158] : memref<3x2x128xi32, #tpu.memory_space<vmem>> -> memref<1x2x128xi32, #tpu.memory_space<vmem>>
        %dma_wait3A_160 = tpu.memref_squeeze %dma_wait3A_159 : memref<1x2x128xi32, #tpu.memory_space<vmem>> -> memref<2x128xi32, #tpu.memory_space<vmem>>
        %dma_wait3A_161 = arith.constant 0 : i32
        %dma_wait3A_162 = arith.constant 0 : i32
        %dma_wait3A_163 = tpu.memref_slice %arg4[%dma_wait3A_161, %dma_wait3A, %dma_wait3A_162] : memref<2x2500x128xi32, #tpu.memory_space<hbm>> -> memref<2x1x128xi32, #tpu.memory_space<hbm>>
        %dma_wait3A_164 = tpu.memref_squeeze %dma_wait3A_163 : memref<2x1x128xi32, #tpu.memory_space<hbm>> -> memref<2x128xi32, #tpu.memory_space<hbm>>
        tpu.wait_dma2 semaphore(%arg12 : memref<!tpu.dma_semaphore, #tpu.memory_space<semaphore_mem>>) src(%dma_wait3A_164 : memref<2x128xi32, #tpu.memory_space<hbm>>) dst(%dma_wait3A_160 : memref<2x128xi32, #tpu.memory_space<vmem>>)
        %eq3A_165 = arith.constant 0 : i32
        %eq3A_166 = arith.cmpi eq, %arg0, %eq3A_165 : i32
        %convert_element_type3A_167 = arith.extui %eq3A_166 : i1 to i32
        %cond3A_168 = arith.constant 0 : i32
        %cond3A_169 = arith.cmpi ne, %convert_element_type3A_167, %cond3A_168 : i32
        scf.if %cond3A_169 {
          %dma_start3A = arith.constant 1 : i32
          %dma_start3A_175 = arith.constant 0 : i32
          %dma_start3A_176 = arith.constant 1 : i32
          %dma_start3A_177 = arith.constant 0 : i32
          %dma_start3A_178 = arith.constant 0 : i32
          %dma_start3A_179 = tpu.memref_slice %arg9[%dma_start3A_176, %dma_start3A_177, %dma_start3A_178] : memref<3x128x128xf32, #tpu.memory_space<vmem>> -> memref<1x128x128xf32, #tpu.memory_space<vmem>>
          %dma_start3A_180 = tpu.memref_squeeze %dma_start3A_179 : memref<1x128x128xf32, #tpu.memory_space<vmem>> -> memref<128x128xf32, #tpu.memory_space<vmem>>
          %dma_start3A_181 = arith.constant 0 : i32
          %dma_start3A_182 = tpu.memref_slice %arg8[%dma_start3A, %dma_start3A_175, %dma_start3A_181] : memref<3x2x128xi32, #tpu.memory_space<vmem>> -> memref<1x1x128xi32, #tpu.memory_space<vmem>>
          %dma_start3A_183 = tpu.memref_squeeze %dma_start3A_182 : memref<1x1x128xi32, #tpu.memory_space<vmem>> -> memref<128xi32, #tpu.memory_space<vmem>>
          %dma_start3A_184 = arith.constant 0 : i32
          %dma_start3A_185 = arith.constant 0 : i32
          %dma_start3A_186 = tpu.memref_slice %arg2[%dma_start3A_184, %dma_start3A_185] : memref<10240x128xf32, #tpu.memory_space<hbm>> -> memref<10240x128xf32, #tpu.memory_space<hbm>>
          tpu.enqueue_indirect_dma source(%dma_start3A_186 : memref<10240x128xf32, #tpu.memory_space<hbm>>) target(%dma_start3A_180 : memref<128x128xf32, #tpu.memory_space<vmem>>) offsets(%dma_start3A_183 : memref<128xi32, #tpu.memory_space<vmem>>) semaphore(%arg15 : memref<!tpu.dma_semaphore, #tpu.memory_space<semaphore_mem>>)
        } else {
        }
        %eq3A_170 = arith.constant 1 : i32
        %eq3A_171 = arith.cmpi eq, %arg0, %eq3A_170 : i32
        %convert_element_type3A_172 = arith.extui %eq3A_171 : i1 to i32
        %cond3A_173 = arith.constant 0 : i32
        %cond3A_174 = arith.cmpi ne, %convert_element_type3A_172, %cond3A_173 : i32
        scf.if %cond3A_174 {
          %dma_start3A = arith.constant 1 : i32
          %dma_start3A_175 = arith.constant 0 : i32
          %dma_start3A_176 = arith.constant 1 : i32
          %dma_start3A_177 = arith.constant 0 : i32
          %dma_start3A_178 = arith.constant 0 : i32
          %dma_start3A_179 = tpu.memref_slice %arg9[%dma_start3A_176, %dma_start3A_177, %dma_start3A_178] : memref<3x128x128xf32, #tpu.memory_space<vmem>> -> memref<1x128x128xf32, #tpu.memory_space<vmem>>
          %dma_start3A_180 = tpu.memref_squeeze %dma_start3A_179 : memref<1x128x128xf32, #tpu.memory_space<vmem>> -> memref<128x128xf32, #tpu.memory_space<vmem>>
          %dma_start3A_181 = arith.constant 0 : i32
          %dma_start3A_182 = tpu.memref_slice %arg8[%dma_start3A, %dma_start3A_175, %dma_start3A_181] : memref<3x2x128xi32, #tpu.memory_space<vmem>> -> memref<1x1x128xi32, #tpu.memory_space<vmem>>
          %dma_start3A_183 = tpu.memref_squeeze %dma_start3A_182 : memref<1x1x128xi32, #tpu.memory_space<vmem>> -> memref<128xi32, #tpu.memory_space<vmem>>
          %dma_start3A_184 = arith.constant 0 : i32
          %dma_start3A_185 = arith.constant 0 : i32
          %dma_start3A_186 = tpu.memref_slice %arg3[%dma_start3A_184, %dma_start3A_185] : memref<10240x128xf32, #tpu.memory_space<hbm>> -> memref<10240x128xf32, #tpu.memory_space<hbm>>
          tpu.enqueue_indirect_dma source(%dma_start3A_186 : memref<10240x128xf32, #tpu.memory_space<hbm>>) target(%dma_start3A_180 : memref<128x128xf32, #tpu.memory_space<vmem>>) offsets(%dma_start3A_183 : memref<128xi32, #tpu.memory_space<vmem>>) semaphore(%arg15 : memref<!tpu.dma_semaphore, #tpu.memory_space<semaphore_mem>>)
        } else {
        }
      } else {
      }
      %scan3A_147 = arith.constant 0 : i32
      scf.yield %scan3A_147 : i32
    }
    %scan3A_50 = arith.constant 53 : i32
    %barrier3A_51 = arith.constant 0 : index
    tpu.barrier barrier_id(%barrier3A_51)
    %eq3A_52 = arith.constant 0 : i32
    %eq3A_53 = arith.cmpi eq, %arg0, %eq3A_52 : i32
    %convert_element_type3A_54 = arith.extui %eq3A_53 : i1 to i32
    %cond3A_55 = arith.constant 0 : i32
    %cond3A_56 = arith.cmpi ne, %convert_element_type3A_54, %cond3A_55 : i32
    scf.if %cond3A_56 {
      %mul3A_62 = arith.constant 624 : i32
      %mul3A_63 = arith.muli %arg1, %mul3A_62 : i32
      %mul3A_64 = arith.constant 624 : i32
      %mul3A_65 = arith.muli %arg1, %mul3A_64 : i32
      "tpu.region"() ({
        %run_scoped3A = tpu.sem_alloc : memref<!tpu.dma_semaphore, #tpu.memory_space<semaphore_mem>>
        %dma_start3A = arith.constant 0 : i32
        %dma_start3A_71 = tpu.memref_slice %arg6[%mul3A_65, %dma_start3A] : memref<10240x128xf32, #tpu.memory_space<hbm>> -> memref<632x128xf32, #tpu.memory_space<hbm>>
        %dma_start3A_72 = arith.constant 0 : i32
        %dma_start3A_73 = tpu.memref_slice %arg10[%mul3A_63, %dma_start3A_72] : memref<10000x128xf32, #tpu.memory_space<vmem_shared>> -> memref<632x128xf32, #tpu.memory_space<vmem_shared>>
        tpu.enqueue_dma source(%dma_start3A_73 : memref<632x128xf32, #tpu.memory_space<vmem_shared>>) target(%dma_start3A_71 : memref<632x128xf32, #tpu.memory_space<hbm>>) target_semaphore(%run_scoped3A : memref<!tpu.dma_semaphore, #tpu.memory_space<semaphore_mem>>)
        %dma_wait3A = arith.constant 0 : i32
        %dma_wait3A_74 = tpu.memref_slice %arg6[%mul3A_65, %dma_wait3A] : memref<10240x128xf32, #tpu.memory_space<hbm>> -> memref<632x128xf32, #tpu.memory_space<hbm>>
        %dma_wait3A_75 = arith.constant 0 : i32
        %dma_wait3A_76 = tpu.memref_slice %arg10[%mul3A_63, %dma_wait3A_75] : memref<10000x128xf32, #tpu.memory_space<vmem_shared>> -> memref<632x128xf32, #tpu.memory_space<vmem_shared>>
        tpu.wait_dma2 semaphore(%run_scoped3A : memref<!tpu.dma_semaphore, #tpu.memory_space<semaphore_mem>>) src(%dma_wait3A_76 : memref<632x128xf32, #tpu.memory_space<vmem_shared>>) dst(%dma_wait3A_74 : memref<632x128xf32, #tpu.memory_space<hbm>>)
        tpu.yield
      }) : () -> ()
      %eq3A_66 = arith.constant 15 : i32
      %eq3A_67 = arith.cmpi eq, %arg1, %eq3A_66 : i32
      %convert_element_type3A_68 = arith.extui %eq3A_67 : i1 to i32
      %cond3A_69 = arith.constant 0 : i32
      %cond3A_70 = arith.cmpi ne, %convert_element_type3A_68, %cond3A_69 : i32
      scf.if %cond3A_70 {
        "tpu.region"() ({
          %run_scoped3A = tpu.sem_alloc : memref<!tpu.dma_semaphore, #tpu.memory_space<semaphore_mem>>
          %dma_start3A = arith.constant 9992 : i32
          %dma_start3A_71 = arith.constant 0 : i32
          %dma_start3A_72 = tpu.memref_slice %arg6[%dma_start3A, %dma_start3A_71] : memref<10240x128xf32, #tpu.memory_space<hbm>> -> memref<8x128xf32, #tpu.memory_space<hbm>>
          %dma_start3A_73 = arith.constant 9992 : i32
          %dma_start3A_74 = arith.constant 0 : i32
          %dma_start3A_75 = tpu.memref_slice %arg10[%dma_start3A_73, %dma_start3A_74] : memref<10000x128xf32, #tpu.memory_space<vmem_shared>> -> memref<8x128xf32, #tpu.memory_space<vmem_shared>>
          tpu.enqueue_dma source(%dma_start3A_75 : memref<8x128xf32, #tpu.memory_space<vmem_shared>>) target(%dma_start3A_72 : memref<8x128xf32, #tpu.memory_space<hbm>>) target_semaphore(%run_scoped3A : memref<!tpu.dma_semaphore, #tpu.memory_space<semaphore_mem>>)
          %dma_wait3A = arith.constant 9992 : i32
          %dma_wait3A_76 = arith.constant 0 : i32
          %dma_wait3A_77 = tpu.memref_slice %arg6[%dma_wait3A, %dma_wait3A_76] : memref<10240x128xf32, #tpu.memory_space<hbm>> -> memref<8x128xf32, #tpu.memory_space<hbm>>
          %dma_wait3A_78 = arith.constant 9992 : i32
          %dma_wait3A_79 = arith.constant 0 : i32
          %dma_wait3A_80 = tpu.memref_slice %arg10[%dma_wait3A_78, %dma_wait3A_79] : memref<10000x128xf32, #tpu.memory_space<vmem_shared>> -> memref<8x128xf32, #tpu.memory_space<vmem_shared>>
          tpu.wait_dma2 semaphore(%run_scoped3A : memref<!tpu.dma_semaphore, #tpu.memory_space<semaphore_mem>>) src(%dma_wait3A_80 : memref<8x128xf32, #tpu.memory_space<vmem_shared>>) dst(%dma_wait3A_77 : memref<8x128xf32, #tpu.memory_space<hbm>>)
          tpu.yield
        }) : () -> ()
      } else {
      }
    } else {
    }
    %eq3A_57 = arith.constant 1 : i32
    %eq3A_58 = arith.cmpi eq, %arg0, %eq3A_57 : i32
    %convert_element_type3A_59 = arith.extui %eq3A_58 : i1 to i32
    %cond3A_60 = arith.constant 0 : i32
    %cond3A_61 = arith.cmpi ne, %convert_element_type3A_59, %cond3A_60 : i32
    scf.if %cond3A_61 {
      %mul3A_62 = arith.constant 624 : i32
      %mul3A_63 = arith.muli %arg1, %mul3A_62 : i32
      %mul3A_64 = arith.constant 624 : i32
      %mul3A_65 = arith.muli %arg1, %mul3A_64 : i32
      "tpu.region"() ({
        %run_scoped3A = tpu.sem_alloc : memref<!tpu.dma_semaphore, #tpu.memory_space<semaphore_mem>>
        %dma_start3A = arith.constant 0 : i32
        %dma_start3A_71 = tpu.memref_slice %arg7[%mul3A_65, %dma_start3A] : memref<10240x128xf32, #tpu.memory_space<hbm>> -> memref<632x128xf32, #tpu.memory_space<hbm>>
        %dma_start3A_72 = arith.constant 0 : i32
        %dma_start3A_73 = tpu.memref_slice %arg10[%mul3A_63, %dma_start3A_72] : memref<10000x128xf32, #tpu.memory_space<vmem_shared>> -> memref<632x128xf32, #tpu.memory_space<vmem_shared>>
        tpu.enqueue_dma source(%dma_start3A_73 : memref<632x128xf32, #tpu.memory_space<vmem_shared>>) target(%dma_start3A_71 : memref<632x128xf32, #tpu.memory_space<hbm>>) target_semaphore(%run_scoped3A : memref<!tpu.dma_semaphore, #tpu.memory_space<semaphore_mem>>)
        %dma_wait3A = arith.constant 0 : i32
        %dma_wait3A_74 = tpu.memref_slice %arg7[%mul3A_65, %dma_wait3A] : memref<10240x128xf32, #tpu.memory_space<hbm>> -> memref<632x128xf32, #tpu.memory_space<hbm>>
        %dma_wait3A_75 = arith.constant 0 : i32
        %dma_wait3A_76 = tpu.memref_slice %arg10[%mul3A_63, %dma_wait3A_75] : memref<10000x128xf32, #tpu.memory_space<vmem_shared>> -> memref<632x128xf32, #tpu.memory_space<vmem_shared>>
        tpu.wait_dma2 semaphore(%run_scoped3A : memref<!tpu.dma_semaphore, #tpu.memory_space<semaphore_mem>>) src(%dma_wait3A_76 : memref<632x128xf32, #tpu.memory_space<vmem_shared>>) dst(%dma_wait3A_74 : memref<632x128xf32, #tpu.memory_space<hbm>>)
        tpu.yield
      }) : () -> ()
      %eq3A_66 = arith.constant 15 : i32
      %eq3A_67 = arith.cmpi eq, %arg1, %eq3A_66 : i32
      %convert_element_type3A_68 = arith.extui %eq3A_67 : i1 to i32
      %cond3A_69 = arith.constant 0 : i32
      %cond3A_70 = arith.cmpi ne, %convert_element_type3A_68, %cond3A_69 : i32
      scf.if %cond3A_70 {
        "tpu.region"() ({
          %run_scoped3A = tpu.sem_alloc : memref<!tpu.dma_semaphore, #tpu.memory_space<semaphore_mem>>
          %dma_start3A = arith.constant 9992 : i32
          %dma_start3A_71 = arith.constant 0 : i32
          %dma_start3A_72 = tpu.memref_slice %arg7[%dma_start3A, %dma_start3A_71] : memref<10240x128xf32, #tpu.memory_space<hbm>> -> memref<8x128xf32, #tpu.memory_space<hbm>>
          %dma_start3A_73 = arith.constant 9992 : i32
          %dma_start3A_74 = arith.constant 0 : i32
          %dma_start3A_75 = tpu.memref_slice %arg10[%dma_start3A_73, %dma_start3A_74] : memref<10000x128xf32, #tpu.memory_space<vmem_shared>> -> memref<8x128xf32, #tpu.memory_space<vmem_shared>>
          tpu.enqueue_dma source(%dma_start3A_75 : memref<8x128xf32, #tpu.memory_space<vmem_shared>>) target(%dma_start3A_72 : memref<8x128xf32, #tpu.memory_space<hbm>>) target_semaphore(%run_scoped3A : memref<!tpu.dma_semaphore, #tpu.memory_space<semaphore_mem>>)
          %dma_wait3A = arith.constant 9992 : i32
          %dma_wait3A_76 = arith.constant 0 : i32
          %dma_wait3A_77 = tpu.memref_slice %arg7[%dma_wait3A, %dma_wait3A_76] : memref<10240x128xf32, #tpu.memory_space<hbm>> -> memref<8x128xf32, #tpu.memory_space<hbm>>
          %dma_wait3A_78 = arith.constant 9992 : i32
          %dma_wait3A_79 = arith.constant 0 : i32
          %dma_wait3A_80 = tpu.memref_slice %arg10[%dma_wait3A_78, %dma_wait3A_79] : memref<10000x128xf32, #tpu.memory_space<vmem_shared>> -> memref<8x128xf32, #tpu.memory_space<vmem_shared>>
          tpu.wait_dma2 semaphore(%run_scoped3A : memref<!tpu.dma_semaphore, #tpu.memory_space<semaphore_mem>>) src(%dma_wait3A_80 : memref<8x128xf32, #tpu.memory_space<vmem_shared>>) dst(%dma_wait3A_77 : memref<8x128xf32, #tpu.memory_space<hbm>>)
          tpu.yield
        }) : () -> ()
      } else {
      }
    } else {
    }
    return
  }
}

module attributes {stable_mosaic.version = 14 : i64} {
  func.func @_mm_body(%arg0: i32, %arg1: memref<1024x128xf32, #tpu.memory_space<vmem>>, %arg2: memref<1024x128xf32, #tpu.memory_space<vmem>>, %arg3: memref<2x10240xf32, #tpu.memory_space<vmem>>, %arg4: memref<128x256xf32, #tpu.memory_space<vmem>>, %arg5: memref<256xf32, #tpu.memory_space<vmem>>, %arg6: memref<1024x256xf32, #tpu.memory_space<vmem>>, %arg7: memref<2x256xf32, #tpu.memory_space<vmem>>) attributes {dimension_semantics = [#tpu.dimension_semantics<arbitrary>], iteration_bounds = array<i64: 10>, scalar_prefetch = 0 : i64, scratch_operands = 0 : i64, tpu.core_type = #tpu.core_type<tc>, window_params = [{transform_indices = @transform_0, window_bounds = array<i64: 1024, 128>}, {transform_indices = @transform_1, window_bounds = array<i64: 1024, 128>}, {pipeline_mode = #tpu.pipeline_mode<synchronous>, transform_indices = @transform_2, window_bounds = array<i64: 2, 10240>}, {pipeline_mode = #tpu.pipeline_mode<synchronous>, transform_indices = @transform_3, window_bounds = array<i64: 128, 256>}, {pipeline_mode = #tpu.pipeline_mode<synchronous>, transform_indices = @transform_4, window_bounds = array<i64: 256>}, {transform_indices = @transform_5, window_bounds = array<i64: 1024, 256>}, {pipeline_mode = #tpu.pipeline_mode<synchronous>, transform_indices = @transform_6, window_bounds = array<i64: 2, 256>}]} {
    %get3A = arith.constant 0 : index
    %get3A_0 = arith.constant 0 : index
    %get3A_1 = vector.load %arg1[%get3A, %get3A_0] : memref<1024x128xf32, #tpu.memory_space<vmem>>, vector<1024x128xf32>
    %get3A_2 = arith.constant 0 : index
    %get3A_3 = arith.constant 0 : index
    %get3A_4 = vector.load %arg2[%get3A_2, %get3A_3] : memref<1024x128xf32, #tpu.memory_space<vmem>>, vector<1024x128xf32>
    %add3A = arith.addf %get3A_1, %get3A_4 : vector<1024x128xf32>
    %mul3A = arith.constant 1024 : i32
    %mul3A_5 = arith.muli %arg0, %mul3A : i32
    %get3A_6 = arith.constant 1 : index
    %get3A_7 = arith.index_cast %mul3A_5 : i32 to index
    %get3A_8 = vector.load %arg3[%get3A_6, %get3A_7] : memref<2x10240xf32, #tpu.memory_space<vmem>>, vector<1x1024xf32>
    %get3A_9 = vector.shape_cast %get3A_8 : vector<1x1024xf32> to vector<1024xf32>
    %broadcast_in_dim3A = vector.shape_cast %get3A_9 : vector<1024xf32> to vector<1024x1xf32>
    %mul3A_10 = vector.broadcast %broadcast_in_dim3A : vector<1024x1xf32> to vector<1024x128xf32>
    %mul3A_11 = arith.mulf %add3A, %mul3A_10 : vector<1024x128xf32>
    %get3A_12 = arith.constant 0 : index
    %get3A_13 = arith.constant 0 : index
    %get3A_14 = vector.load %arg4[%get3A_12, %get3A_13] : memref<128x256xf32, #tpu.memory_space<vmem>>, vector<128x256xf32>
    %dot_general3A = arith.constant dense<0.000000e+00> : vector<1024x256xf32>
    %dot_general3A_15 = tpu.matmul %mul3A_11, %get3A_14, %dot_general3A {dimension_numbers = #tpu.dot_dimension_numbers<[1], [0], [0], [1], [0, 0, 1, 1], [], []>, precision = #tpu.contract_precision<fp32>, transpose_lhs_hint = false} : vector<1024x128xf32>, vector<128x256xf32>, vector<1024x256xf32> -> vector<1024x256xf32>
    %get3A_16 = arith.constant 0 : index
    %get3A_17 = vector.load %arg5[%get3A_16] : memref<256xf32, #tpu.memory_space<vmem>>, vector<256xf32>
    %broadcast_in_dim3A_18 = vector.shape_cast %get3A_17 : vector<256xf32> to vector<1x256xf32>
    %add3A_19 = vector.broadcast %broadcast_in_dim3A_18 : vector<1x256xf32> to vector<1024x256xf32>
    %add3A_20 = arith.addf %dot_general3A_15, %add3A_19 : vector<1024x256xf32>
    %swap3A = arith.constant 0 : index
    %swap3A_21 = arith.constant 0 : index
    %swap3A_22 = vector.load %arg6[%swap3A, %swap3A_21] : memref<1024x256xf32, #tpu.memory_space<vmem>>, vector<1024x256xf32>
    tpu.vector_store %arg6[%swap3A, %swap3A_21], %add3A_20 {strides = array<i32>} : memref<1024x256xf32, #tpu.memory_space<vmem>>, vector<1024x256xf32>,
    %eq3A = arith.constant 0 : i32
    %eq3A_23 = arith.cmpi eq, %arg0, %eq3A : i32
    %convert_element_type3A = arith.extui %eq3A_23 : i1 to i32
    %cond3A = arith.constant 0 : i32
    %cond3A_24 = arith.cmpi ne, %convert_element_type3A, %cond3A : i32
    scf.if %cond3A_24 {
      %broadcast_in_dim3A_58 = arith.constant 0.000000e+00 : f32
      %broadcast_in_dim3A_59 = vector.broadcast %broadcast_in_dim3A_58 : f32 to vector<2x256xf32>
      %swap3A_60 = arith.constant 0 : index
      %swap3A_61 = arith.constant 0 : index
      %swap3A_62 = vector.load %arg7[%swap3A_60, %swap3A_61] : memref<2x256xf32, #tpu.memory_space<vmem>>, vector<2x256xf32>
      tpu.vector_store %arg7[%swap3A_60, %swap3A_61], %broadcast_in_dim3A_59 {strides = array<i32>} : memref<2x256xf32, #tpu.memory_space<vmem>>, vector<2x256xf32>,
    } else {
    }
    %iota3A = tpu.iota {dimensions = array<i32: 0>} : vector<1024x1xi32>
    %mul3A_25 = arith.constant 1024 : i32
    %mul3A_26 = arith.muli %arg0, %mul3A_25 : i32
    %add3A_27 = vector.broadcast %mul3A_26 : i32 to vector<1024x1xi32>
    %add3A_28 = arith.addi %iota3A, %add3A_27 : vector<1024x1xi32>
    %lt3A = arith.constant 10000 : i32
    %lt3A_29 = vector.broadcast %lt3A : i32 to vector<1024x1xi32>
    %lt3A_30 = arith.cmpi slt, %add3A_28, %lt3A_29 : vector<1024x1xi32>
    %jit3A = arith.constant 0.000000e+00 : f32
    %broadcast_in_dim3A_31 = vector.shape_cast %lt3A_30 : vector<1024x1xi1> to vector<1024x1xi1>
    %broadcast_in_dim3A_32 = vector.broadcast %broadcast_in_dim3A_31 : vector<1024x1xi1> to vector<1024x256xi1>
    %broadcast_in_dim3A_33 = vector.broadcast %jit3A : f32 to vector<1024x256xf32>
    %select_n3A = arith.select %broadcast_in_dim3A_32, %add3A_20, %broadcast_in_dim3A_33 : vector<1024x256xi1>, vector<1024x256xf32>
    %get3A_34 = arith.constant 0 : index
    %get3A_35 = arith.constant 0 : index
    %get3A_36 = vector.load %arg7[%get3A_34, %get3A_35] : memref<2x256xf32, #tpu.memory_space<vmem>>, vector<1x256xf32>
    %get3A_37 = vector.shape_cast %get3A_36 : vector<1x256xf32> to vector<256xf32>
    %reduce_sum3A = arith.constant dense<0.000000e+00> : vector<256xf32>
    %reduce_sum3A_38 = vector.multi_reduction <add>, %select_n3A, %reduce_sum3A [0] : vector<1024x256xf32> to vector<256xf32>
    %add3A_39 = arith.addf %get3A_37, %reduce_sum3A_38 : vector<256xf32>
    %swap3A_40 = arith.constant 0 : index
    %swap3A_41 = arith.constant 0 : index
    %swap3A_42 = vector.load %arg7[%swap3A_40, %swap3A_41] : memref<2x256xf32, #tpu.memory_space<vmem>>, vector<1x256xf32>
    %swap3A_43 = vector.shape_cast %swap3A_42 : vector<1x256xf32> to vector<256xf32>
    %swap3A_44 = vector.shape_cast %add3A_39 : vector<256xf32> to vector<1x256xf32>
    tpu.vector_store %arg7[%swap3A_40, %swap3A_41], %swap3A_44 {strides = array<i32>} : memref<2x256xf32, #tpu.memory_space<vmem>>, vector<1x256xf32>,
    %get3A_45 = arith.constant 1 : index
    %get3A_46 = arith.constant 0 : index
    %get3A_47 = vector.load %arg7[%get3A_45, %get3A_46] : memref<2x256xf32, #tpu.memory_space<vmem>>, vector<1x256xf32>
    %get3A_48 = vector.shape_cast %get3A_47 : vector<1x256xf32> to vector<256xf32>
    %mul3A_49 = arith.mulf %select_n3A, %select_n3A : vector<1024x256xf32>
    %reduce_sum3A_50 = arith.constant dense<0.000000e+00> : vector<256xf32>
    %reduce_sum3A_51 = vector.multi_reduction <add>, %mul3A_49, %reduce_sum3A_50 [0] : vector<1024x256xf32> to vector<256xf32>
    %add3A_52 = arith.addf %get3A_48, %reduce_sum3A_51 : vector<256xf32>
    %swap3A_53 = arith.constant 1 : index
    %swap3A_54 = arith.constant 0 : index
    %swap3A_55 = vector.load %arg7[%swap3A_53, %swap3A_54] : memref<2x256xf32, #tpu.memory_space<vmem>>, vector<1x256xf32>
    %swap3A_56 = vector.shape_cast %swap3A_55 : vector<1x256xf32> to vector<256xf32>
    %swap3A_57 = vector.shape_cast %add3A_52 : vector<256xf32> to vector<1x256xf32>
    tpu.vector_store %arg7[%swap3A_53, %swap3A_54], %swap3A_57 {strides = array<i32>} : memref<2x256xf32, #tpu.memory_space<vmem>>, vector<1x256xf32>,
    return
  }
  func.func @transform_0(%arg0: i32) -> (i32, i32) {
    %c0_i32 = arith.constant 0 : i32
    %c0_i32_0 = arith.constant 0 : i32
    return %arg0, %c0_i32 : i32, i32
  }
  func.func @transform_1(%arg0: i32) -> (i32, i32) {
    %c0_i32 = arith.constant 0 : i32
    %c0_i32_0 = arith.constant 0 : i32
    return %arg0, %c0_i32 : i32, i32
  }
  func.func @transform_2(%arg0: i32) -> (i32, i32) {
    %c0_i32 = arith.constant 0 : i32
    %c0_i32_0 = arith.constant 0 : i32
    %c0_i32_1 = arith.constant 0 : i32
    return %c0_i32, %c0_i32_0 : i32, i32
  }
  func.func @transform_3(%arg0: i32) -> (i32, i32) {
    %c0_i32 = arith.constant 0 : i32
    %c0_i32_0 = arith.constant 0 : i32
    %c0_i32_1 = arith.constant 0 : i32
    return %c0_i32, %c0_i32_0 : i32, i32
  }
  func.func @transform_4(%arg0: i32) -> i32 {
    %c0_i32 = arith.constant 0 : i32
    %c0_i32_0 = arith.constant 0 : i32
    return %c0_i32 : i32
  }
  func.func @transform_5(%arg0: i32) -> (i32, i32) {
    %c0_i32 = arith.constant 0 : i32
    %c0_i32_0 = arith.constant 0 : i32
    return %arg0, %c0_i32 : i32, i32
  }
  func.func @transform_6(%arg0: i32) -> (i32, i32) {
    %c0_i32 = arith.constant 0 : i32
    %c0_i32_0 = arith.constant 0 : i32
    %c0_i32_1 = arith.constant 0 : i32
    return %c0_i32, %c0_i32_0 : i32, i32
  }
}

module attributes {stable_mosaic.version = 14 : i64} {
  func.func @_prep_body(%arg0: memref<10000x128xf32, #tpu.memory_space<vmem>>, %arg1: memref<2x2x10240xf32, #tpu.memory_space<vmem>>, %arg2: memref<10000x128xf32, #tpu.memory_space<vmem>>, %arg3: memref<2x10240xf32, #tpu.memory_space<vmem>>) attributes {dimension_semantics = [], scalar_prefetch = 0 : i64, scratch_operands = 0 : i64, tpu.core_type = #tpu.core_type<tc>} {
    %get3A = arith.constant 0 : index
    %get3A_0 = arith.constant 0 : index
    %get3A_1 = arith.constant 0 : index
    %get3A_2 = vector.load %arg1[%get3A, %get3A_0, %get3A_1] : memref<2x2x10240xf32, #tpu.memory_space<vmem>>, vector<1x1x10240xf32>
    %get3A_3 = vector.shape_cast %get3A_2 : vector<1x1x10240xf32> to vector<10240xf32>
    %get3A_4 = arith.constant 1 : index
    %get3A_5 = arith.constant 0 : index
    %get3A_6 = arith.constant 0 : index
    %get3A_7 = vector.load %arg1[%get3A_4, %get3A_5, %get3A_6] : memref<2x2x10240xf32, #tpu.memory_space<vmem>>, vector<1x1x10240xf32>
    %get3A_8 = vector.shape_cast %get3A_7 : vector<1x1x10240xf32> to vector<10240xf32>
    %add3A = arith.addf %get3A_3, %get3A_8 : vector<10240xf32>
    %get3A_9 = arith.constant 0 : index
    %get3A_10 = arith.constant 1 : index
    %get3A_11 = arith.constant 0 : index
    %get3A_12 = vector.load %arg1[%get3A_9, %get3A_10, %get3A_11] : memref<2x2x10240xf32, #tpu.memory_space<vmem>>, vector<1x1x10240xf32>
    %get3A_13 = vector.shape_cast %get3A_12 : vector<1x1x10240xf32> to vector<10240xf32>
    %get3A_14 = arith.constant 1 : index
    %get3A_15 = arith.constant 1 : index
    %get3A_16 = arith.constant 0 : index
    %get3A_17 = vector.load %arg1[%get3A_14, %get3A_15, %get3A_16] : memref<2x2x10240xf32, #tpu.memory_space<vmem>>, vector<1x1x10240xf32>
    %get3A_18 = vector.shape_cast %get3A_17 : vector<1x1x10240xf32> to vector<10240xf32>
    %add3A_19 = arith.addf %get3A_13, %get3A_18 : vector<10240xf32>
    %max3A = arith.constant 1.000000e+00 : f32
    %max3A_20 = vector.broadcast %max3A : f32 to vector<10240xf32>
    %max3A_21 = arith.maximumf %add3A, %max3A_20 : vector<10240xf32>
    %rsqrt3A = math.rsqrt %max3A_21 : vector<10240xf32>
    %max3A_22 = arith.constant 1.000000e+00 : f32
    %max3A_23 = vector.broadcast %max3A_22 : f32 to vector<10240xf32>
    %max3A_24 = arith.maximumf %add3A_19, %max3A_23 : vector<10240xf32>
    %rsqrt3A_25 = math.rsqrt %max3A_24 : vector<10240xf32>
    %swap3A = arith.constant 0 : index
    %swap3A_26 = arith.constant 0 : index
    %swap3A_27 = vector.load %arg3[%swap3A, %swap3A_26] : memref<2x10240xf32, #tpu.memory_space<vmem>>, vector<1x10240xf32>
    %swap3A_28 = vector.shape_cast %swap3A_27 : vector<1x10240xf32> to vector<10240xf32>
    %swap3A_29 = vector.shape_cast %rsqrt3A : vector<10240xf32> to vector<1x10240xf32>
    tpu.vector_store %arg3[%swap3A, %swap3A_26], %swap3A_29 {strides = array<i32>} : memref<2x10240xf32, #tpu.memory_space<vmem>>, vector<1x10240xf32>,
    %swap3A_30 = arith.constant 1 : index
    %swap3A_31 = arith.constant 0 : index
    %swap3A_32 = vector.load %arg3[%swap3A_30, %swap3A_31] : memref<2x10240xf32, #tpu.memory_space<vmem>>, vector<1x10240xf32>
    %swap3A_33 = vector.shape_cast %swap3A_32 : vector<1x10240xf32> to vector<10240xf32>
    %swap3A_34 = vector.shape_cast %rsqrt3A_25 : vector<10240xf32> to vector<1x10240xf32>
    tpu.vector_store %arg3[%swap3A_30, %swap3A_31], %swap3A_34 {strides = array<i32>} : memref<2x10240xf32, #tpu.memory_space<vmem>>, vector<1x10240xf32>,
    %get3A_35 = arith.constant 0 : index
    %get3A_36 = arith.constant 0 : index
    %get3A_37 = vector.load %arg0[%get3A_35, %get3A_36] : memref<10000x128xf32, #tpu.memory_space<vmem>>, vector<10000x128xf32>
    %slice3A = vector.extract_strided_slice %rsqrt3A {offsets = [0], sizes = [10000], strides = [1]} : vector<10240xf32> to vector<10000xf32>
    %broadcast_in_dim3A = vector.shape_cast %slice3A : vector<10000xf32> to vector<10000x1xf32>
    %mul3A = vector.broadcast %broadcast_in_dim3A : vector<10000x1xf32> to vector<10000x128xf32>
    %mul3A_38 = arith.mulf %get3A_37, %mul3A : vector<10000x128xf32>
    %swap3A_39 = arith.constant 0 : index
    %swap3A_40 = arith.constant 0 : index
    %swap3A_41 = vector.load %arg2[%swap3A_39, %swap3A_40] : memref<10000x128xf32, #tpu.memory_space<vmem>>, vector<10000x128xf32>
    tpu.vector_store %arg2[%swap3A_39, %swap3A_40], %mul3A_38 {strides = array<i32>} : memref<10000x128xf32, #tpu.memory_space<vmem>>, vector<10000x128xf32>,
    return
  }
}

module attributes {stable_mosaic.version = 14 : i64} {
  func.func @_bn_body(%arg0: i32, %arg1: memref<1024x256xf32, #tpu.memory_space<vmem>>, %arg2: memref<2x256xf32, #tpu.memory_space<vmem>>, %arg3: memref<256xf32, #tpu.memory_space<vmem>>, %arg4: memref<256xf32, #tpu.memory_space<vmem>>, %arg5: memref<2x10240xf32, #tpu.memory_space<vmem>>, %arg6: memref<1024x128xf32, #tpu.memory_space<vmem>>, %arg7: memref<1024x128xf32, #tpu.memory_space<vmem>>) attributes {dimension_semantics = [#tpu.dimension_semantics<arbitrary>], iteration_bounds = array<i64: 10>, scalar_prefetch = 0 : i64, scratch_operands = 0 : i64, tpu.core_type = #tpu.core_type<tc>, window_params = [{transform_indices = @transform_0, window_bounds = array<i64: 1024, 256>}, {pipeline_mode = #tpu.pipeline_mode<synchronous>, transform_indices = @transform_1, window_bounds = array<i64: 2, 256>}, {pipeline_mode = #tpu.pipeline_mode<synchronous>, transform_indices = @transform_2, window_bounds = array<i64: 256>}, {pipeline_mode = #tpu.pipeline_mode<synchronous>, transform_indices = @transform_3, window_bounds = array<i64: 256>}, {pipeline_mode = #tpu.pipeline_mode<synchronous>, transform_indices = @transform_4, window_bounds = array<i64: 2, 10240>}, {transform_indices = @transform_5, window_bounds = array<i64: 1024, 128>}, {transform_indices = @transform_6, window_bounds = array<i64: 1024, 128>}]} {
    %get3A = arith.constant 0 : index
    %get3A_0 = arith.constant 0 : index
    %get3A_1 = vector.load %arg2[%get3A, %get3A_0] : memref<2x256xf32, #tpu.memory_space<vmem>>, vector<1x256xf32>
    %get3A_2 = vector.shape_cast %get3A_1 : vector<1x256xf32> to vector<256xf32>
    %mul3A = arith.constant 9.99999974E-5 : f32
    %mul3A_3 = vector.broadcast %mul3A : f32 to vector<256xf32>
    %mul3A_4 = arith.mulf %get3A_2, %mul3A_3 : vector<256xf32>
    %get3A_5 = arith.constant 1 : index
    %get3A_6 = arith.constant 0 : index
    %get3A_7 = vector.load %arg2[%get3A_5, %get3A_6] : memref<2x256xf32, #tpu.memory_space<vmem>>, vector<1x256xf32>
    %get3A_8 = vector.shape_cast %get3A_7 : vector<1x256xf32> to vector<256xf32>
    %mul3A_9 = arith.constant 9.99999974E-5 : f32
    %mul3A_10 = vector.broadcast %mul3A_9 : f32 to vector<256xf32>
    %mul3A_11 = arith.mulf %get3A_8, %mul3A_10 : vector<256xf32>
    %mul3A_12 = arith.mulf %mul3A_4, %mul3A_4 : vector<256xf32>
    %sub3A = arith.subf %mul3A_11, %mul3A_12 : vector<256xf32>
    %add3A = arith.constant 9.99999974E-6 : f32
    %add3A_13 = vector.broadcast %add3A : f32 to vector<256xf32>
    %add3A_14 = arith.addf %sub3A, %add3A_13 : vector<256xf32>
    %rsqrt3A = math.rsqrt %add3A_14 : vector<256xf32>
    %get3A_15 = arith.constant 0 : index
    %get3A_16 = arith.constant 0 : index
    %get3A_17 = vector.load %arg1[%get3A_15, %get3A_16] : memref<1024x256xf32, #tpu.memory_space<vmem>>, vector<1024x256xf32>
    %broadcast_in_dim3A = vector.shape_cast %mul3A_4 : vector<256xf32> to vector<1x256xf32>
    %sub3A_18 = vector.broadcast %broadcast_in_dim3A : vector<1x256xf32> to vector<1024x256xf32>
    %sub3A_19 = arith.subf %get3A_17, %sub3A_18 : vector<1024x256xf32>
    %get3A_20 = arith.constant 0 : index
    %get3A_21 = vector.load %arg3[%get3A_20] : memref<256xf32, #tpu.memory_space<vmem>>, vector<256xf32>
    %mul3A_22 = arith.mulf %rsqrt3A, %get3A_21 : vector<256xf32>
    %broadcast_in_dim3A_23 = vector.shape_cast %mul3A_22 : vector<256xf32> to vector<1x256xf32>
    %mul3A_24 = vector.broadcast %broadcast_in_dim3A_23 : vector<1x256xf32> to vector<1024x256xf32>
    %mul3A_25 = arith.mulf %sub3A_19, %mul3A_24 : vector<1024x256xf32>
    %get3A_26 = arith.constant 0 : index
    %get3A_27 = vector.load %arg4[%get3A_26] : memref<256xf32, #tpu.memory_space<vmem>>, vector<256xf32>
    %broadcast_in_dim3A_28 = vector.shape_cast %get3A_27 : vector<256xf32> to vector<1x256xf32>
    %add3A_29 = vector.broadcast %broadcast_in_dim3A_28 : vector<1x256xf32> to vector<1024x256xf32>
    %add3A_30 = arith.addf %mul3A_25, %add3A_29 : vector<1024x256xf32>
    %max3A = arith.constant 0.000000e+00 : f32
    %max3A_31 = vector.broadcast %max3A : f32 to vector<1024x256xf32>
    %max3A_32 = arith.maximumf %add3A_30, %max3A_31 : vector<1024x256xf32>
    %mul3A_33 = arith.constant 1024 : i32
    %mul3A_34 = arith.muli %arg0, %mul3A_33 : i32
    %get3A_35 = arith.constant 0 : index
    %get3A_36 = arith.index_cast %mul3A_34 : i32 to index
    %get3A_37 = vector.load %arg5[%get3A_35, %get3A_36] : memref<2x10240xf32, #tpu.memory_space<vmem>>, vector<1x1024xf32>
    %get3A_38 = vector.shape_cast %get3A_37 : vector<1x1024xf32> to vector<1024xf32>
    %broadcast_in_dim3A_39 = vector.shape_cast %get3A_38 : vector<1024xf32> to vector<1024x1xf32>
    %mul3A_40 = vector.broadcast %broadcast_in_dim3A_39 : vector<1024x1xf32> to vector<1024x256xf32>
    %mul3A_41 = arith.mulf %max3A_32, %mul3A_40 : vector<1024x256xf32>
    %slice3A = vector.extract_strided_slice %mul3A_41 {offsets = [0, 0], sizes = [1024, 128], strides = [1, 1]} : vector<1024x256xf32> to vector<1024x128xf32>
    %swap3A = arith.constant 0 : index
    %swap3A_42 = arith.constant 0 : index
    %swap3A_43 = vector.load %arg6[%swap3A, %swap3A_42] : memref<1024x128xf32, #tpu.memory_space<vmem>>, vector<1024x128xf32>
    tpu.vector_store %arg6[%swap3A, %swap3A_42], %slice3A {strides = array<i32>} : memref<1024x128xf32, #tpu.memory_space<vmem>>, vector<1024x128xf32>,
    %slice3A_44 = vector.extract_strided_slice %mul3A_41 {offsets = [0, 128], sizes = [1024, 128], strides = [1, 1]} : vector<1024x256xf32> to vector<1024x128xf32>
    %swap3A_45 = arith.constant 0 : index
    %swap3A_46 = arith.constant 0 : index
    %swap3A_47 = vector.load %arg7[%swap3A_45, %swap3A_46] : memref<1024x128xf32, #tpu.memory_space<vmem>>, vector<1024x128xf32>
    tpu.vector_store %arg7[%swap3A_45, %swap3A_46], %slice3A_44 {strides = array<i32>} : memref<1024x128xf32, #tpu.memory_space<vmem>>, vector<1024x128xf32>,
    return
  }
  func.func @transform_0(%arg0: i32) -> (i32, i32) {
    %c0_i32 = arith.constant 0 : i32
    %c0_i32_0 = arith.constant 0 : i32
    return %arg0, %c0_i32 : i32, i32
  }
  func.func @transform_1(%arg0: i32) -> (i32, i32) {
    %c0_i32 = arith.constant 0 : i32
    %c0_i32_0 = arith.constant 0 : i32
    %c0_i32_1 = arith.constant 0 : i32
    return %c0_i32, %c0_i32_0 : i32, i32
  }
  func.func @transform_2(%arg0: i32) -> i32 {
    %c0_i32 = arith.constant 0 : i32
    %c0_i32_0 = arith.constant 0 : i32
    return %c0_i32 : i32
  }
  func.func @transform_3(%arg0: i32) -> i32 {
    %c0_i32 = arith.constant 0 : i32
    %c0_i32_0 = arith.constant 0 : i32
    return %c0_i32 : i32
  }
  func.func @transform_4(%arg0: i32) -> (i32, i32) {
    %c0_i32 = arith.constant 0 : i32
    %c0_i32_0 = arith.constant 0 : i32
    %c0_i32_1 = arith.constant 0 : i32
    return %c0_i32, %c0_i32_0 : i32, i32
  }
  func.func @transform_5(%arg0: i32) -> (i32, i32) {
    %c0_i32 = arith.constant 0 : i32
    %c0_i32_0 = arith.constant 0 : i32
    return %arg0, %c0_i32 : i32, i32
  }
  func.func @transform_6(%arg0: i32) -> (i32, i32) {
    %c0_i32 = arith.constant 0 : i32
    %c0_i32_0 = arith.constant 0 : i32
    return %arg0, %c0_i32 : i32, i32
  }
}

module attributes {stable_mosaic.version = 14 : i64} {
  func.func @_mm_body(%arg0: i32, %arg1: memref<1024x128xf32, #tpu.memory_space<vmem>>, %arg2: memref<1024x128xf32, #tpu.memory_space<vmem>>, %arg3: memref<2x10240xf32, #tpu.memory_space<vmem>>, %arg4: memref<256x256xf32, #tpu.memory_space<vmem>>, %arg5: memref<256xf32, #tpu.memory_space<vmem>>, %arg6: memref<1024x256xf32, #tpu.memory_space<vmem>>, %arg7: memref<2x256xf32, #tpu.memory_space<vmem>>) attributes {dimension_semantics = [#tpu.dimension_semantics<arbitrary>], iteration_bounds = array<i64: 10>, scalar_prefetch = 0 : i64, scratch_operands = 0 : i64, tpu.core_type = #tpu.core_type<tc>, window_params = [{transform_indices = @transform_0, window_bounds = array<i64: 1024, 128>}, {transform_indices = @transform_1, window_bounds = array<i64: 1024, 128>}, {pipeline_mode = #tpu.pipeline_mode<synchronous>, transform_indices = @transform_2, window_bounds = array<i64: 2, 10240>}, {pipeline_mode = #tpu.pipeline_mode<synchronous>, transform_indices = @transform_3, window_bounds = array<i64: 256, 256>}, {pipeline_mode = #tpu.pipeline_mode<synchronous>, transform_indices = @transform_4, window_bounds = array<i64: 256>}, {transform_indices = @transform_5, window_bounds = array<i64: 1024, 256>}, {pipeline_mode = #tpu.pipeline_mode<synchronous>, transform_indices = @transform_6, window_bounds = array<i64: 2, 256>}]} {
    %get3A = arith.constant 0 : index
    %get3A_0 = arith.constant 0 : index
    %get3A_1 = vector.load %arg1[%get3A, %get3A_0] : memref<1024x128xf32, #tpu.memory_space<vmem>>, vector<1024x128xf32>
    %get3A_2 = arith.constant 0 : index
    %get3A_3 = arith.constant 0 : index
    %get3A_4 = vector.load %arg2[%get3A_2, %get3A_3] : memref<1024x128xf32, #tpu.memory_space<vmem>>, vector<1024x128xf32>
    %concatenate3A = tpu.concatenate %get3A_1, %get3A_4 in 1 : vector<1024x128xf32>, vector<1024x128xf32> -> vector<1024x256xf32>
    %mul3A = arith.constant 1024 : i32
    %mul3A_5 = arith.muli %arg0, %mul3A : i32
    %get3A_6 = arith.constant 1 : index
    %get3A_7 = arith.index_cast %mul3A_5 : i32 to index
    %get3A_8 = vector.load %arg3[%get3A_6, %get3A_7] : memref<2x10240xf32, #tpu.memory_space<vmem>>, vector<1x1024xf32>
    %get3A_9 = vector.shape_cast %get3A_8 : vector<1x1024xf32> to vector<1024xf32>
    %broadcast_in_dim3A = vector.shape_cast %get3A_9 : vector<1024xf32> to vector<1024x1xf32>
    %mul3A_10 = vector.broadcast %broadcast_in_dim3A : vector<1024x1xf32> to vector<1024x256xf32>
    %mul3A_11 = arith.mulf %concatenate3A, %mul3A_10 : vector<1024x256xf32>
    %get3A_12 = arith.constant 0 : index
    %get3A_13 = arith.constant 0 : index
    %get3A_14 = vector.load %arg4[%get3A_12, %get3A_13] : memref<256x256xf32, #tpu.memory_space<vmem>>, vector<256x256xf32>
    %dot_general3A = arith.constant dense<0.000000e+00> : vector<1024x256xf32>
    %dot_general3A_15 = tpu.matmul %mul3A_11, %get3A_14, %dot_general3A {dimension_numbers = #tpu.dot_dimension_numbers<[1], [0], [0], [1], [0, 0, 1, 1], [], []>, precision = #tpu.contract_precision<fp32>, transpose_lhs_hint = false} : vector<1024x256xf32>, vector<256x256xf32>, vector<1024x256xf32> -> vector<1024x256xf32>
    %get3A_16 = arith.constant 0 : index
    %get3A_17 = vector.load %arg5[%get3A_16] : memref<256xf32, #tpu.memory_space<vmem>>, vector<256xf32>
    %broadcast_in_dim3A_18 = vector.shape_cast %get3A_17 : vector<256xf32> to vector<1x256xf32>
    %add3A = vector.broadcast %broadcast_in_dim3A_18 : vector<1x256xf32> to vector<1024x256xf32>
    %add3A_19 = arith.addf %dot_general3A_15, %add3A : vector<1024x256xf32>
    %swap3A = arith.constant 0 : index
    %swap3A_20 = arith.constant 0 : index
    %swap3A_21 = vector.load %arg6[%swap3A, %swap3A_20] : memref<1024x256xf32, #tpu.memory_space<vmem>>, vector<1024x256xf32>
    tpu.vector_store %arg6[%swap3A, %swap3A_20], %add3A_19 {strides = array<i32>} : memref<1024x256xf32, #tpu.memory_space<vmem>>, vector<1024x256xf32>,
    %eq3A = arith.constant 0 : i32
    %eq3A_22 = arith.cmpi eq, %arg0, %eq3A : i32
    %convert_element_type3A = arith.extui %eq3A_22 : i1 to i32
    %cond3A = arith.constant 0 : i32
    %cond3A_23 = arith.cmpi ne, %convert_element_type3A, %cond3A : i32
    scf.if %cond3A_23 {
      %broadcast_in_dim3A_57 = arith.constant 0.000000e+00 : f32
      %broadcast_in_dim3A_58 = vector.broadcast %broadcast_in_dim3A_57 : f32 to vector<2x256xf32>
      %swap3A_59 = arith.constant 0 : index
      %swap3A_60 = arith.constant 0 : index
      %swap3A_61 = vector.load %arg7[%swap3A_59, %swap3A_60] : memref<2x256xf32, #tpu.memory_space<vmem>>, vector<2x256xf32>
      tpu.vector_store %arg7[%swap3A_59, %swap3A_60], %broadcast_in_dim3A_58 {strides = array<i32>} : memref<2x256xf32, #tpu.memory_space<vmem>>, vector<2x256xf32>,
    } else {
    }
    %iota3A = tpu.iota {dimensions = array<i32: 0>} : vector<1024x1xi32>
    %mul3A_24 = arith.constant 1024 : i32
    %mul3A_25 = arith.muli %arg0, %mul3A_24 : i32
    %add3A_26 = vector.broadcast %mul3A_25 : i32 to vector<1024x1xi32>
    %add3A_27 = arith.addi %iota3A, %add3A_26 : vector<1024x1xi32>
    %lt3A = arith.constant 10000 : i32
    %lt3A_28 = vector.broadcast %lt3A : i32 to vector<1024x1xi32>
    %lt3A_29 = arith.cmpi slt, %add3A_27, %lt3A_28 : vector<1024x1xi32>
    %jit3A = arith.constant 0.000000e+00 : f32
    %broadcast_in_dim3A_30 = vector.shape_cast %lt3A_29 : vector<1024x1xi1> to vector<1024x1xi1>
    %broadcast_in_dim3A_31 = vector.broadcast %broadcast_in_dim3A_30 : vector<1024x1xi1> to vector<1024x256xi1>
    %broadcast_in_dim3A_32 = vector.broadcast %jit3A : f32 to vector<1024x256xf32>
    %select_n3A = arith.select %broadcast_in_dim3A_31, %add3A_19, %broadcast_in_dim3A_32 : vector<1024x256xi1>, vector<1024x256xf32>
    %get3A_33 = arith.constant 0 : index
    %get3A_34 = arith.constant 0 : index
    %get3A_35 = vector.load %arg7[%get3A_33, %get3A_34] : memref<2x256xf32, #tpu.memory_space<vmem>>, vector<1x256xf32>
    %get3A_36 = vector.shape_cast %get3A_35 : vector<1x256xf32> to vector<256xf32>
    %reduce_sum3A = arith.constant dense<0.000000e+00> : vector<256xf32>
    %reduce_sum3A_37 = vector.multi_reduction <add>, %select_n3A, %reduce_sum3A [0] : vector<1024x256xf32> to vector<256xf32>
    %add3A_38 = arith.addf %get3A_36, %reduce_sum3A_37 : vector<256xf32>
    %swap3A_39 = arith.constant 0 : index
    %swap3A_40 = arith.constant 0 : index
    %swap3A_41 = vector.load %arg7[%swap3A_39, %swap3A_40] : memref<2x256xf32, #tpu.memory_space<vmem>>, vector<1x256xf32>
    %swap3A_42 = vector.shape_cast %swap3A_41 : vector<1x256xf32> to vector<256xf32>
    %swap3A_43 = vector.shape_cast %add3A_38 : vector<256xf32> to vector<1x256xf32>
    tpu.vector_store %arg7[%swap3A_39, %swap3A_40], %swap3A_43 {strides = array<i32>} : memref<2x256xf32, #tpu.memory_space<vmem>>, vector<1x256xf32>,
    %get3A_44 = arith.constant 1 : index
    %get3A_45 = arith.constant 0 : index
    %get3A_46 = vector.load %arg7[%get3A_44, %get3A_45] : memref<2x256xf32, #tpu.memory_space<vmem>>, vector<1x256xf32>
    %get3A_47 = vector.shape_cast %get3A_46 : vector<1x256xf32> to vector<256xf32>
    %mul3A_48 = arith.mulf %select_n3A, %select_n3A : vector<1024x256xf32>
    %reduce_sum3A_49 = arith.constant dense<0.000000e+00> : vector<256xf32>
    %reduce_sum3A_50 = vector.multi_reduction <add>, %mul3A_48, %reduce_sum3A_49 [0] : vector<1024x256xf32> to vector<256xf32>
    %add3A_51 = arith.addf %get3A_47, %reduce_sum3A_50 : vector<256xf32>
    %swap3A_52 = arith.constant 1 : index
    %swap3A_53 = arith.constant 0 : index
    %swap3A_54 = vector.load %arg7[%swap3A_52, %swap3A_53] : memref<2x256xf32, #tpu.memory_space<vmem>>, vector<1x256xf32>
    %swap3A_55 = vector.shape_cast %swap3A_54 : vector<1x256xf32> to vector<256xf32>
    %swap3A_56 = vector.shape_cast %add3A_51 : vector<256xf32> to vector<1x256xf32>
    tpu.vector_store %arg7[%swap3A_52, %swap3A_53], %swap3A_56 {strides = array<i32>} : memref<2x256xf32, #tpu.memory_space<vmem>>, vector<1x256xf32>,
    return
  }
  func.func @transform_0(%arg0: i32) -> (i32, i32) {
    %c0_i32 = arith.constant 0 : i32
    %c0_i32_0 = arith.constant 0 : i32
    return %arg0, %c0_i32 : i32, i32
  }
  func.func @transform_1(%arg0: i32) -> (i32, i32) {
    %c0_i32 = arith.constant 0 : i32
    %c0_i32_0 = arith.constant 0 : i32
    return %arg0, %c0_i32 : i32, i32
  }
  func.func @transform_2(%arg0: i32) -> (i32, i32) {
    %c0_i32 = arith.constant 0 : i32
    %c0_i32_0 = arith.constant 0 : i32
    %c0_i32_1 = arith.constant 0 : i32
    return %c0_i32, %c0_i32_0 : i32, i32
  }
  func.func @transform_3(%arg0: i32) -> (i32, i32) {
    %c0_i32 = arith.constant 0 : i32
    %c0_i32_0 = arith.constant 0 : i32
    %c0_i32_1 = arith.constant 0 : i32
    return %c0_i32, %c0_i32_0 : i32, i32
  }
  func.func @transform_4(%arg0: i32) -> i32 {
    %c0_i32 = arith.constant 0 : i32
    %c0_i32_0 = arith.constant 0 : i32
    return %c0_i32 : i32
  }
  func.func @transform_5(%arg0: i32) -> (i32, i32) {
    %c0_i32 = arith.constant 0 : i32
    %c0_i32_0 = arith.constant 0 : i32
    return %arg0, %c0_i32 : i32, i32
  }
  func.func @transform_6(%arg0: i32) -> (i32, i32) {
    %c0_i32 = arith.constant 0 : i32
    %c0_i32_0 = arith.constant 0 : i32
    %c0_i32_1 = arith.constant 0 : i32
    return %c0_i32, %c0_i32_0 : i32, i32
  }
}

module attributes {stable_mosaic.version = 14 : i64} {
  func.func @_cls_body(%arg0: i32, %arg1: memref<1024x256xf32, #tpu.memory_space<vmem>>, %arg2: memref<2x256xf32, #tpu.memory_space<vmem>>, %arg3: memref<256xf32, #tpu.memory_space<vmem>>, %arg4: memref<256xf32, #tpu.memory_space<vmem>>, %arg5: memref<256x128xf32, #tpu.memory_space<vmem>>, %arg6: memref<128xf32, #tpu.memory_space<vmem>>, %arg7: memref<1024x128xf32, #tpu.memory_space<vmem>>) attributes {dimension_semantics = [#tpu.dimension_semantics<arbitrary>], iteration_bounds = array<i64: 10>, scalar_prefetch = 0 : i64, scratch_operands = 0 : i64, tpu.core_type = #tpu.core_type<tc>, window_params = [{transform_indices = @transform_0, window_bounds = array<i64: 1024, 256>}, {pipeline_mode = #tpu.pipeline_mode<synchronous>, transform_indices = @transform_1, window_bounds = array<i64: 2, 256>}, {pipeline_mode = #tpu.pipeline_mode<synchronous>, transform_indices = @transform_2, window_bounds = array<i64: 256>}, {pipeline_mode = #tpu.pipeline_mode<synchronous>, transform_indices = @transform_3, window_bounds = array<i64: 256>}, {pipeline_mode = #tpu.pipeline_mode<synchronous>, transform_indices = @transform_4, window_bounds = array<i64: 256, 128>}, {pipeline_mode = #tpu.pipeline_mode<synchronous>, transform_indices = @transform_5, window_bounds = array<i64: 128>}, {transform_indices = @transform_6, window_bounds = array<i64: 1024, 128>}]} {
    %get3A = arith.constant 0 : index
    %get3A_0 = arith.constant 0 : index
    %get3A_1 = vector.load %arg2[%get3A, %get3A_0] : memref<2x256xf32, #tpu.memory_space<vmem>>, vector<1x256xf32>
    %get3A_2 = vector.shape_cast %get3A_1 : vector<1x256xf32> to vector<256xf32>
    %mul3A = arith.constant 9.99999974E-5 : f32
    %mul3A_3 = vector.broadcast %mul3A : f32 to vector<256xf32>
    %mul3A_4 = arith.mulf %get3A_2, %mul3A_3 : vector<256xf32>
    %get3A_5 = arith.constant 1 : index
    %get3A_6 = arith.constant 0 : index
    %get3A_7 = vector.load %arg2[%get3A_5, %get3A_6] : memref<2x256xf32, #tpu.memory_space<vmem>>, vector<1x256xf32>
    %get3A_8 = vector.shape_cast %get3A_7 : vector<1x256xf32> to vector<256xf32>
    %mul3A_9 = arith.constant 9.99999974E-5 : f32
    %mul3A_10 = vector.broadcast %mul3A_9 : f32 to vector<256xf32>
    %mul3A_11 = arith.mulf %get3A_8, %mul3A_10 : vector<256xf32>
    %mul3A_12 = arith.mulf %mul3A_4, %mul3A_4 : vector<256xf32>
    %sub3A = arith.subf %mul3A_11, %mul3A_12 : vector<256xf32>
    %add3A = arith.constant 9.99999974E-6 : f32
    %add3A_13 = vector.broadcast %add3A : f32 to vector<256xf32>
    %add3A_14 = arith.addf %sub3A, %add3A_13 : vector<256xf32>
    %rsqrt3A = math.rsqrt %add3A_14 : vector<256xf32>
    %get3A_15 = arith.constant 0 : index
    %get3A_16 = arith.constant 0 : index
    %get3A_17 = vector.load %arg1[%get3A_15, %get3A_16] : memref<1024x256xf32, #tpu.memory_space<vmem>>, vector<1024x256xf32>
    %broadcast_in_dim3A = vector.shape_cast %mul3A_4 : vector<256xf32> to vector<1x256xf32>
    %sub3A_18 = vector.broadcast %broadcast_in_dim3A : vector<1x256xf32> to vector<1024x256xf32>
    %sub3A_19 = arith.subf %get3A_17, %sub3A_18 : vector<1024x256xf32>
    %get3A_20 = arith.constant 0 : index
    %get3A_21 = vector.load %arg3[%get3A_20] : memref<256xf32, #tpu.memory_space<vmem>>, vector<256xf32>
    %mul3A_22 = arith.mulf %rsqrt3A, %get3A_21 : vector<256xf32>
    %broadcast_in_dim3A_23 = vector.shape_cast %mul3A_22 : vector<256xf32> to vector<1x256xf32>
    %mul3A_24 = vector.broadcast %broadcast_in_dim3A_23 : vector<1x256xf32> to vector<1024x256xf32>
    %mul3A_25 = arith.mulf %sub3A_19, %mul3A_24 : vector<1024x256xf32>
    %get3A_26 = arith.constant 0 : index
    %get3A_27 = vector.load %arg4[%get3A_26] : memref<256xf32, #tpu.memory_space<vmem>>, vector<256xf32>
    %broadcast_in_dim3A_28 = vector.shape_cast %get3A_27 : vector<256xf32> to vector<1x256xf32>
    %add3A_29 = vector.broadcast %broadcast_in_dim3A_28 : vector<1x256xf32> to vector<1024x256xf32>
    %add3A_30 = arith.addf %mul3A_25, %add3A_29 : vector<1024x256xf32>
    %max3A = arith.constant 0.000000e+00 : f32
    %max3A_31 = vector.broadcast %max3A : f32 to vector<1024x256xf32>
    %max3A_32 = arith.maximumf %add3A_30, %max3A_31 : vector<1024x256xf32>
    %get3A_33 = arith.constant 0 : index
    %get3A_34 = arith.constant 0 : index
    %get3A_35 = vector.load %arg5[%get3A_33, %get3A_34] : memref<256x128xf32, #tpu.memory_space<vmem>>, vector<256x128xf32>
    %dot_general3A = arith.constant dense<0.000000e+00> : vector<1024x128xf32>
    %dot_general3A_36 = tpu.matmul %max3A_32, %get3A_35, %dot_general3A {dimension_numbers = #tpu.dot_dimension_numbers<[1], [0], [0], [1], [0, 0, 1, 1], [], []>, precision = #tpu.contract_precision<fp32>, transpose_lhs_hint = false} : vector<1024x256xf32>, vector<256x128xf32>, vector<1024x128xf32> -> vector<1024x128xf32>
    %get3A_37 = arith.constant 0 : index
    %get3A_38 = vector.load %arg6[%get3A_37] : memref<128xf32, #tpu.memory_space<vmem>>, vector<128xf32>
    %broadcast_in_dim3A_39 = vector.shape_cast %get3A_38 : vector<128xf32> to vector<1x128xf32>
    %add3A_40 = vector.broadcast %broadcast_in_dim3A_39 : vector<1x128xf32> to vector<1024x128xf32>
    %add3A_41 = arith.addf %dot_general3A_36, %add3A_40 : vector<1024x128xf32>
    %swap3A = arith.constant 0 : index
    %swap3A_42 = arith.constant 0 : index
    %swap3A_43 = vector.load %arg7[%swap3A, %swap3A_42] : memref<1024x128xf32, #tpu.memory_space<vmem>>, vector<1024x128xf32>
    tpu.vector_store %arg7[%swap3A, %swap3A_42], %add3A_41 {strides = array<i32>} : memref<1024x128xf32, #tpu.memory_space<vmem>>, vector<1024x128xf32>,
    return
  }
  func.func @transform_0(%arg0: i32) -> (i32, i32) {
    %c0_i32 = arith.constant 0 : i32
    %c0_i32_0 = arith.constant 0 : i32
    return %arg0, %c0_i32 : i32, i32
  }
  func.func @transform_1(%arg0: i32) -> (i32, i32) {
    %c0_i32 = arith.constant 0 : i32
    %c0_i32_0 = arith.constant 0 : i32
    %c0_i32_1 = arith.constant 0 : i32
    return %c0_i32, %c0_i32_0 : i32, i32
  }
  func.func @transform_2(%arg0: i32) -> i32 {
    %c0_i32 = arith.constant 0 : i32
    %c0_i32_0 = arith.constant 0 : i32
    return %c0_i32 : i32
  }
  func.func @transform_3(%arg0: i32) -> i32 {
    %c0_i32 = arith.constant 0 : i32
    %c0_i32_0 = arith.constant 0 : i32
    return %c0_i32 : i32
  }
  func.func @transform_4(%arg0: i32) -> (i32, i32) {
    %c0_i32 = arith.constant 0 : i32
    %c0_i32_0 = arith.constant 0 : i32
    %c0_i32_1 = arith.constant 0 : i32
    return %c0_i32, %c0_i32_0 : i32, i32
  }
  func.func @transform_5(%arg0: i32) -> i32 {
    %c0_i32 = arith.constant 0 : i32
    %c0_i32_0 = arith.constant 0 : i32
    return %c0_i32 : i32
  }
  func.func @transform_6(%arg0: i32) -> (i32, i32) {
    %c0_i32 = arith.constant 0 : i32
    %c0_i32_0 = arith.constant 0 : i32
    return %arg0, %c0_i32 : i32, i32
  }
}

</mosaic_0001>

<sc_bundles>
// kernel: kernel.13.cloned.1.call-start
scs
__scs_entry_jumppad:
0x0: {  	(pc) =	sbr.rel $0x88, $3  }
0x1: {  	(tag) =	ssettag $0x0;
	lr =	simm.s32 $0x1  }
0x2: {  	[smem:$0x3F91] =	sst lr;
	_ =	strace $0xD0000000  }
0x3: {  	_ = 	snop  }
0x4: {  	_ = 	snop  }
0x5: {  	_ = 	snop  }
0x6: {  	_ = 	snop  }
0x7: {  	_ = 	snop  }
__scs_overlays_trampoline_lowered:
0x8: {  	[smem:$0x3FA0] =	sst s0  }
0x9: {  	[smem:$0x3FA1] =	sst s1  }
0xa: {  	[smem:$0x3FA2] =	sst s2  }
0xb: {  	[smem:$0x3FA3] =	sst s3  }
0xc: {  	[smem:$0x3FA4] =	sst s4  }
0xd: {  	[smem:$0x3FA5] =	sst s5  }
0xe: {  	[smem:$0x3FA6] =	sst s6  }
0xf: {  	[smem:$0x3FA7] =	sst s7  }
0x10: {  	[smem:$0x3FA8] =	sst s8  }
0x11: {  	[smem:$0x3FA9] =	sst s9;
	s0 =	simm.s32 @!p0 $0x0  }
0x12: {  	s1 =	sld [smem:$0x3F8F];
	s0 =	simm.s32 @p0 $0x1  }
0x13: {  	[smem:$0x3FAA] =	sst s0;
	s0 =	simm.s32 @!p1 $0x0  }
0x14: {  	s2 =	sld [smem:$0x3F8E];
	s0 =	simm.s32 @p1 $0x1  }
0x15: {  	[smem:$0x3FAB] =	sst s0;
	s0 =	simm.s32 @!p2 $0x0  }
0x16: {  	s3 =	sld [smem:$0x3FDB];
	s0 =	simm.s32 @p2 $0x1  }
0x17: {  	s4 =	simm.s32 $0x1BF5;
	[smem:$0x3FAD] =	sst s0  }
0x18: {  	s0 =	sld [smem:$0x3F90];
	_ =	swait.ge [sflag:s4], $0x0  }
0x19: {  	s7 =	sld [smem:$0x3F91]  }
0x1a: {  	s8 =	sadd.s32 $0xFFFFE003, lr  }
0x1b: {  	s9 =	sadd.s32 $0xFFFFFEF7, lr;
	s5 =	simm.s32 $0xFFFFFFFF;
	p2 =	slt.u32 s8, $0xFFFFF086  }
0x1c: {  	p1 =	slt.u32 s9, $0xF7A;
	s5 =	simm.s32 @!p2 $0x0  }
0x1d: {  	s5 =	simm.s32 @p1 $0x1;
	p0 =	seq.s32 s7, s2  }
0x1e: {  	s7 =	smul.u32 @!p0 $0xF7A, s2;
	p2 =	seq.s32 @!p0 s5, $0x0  }
0x1f: {  	s9 =	smul.u32 $0xF7A, s1;
	s8 =	simm.s32 @!p0 $0x1BF5;
	p2 =	por !p2, p0  }
0x20: {  	[sflag:s8] =	ssyncset.s32 @!p0 $0xFFFFF086;
	s6 =	sadd.s32 @!p0 s3, s7;
	s7 =	simm.s32 @!p0 $0x108  }
0x21: {  	s3 =	sadd.s32 s3, s9;
	s6 =	sadd.s32 @!p0 $0x88, s6;
	s7 =	simm.s32 @p2 $0x1082  }
0x22: {  	[simem:s7], [sflag:s8] =	dma.local @!p0 [hbm:s6], $0xF7A  }
0x23: {  	s9 =	sor.u32 $0xD0000000, s2;
	s6 =	simm.s32 $0x108;
	_ =	swait.ge @!p0 [sflag:s8], $0x0  }
0x24: {  	s3 =	sadd.s32 $0x88, s3;
	s6 =	simm.s32 @!p1 $0x1082;
	[sflag:s4] =	ssyncset.s32 $0xFFFFF086  }
0x25: {  	[simem:s6], [sflag:s4] =	dma.local [hbm:s3], $0xF7A  }
0x26: {  	[smem:$0x3F91] =	sst s1;
	(tag) =	ssettag s2;
	_ =	strace s9  }
0x27: {  	s1 =	sld [smem:$0x3FA1]  }
0x28: {  	s2 =	sld [smem:$0x3FA2]  }
0x29: {  	s4 =	sld [smem:$0x3FA4]  }
0x2a: {  	p0 =	seq.s32 s5, $0x0;
	s5 =	sld [smem:$0x3FA5]  }
0x2b: {  	s6 =	sld [smem:$0x3FA6]  }
0x2c: {  	s7 =	sld [smem:$0x3FA7]  }
0x2d: {  	s3 =	simm.s32 $0x108;
	s8 =	sld [smem:$0x3FA8]  }
0x2e: {  	s3 =	simm.s32 @!p0 $0x1082;
	s9 =	sld [smem:$0x3FA9]  }
0x2f: {  	lr =	sadd.s32 s0, s3;
	s0 =	sld [smem:$0x3FA0]  }
0x30: {  	s3 =	sld [smem:$0x3FA3]  }
0x31: {  	[smem:$0x3FAC] =	sst s10  }
0x32: {  	s10 =	sld [smem:$0x3FAA];
	_ =	sdelay $0x3  }
0x33: {  	p0 =	seq.s32 s10, $0x1;
	s10 =	sld [smem:$0x3FAC];
	_ =	sdelay $0x3  }
0x34: {  	[smem:$0x3FAC] =	sst s10  }
0x35: {  	s10 =	sld [smem:$0x3FAB];
	_ =	sdelay $0x3  }
0x36: {  	p1 =	seq.s32 s10, $0x1;
	s10 =	sld [smem:$0x3FAC];
	_ =	sdelay $0x3  }
0x37: {  	[smem:$0x3FAC] =	sst s10  }
0x38: {  	s10 =	sld [smem:$0x3FAD]  }
0x39: {  	_ = 	snop;
	(pc) =	sbr.ind lr, $3  }
0x3a: {  	_ = 	snop  }
0x3b: {  	_ = 	snop  }
0x3c: {  	p2 =	seq.s32 s10, $0x1;
	s10 =	sld [smem:$0x3FAC]  }
0x3d: {  	_ =	shalt  }
0x3e: {  	_ =	shalt  }
0x3f: {  	_ =	shalt  }
0x40: {  	_ =	shalt  }
0x41: {  	_ =	shalt  }
0x42: {  	_ =	shalt  }
0x43: {  	_ =	shalt  }
0x44: {  	_ =	shalt  }
0x45: {  	_ =	shalt  }
0x46: {  	_ =	shalt  }
0x47: {  	_ =	shalt  }
0x48: {  	_ =	shalt  }
0x49: {  	_ =	shalt  }
0x4a: {  	_ =	shalt  }
0x4b: {  	_ =	shalt  }
0x4c: {  	_ =	shalt  }
0x4d: {  	_ =	shalt  }
0x4e: {  	_ =	shalt  }
0x4f: {  	_ =	shalt  }
0x50: {  	_ =	shalt  }
0x51: {  	_ =	shalt  }
0x52: {  	_ =	shalt  }
0x53: {  	_ =	shalt  }
0x54: {  	_ =	shalt  }
0x55: {  	_ =	shalt  }
0x56: {  	_ =	shalt  }
0x57: {  	_ =	shalt  }
0x58: {  	_ =	shalt  }
0x59: {  	_ =	shalt  }
0x5a: {  	_ =	shalt  }
0x5b: {  	_ =	shalt  }
0x5c: {  	_ =	shalt  }
0x5d: {  	_ =	shalt  }
0x5e: {  	_ =	shalt  }
0x5f: {  	_ =	shalt  }
0x60: {  	_ =	shalt  }
0x61: {  	_ =	shalt  }
0x62: {  	_ =	shalt  }
0x63: {  	_ =	shalt  }
0x64: {  	_ =	shalt  }
0x65: {  	_ =	shalt  }
0x66: {  	_ =	shalt  }
0x67: {  	_ =	shalt  }
0x68: {  	_ =	shalt  }
0x69: {  	_ =	shalt  }
0x6a: {  	_ =	shalt  }
0x6b: {  	_ =	shalt  }
0x6c: {  	_ =	shalt  }
0x6d: {  	_ =	shalt  }
0x6e: {  	_ =	shalt  }
0x6f: {  	_ =	shalt  }
0x70: {  	_ =	shalt  }
0x71: {  	_ =	shalt  }
0x72: {  	_ =	shalt  }
0x73: {  	_ =	shalt  }
0x74: {  	_ =	shalt  }
0x75: {  	_ =	shalt  }
0x76: {  	_ =	shalt  }
0x77: {  	_ =	shalt  }
0x78: {  	_ =	shalt  }
0x79: {  	_ =	shalt  }
0x7a: {  	_ =	shalt  }
0x7b: {  	_ =	shalt  }
0x7c: {  	_ =	shalt  }
0x7d: {  	_ =	shalt  }
0x7e: {  	_ =	shalt  }
0x7f: {  	_ =	shalt  }
0x80: {  	_ =	shalt  }
0x81: {  	_ =	shalt  }
0x82: {  	_ =	shalt  }
0x83: {  	_ =	shalt  }
0x84: {  	_ =	shalt  }
0x85: {  	_ =	shalt  }
0x86: {  	_ =	shalt  }
0x87: {  	_ =	shalt  }
.Lfunc_end0:
.L_simem_size_0:
called_computation_lowered:
.L_overlay_start_0:
0x88: {  	s2 =	sld [smem:$0x3FD9]  }
0x89: {  	s3 =	sld [smem:$0x3FFE];
	_ =	sdelay $0x1  }
0x8a: {  	s1 =	srdreg.scid  }
0x8b: {  	s0 =	sand.u32 $0x1, s1  }
0x8c: {  	s16 =	sshll.u32 s0, $0xA;
	s2 =	sadd.s32 s3, s2  }
0x8d: {  	s2 =	sadd.s32 s2, s16  }
0x8e: {  	[smem:$0x3FB8] =	sst s2  }
0x8f: {  	_ = 	snop  }
0x90: {  	(tm) =	ssettm $0x1  }
0x91: {  	s17 =	sld [smem:$0x3FFB];
	_ =	sdelay $0x3  }
0x92: {  	_ =	strace s17  }
0x93: {  	s2 =	sld [smem:$0x3FFC];
	_ =	sdelay $0x3  }
0x94: {  	_ =	strace s2  }
0x95: {  	s2 =	sld [smem:$0x3FFD];
	_ =	sdelay $0x3  }
0x96: {  	_ =	strace s2  }
0x97: {  	_ =	strace $0x8FFFFFFF  }
0x98: {  	s18 =	sld [smem:$0x3FDB];
	_ =	sdelay $0x1  }
0x99: {  	s19 =	simm.s32 $_scs_section_size  }
0x9a: {  	s4 =	simm.s32 $_size__tile_overlayer_lowered;
	s5 =	simm.s32 $_tile_overlayer_lowered  }
0x9b: {  	s22 =	simm.s32 $0x1BFF;
	s21 =	sshll.u32 s5, $0x1;
	s2 =	sadd.s32 s19, s18  }
0x9c: {  	s6 =	simm.s32 $0x0;
	s20 =	sshll.u32 s4, $0x1;
	s4 =	sadd.s32 s21, s2  }
0x9d: {  	[timem:s6], [sflag:s22] =	dma.local [hbm:s4], s20  }
0x9e: {  	_ =	swait.ge [sflag:s22], s20  }
0x9f: {  	s3 =	ssub.s32 $0x0, s20;
	[sflag:s22] =	ssyncset.done $0x0  }
0xa0: {  	[sflag:s22] =	ssyncadd.s32 s3;
	_ =	sdelay $0x1  }
0xa1: {  	s23 =	simm.s32 $0x1B8B  }
0xa2: {  	_ =	swait.ge [sflag:s23], $0x1  }
0xa3: {  	[sflag:s23] =	ssyncset.done $0x0  }
0xa4: {  	s25 =	simm.s32 $0x1B8E;
	s24 =	sld [smem:$0x3FFE];
	[sflag:s23] =	ssyncadd.s32 $0xFFFFFFFF  }
0xa5: {  	s26 =	simm.s32 $execute0_lowered;
	[smem:$0x3FD2] =	sst s25  }
0xa6: {  	s4 =	sshll.u32 s26, $0x1;
	_ =	strace $0x80000046;
	[dreg:$0x1] =	wrdreg $0xFFFFFFFF  }
0xa7: {  	s28 =	simm.s32 $_size_execute0_lowered;
	s2 =	sadd.s32 s2, s4;
	[dreg:$0x0] =	wrdreg $0x0  }
0xa8: {  	s4 =	sshll.u32 s28, $0x1;
	[dreg:$0x2] =	wrdreg s2  }
0xa9: {  	[dreg:$0x3] =	wrdreg s4  }
0xaa: {  	[dreg:$0x4] =	wrdreg $0xC0  }
0xab: {  	_ =	task [dreg:s6], $0x5FFFF  }
0xac: {  	[dreg:$0x1] =	wrdreg $0xFFFFFFFF  }
0xad: {  	[dreg:$0x0] =	wrdreg $0x60  }
0xae: {  	[dreg:$0x2] =	wrdreg s24  }
0xaf: {  	[dreg:$0x3] =	wrdreg $0x4000  }
0xb0: {  	[dreg:$0x4] =	wrdreg $0x6800  }
0xb1: {  	[dreg:$0x5] =	wrdreg $0x9  }
0xb2: {  	_ =	task.clear_ibuf [dreg:s6], $0x6FFFF;
	_ =	strace $0x90000046  }
0xb3: {  	s29 =	simm.s32 $0x9;
	_ =	strace $0x80000048  }
0xb4: {  	_ =	swait.ge [sflag:s29], $0x1  }
0xb5: {  	[sflag:s29] =	ssyncadd.s32 $0xFFFFFFFF  }
0xb6: {  	_ =	strace $0x90000048  }
0xb7: {  	_ =	sfence  }
0xb8: {  	s30 =	sld [smem:$0x0];
	_ =	sdelay $0x2  }
0xb9: {  	s31 =	sshll.u32 s1, $0xD;
	s1 =	sshrl.u32 s1, $0x2  }
0xba: {  	s3 =	sand.u32 $0x4000, s31;
	s1 =	sadd.s32 s1, s30  }
0xbb: {  	s0 =	sor.u32 s3, s0;
	s1 =	sshll.u32 s1, $0x11  }
0xbc: {  	s0 =	sor.u32 s1, s0  }
0xbd: {  	s0 =	sadd.s32 $0x8F2B, s0  }
0xbe: {  	[sflag:s0] =	ssyncadd.remote.s32 $0x1  }
0xbf: {  	_ =	sfence.sel $0xFFFF  }
0xc0: {  	[dreg:$0x0] =	wrdreg $0xFFFFFFFF;
	(pc) =	sbr.abs _section_cstart, $3  }
0xc1: {  	[dreg:$0x1] =	wrdreg $0xFFFFFFFF  }
0xc2: {  	_ =	task.clear_ibuf [dreg:s6], $0x2FFFF;
	_ =	strace $0x9FFFFFFF  }
0xc3: {  	(tm) =	ssettm $0x7FFFFFFF  }
tec
execute0_lowered:
.L_overlay_start_1:
0x0: {  	(tag) =	ssettag $0x1  }
0x1: {  	s5 =	rddreg [dreg:$0x0]  }
0x2: {  	s1 =	rddreg [dreg:$0x1]  }
0x3: {  	s2 =	rddreg [dreg:$0x2];
	s3 =	srdreg.scid  }
0x4: {  	s0 =	rddreg [dreg:$0x3];
	s6 =	sand.u32 $0x1, s3  }
0x5: {  	s4 =	simm.s32 $0x0;
	s3 =	stileid.u32;
	s7 =	smul.u32 $0x5000, s6  }
0x6: {  	s15 =	simm.s32 $0x20;
	[smem:$0x7FF] =	sst s4;
	s8 =	smul.u32 $0x500, s3  }
0x7: {  	s16 =	simm.s32 $0x10;
	_ =	strace $0x80000047;
	s9 =	smul.u32 $0x4E20, s6  }
0x8: {  	s6 =	ssub.s32 $0x2, s6;
	s10 =	smul.u32 $0x280, s3;
	s31 =	sshll.u32 s3, $0x4  }
0x9: {  	s13 =	sshll.u32 s3, $0x6;
	s30 =	sshrl.u32 s6, $0x1;
	s7 =	sadd.s32 s8, s7  }
0xa: {  	s13 =	sor.u32 $0x1C01, s13;
	s9 =	sadd.s32 s9, s5;
	s7 =	sshrl.u32 s7, $0x3  }
0xb: {  	s12 =	ssub.s32 s6, s30;
	s6 =	sadd.s32 s10, s2;
	s11 =	sadd.s32 s7, s5  }
0xc: {  	s5 =	sadd.s32 s10, s1;
	s10 =	sadd.s32 s31, s9;
	s9 =	smax.u32 s12, $0x1  }
0xd: {  	s12 =	simm.s32 $0x1;
	s7 =	sadd.s32 $0x19A00, s11;
	s8 =	sadd.s32 $0x19A10, s11  }
0xe: {  	v0 =	vimm.f32 $1.000000000e+00;
	v1 =	vimm.f32 $0.0e+00;
	s10 =	sadd.s32 $0x6000, s10;
	s11 =	simm.s32 $0x80;
	s14 =	sshrl.u32 s5, $0x3  }
.LBB2_1:
0xf: {  	[tilespmem:$0x0] =	vst v0  }
0x10: {  	[tilespmem:$0x10] =	vst v0  }
0x11: {  	[tilespmem:$0x20] =	vst v0  }
0x12: {  	[tilespmem:$0x30] =	vst v0  }
0x13: {  	[tilespmem:$0x40] =	vst v0  }
0x14: {  	[tilespmem:$0x50] =	vst v0  }
0x15: {  	[tilespmem:$0x60] =	vst v0  }
0x16: {  	[tilespmem:$0x70] =	vst v0  }
0x17: {  	[tilespmem:$0x80] =	vst v1  }
0x18: {  	[tilespmem:$0x90] =	vst v1  }
0x19: {  	[tilespmem:$0xA0] =	vst v1  }
0x1a: {  	[tilespmem:$0xB0] =	vst v1  }
0x1b: {  	[tilespmem:$0xC0] =	vst v1  }
0x1c: {  	[tilespmem:$0xD0] =	vst v1  }
0x1d: {  	[tilespmem:$0xE0] =	vst v1  }
0x1e: {  	[tilespmem:$0xF0] =	vst v1  }
0x1f: {  	[tilespmem:$0x100] =	vst v1  }
0x20: {  	[tilespmem:$0x110] =	vst v1  }
0x21: {  	[tilespmem:$0x120] =	vst v1  }
0x22: {  	[tilespmem:$0x130] =	vst v1  }
0x23: {  	[tilespmem:$0x140] =	vst v1  }
0x24: {  	[tilespmem:$0x150] =	vst v1  }
0x25: {  	[tilespmem:$0x160] =	vst v1  }
0x26: {  	[tilespmem:$0x170] =	vst v1  }
0x27: {  	[tilespmem:$0x180] =	vst v1  }
0x28: {  	[tilespmem:$0x190] =	vst v1  }
0x29: {  	[tilespmem:$0x1A0] =	vst v1  }
0x2a: {  	[tilespmem:$0x1B0] =	vst v1  }
0x2b: {  	[tilespmem:$0x1C0] =	vst v1  }
0x2c: {  	[tilespmem:$0x1D0] =	vst v1  }
0x2d: {  	[tilespmem:$0x1E0] =	vst v1  }
0x2e: {  	[tilespmem:$0x1F0] =	vst v1  }
0x2f: {  	[tilespmem:$0x200] =	vst v1  }
0x30: {  	[tilespmem:$0x210] =	vst v1  }
0x31: {  	[tilespmem:$0x220] =	vst v1  }
0x32: {  	[tilespmem:$0x230] =	vst v1  }
0x33: {  	[tilespmem:$0x240] =	vst v1  }
0x34: {  	[tilespmem:$0x250] =	vst v1  }
0x35: {  	[tilespmem:$0x260] =	vst v1  }
0x36: {  	[tilespmem:$0x270] =	vst v1  }
0x37: {  	[tilespmem:$0x280] =	vst v1  }
0x38: {  	[tilespmem:$0x290] =	vst v1  }
0x39: {  	[tilespmem:$0x2A0] =	vst v1  }
0x3a: {  	[tilespmem:$0x2B0] =	vst v1  }
0x3b: {  	[tilespmem:$0x2C0] =	vst v1  }
0x3c: {  	[tilespmem:$0x2D0] =	vst v1  }
0x3d: {  	[tilespmem:$0x2E0] =	vst v1  }
0x3e: {  	[tilespmem:$0x2F0] =	vst v1  }
0x3f: {  	[spmem:s5] =	stream.linear.scatter [tilespmem:s11], [sflag:$0x1], $0x280, $0x38;
	[tilespmem:$0x900] =	vst v63  }
0x40: {  	_ =	swait.ge [sflag:s12], $0x280  }
0x41: {  	[sflag:s12] =	ssyncset.done $0x0  }
0x42: {  	[sflag:s12] =	ssyncadd.s32 $0xFFFFFD80  }
0x43: {  	[spmem:s6] =	stream.linear.scatter [tilespmem:s11], [sflag:$0x1], $0x280, $0x38;
	[tilespmem:$0x900] =	vst v63  }
0x44: {  	s17 =	sadd.s32 $0x0, s3;
	_ =	swait.ge [sflag:s12], $0x280  }
0x45: {  	p0 =	sgt.u32 s17, $0x4E1;
	[sflag:s12] =	ssyncset.done $0x0  }
0x46: {  	s17 =	simm.s32 @!p0 $0x80;
	s18 =	simm.s32 @!p0 $0x4E400;
	[sflag:s12] =	ssyncadd.s32 $0xFFFFFD80  }
0x47: {  	s19 =	simm.s32 @!p0 $0x300;
	s20 =	simm.s32 @!p0 $0x2;
	[bflag:$0x0] =	sbarrier.arrive $0xFFFF  }
0x48: {  	[tilespmem:s19], [sflag:$0x2] =	stream.strided.gather @!p0 [hbm4b:s10+s17], $0x100, s18, s17, $0x38;
	[tilespmem:$0x900] =	vst v63  }
0x49: {  	_ =	swait.ge @!p0 [sflag:s20], $0x100  }
0x4a: {  	[sflag:s20] =	ssyncset.done @!p0 $0x0  }
0x4b: {  	s18 =	simm.s32 @!p0 $0x0;
	[sflag:s20] =	ssyncadd.s32 @!p0 $0xFFFFFF00;
	p0 =	por p0, p0  }
0x4c: {  	[spmem:s1] =	stream.indirect.scatter.add.f32 @!p0 [tilespmem:s18], [sflag:$0x2], $0x1, s19, s17, $0xb8;
	[tilespmem:$0x900] =	vst v63  }
0x4d: {  	_ =	swait.ge @!p0 [sflag:s20], $0x80  }
0x4e: {  	[sflag:s20] =	ssyncset.done @!p0 $0x0  }
0x4f: {  	s31 =	sadd.s32 $0x10, s3;
	s19 =	simm.s32 @!p0 $0x380;
	[sflag:s20] =	ssyncadd.s32 @!p0 $0xFFFFFF80  }
0x50: {  	[spmem:s2] =	stream.indirect.scatter.add.f32 @!p0 [tilespmem:s18], [sflag:$0x1], $0x1, s19, s17, $0xb8;
	[tilespmem:$0x900] =	vst v63  }
0x51: {  	p1 =	sgt.u32 s31, $0x4E1;
	s19 =	simm.s32 @!p0 $0x1  }
0x52: {  	s18 =	simm.s32 $0x20;
	s17 =	sadd.s32 $0x100, s10;
	_ =	swait.ge @!p0 [sflag:s19], $0x80  }
.LBB2_2:
0x53: {  	s20 =	simm.s32 @!p1 $0x80;
	s21 =	simm.s32 @!p1 $0x4E400;
	[sflag:s19] =	ssyncset.done @!p0 $0x0  }
0x54: {  	s22 =	simm.s32 @!p1 $0x300;
	s23 =	simm.s32 @!p1 $0x2;
	[sflag:s19] =	ssyncadd.s32 @!p0 $0xFFFFFF80  }
0x55: {  	[tilespmem:s22], [sflag:$0x2] =	stream.strided.gather @!p1 [hbm4b:s17+s20], $0x100, s21, s20, $0x38;
	[tilespmem:$0x900] =	vst v63  }
0x56: {  	s19 =	smov.u32 s18;
	s18 =	sadd.s32 $0x10, s18;
	_ =	swait.ge @!p1 [sflag:s23], $0x100  }
0x57: {  	p2 =	sne.s32 s18, $0x4F0;
	s21 =	simm.s32 @!p1 $0x0;
	[sflag:s23] =	ssyncset.done @!p1 $0x0  }
0x58: {  	p0 =	por p1, p1;
	[sflag:s23] =	ssyncadd.s32 @!p1 $0xFFFFFF00  }
0x59: {  	[spmem:s1] =	stream.indirect.scatter.add.f32 @!p0 [tilespmem:s21], [sflag:$0x2], $0x1, s22, s20, $0xb8;
	[tilespmem:$0x900] =	vst v63  }
.Ltmp0:
0x5a: {  	_ =	swait.ge @!p0 [sflag:s23], $0x80;
	(pc) =	sbr.rel @p2 .LBB2_2-.Ltmp0, $4  }
0x5b: {  	s22 =	simm.s32 @!p0 $0x380;
	[sflag:s23] =	ssyncset.done @!p0 $0x0  }
0x5c: {  	s24 =	sadd.s32 s19, s3;
	s19 =	simm.s32 @!p0 $0x1;
	[sflag:s23] =	ssyncadd.s32 @!p0 $0xFFFFFF80  }
0x5d: {  	[spmem:s2] =	stream.indirect.scatter.add.f32 @!p0 [tilespmem:s21], [sflag:$0x1], $0x1, s22, s20, $0xb8;
	[tilespmem:$0x900] =	vst v63  }
0x5e: {  	s17 =	sadd.s32 $0x100, s17;
	p1 =	sgt.u32 s24, $0x4E1;
	_ =	swait.ge @!p0 [sflag:s19], $0x80  }
0x5f: {  	s18 =	simm.s32 @!p1 $0x80;
	s20 =	simm.s32 @!p1 $0x4E400;
	[sflag:s19] =	ssyncset.done @!p0 $0x0  }
0x60: {  	s21 =	simm.s32 @!p1 $0x300;
	s22 =	simm.s32 @!p1 $0x2;
	[sflag:s19] =	ssyncadd.s32 @!p0 $0xFFFFFF80  }
0x61: {  	[tilespmem:s21], [sflag:$0x2] =	stream.strided.gather @!p1 [hbm4b:s17+s18], $0x100, s20, s18, $0x38;
	[tilespmem:$0x900] =	vst v63  }
0x62: {  	_ =	swait.ge @!p1 [sflag:s22], $0x100  }
0x63: {  	[sflag:s22] =	ssyncset.done @!p1 $0x0  }
0x64: {  	p0 =	por p1, p1;
	s17 =	simm.s32 @!p1 $0x0;
	[sflag:s22] =	ssyncadd.s32 @!p1 $0xFFFFFF00  }
0x65: {  	[spmem:s1] =	stream.indirect.scatter.add.f32 @!p0 [tilespmem:s17], [sflag:$0x2], $0x1, s21, s18, $0xb8;
	[tilespmem:$0x900] =	vst v63  }
0x66: {  	_ =	swait.ge @!p0 [sflag:s22], $0x80  }
0x67: {  	[sflag:s22] =	ssyncset.done @!p0 $0x0  }
0x68: {  	s19 =	simm.s32 @!p0 $0x380;
	s20 =	simm.s32 @!p0 $0x1;
	[sflag:s22] =	ssyncadd.s32 @!p0 $0xFFFFFF80  }
0x69: {  	[spmem:s2] =	stream.indirect.scatter.add.f32 @!p0 [tilespmem:s17], [sflag:$0x1], $0x1, s19, s18, $0xb8;
	[tilespmem:$0x900] =	vst v63  }
0x6a: {  	_ =	swait.ge @!p0 [sflag:s20], $0x80  }
0x6b: {  	[sflag:s20] =	ssyncset.done @!p0 $0x0  }
0x6c: {  	[sflag:s20] =	ssyncadd.s32 @!p0 $0xFFFFFF80  }
0x6d: {  	[bflag:$0x0] =	sbarrier.arrive $0xFFFF  }
0x6e: {  	[hbm:s7@s15], [sflag:s13] =	dma.strided [spmem:s14@s16], $0x50, s12, $0x10   }
0x6f: {  	s4 =	sadd.s32 $0x1, s4;
	_ =	swait.ge [sflag:s12], $0x50  }
0x70: {  	p0 =	sne.s32 s4, s9;
	[sflag:s12] =	ssyncset.done $0x0  }
.Ltmp1:
0x71: {  	s31 =	sshrl.u32 s6, $0x3;
	[sflag:s12] =	ssyncadd.s32 $0xFFFFFFB0;
	(pc) =	sbr.rel @p0 .LBB2_1-.Ltmp1, $4  }
0x72: {  	[hbm:s8@s15], [sflag:s13] =	dma.strided [spmem:s31@s16], $0x50, s12, $0x10   }
0x73: {  	_ =	swait.ge [sflag:s12], $0x50  }
0x74: {  	[sflag:s12] =	ssyncset.done $0x0  }
0x75: {  	[sflag:s12] =	ssyncadd.s32 $0xFFFFFFB0  }
0x76: {  	_ =	sfence.sel $0x180000  }
0x77: {  	[bflag:$0x0] =	sbarrier.arrive $0xFFFF  }
0x78: {  	p0 =	sne.s32 s3, $0x0;
	_ =	strace $0x90000047  }
0x79: {  	s0 =	sadd.s32 @!p0 $0x100000, s0;
	[bflag:$0x2] =	sbarrier.arrive $0xFFFF  }
0x7a: {  	[sflag:s0] =	ssyncadd.tile.s32 @!p0 $0x1;
	_ =	shalt  }
.Lfunc_end2:
_tile_overlayer_lowered:
.L_overlay_start_2:
0x7b: {  	(tag) =	ssettag $0x2  }
0x7c: {  	s0 =	rddreg [dreg:$0x0];
	s2 =	stileid.u32  }
0x7d: {  	s1 =	rddreg [dreg:$0x1];
	p0 =	sne.s32 s2, $0x0  }
0x7e: {  	s3 =	rddreg [dreg:$0x2];
	[bflag:$0x3] =	sbarrier.arrive $0xFFFF;
	s2 =	simm.s32 @!p0 $0x1C01  }
0x7f: {  	[timem:s3], [sflag:s2] =	dma.local @!p0 [hbm:s0], s1  }
0x80: {  	s0 =	simm.s32 @!p0 $0x1  }
0x81: {  	_ =	swait.ge @!p0 [sflag:s0], s1  }
0x82: {  	s1 =	ssub.s32 @!p0 $0x0, s1;
	[sflag:s0] =	ssyncset.done @!p0 $0x0  }
0x83: {  	[sflag:s0] =	ssyncadd.s32 @!p0 s1  }
0x84: {  	[bflag:$0x3] =	sbarrier.arrive $0xFFFF  }
0x85: {  	_ =	shalt  }

// kernel: kernel.16.cloned.1.call-start
scs
__scs_entry_jumppad:
0x0: {  	(pc) =	sbr.rel $0x88, $3  }
0x1: {  	(tag) =	ssettag $0x0;
	lr =	simm.s32 $0x1  }
0x2: {  	[smem:$0x3F91] =	sst lr;
	_ =	strace $0xD0000000  }
0x3: {  	_ = 	snop  }
0x4: {  	_ = 	snop  }
0x5: {  	_ = 	snop  }
0x6: {  	_ = 	snop  }
0x7: {  	_ = 	snop  }
__scs_overlays_trampoline_lowered:
0x8: {  	[smem:$0x3FA0] =	sst s0  }
0x9: {  	[smem:$0x3FA1] =	sst s1  }
0xa: {  	[smem:$0x3FA2] =	sst s2  }
0xb: {  	[smem:$0x3FA3] =	sst s3  }
0xc: {  	[smem:$0x3FA4] =	sst s4  }
0xd: {  	[smem:$0x3FA5] =	sst s5  }
0xe: {  	[smem:$0x3FA6] =	sst s6  }
0xf: {  	[smem:$0x3FA7] =	sst s7  }
0x10: {  	[smem:$0x3FA8] =	sst s8  }
0x11: {  	[smem:$0x3FA9] =	sst s9;
	s0 =	simm.s32 @!p0 $0x0  }
0x12: {  	s1 =	sld [smem:$0x3F8F];
	s0 =	simm.s32 @p0 $0x1  }
0x13: {  	[smem:$0x3FAA] =	sst s0;
	s0 =	simm.s32 @!p1 $0x0  }
0x14: {  	s2 =	sld [smem:$0x3F8E];
	s0 =	simm.s32 @p1 $0x1  }
0x15: {  	[smem:$0x3FAB] =	sst s0;
	s0 =	simm.s32 @!p2 $0x0  }
0x16: {  	s3 =	sld [smem:$0x3FDB];
	s0 =	simm.s32 @p2 $0x1  }
0x17: {  	s4 =	simm.s32 $0x1BF5;
	[smem:$0x3FAD] =	sst s0  }
0x18: {  	s0 =	sld [smem:$0x3F90];
	_ =	swait.ge [sflag:s4], $0x0  }
0x19: {  	s7 =	sld [smem:$0x3F91]  }
0x1a: {  	s8 =	sadd.s32 $0xFFFFE003, lr  }
0x1b: {  	s9 =	sadd.s32 $0xFFFFFEF7, lr;
	s5 =	simm.s32 $0xFFFFFFFF;
	p2 =	slt.u32 s8, $0xFFFFF086  }
0x1c: {  	p1 =	slt.u32 s9, $0xF7A;
	s5 =	simm.s32 @!p2 $0x0  }
0x1d: {  	s5 =	simm.s32 @p1 $0x1;
	p0 =	seq.s32 s7, s2  }
0x1e: {  	s7 =	smul.u32 @!p0 $0xF7A, s2;
	p2 =	seq.s32 @!p0 s5, $0x0  }
0x1f: {  	s9 =	smul.u32 $0xF7A, s1;
	s8 =	simm.s32 @!p0 $0x1BF5;
	p2 =	por !p2, p0  }
0x20: {  	[sflag:s8] =	ssyncset.s32 @!p0 $0xFFFFF086;
	s6 =	sadd.s32 @!p0 s3, s7;
	s7 =	simm.s32 @!p0 $0x108  }
0x21: {  	s3 =	sadd.s32 s3, s9;
	s6 =	sadd.s32 @!p0 $0x88, s6;
	s7 =	simm.s32 @p2 $0x1082  }
0x22: {  	[simem:s7], [sflag:s8] =	dma.local @!p0 [hbm:s6], $0xF7A  }
0x23: {  	s9 =	sor.u32 $0xD0000000, s2;
	s6 =	simm.s32 $0x108;
	_ =	swait.ge @!p0 [sflag:s8], $0x0  }
0x24: {  	s3 =	sadd.s32 $0x88, s3;
	s6 =	simm.s32 @!p1 $0x1082;
	[sflag:s4] =	ssyncset.s32 $0xFFFFF086  }
0x25: {  	[simem:s6], [sflag:s4] =	dma.local [hbm:s3], $0xF7A  }
0x26: {  	[smem:$0x3F91] =	sst s1;
	(tag) =	ssettag s2;
	_ =	strace s9  }
0x27: {  	s1 =	sld [smem:$0x3FA1]  }
0x28: {  	s2 =	sld [smem:$0x3FA2]  }
0x29: {  	s4 =	sld [smem:$0x3FA4]  }
0x2a: {  	p0 =	seq.s32 s5, $0x0;
	s5 =	sld [smem:$0x3FA5]  }
0x2b: {  	s6 =	sld [smem:$0x3FA6]  }
0x2c: {  	s7 =	sld [smem:$0x3FA7]  }
0x2d: {  	s3 =	simm.s32 $0x108;
	s8 =	sld [smem:$0x3FA8]  }
0x2e: {  	s3 =	simm.s32 @!p0 $0x1082;
	s9 =	sld [smem:$0x3FA9]  }
0x2f: {  	lr =	sadd.s32 s0, s3;
	s0 =	sld [smem:$0x3FA0]  }
0x30: {  	s3 =	sld [smem:$0x3FA3]  }
0x31: {  	[smem:$0x3FAC] =	sst s10  }
0x32: {  	s10 =	sld [smem:$0x3FAA];
	_ =	sdelay $0x3  }
0x33: {  	p0 =	seq.s32 s10, $0x1;
	s10 =	sld [smem:$0x3FAC];
	_ =	sdelay $0x3  }
0x34: {  	[smem:$0x3FAC] =	sst s10  }
0x35: {  	s10 =	sld [smem:$0x3FAB];
	_ =	sdelay $0x3  }
0x36: {  	p1 =	seq.s32 s10, $0x1;
	s10 =	sld [smem:$0x3FAC];
	_ =	sdelay $0x3  }
0x37: {  	[smem:$0x3FAC] =	sst s10  }
0x38: {  	s10 =	sld [smem:$0x3FAD]  }
0x39: {  	_ = 	snop;
	(pc) =	sbr.ind lr, $3  }
0x3a: {  	_ = 	snop  }
0x3b: {  	_ = 	snop  }
0x3c: {  	p2 =	seq.s32 s10, $0x1;
	s10 =	sld [smem:$0x3FAC]  }
0x3d: {  	_ =	shalt  }
0x3e: {  	_ =	shalt  }
0x3f: {  	_ =	shalt  }
0x40: {  	_ =	shalt  }
0x41: {  	_ =	shalt  }
0x42: {  	_ =	shalt  }
0x43: {  	_ =	shalt  }
0x44: {  	_ =	shalt  }
0x45: {  	_ =	shalt  }
0x46: {  	_ =	shalt  }
0x47: {  	_ =	shalt  }
0x48: {  	_ =	shalt  }
0x49: {  	_ =	shalt  }
0x4a: {  	_ =	shalt  }
0x4b: {  	_ =	shalt  }
0x4c: {  	_ =	shalt  }
0x4d: {  	_ =	shalt  }
0x4e: {  	_ =	shalt  }
0x4f: {  	_ =	shalt  }
0x50: {  	_ =	shalt  }
0x51: {  	_ =	shalt  }
0x52: {  	_ =	shalt  }
0x53: {  	_ =	shalt  }
0x54: {  	_ =	shalt  }
0x55: {  	_ =	shalt  }
0x56: {  	_ =	shalt  }
0x57: {  	_ =	shalt  }
0x58: {  	_ =	shalt  }
0x59: {  	_ =	shalt  }
0x5a: {  	_ =	shalt  }
0x5b: {  	_ =	shalt  }
0x5c: {  	_ =	shalt  }
0x5d: {  	_ =	shalt  }
0x5e: {  	_ =	shalt  }
0x5f: {  	_ =	shalt  }
0x60: {  	_ =	shalt  }
0x61: {  	_ =	shalt  }
0x62: {  	_ =	shalt  }
0x63: {  	_ =	shalt  }
0x64: {  	_ =	shalt  }
0x65: {  	_ =	shalt  }
0x66: {  	_ =	shalt  }
0x67: {  	_ =	shalt  }
0x68: {  	_ =	shalt  }
0x69: {  	_ =	shalt  }
0x6a: {  	_ =	shalt  }
0x6b: {  	_ =	shalt  }
0x6c: {  	_ =	shalt  }
0x6d: {  	_ =	shalt  }
0x6e: {  	_ =	shalt  }
0x6f: {  	_ =	shalt  }
0x70: {  	_ =	shalt  }
0x71: {  	_ =	shalt  }
0x72: {  	_ =	shalt  }
0x73: {  	_ =	shalt  }
0x74: {  	_ =	shalt  }
0x75: {  	_ =	shalt  }
0x76: {  	_ =	shalt  }
0x77: {  	_ =	shalt  }
0x78: {  	_ =	shalt  }
0x79: {  	_ =	shalt  }
0x7a: {  	_ =	shalt  }
0x7b: {  	_ =	shalt  }
0x7c: {  	_ =	shalt  }
0x7d: {  	_ =	shalt  }
0x7e: {  	_ =	shalt  }
0x7f: {  	_ =	shalt  }
0x80: {  	_ =	shalt  }
0x81: {  	_ =	shalt  }
0x82: {  	_ =	shalt  }
0x83: {  	_ =	shalt  }
0x84: {  	_ =	shalt  }
0x85: {  	_ =	shalt  }
0x86: {  	_ =	shalt  }
0x87: {  	_ =	shalt  }
.Lfunc_end0:
.L_simem_size_0:
called_computation.1_lowered:
.L_overlay_start_0:
0x88: {  	s2 =	sld [smem:$0x3FD9]  }
0x89: {  	s3 =	sld [smem:$0x3FFE];
	_ =	sdelay $0x1  }
0x8a: {  	s1 =	srdreg.scid  }
0x8b: {  	s0 =	sand.u32 $0x1, s1  }
0x8c: {  	s16 =	sshll.u32 s0, $0xA;
	s2 =	sadd.s32 s3, s2  }
0x8d: {  	s2 =	sadd.s32 s2, s16  }
0x8e: {  	[smem:$0x3FB8] =	sst s2  }
0x8f: {  	_ = 	snop  }
0x90: {  	(tm) =	ssettm $0x1  }
0x91: {  	s17 =	sld [smem:$0x3FFB];
	_ =	sdelay $0x3  }
0x92: {  	_ =	strace s17  }
0x93: {  	s2 =	sld [smem:$0x3FFC];
	_ =	sdelay $0x3  }
0x94: {  	_ =	strace s2  }
0x95: {  	s2 =	sld [smem:$0x3FFD];
	_ =	sdelay $0x3  }
0x96: {  	_ =	strace s2  }
0x97: {  	_ =	strace $0x8FFFFFFF  }
0x98: {  	s18 =	sld [smem:$0x3FDB];
	_ =	sdelay $0x1  }
0x99: {  	s19 =	simm.s32 $_scs_section_size  }
0x9a: {  	s4 =	simm.s32 $_size__tile_overlayer_lowered;
	s5 =	simm.s32 $_tile_overlayer_lowered  }
0x9b: {  	s22 =	simm.s32 $0x1BFF;
	s21 =	sshll.u32 s5, $0x1;
	s2 =	sadd.s32 s19, s18  }
0x9c: {  	s6 =	simm.s32 $0x0;
	s20 =	sshll.u32 s4, $0x1;
	s4 =	sadd.s32 s21, s2  }
0x9d: {  	[timem:s6], [sflag:s22] =	dma.local [hbm:s4], s20  }
0x9e: {  	_ =	swait.ge [sflag:s22], s20  }
0x9f: {  	s3 =	ssub.s32 $0x0, s20;
	[sflag:s22] =	ssyncset.done $0x0  }
0xa0: {  	[sflag:s22] =	ssyncadd.s32 s3;
	_ =	sdelay $0x1  }
0xa1: {  	s23 =	simm.s32 $0x1B8B  }
0xa2: {  	_ =	swait.ge [sflag:s23], $0x1  }
0xa3: {  	[sflag:s23] =	ssyncset.done $0x0  }
0xa4: {  	s25 =	simm.s32 $0x1B8E;
	s24 =	sld [smem:$0x3FFE];
	[sflag:s23] =	ssyncadd.s32 $0xFFFFFFFF  }
0xa5: {  	s26 =	simm.s32 $execute0_lowered;
	[smem:$0x3FD2] =	sst s25  }
0xa6: {  	s4 =	sshll.u32 s26, $0x1;
	_ =	strace $0x80000049;
	[dreg:$0x1] =	wrdreg $0xFFFFFFFF  }
0xa7: {  	s28 =	simm.s32 $_size_execute0_lowered;
	s2 =	sadd.s32 s2, s4;
	[dreg:$0x0] =	wrdreg $0x0  }
0xa8: {  	s4 =	sshll.u32 s28, $0x1;
	[dreg:$0x2] =	wrdreg s2  }
0xa9: {  	[dreg:$0x3] =	wrdreg s4  }
0xaa: {  	[dreg:$0x4] =	wrdreg $0xC0  }
0xab: {  	_ =	task [dreg:s6], $0x5FFFF  }
0xac: {  	[dreg:$0x1] =	wrdreg $0xFFFFFFFF  }
0xad: {  	[dreg:$0x0] =	wrdreg $0x60  }
0xae: {  	[dreg:$0x2] =	wrdreg s24  }
0xaf: {  	[dreg:$0x3] =	wrdreg $0xC3000  }
0xb0: {  	[dreg:$0x4] =	wrdreg $0x9  }
0xb1: {  	_ =	task.clear_ibuf [dreg:s6], $0x5FFFF;
	_ =	strace $0x90000049  }
0xb2: {  	s29 =	simm.s32 $0x9;
	_ =	strace $0x8000004B  }
0xb3: {  	_ =	swait.ge [sflag:s29], $0x1  }
0xb4: {  	[sflag:s29] =	ssyncadd.s32 $0xFFFFFFFF  }
0xb5: {  	_ =	strace $0x9000004B  }
0xb6: {  	_ =	sfence  }
0xb7: {  	s30 =	sld [smem:$0x0];
	_ =	sdelay $0x2  }
0xb8: {  	s31 =	sshll.u32 s1, $0xD;
	s1 =	sshrl.u32 s1, $0x2  }
0xb9: {  	s3 =	sand.u32 $0x4000, s31;
	s1 =	sadd.s32 s1, s30  }
0xba: {  	s0 =	sor.u32 s3, s0;
	s1 =	sshll.u32 s1, $0x11  }
0xbb: {  	s0 =	sor.u32 s1, s0  }
0xbc: {  	s0 =	sadd.s32 $0x8F2B, s0  }
0xbd: {  	[sflag:s0] =	ssyncadd.remote.s32 $0x1  }
0xbe: {  	_ =	sfence.sel $0xFFFF  }
0xbf: {  	[dreg:$0x0] =	wrdreg $0xFFFFFFFF;
	(pc) =	sbr.abs _section_cstart, $3  }
0xc0: {  	[dreg:$0x1] =	wrdreg $0xFFFFFFFF  }
0xc1: {  	_ =	task.clear_ibuf [dreg:s6], $0x2FFFF;
	_ =	strace $0x9FFFFFFF  }
0xc2: {  	(tm) =	ssettm $0x7FFFFFFF  }
0xc3: {  	_ =	shalt  }
tec
execute0_lowered:
.L_overlay_start_1:
0x0: {  	(tag) =	ssettag $0x1  }
0x1: {  	s0 =	rddreg [dreg:$0x0]  }
0x2: {  	s1 =	rddreg [dreg:$0x1];
	s2 =	simm.s32 $0x0;
	s5 =	srdreg.scid  }
0x3: {  	s3 =	stileid.u32;
	s18 =	simm.s32 $0x7;
	s19 =	simm.s32 $0x80  }
0x4: {  	s28 =	simm.s32 $0x0;
	[smem:$0x7FF] =	sst s2;
	s4 =	sadd.s32 $0x19A00, s0  }
0x5: {  	s6 =	sadd.s32 $0x6000, s0;
	s13 =	sand.u32 $0x1, s5;
	s5 =	sadd.s32 $0x40C00, s0  }
0x6: {  	s9 =	smul.u32 $0x4E000, s3;
	s20 =	sadd.s32 $0x43400, s0;
	s7 =	sadd.s32 $0x6B400, s0  }
0x7: {  	s10 =	sshll.u32 s3, $0x6;
	s23 =	ssub.s32 $0x4E2, s3;
	s24 =	ssub.s32 $0x4C2, s3  }
0x8: {  	s12 =	ssub.s32 $0x4D2, s3;
	_ =	strace $0x8000004A;
	[dreg:$0x3] =	wrdreg s23  }
0x9: {  	s26 =	ssub.s32 $0x4B2, s3;
	s15 =	ssub.s32 $0x4A2, s3;
	[dreg:$0x4] =	wrdreg s24  }
0xa: {  	s29 =	smul.u32 $0x2700, s3;
	s30 =	sshll.u32 s3, $0x4;
	[dreg:$0x5] =	wrdreg s12  }
0xb: {  	p1 =	sne.s32 s3, $0xF;
	p2 =	seq.s32 s3, $0xF;
	[dreg:$0x6] =	wrdreg s26  }
0xc: {  	s8 =	ssub.s32 $0x2, s13;
	s11 =	smul.u32 $0x4E2, s13;
	[dreg:$0x7] =	wrdreg s15  }
0xd: {  	s16 =	smul.u32 $0x4E20, s13;
	p0 =	seq.s32 s13, $0x1;
	[dreg:$0x8] =	wrdreg s20  }
0xe: {  	[dreg:$0x9] =	wrdreg s7;
	s24 =	simm.s32 $0x2;
	s21 =	sshrl.u32 s8, $0x1  }
0xf: {  	s9 =	sshrl.u32 s9, $0x2;
	s2 =	sadd.s32 s20, s29;
	s31 =	sadd.s32 s7, s29  }
0x10: {  	s20 =	simm.s32 $0x4E400;
	s0 =	ssub.s32 s8, s21;
	s14 =	sadd.s32 s9, s1  }
0x11: {  	s8 =	sor.u32 $0x1C07, s10;
	s9 =	sadd.s32 $0x138400, s1;
	[dreg:$0xb] =	wrdreg s2  }
0x12: {  	s22 =	sadd.s32 s3, s11;
	[dreg:$0xc] =	wrdreg s31;
	s21 =	simm.s32 $0x100  }
.Ltmp0:
0x13: {  	s2 =	simm.s32 @!p2 $0x0;
	s10 =	sshll.u32 s22, $0x4;
	(pc) =	sbr.rel .LBB2_1-.Ltmp0, $4  }
0x14: {  	s15 =	smax.u32 s0, $0x1;
	s17 =	sshrl.u32 s14, $0x3;
	s22 =	simm.s32 $0x1  }
0x15: {  	s2 =	simm.s32 @p2 $0x1;
	s10 =	sadd.s32 s6, s10;
	s6 =	sadd.s32 s16, s6  }
0x16: {  	[smem:$0x7FD] =	sst s2;
	s25 =	sadd.s32 $0x100, s10;
	s6 =	sadd.s32 s30, s6  }
0x17: {  	s12 =	sadd.s32 $0x200, s10;
	[dreg:$0xa] =	wrdreg s25;
	s0 =	sadd.s32 $0x500, s6  }
.LBB2_6:
0x18: {  	s2 =	sadd.s32 $0x27080, s6;
	s31 =	sshrl.u32 s9, $0x3  }
0x19: {  	[hbm:s2], [sflag:s8] =	dma.local [spmem:s31], $0x80  }
0x1a: {  	_ =	swait.ge [sflag:s18], $0x80  }
0x1b: {  	[sflag:s18] =	ssyncset.done $0x0  }
0x1c: {  	[sflag:s18] =	ssyncadd.s32 $0xFFFFFF80  }
.LBB2_7:
0x1d: {  	s28 =	sadd.s32 $0x1, s28  }
0x1e: {  	p2 =	sne.s32 s28, s15  }
.Ltmp1:
0x1f: {  	_ = 	snop;
	(pc) =	sbr.rel @!p2 .LBB2_8-.Ltmp1, $1  }
0x20: {  	_ =	sdelay $0x3  }
.LBB2_1:
0x21: {  	[spmem:s17], [sflag:s8] =	dma.local [hbm:s5], $0x2780  }
0x22: {  	_ =	swait.ge [sflag:s18], $0x2780  }
0x23: {  	[sflag:s18] =	ssyncset.done $0x0  }
0x24: {  	s6 =	sshrl.u32 @!p1 s9, $0x3;
	[sflag:s18] =	ssyncadd.s32 $0xFFFFD880  }
0x25: {  	[spmem:s6], [sflag:s8] =	dma.local @!p1 [hbm:s5], $0x80  }
0x26: {  	s6 =	simm.s32 @!p1 $0x7  }
0x27: {  	_ =	swait.ge @!p1 [sflag:s6], $0x80  }
0x28: {  	[sflag:s6] =	ssyncset.done @!p1 $0x0  }
0x29: {  	[sflag:s6] =	ssyncadd.s32 @!p1 $0xFFFFFF80  }
0x2a: {  	s2 =	simm.s32 $0x0;
	[bflag:$0x0] =	sbarrier.arrive $0xFFFF  }
0x2b: {  	[tilespmem:s2], [sflag:$0x1] =	stream.strided.gather [hbm4b:s10+s19], $0x100, s20, s19, $0x38;
	[tilespmem:$0x1FB80] =	vst v63  }
0x2c: {  	s11 =	rddreg [dreg:$0xa]  }
0x2d: {  	[tilespmem:s21], [sflag:$0x2] =	stream.strided.gather [hbm4b:s11+s19], $0x100, s20, s19, $0x38;
	[tilespmem:$0x1FB80] =	vst v63  }
0x2e: {  	_ =	swait.ge [sflag:s22], $0x100  }
0x2f: {  	[sflag:s22] =	ssyncset.done $0x0  }
0x30: {  	s13 =	simm.s32 $0x300;
	[sflag:s22] =	ssyncadd.s32 $0xFFFFFF00  }
0x31: {  	[tilespmem:s13], [sflag:$0x4] =	stream.indirect.gather [hbm4b:s4+s19], $0x80, s2, s19, $0xb8;
	[tilespmem:$0x1FB80] =	vst v63  }
0x32: {  	_ =	swait.ge [sflag:s24], $0x100  }
0x33: {  	[sflag:s24] =	ssyncset.done $0x0;
	s16 =	rddreg [dreg:$0x3]  }
0x34: {  	s14 =	simm.s32 $0x4300;
	[sflag:s24] =	ssyncadd.s32 $0xFFFFFF00;
	p2 =	sle.u32 s16, $0x0  }
0x35: {  	[tilespmem:s14], [sflag:$0x5] =	stream.indirect.gather [hbm4b:s4+s19], $0x80, s21, s19, $0xb8;
	[tilespmem:$0x1FB80] =	vst v63  }
0x36: {  	s23 =	simm.s32 $0x200;
	s6 =	simm.s32 @!p2 $0x4;
	s13 =	sadd.s32 @!p2 $0x0, s3  }
0x37: {  	[tilespmem:s23], [sflag:$0x3] =	stream.strided.gather [hbm4b:s12+s19], $0x100, s20, s19, $0x38;
	[tilespmem:$0x1FB80] =	vst v63  }
0x38: {  	s14 =	simm.s32 @!p2 $0x7;
	s13 =	sadd.s32 @!p2 $0x30, s13;
	_ =	swait.ge @!p2 [sflag:s6], $0x4000  }
0x39: {  	s16 =	simm.s32 @!p2 $0x300;
	p3 =	sgt.u32 @!p2 s13, $0x4E1;
	[sflag:s6] =	ssyncset.done @!p2 $0x0  }
0x3a: {  	p3 =	por p3, p2;
	[sflag:s6] =	ssyncadd.s32 @!p2 $0xFFFFC000;
	s6 =	simm.s32 @!p2 $0x80  }
0x3b: {  	[spmem:s1] =	stream.indirect.scatter.add.f32 @!p2 [tilespmem:s16], [sflag:$0x7], $0x80, s6, s6, $0xb8;
	[tilespmem:$0x1FB80] =	vst v63  }
0x3c: {  	s13 =	simm.s32 @!p3 $0x4E400;
	_ =	swait.ge @!p2 [sflag:s14], $0x4000  }
0x3d: {  	s23 =	sadd.s32 @!p3 $0xFFFFFE00, s0;
	s6 =	simm.s32 @!p3 $0x80;
	[sflag:s14] =	ssyncset.done @!p2 $0x0  }
0x3e: {  	s25 =	rddreg [dreg:$0x4];
	[sflag:s14] =	ssyncadd.s32 @!p2 $0xFFFFC000;
	s14 =	simm.s32 @!p3 $0x0  }
0x3f: {  	[tilespmem:s14], [sflag:$0x1] =	stream.strided.gather @!p3 [hbm4b:s23+s6], $0x100, s13, s6, $0x38;
	[tilespmem:$0x1FB80] =	vst v63  }
0x40: {  	p3 =	sle.u32 s25, $0x0  }
0x41: {  	s29 =	simm.s32 $0x30;
	s6 =	simm.s32 @!p3 $0x3;
	s14 =	sadd.s32 @!p3 $0x0, s3  }
0x42: {  	s13 =	simm.s32 @!p3 $0x8300;
	s23 =	simm.s32 @!p3 $0x200;
	_ =	swait.ge @!p3 [sflag:s6], $0x100  }
0x43: {  	s14 =	sadd.s32 @!p3 $0x50, s14;
	[sflag:s6] =	ssyncset.done @!p3 $0x0;
	s26 =	rddreg [dreg:$0x5]  }
0x44: {  	p2 =	sgt.u32 @!p3 s14, $0x4E1;
	[sflag:s6] =	ssyncadd.s32 @!p3 $0xFFFFFF00;
	s6 =	simm.s32 @!p3 $0x80  }
0x45: {  	[tilespmem:s13], [sflag:$0x6] =	stream.indirect.gather @!p3 [hbm4b:s4+s6], $0x80, s23, s6, $0xb8;
	[tilespmem:$0x1FB80] =	vst v63  }
0x46: {  	p6 =	sle.u32 s26, $0x0;
	p5 =	por p2, p3;
	s23 =	simm.s32 $0x60  }
0x47: {  	s14 =	simm.s32 @!p6 $0x5;
	s16 =	sadd.s32 @!p6 $0x0, s3;
	s25 =	simm.s32 @!p6 $0x4300  }
0x48: {  	s30 =	simm.s32 @!p6 $0x80;
	_ =	swait.ge @!p6 [sflag:s14], $0x4000;
	s16 =	sadd.s32 @!p6 $0x40, s16  }
0x49: {  	s31 =	simm.s32 @!p6 $0x180;
	[sflag:s14] =	ssyncset.done @!p6 $0x0;
	p4 =	sgt.u32 @!p6 s16, $0x4E1  }
0x4a: {  	s16 =	smov.u32 s0;
	[sflag:s14] =	ssyncadd.s32 @!p6 $0xFFFFC000;
	s14 =	simm.s32 @!p6 $0x7  }
0x4b: {  	[spmem:s1] =	stream.indirect.scatter.add.f32 @!p6 [tilespmem:s25], [sflag:$0x7], $0x80, s31, s30, $0xb8;
	[tilespmem:$0x1FB80] =	vst v63  }
0x4c: {  	p2 =	por p4, p6;
	s30 =	smov.u32 s0;
	_ =	swait.ge @!p6 [sflag:s14], $0x4000  }
0x4d: {  	s31 =	simm.s32 $0x0;
	[sflag:s14] =	ssyncset.done @!p6 $0x0;
	s25 =	rddreg [dreg:$0x6]  }
.LBB2_2:
0x4e: {  	[sflag:s14] =	ssyncadd.s32 @!p6 $0xFFFFC000  }
0x4f: {  	s14 =	simm.s32 @!p2 $0x4E400;
	s26 =	simm.s32 @!p2 $0x100;
	p6 =	sge.u32 s31, s25  }
0x50: {  	s2 =	sadd.s32 @!p2 $0xFFFFFF00, s16;
	s11 =	simm.s32 @!p2 $0x80;
	s25 =	simm.s32 @!p6 $0x1  }
0x51: {  	[tilespmem:s26], [sflag:$0x2] =	stream.strided.gather @!p2 [hbm4b:s2+s11], $0x100, s14, s11, $0x38;
	[tilespmem:$0x1FB80] =	vst v63  }
0x52: {  	_ =	swait.ge @!p6 [sflag:s25], $0x100  }
0x53: {  	s2 =	simm.s32 @!p6 $0x300;
	s11 =	simm.s32 @!p6 $0x80;
	[sflag:s25] =	ssyncset.done @!p6 $0x0  }
0x54: {  	s14 =	simm.s32 @!p6 $0x0;
	[sflag:s25] =	ssyncadd.s32 @!p6 $0xFFFFFF00;
	s25 =	simm.s32 @!p3 $0x6  }
0x55: {  	[tilespmem:s2], [sflag:$0x4] =	stream.indirect.gather @!p6 [hbm4b:s4+s11], $0x80, s14, s11, $0xb8;
	[tilespmem:$0x1FB80] =	vst v63  }
0x56: {  	_ =	swait.ge @!p3 [sflag:s25], $0x4000  }
0x57: {  	[sflag:s25] =	ssyncset.done @!p3 $0x0  }
0x58: {  	s2 =	simm.s32 @!p3 $0x280;
	s11 =	simm.s32 @!p3 $0x7;
	[sflag:s25] =	ssyncadd.s32 @!p3 $0xFFFFC000  }
0x59: {  	[spmem:s1] =	stream.indirect.scatter.add.f32 @!p3 [tilespmem:s13], [sflag:$0x7], $0x80, s2, s6, $0xb8;
	[tilespmem:$0x1FB80] =	vst v63  }
0x5a: {  	s2 =	simm.s32 @!p5 $0x200;
	_ =	swait.ge @!p3 [sflag:s11], $0x4000  }
0x5b: {  	s13 =	simm.s32 @!p5 $0x4E400;
	[sflag:s11] =	ssyncset.done @!p3 $0x0;
	s26 =	rddreg [dreg:$0x7]  }
0x5c: {  	[sflag:s11] =	ssyncadd.s32 @!p3 $0xFFFFC000;
	s11 =	simm.s32 @!p5 $0x80;
	p2 =	sge.u32 s31, s26  }
0x5d: {  	[tilespmem:s2], [sflag:$0x3] =	stream.strided.gather @!p5 [hbm4b:s16+s11], $0x100, s13, s11, $0x38;
	[tilespmem:$0x1FB80] =	vst v63  }
0x5e: {  	s7 =	smov.u32 s23;
	s2 =	simm.s32 @!p2 $0x2  }
0x5f: {  	s31 =	smov.u32 s29;
	s29 =	smov.u32 s7;
	_ =	swait.ge @!p2 [sflag:s2], $0x100  }
0x60: {  	s6 =	simm.s32 @!p2 $0x100;
	s7 =	simm.s32 @!p2 $0x4300;
	[sflag:s2] =	ssyncset.done @!p2 $0x0  }
0x61: {  	s13 =	simm.s32 @!p2 $0x80;
	s14 =	rddreg [dreg:$0x3];
	[sflag:s2] =	ssyncadd.s32 @!p2 $0xFFFFFF00  }
0x62: {  	[tilespmem:s7], [sflag:$0x5] =	stream.indirect.gather @!p2 [hbm4b:s4+s13], $0x80, s6, s13, $0xb8;
	[tilespmem:$0x1FB80] =	vst v63  }
0x63: {  	p2 =	sge.u32 s31, s14  }
0x64: {  	s30 =	sadd.s32 $0x300, s30;
	s2 =	simm.s32 @!p2 $0x4;
	s6 =	sadd.s32 @!p2 s31, s3  }
0x65: {  	s7 =	simm.s32 @!p2 $0x7;
	_ =	swait.ge @!p2 [sflag:s2], $0x4000;
	s6 =	sadd.s32 @!p2 $0x30, s6  }
0x66: {  	s11 =	simm.s32 @!p2 $0x300;
	[sflag:s2] =	ssyncset.done @!p2 $0x0;
	p3 =	sgt.u32 @!p2 s6, $0x4E1  }
0x67: {  	[sflag:s2] =	ssyncadd.s32 @!p2 $0xFFFFC000;
	s2 =	simm.s32 @!p2 $0x80;
	p3 =	por p3, p2  }
0x68: {  	[spmem:s1] =	stream.indirect.scatter.add.f32 @!p2 [tilespmem:s11], [sflag:$0x7], $0x80, s2, s2, $0xb8;
	[tilespmem:$0x1FB80] =	vst v63  }
0x69: {  	s23 =	sadd.s32 $0x30, s23;
	s2 =	simm.s32 @!p3 $0x80;
	_ =	swait.ge @!p2 [sflag:s7], $0x4000  }
0x6a: {  	s6 =	simm.s32 @!p3 $0x4E400;
	s11 =	sadd.s32 @!p3 $0xFFFFFE00, s30;
	[sflag:s7] =	ssyncset.done @!p2 $0x0  }
0x6b: {  	s25 =	rddreg [dreg:$0x4];
	[sflag:s7] =	ssyncadd.s32 @!p2 $0xFFFFC000;
	s7 =	simm.s32 @!p3 $0x0  }
0x6c: {  	[tilespmem:s7], [sflag:$0x1] =	stream.strided.gather @!p3 [hbm4b:s11+s2], $0x100, s6, s2, $0x38;
	[tilespmem:$0x1FB80] =	vst v63  }
0x6d: {  	p4 =	sne.s32 s23, $0x510;
	p3 =	sge.u32 s31, s25  }
0x6e: {  	s16 =	smov.u32 s30;
	s2 =	simm.s32 @!p3 $0x3;
	s6 =	sadd.s32 @!p3 s31, s3  }
0x6f: {  	s13 =	simm.s32 @!p3 $0x8300;
	_ =	swait.ge @!p3 [sflag:s2], $0x100;
	s7 =	sadd.s32 @!p3 $0x50, s6  }
0x70: {  	s6 =	simm.s32 @!p3 $0x80;
	[sflag:s2] =	ssyncset.done @!p3 $0x0;
	s26 =	rddreg [dreg:$0x5]  }
0x71: {  	[sflag:s2] =	ssyncadd.s32 @!p3 $0xFFFFFF00;
	s2 =	simm.s32 @!p3 $0x200;
	p6 =	sge.u32 s31, s26  }
0x72: {  	[tilespmem:s13], [sflag:$0x6] =	stream.indirect.gather @!p3 [hbm4b:s4+s6], $0x80, s2, s6, $0xb8;
	[tilespmem:$0x1FB80] =	vst v63  }
0x73: {  	p2 =	sgt.u32 @!p3 s7, $0x4E1;
	s2 =	simm.s32 @!p6 $0x5;
	s7 =	sadd.s32 @!p6 s31, s3  }
0x74: {  	s11 =	simm.s32 @!p6 $0x4300;
	s25 =	simm.s32 @!p6 $0x80;
	_ =	swait.ge @!p6 [sflag:s2], $0x4000  }
.Ltmp2:
0x75: {  	s26 =	simm.s32 @!p6 $0x180;
	[sflag:s2] =	ssyncset.done @!p6 $0x0;
	(pc) =	sbr.rel @p4 .LBB2_2-.Ltmp2, $4  }
0x76: {  	s14 =	simm.s32 @!p6 $0x7;
	s7 =	sadd.s32 @!p6 $0x40, s7;
	[sflag:s2] =	ssyncadd.s32 @!p6 $0xFFFFC000  }
0x77: {  	[spmem:s1] =	stream.indirect.scatter.add.f32 @!p6 [tilespmem:s11], [sflag:$0x7], $0x80, s26, s25, $0xb8;
	[tilespmem:$0x1FB80] =	vst v63  }
0x78: {  	p5 =	por p2, p3;
	p2 =	sgt.u32 @!p6 s7, $0x4E1;
	_ =	swait.ge @!p6 [sflag:s14], $0x4000  }
0x79: {  	p2 =	por p2, p6;
	[sflag:s14] =	ssyncset.done @!p6 $0x0;
	s25 =	rddreg [dreg:$0x6]  }
0x7a: {  	[sflag:s14] =	ssyncadd.s32 @!p6 $0xFFFFC000  }
0x7b: {  	s2 =	simm.s32 @!p2 $0x4E400;
	s7 =	simm.s32 @!p2 $0x100;
	p4 =	sge.u32 s31, s25  }
0x7c: {  	s11 =	sadd.s32 @!p2 $0xFFFFFF00, s16;
	s14 =	simm.s32 @!p2 $0x80;
	s23 =	simm.s32 @!p4 $0x1  }
0x7d: {  	[tilespmem:s7], [sflag:$0x2] =	stream.strided.gather @!p2 [hbm4b:s11+s14], $0x100, s2, s14, $0x38;
	[tilespmem:$0x1FB80] =	vst v63  }
0x7e: {  	_ =	swait.ge @!p4 [sflag:s23], $0x100  }
0x7f: {  	s2 =	simm.s32 @!p4 $0x300;
	s7 =	simm.s32 @!p4 $0x80;
	[sflag:s23] =	ssyncset.done @!p4 $0x0  }
0x80: {  	s11 =	simm.s32 @!p4 $0x0;
	s14 =	simm.s32 @!p3 $0x6;
	[sflag:s23] =	ssyncadd.s32 @!p4 $0xFFFFFF00  }
0x81: {  	[tilespmem:s2], [sflag:$0x4] =	stream.indirect.gather @!p4 [hbm4b:s4+s7], $0x80, s11, s7, $0xb8;
	[tilespmem:$0x1FB80] =	vst v63  }
0x82: {  	_ =	swait.ge @!p3 [sflag:s14], $0x4000  }
0x83: {  	[sflag:s14] =	ssyncset.done @!p3 $0x0  }
0x84: {  	s2 =	simm.s32 @!p3 $0x280;
	s7 =	simm.s32 @!p3 $0x7;
	[sflag:s14] =	ssyncadd.s32 @!p3 $0xFFFFC000  }
0x85: {  	[spmem:s1] =	stream.indirect.scatter.add.f32 @!p3 [tilespmem:s13], [sflag:$0x7], $0x80, s2, s6, $0xb8;
	[tilespmem:$0x1FB80] =	vst v63  }
0x86: {  	s11 =	simm.s32 @!p5 $0x4E400;
	_ =	swait.ge @!p3 [sflag:s7], $0x4000  }
0x87: {  	s2 =	simm.s32 @!p5 $0x200;
	[sflag:s7] =	ssyncset.done @!p3 $0x0;
	s14 =	rddreg [dreg:$0x7]  }
0x88: {  	[sflag:s7] =	ssyncadd.s32 @!p3 $0xFFFFC000;
	s7 =	simm.s32 @!p5 $0x80;
	p2 =	sge.u32 s31, s14  }
0x89: {  	[tilespmem:s2], [sflag:$0x3] =	stream.strided.gather @!p5 [hbm4b:s16+s7], $0x100, s11, s7, $0x38;
	[tilespmem:$0x1FB80] =	vst v63  }
0x8a: {  	s2 =	simm.s32 @!p2 $0x2  }
0x8b: {  	_ =	swait.ge @!p2 [sflag:s2], $0x100  }
0x8c: {  	s6 =	simm.s32 @!p2 $0x100;
	s11 =	simm.s32 @!p2 $0x4300;
	[sflag:s2] =	ssyncset.done @!p2 $0x0  }
0x8d: {  	s13 =	simm.s32 @!p2 $0x80;
	s23 =	rddreg [dreg:$0x3];
	[sflag:s2] =	ssyncadd.s32 @!p2 $0xFFFFFF00  }
0x8e: {  	[tilespmem:s11], [sflag:$0x5] =	stream.indirect.gather @!p2 [hbm4b:s4+s13], $0x80, s6, s13, $0xb8;
	[tilespmem:$0x1FB80] =	vst v63  }
0x8f: {  	p2 =	sge.u32 s29, s23  }
0x90: {  	s2 =	simm.s32 @!p2 $0x4;
	s6 =	sadd.s32 @!p2 s29, s3  }
0x91: {  	s7 =	simm.s32 @!p2 $0x7;
	_ =	swait.ge @!p2 [sflag:s2], $0x4000;
	s6 =	sadd.s32 @!p2 $0x30, s6  }
0x92: {  	s11 =	simm.s32 @!p2 $0x300;
	[sflag:s2] =	ssyncset.done @!p2 $0x0;
	p3 =	sgt.u32 @!p2 s6, $0x4E1  }
0x93: {  	[sflag:s2] =	ssyncadd.s32 @!p2 $0xFFFFC000;
	s2 =	simm.s32 @!p2 $0x80;
	p3 =	por p3, p2  }
0x94: {  	[spmem:s1] =	stream.indirect.scatter.add.f32 @!p2 [tilespmem:s11], [sflag:$0x7], $0x80, s2, s2, $0xb8;
	[tilespmem:$0x1FB80] =	vst v63  }
0x95: {  	s6 =	sadd.s32 $0x300, s30;
	s2 =	simm.s32 @!p3 $0x80;
	_ =	swait.ge @!p2 [sflag:s7], $0x4000  }
0x96: {  	s11 =	simm.s32 @!p3 $0x4E400;
	s14 =	sadd.s32 @!p3 $0xFFFFFE00, s6;
	[sflag:s7] =	ssyncset.done @!p2 $0x0  }
0x97: {  	s25 =	rddreg [dreg:$0x4];
	[sflag:s7] =	ssyncadd.s32 @!p2 $0xFFFFC000;
	s7 =	simm.s32 @!p3 $0x0  }
0x98: {  	[tilespmem:s7], [sflag:$0x1] =	stream.strided.gather @!p3 [hbm4b:s14+s2], $0x100, s11, s2, $0x38;
	[tilespmem:$0x1FB80] =	vst v63  }
0x99: {  	p3 =	sge.u32 s29, s25  }
0x9a: {  	s2 =	simm.s32 @!p3 $0x3  }
0x9b: {  	s7 =	simm.s32 @!p3 $0x8300;
	_ =	swait.ge @!p3 [sflag:s2], $0x100  }
0x9c: {  	s13 =	simm.s32 @!p3 $0x200;
	[sflag:s2] =	ssyncset.done @!p3 $0x0;
	s26 =	rddreg [dreg:$0x5]  }
0x9d: {  	[sflag:s2] =	ssyncadd.s32 @!p3 $0xFFFFFF00;
	s2 =	simm.s32 @!p3 $0x80;
	p2 =	sge.u32 s29, s26  }
0x9e: {  	[tilespmem:s7], [sflag:$0x6] =	stream.indirect.gather @!p3 [hbm4b:s4+s2], $0x80, s13, s2, $0xb8;
	[tilespmem:$0x1FB80] =	vst v63  }
0x9f: {  	s11 =	simm.s32 @!p2 $0x5  }
0xa0: {  	_ =	swait.ge @!p2 [sflag:s11], $0x4000  }
0xa1: {  	s13 =	simm.s32 @!p2 $0x4300;
	[sflag:s11] =	ssyncset.done @!p2 $0x0  }
0xa2: {  	s14 =	simm.s32 @!p2 $0x80;
	s16 =	simm.s32 @!p2 $0x180;
	[sflag:s11] =	ssyncadd.s32 @!p2 $0xFFFFC000  }
0xa3: {  	[spmem:s1] =	stream.indirect.scatter.add.f32 @!p2 [tilespmem:s13], [sflag:$0x7], $0x80, s16, s14, $0xb8;
	[tilespmem:$0x1FB80] =	vst v63  }
0xa4: {  	s11 =	simm.s32 @!p2 $0x7;
	s13 =	sadd.s32 @!p2 s29, s3  }
0xa5: {  	_ =	swait.ge @!p2 [sflag:s11], $0x4000;
	s13 =	sadd.s32 @!p2 $0x40, s13  }
0xa6: {  	p4 =	sgt.u32 @!p2 s13, $0x4E1;
	[sflag:s11] =	ssyncset.done @!p2 $0x0  }
0xa7: {  	s30 =	rddreg [dreg:$0x6];
	p4 =	por p4, p2;
	[sflag:s11] =	ssyncadd.s32 @!p2 $0xFFFFC000  }
0xa8: {  	p2 =	sge.u32 s29, s30;
	s11 =	simm.s32 @!p4 $0x4E400;
	s13 =	simm.s32 @!p4 $0x100  }
0xa9: {  	s14 =	sadd.s32 @!p4 $0xFFFFFF00, s6;
	s16 =	simm.s32 @!p4 $0x80;
	s23 =	simm.s32 @!p2 $0x1  }
0xaa: {  	[tilespmem:s13], [sflag:$0x2] =	stream.strided.gather @!p4 [hbm4b:s14+s16], $0x100, s11, s16, $0x38;
	[tilespmem:$0x1FB80] =	vst v63  }
0xab: {  	s11 =	sadd.s32 @!p3 s29, s3;
	_ =	swait.ge @!p2 [sflag:s23], $0x100  }
0xac: {  	s13 =	simm.s32 @!p2 $0x300;
	s14 =	simm.s32 @!p2 $0x80;
	[sflag:s23] =	ssyncset.done @!p2 $0x0  }
0xad: {  	s16 =	simm.s32 @!p2 $0x0;
	[sflag:s23] =	ssyncadd.s32 @!p2 $0xFFFFFF00;
	s23 =	simm.s32 @!p3 $0x6  }
0xae: {  	[tilespmem:s13], [sflag:$0x4] =	stream.indirect.gather @!p2 [hbm4b:s4+s14], $0x80, s16, s14, $0xb8;
	[tilespmem:$0x1FB80] =	vst v63  }
0xaf: {  	s11 =	sadd.s32 @!p3 $0x50, s11;
	_ =	swait.ge @!p3 [sflag:s23], $0x4000  }
0xb0: {  	p2 =	sgt.u32 @!p3 s11, $0x4E1;
	[sflag:s23] =	ssyncset.done @!p3 $0x0  }
0xb1: {  	s11 =	simm.s32 @!p3 $0x280;
	s13 =	simm.s32 @!p3 $0x7;
	[sflag:s23] =	ssyncadd.s32 @!p3 $0xFFFFC000  }
0xb2: {  	[spmem:s1] =	stream.indirect.scatter.add.f32 @!p3 [tilespmem:s7], [sflag:$0x7], $0x80, s11, s2, $0xb8;
	[tilespmem:$0x1FB80] =	vst v63  }
0xb3: {  	p2 =	por p2, p3;
	_ =	swait.ge @!p3 [sflag:s13], $0x4000  }
0xb4: {  	s2 =	simm.s32 @!p2 $0x200;
	s11 =	simm.s32 @!p2 $0x80;
	[sflag:s13] =	ssyncset.done @!p3 $0x0  }
0xb5: {  	s31 =	rddreg [dreg:$0x7];
	[sflag:s13] =	ssyncadd.s32 @!p3 $0xFFFFC000;
	s13 =	simm.s32 @!p2 $0x4E400  }
0xb6: {  	[tilespmem:s2], [sflag:$0x3] =	stream.strided.gather @!p2 [hbm4b:s6+s11], $0x100, s13, s11, $0x38;
	[tilespmem:$0x1FB80] =	vst v63  }
0xb7: {  	p2 =	sge.u32 s29, s31  }
0xb8: {  	s2 =	simm.s32 @!p2 $0x2  }
0xb9: {  	_ =	swait.ge @!p2 [sflag:s2], $0x100  }
.Ltmp3:
0xba: {  	s6 =	simm.s32 @!p2 $0x100;
	[sflag:s2] =	ssyncset.done @!p2 $0x0;
	(pc) =	sbr.rel @!p0 .LBB2_4-.Ltmp3, $3  }
0xbb: {  	s7 =	simm.s32 @!p2 $0x4300;
	s11 =	simm.s32 @!p2 $0x80;
	[sflag:s2] =	ssyncadd.s32 @!p2 $0xFFFFFF00  }
0xbc: {  	[tilespmem:s7], [sflag:$0x5] =	stream.indirect.gather @!p2 [hbm4b:s4+s11], $0x80, s6, s11, $0xb8;
	[tilespmem:$0x1FB80] =	vst v63  }
0xbd: {  	[bflag:$0x0] =	sbarrier.arrive $0xFFFF;
	_ =	sdelay $0x1  }
0xbe: {  	s2 =	rddreg [dreg:$0xc]  }
0xbf: {  	[hbm:s2], [sflag:s8] =	dma.local [spmem:s17], $0x2780  }
.Ltmp4:
0xc0: {  	_ = 	snop;
	(pc) =	sbr.rel @p1 .LBB2_7-.Ltmp4, $4  }
.Ltmp5:
0xc1: {  	_ = 	snop;
	(pc) =	sbr.rel @!p1 .LBB2_6-.Ltmp5, $4  }
0xc2: {  	_ =	swait.ge [sflag:s18], $0x2780  }
0xc3: {  	[sflag:s18] =	ssyncset.done $0x0  }
0xc4: {  	s6 =	rddreg [dreg:$0x9];
	[sflag:s18] =	ssyncadd.s32 $0xFFFFD880  }
0xc5: {  	_ = 	snop  }
.LBB2_4:
0xc6: {  	s2 =	rddreg [dreg:$0xb]  }
0xc7: {  	[hbm:s2], [sflag:s8] =	dma.local [spmem:s17], $0x2780  }
0xc8: {  	_ =	swait.ge [sflag:s18], $0x2780  }
0xc9: {  	s31 =	sld [smem:$0x7FD];
	_ =	sdelay $0x2  }
0xca: {  	p2 =	seq.s32 s31, $0x1  }
.Ltmp6:
0xcb: {  	_ = 	snop;
	(pc) =	sbr.rel @p2 .LBB2_6-.Ltmp6, $4  }
.Ltmp7:
0xcc: {  	_ = 	snop;
	(pc) =	sbr.rel @!p2 .LBB2_7-.Ltmp7, $4  }
0xcd: {  	_ = 	snop  }
0xce: {  	[sflag:s18] =	ssyncset.done $0x0  }
0xcf: {  	s6 =	rddreg [dreg:$0x8];
	[sflag:s18] =	ssyncadd.s32 $0xFFFFD880  }
0xd0: {  	_ = 	snop  }
.LBB2_8:
0xd1: {  	_ =	sfence.sel $0x180000  }
0xd2: {  	[bflag:$0x0] =	sbarrier.arrive $0xFFFF  }
0xd3: {  	_ =	strace $0x9000004A  }
0xd4: {  	[bflag:$0x2] =	sbarrier.arrive $0xFFFF  }
0xd5: {  	p0 =	sne.s32 s3, $0x0;
	s0 =	rddreg [dreg:$0x2]  }
0xd6: {  	s0 =	sadd.s32 @!p0 $0x100000, s0  }
0xd7: {  	[sflag:s0] =	ssyncadd.tile.s32 @!p0 $0x1;
	_ =	shalt  }
.Lfunc_end2:
_tile_overlayer_lowered:
.L_overlay_start_2:
0xd8: {  	(tag) =	ssettag $0x2  }
0xd9: {  	s0 =	rddreg [dreg:$0x0];
	s2 =	stileid.u32  }
0xda: {  	s1 =	rddreg [dreg:$0x1];
	p0 =	sne.s32 s2, $0x0  }
0xdb: {  	s3 =	rddreg [dreg:$0x2];
	[bflag:$0x3] =	sbarrier.arrive $0xFFFF;
	s2 =	simm.s32 @!p0 $0x1C07  }
0xdc: {  	[timem:s3], [sflag:s2] =	dma.local @!p0 [hbm:s0], s1  }
0xdd: {  	s0 =	simm.s32 @!p0 $0x7  }
0xde: {  	_ =	swait.ge @!p0 [sflag:s0], s1  }
0xdf: {  	s1 =	ssub.s32 @!p0 $0x0, s1;
	[sflag:s0] =	ssyncset.done @!p0 $0x0  }
0xe0: {  	[sflag:s0] =	ssyncadd.s32 @!p0 s1  }
0xe1: {  	[bflag:$0x3] =	sbarrier.arrive $0xFFFF  }
0xe2: {  	_ =	shalt  }

// kernel: kernel.19.cloned.1.call-start
scs
__scs_entry_jumppad:
0x0: {  	(pc) =	sbr.rel $0x88, $3  }
0x1: {  	(tag) =	ssettag $0x0;
	lr =	simm.s32 $0x1  }
0x2: {  	[smem:$0x3F91] =	sst lr;
	_ =	strace $0xD0000000  }
0x3: {  	_ = 	snop  }
0x4: {  	_ = 	snop  }
0x5: {  	_ = 	snop  }
0x6: {  	_ = 	snop  }
0x7: {  	_ = 	snop  }
__scs_overlays_trampoline_lowered:
0x8: {  	[smem:$0x3FA0] =	sst s0  }
0x9: {  	[smem:$0x3FA1] =	sst s1  }
0xa: {  	[smem:$0x3FA2] =	sst s2  }
0xb: {  	[smem:$0x3FA3] =	sst s3  }
0xc: {  	[smem:$0x3FA4] =	sst s4  }
0xd: {  	[smem:$0x3FA5] =	sst s5  }
0xe: {  	[smem:$0x3FA6] =	sst s6  }
0xf: {  	[smem:$0x3FA7] =	sst s7  }
0x10: {  	[smem:$0x3FA8] =	sst s8  }
0x11: {  	[smem:$0x3FA9] =	sst s9;
	s0 =	simm.s32 @!p0 $0x0  }
0x12: {  	s1 =	sld [smem:$0x3F8F];
	s0 =	simm.s32 @p0 $0x1  }
0x13: {  	[smem:$0x3FAA] =	sst s0;
	s0 =	simm.s32 @!p1 $0x0  }
0x14: {  	s2 =	sld [smem:$0x3F8E];
	s0 =	simm.s32 @p1 $0x1  }
0x15: {  	[smem:$0x3FAB] =	sst s0;
	s0 =	simm.s32 @!p2 $0x0  }
0x16: {  	s3 =	sld [smem:$0x3FDB];
	s0 =	simm.s32 @p2 $0x1  }
0x17: {  	s4 =	simm.s32 $0x1BF5;
	[smem:$0x3FAD] =	sst s0  }
0x18: {  	s0 =	sld [smem:$0x3F90];
	_ =	swait.ge [sflag:s4], $0x0  }
0x19: {  	s7 =	sld [smem:$0x3F91]  }
0x1a: {  	s8 =	sadd.s32 $0xFFFFE003, lr  }
0x1b: {  	s9 =	sadd.s32 $0xFFFFFEF7, lr;
	s5 =	simm.s32 $0xFFFFFFFF;
	p2 =	slt.u32 s8, $0xFFFFF086  }
0x1c: {  	p1 =	slt.u32 s9, $0xF7A;
	s5 =	simm.s32 @!p2 $0x0  }
0x1d: {  	s5 =	simm.s32 @p1 $0x1;
	p0 =	seq.s32 s7, s2  }
0x1e: {  	s7 =	smul.u32 @!p0 $0xF7A, s2;
	p2 =	seq.s32 @!p0 s5, $0x0  }
0x1f: {  	s9 =	smul.u32 $0xF7A, s1;
	s8 =	simm.s32 @!p0 $0x1BF5;
	p2 =	por !p2, p0  }
0x20: {  	[sflag:s8] =	ssyncset.s32 @!p0 $0xFFFFF086;
	s6 =	sadd.s32 @!p0 s3, s7;
	s7 =	simm.s32 @!p0 $0x108  }
0x21: {  	s3 =	sadd.s32 s3, s9;
	s6 =	sadd.s32 @!p0 $0x88, s6;
	s7 =	simm.s32 @p2 $0x1082  }
0x22: {  	[simem:s7], [sflag:s8] =	dma.local @!p0 [hbm:s6], $0xF7A  }
0x23: {  	s9 =	sor.u32 $0xD0000000, s2;
	s6 =	simm.s32 $0x108;
	_ =	swait.ge @!p0 [sflag:s8], $0x0  }
0x24: {  	s3 =	sadd.s32 $0x88, s3;
	s6 =	simm.s32 @!p1 $0x1082;
	[sflag:s4] =	ssyncset.s32 $0xFFFFF086  }
0x25: {  	[simem:s6], [sflag:s4] =	dma.local [hbm:s3], $0xF7A  }
0x26: {  	[smem:$0x3F91] =	sst s1;
	(tag) =	ssettag s2;
	_ =	strace s9  }
0x27: {  	s1 =	sld [smem:$0x3FA1]  }
0x28: {  	s2 =	sld [smem:$0x3FA2]  }
0x29: {  	s4 =	sld [smem:$0x3FA4]  }
0x2a: {  	p0 =	seq.s32 s5, $0x0;
	s5 =	sld [smem:$0x3FA5]  }
0x2b: {  	s6 =	sld [smem:$0x3FA6]  }
0x2c: {  	s7 =	sld [smem:$0x3FA7]  }
0x2d: {  	s3 =	simm.s32 $0x108;
	s8 =	sld [smem:$0x3FA8]  }
0x2e: {  	s3 =	simm.s32 @!p0 $0x1082;
	s9 =	sld [smem:$0x3FA9]  }
0x2f: {  	lr =	sadd.s32 s0, s3;
	s0 =	sld [smem:$0x3FA0]  }
0x30: {  	s3 =	sld [smem:$0x3FA3]  }
0x31: {  	[smem:$0x3FAC] =	sst s10  }
0x32: {  	s10 =	sld [smem:$0x3FAA];
	_ =	sdelay $0x3  }
0x33: {  	p0 =	seq.s32 s10, $0x1;
	s10 =	sld [smem:$0x3FAC];
	_ =	sdelay $0x3  }
0x34: {  	[smem:$0x3FAC] =	sst s10  }
0x35: {  	s10 =	sld [smem:$0x3FAB];
	_ =	sdelay $0x3  }
0x36: {  	p1 =	seq.s32 s10, $0x1;
	s10 =	sld [smem:$0x3FAC];
	_ =	sdelay $0x3  }
0x37: {  	[smem:$0x3FAC] =	sst s10  }
0x38: {  	s10 =	sld [smem:$0x3FAD]  }
0x39: {  	_ = 	snop;
	(pc) =	sbr.ind lr, $3  }
0x3a: {  	_ = 	snop  }
0x3b: {  	_ = 	snop  }
0x3c: {  	p2 =	seq.s32 s10, $0x1;
	s10 =	sld [smem:$0x3FAC]  }
0x3d: {  	_ =	shalt  }
0x3e: {  	_ =	shalt  }
0x3f: {  	_ =	shalt  }
0x40: {  	_ =	shalt  }
0x41: {  	_ =	shalt  }
0x42: {  	_ =	shalt  }
0x43: {  	_ =	shalt  }
0x44: {  	_ =	shalt  }
0x45: {  	_ =	shalt  }
0x46: {  	_ =	shalt  }
0x47: {  	_ =	shalt  }
0x48: {  	_ =	shalt  }
0x49: {  	_ =	shalt  }
0x4a: {  	_ =	shalt  }
0x4b: {  	_ =	shalt  }
0x4c: {  	_ =	shalt  }
0x4d: {  	_ =	shalt  }
0x4e: {  	_ =	shalt  }
0x4f: {  	_ =	shalt  }
0x50: {  	_ =	shalt  }
0x51: {  	_ =	shalt  }
0x52: {  	_ =	shalt  }
0x53: {  	_ =	shalt  }
0x54: {  	_ =	shalt  }
0x55: {  	_ =	shalt  }
0x56: {  	_ =	shalt  }
0x57: {  	_ =	shalt  }
0x58: {  	_ =	shalt  }
0x59: {  	_ =	shalt  }
0x5a: {  	_ =	shalt  }
0x5b: {  	_ =	shalt  }
0x5c: {  	_ =	shalt  }
0x5d: {  	_ =	shalt  }
0x5e: {  	_ =	shalt  }
0x5f: {  	_ =	shalt  }
0x60: {  	_ =	shalt  }
0x61: {  	_ =	shalt  }
0x62: {  	_ =	shalt  }
0x63: {  	_ =	shalt  }
0x64: {  	_ =	shalt  }
0x65: {  	_ =	shalt  }
0x66: {  	_ =	shalt  }
0x67: {  	_ =	shalt  }
0x68: {  	_ =	shalt  }
0x69: {  	_ =	shalt  }
0x6a: {  	_ =	shalt  }
0x6b: {  	_ =	shalt  }
0x6c: {  	_ =	shalt  }
0x6d: {  	_ =	shalt  }
0x6e: {  	_ =	shalt  }
0x6f: {  	_ =	shalt  }
0x70: {  	_ =	shalt  }
0x71: {  	_ =	shalt  }
0x72: {  	_ =	shalt  }
0x73: {  	_ =	shalt  }
0x74: {  	_ =	shalt  }
0x75: {  	_ =	shalt  }
0x76: {  	_ =	shalt  }
0x77: {  	_ =	shalt  }
0x78: {  	_ =	shalt  }
0x79: {  	_ =	shalt  }
0x7a: {  	_ =	shalt  }
0x7b: {  	_ =	shalt  }
0x7c: {  	_ =	shalt  }
0x7d: {  	_ =	shalt  }
0x7e: {  	_ =	shalt  }
0x7f: {  	_ =	shalt  }
0x80: {  	_ =	shalt  }
0x81: {  	_ =	shalt  }
0x82: {  	_ =	shalt  }
0x83: {  	_ =	shalt  }
0x84: {  	_ =	shalt  }
0x85: {  	_ =	shalt  }
0x86: {  	_ =	shalt  }
0x87: {  	_ =	shalt  }
.Lfunc_end0:
.L_simem_size_0:
called_computation.2_lowered:
.L_overlay_start_0:
0x88: {  	s2 =	sld [smem:$0x3FD9]  }
0x89: {  	s3 =	sld [smem:$0x3FFE];
	_ =	sdelay $0x1  }
0x8a: {  	s1 =	srdreg.scid  }
0x8b: {  	s0 =	sand.u32 $0x1, s1  }
0x8c: {  	s16 =	sshll.u32 s0, $0xA;
	s2 =	sadd.s32 s3, s2  }
0x8d: {  	s2 =	sadd.s32 s2, s16  }
0x8e: {  	[smem:$0x3FB8] =	sst s2  }
0x8f: {  	_ = 	snop  }
0x90: {  	(tm) =	ssettm $0x1  }
0x91: {  	s17 =	sld [smem:$0x3FFB];
	_ =	sdelay $0x3  }
0x92: {  	_ =	strace s17  }
0x93: {  	s2 =	sld [smem:$0x3FFC];
	_ =	sdelay $0x3  }
0x94: {  	_ =	strace s2  }
0x95: {  	s2 =	sld [smem:$0x3FFD];
	_ =	sdelay $0x3  }
0x96: {  	_ =	strace s2  }
0x97: {  	_ =	strace $0x8FFFFFFF  }
0x98: {  	s18 =	sld [smem:$0x3FDB];
	_ =	sdelay $0x1  }
0x99: {  	s19 =	simm.s32 $_scs_section_size  }
0x9a: {  	s4 =	simm.s32 $_size__tile_overlayer_lowered;
	s5 =	simm.s32 $_tile_overlayer_lowered  }
0x9b: {  	s22 =	simm.s32 $0x1BFF;
	s21 =	sshll.u32 s5, $0x1;
	s2 =	sadd.s32 s19, s18  }
0x9c: {  	s6 =	simm.s32 $0x0;
	s20 =	sshll.u32 s4, $0x1;
	s4 =	sadd.s32 s21, s2  }
0x9d: {  	[timem:s6], [sflag:s22] =	dma.local [hbm:s4], s20  }
0x9e: {  	_ =	swait.ge [sflag:s22], s20  }
0x9f: {  	s3 =	ssub.s32 $0x0, s20;
	[sflag:s22] =	ssyncset.done $0x0  }
0xa0: {  	[sflag:s22] =	ssyncadd.s32 s3;
	_ =	sdelay $0x1  }
0xa1: {  	s23 =	simm.s32 $0x1B8B  }
0xa2: {  	_ =	swait.ge [sflag:s23], $0x1  }
0xa3: {  	[sflag:s23] =	ssyncset.done $0x0  }
0xa4: {  	s25 =	simm.s32 $0x1B8E;
	s24 =	sld [smem:$0x3FFE];
	[sflag:s23] =	ssyncadd.s32 $0xFFFFFFFF  }
0xa5: {  	s26 =	simm.s32 $execute0_lowered;
	[smem:$0x3FD2] =	sst s25  }
0xa6: {  	s4 =	sshll.u32 s26, $0x1;
	_ =	strace $0x8000004C;
	[dreg:$0x1] =	wrdreg $0xFFFFFFFF  }
0xa7: {  	s28 =	simm.s32 $_size_execute0_lowered;
	s2 =	sadd.s32 s2, s4;
	[dreg:$0x0] =	wrdreg $0x0  }
0xa8: {  	s4 =	sshll.u32 s28, $0x1;
	[dreg:$0x2] =	wrdreg s2  }
0xa9: {  	[dreg:$0x3] =	wrdreg s4  }
0xaa: {  	[dreg:$0x4] =	wrdreg $0xC0  }
0xab: {  	_ =	task [dreg:s6], $0x5FFFF  }
0xac: {  	[dreg:$0x1] =	wrdreg $0xFFFFFFFF  }
0xad: {  	[dreg:$0x0] =	wrdreg $0x60  }
0xae: {  	[dreg:$0x2] =	wrdreg s24  }
0xaf: {  	[dreg:$0x3] =	wrdreg $0xC3000  }
0xb0: {  	[dreg:$0x4] =	wrdreg $0x9  }
0xb1: {  	_ =	task.clear_ibuf [dreg:s6], $0x5FFFF;
	_ =	strace $0x9000004C  }
0xb2: {  	s29 =	simm.s32 $0x9;
	_ =	strace $0x8000004E  }
0xb3: {  	_ =	swait.ge [sflag:s29], $0x1  }
0xb4: {  	[sflag:s29] =	ssyncadd.s32 $0xFFFFFFFF  }
0xb5: {  	_ =	strace $0x9000004E  }
0xb6: {  	_ =	sfence  }
0xb7: {  	s30 =	sld [smem:$0x0];
	_ =	sdelay $0x2  }
0xb8: {  	s31 =	sshll.u32 s1, $0xD;
	s1 =	sshrl.u32 s1, $0x2  }
0xb9: {  	s3 =	sand.u32 $0x4000, s31;
	s1 =	sadd.s32 s1, s30  }
0xba: {  	s0 =	sor.u32 s3, s0;
	s1 =	sshll.u32 s1, $0x11  }
0xbb: {  	s0 =	sor.u32 s1, s0  }
0xbc: {  	s0 =	sadd.s32 $0x8F2B, s0  }
0xbd: {  	[sflag:s0] =	ssyncadd.remote.s32 $0x1  }
0xbe: {  	_ =	sfence.sel $0xFFFF  }
0xbf: {  	[dreg:$0x0] =	wrdreg $0xFFFFFFFF;
	(pc) =	sbr.abs _section_cstart, $3  }
0xc0: {  	[dreg:$0x1] =	wrdreg $0xFFFFFFFF  }
0xc1: {  	_ =	task.clear_ibuf [dreg:s6], $0x2FFFF;
	_ =	strace $0x9FFFFFFF  }
0xc2: {  	(tm) =	ssettm $0x7FFFFFFF  }
0xc3: {  	_ =	shalt  }
tec
execute0_lowered:
.L_overlay_start_1:
0x0: {  	(tag) =	ssettag $0x1  }
0x1: {  	s0 =	rddreg [dreg:$0x0]  }
0x2: {  	s1 =	rddreg [dreg:$0x1];
	s2 =	simm.s32 $0x0  }
0x3: {  	s17 =	srdreg.scid;
	s3 =	stileid.u32;
	s28 =	simm.s32 $0x80  }
0x4: {  	s30 =	simm.s32 $0x100;
	s31 =	simm.s32 $0x1;
	[smem:$0x7FF] =	sst s2  }
0x5: {  	s4 =	sadd.s32 $0x43400, s0;
	s5 =	sadd.s32 $0x6B400, s0;
	s7 =	sadd.s32 $0x6000, s0  }
0x6: {  	s2 =	sand.u32 $0x1, s17;
	s6 =	sadd.s32 $0x40C00, s0;
	s9 =	smul.u32 $0x4E000, s3  }
0x7: {  	s11 =	sadd.s32 $0x93400, s0;
	s12 =	sadd.s32 $0xBB400, s0;
	s20 =	sshll.u32 s3, $0x6  }
0x8: {  	s21 =	sshll.u32 s3, $0x4;
	s22 =	sadd.s32 $0x138400, s1;
	s15 =	ssub.s32 $0x9C4, s3  }
0x9: {  	s16 =	ssub.s32 $0x9A4, s3;
	s25 =	smul.u32 $0x2700, s3;
	s17 =	ssub.s32 $0x9B4, s3  }
0xa: {  	p1 =	sne.s32 s3, $0xF;
	p2 =	seq.s32 s3, $0xF;
	_ =	strace $0x8000004D  }
0xb: {  	s8 =	ssub.s32 $0x2, s2;
	s10 =	sor.u32 $0x1C07, s20;
	[dreg:$0x6] =	wrdreg s22  }
0xc: {  	s13 =	sadd.s32 s7, s21;
	s23 =	sand.u32 $0x70, s21;
	[dreg:$0x3] =	wrdreg s11  }
0xd: {  	p0 =	seq.s32 s2, $0x1;
	[dreg:$0x4] =	wrdreg s12;
	s29 =	sor.u32 $0x500, s21  }
0xe: {  	s22 =	simm.s32 $0x0;
	s18 =	sshrl.u32 s8, $0x1;
	s19 =	sshrl.u32 s9, $0x2  }
0xf: {  	s14 =	sadd.s32 $0x100, s13;
	[dreg:$0x7] =	wrdreg s13;
	s24 =	sadd.s32 $0x200, s13  }
0x10: {  	s20 =	sadd.s32 s7, s23;
	s26 =	sadd.s32 s11, s25;
	[dreg:$0xd] =	wrdreg s29  }
0x11: {  	s2 =	sadd.s32 s12, s25;
	s23 =	smov.u32 s4;
	[dreg:$0x8] =	wrdreg s14  }
.Ltmp0:
0x12: {  	s7 =	simm.s32 $0x2;
	[dreg:$0x9] =	wrdreg s24;
	(pc) =	sbr.rel .LBB2_1-.Ltmp0, $4  }
0x13: {  	s0 =	ssub.s32 s8, s18;
	s8 =	sadd.s32 s19, s1;
	[dreg:$0xa] =	wrdreg s26  }
0x14: {  	s18 =	ssub.s32 $0x994, s3;
	s19 =	ssub.s32 $0x984, s3;
	[dreg:$0xb] =	wrdreg s2  }
0x15: {  	s23 =	smov.u32 @p0 s5;
	[dreg:$0x5] =	wrdreg s8;
	s0 =	smax.u32 s0, $0x1  }
0x16: {  	s26 =	simm.s32 $0x7;
	s8 =	simm.s32 $0x4300;
	[dreg:$0xc] =	wrdreg s0  }
.LBB2_13:
0x17: {  	s2 =	rddreg [dreg:$0x6]  }
0x18: {  	s0 =	sadd.s32 $0x27080, s0;
	s2 =	sshrl.u32 s2, $0x3  }
0x19: {  	[hbm:s0], [sflag:s10] =	dma.local [spmem:s2], $0x80  }
0x1a: {  	_ =	swait.ge [sflag:s26], $0x80  }
0x1b: {  	[sflag:s26] =	ssyncset.done $0x0  }
0x1c: {  	[sflag:s26] =	ssyncadd.s32 $0xFFFFFF80  }
.LBB2_14:
0x1d: {  	s22 =	sadd.s32 $0x1, s22;
	s0 =	rddreg [dreg:$0xc]  }
0x1e: {  	p3 =	sne.s32 s22, s0  }
.Ltmp1:
0x1f: {  	_ = 	snop;
	(pc) =	sbr.rel @!p3 .LBB2_15-.Ltmp1, $1  }
0x20: {  	_ =	sdelay $0x3  }
.LBB2_1:
0x21: {  	s0 =	rddreg [dreg:$0x5]  }
0x22: {  	s0 =	sshrl.u32 s0, $0x3  }
0x23: {  	[spmem:s0], [sflag:s10] =	dma.local [hbm:s6], $0x2780  }
0x24: {  	_ =	swait.ge [sflag:s26], $0x2780  }
0x25: {  	[sflag:s26] =	ssyncset.done $0x0;
	s2 =	rddreg [dreg:$0x6]  }
0x26: {  	[sflag:s26] =	ssyncadd.s32 $0xFFFFD880;
	s2 =	sshrl.u32 @!p1 s2, $0x3  }
0x27: {  	[spmem:s2], [sflag:s10] =	dma.local @!p1 [hbm:s6], $0x80  }
0x28: {  	s2 =	simm.s32 @!p1 $0x7  }
0x29: {  	_ =	swait.ge @!p1 [sflag:s2], $0x80  }
0x2a: {  	[sflag:s2] =	ssyncset.done @!p1 $0x0  }
0x2b: {  	[sflag:s2] =	ssyncadd.s32 @!p1 $0xFFFFFF80  }
0x2c: {  	[bflag:$0x0] =	sbarrier.arrive $0xFFFF  }
0x2d: {  	s14 =	simm.s32 $0x0;
	s11 =	simm.s32 $0x4E400;
	s9 =	rddreg [dreg:$0x7]  }
0x2e: {  	[tilespmem:s14], [sflag:$0x1] =	stream.strided.gather [hbm4b:s9+s28], $0x100, s11, s28, $0x38;
	[tilespmem:$0x1FB80] =	vst v63  }
0x2f: {  	s21 =	rddreg [dreg:$0x8]  }
0x30: {  	[tilespmem:s30], [sflag:$0x2] =	stream.strided.gather [hbm4b:s21+s28], $0x100, s11, s28, $0x38;
	[tilespmem:$0x1FB80] =	vst v63  }
0x31: {  	_ =	swait.ge [sflag:s31], $0x100  }
0x32: {  	[sflag:s31] =	ssyncset.done $0x0  }
0x33: {  	s24 =	simm.s32 $0x300;
	[sflag:s31] =	ssyncadd.s32 $0xFFFFFF00  }
0x34: {  	[tilespmem:s24], [sflag:$0x4] =	stream.indirect.gather [hbm4b:s23+s28], $0x80, s14, s28, $0xb8;
	[tilespmem:$0x1FB80] =	vst v63  }
0x35: {  	_ =	swait.ge [sflag:s7], $0x100  }
0x36: {  	[sflag:s7] =	ssyncset.done $0x0  }
.Ltmp2:
0x37: {  	[sflag:s7] =	ssyncadd.s32 $0xFFFFFF00;
	(pc) =	sbr.rel .LBB2_2-.Ltmp2, $4  }
0x38: {  	[tilespmem:s8], [sflag:$0x5] =	stream.indirect.gather [hbm4b:s23+s28], $0x80, s30, s28, $0xb8;
	[tilespmem:$0x1FB80] =	vst v63  }
0x39: {  	s29 =	simm.s32 $0x200;
	s13 =	simm.s32 $0x0;
	s25 =	rddreg [dreg:$0x9]  }
0x3a: {  	[tilespmem:s29], [sflag:$0x3] =	stream.strided.gather [hbm4b:s25+s28], $0x100, s11, s28, $0x38;
	[tilespmem:$0x1FB80] =	vst v63  }
0x3b: {  	s2 =	simm.s32 $0x0;
	s21 =	simm.s32 $0x34;
	s25 =	rddreg [dreg:$0xd]  }
.LBB2_7:
0x3c: {  	p3 =	seq.s32 s21, $0x0  }
.Ltmp3:
0x3d: {  	_ = 	snop;
	(pc) =	sbr.rel @p3 .LBB2_11-.Ltmp3, $1  }
0x3e: {  	_ =	sdelay $0x3  }
.LBB2_8:
0x3f: {  	s21 =	sadd.s32 $0xFFFFFFFF, s21;
	s25 =	sadd.s32 $0x300, s25;
	s2 =	sadd.s32 $0x30, s2  }
.LBB2_2:
0x40: {  	p3 =	sge.u32 s2, s15  }
0x41: {  	s14 =	simm.s32 @!p3 $0x4  }
0x42: {  	_ =	swait.ge @!p3 [sflag:s14], $0x4000  }
0x43: {  	[sflag:s14] =	ssyncset.done @!p3 $0x0  }
0x44: {  	s12 =	simm.s32 @!p3 $0x300;
	[sflag:s14] =	ssyncadd.s32 @!p3 $0xFFFFC000;
	s14 =	simm.s32 @!p3 $0x80  }
0x45: {  	[spmem:s1] =	stream.indirect.scatter.add.f32 @!p3 [tilespmem:s12], [sflag:$0x7], $0x80, s14, s14, $0xb8;
	[tilespmem:$0x1FB80] =	vst v63  }
0x46: {  	s12 =	sadd.s32 @!p3 s2, s3  }
0x47: {  	s12 =	sadd.s32 @!p3 $0x30, s12  }
0x48: {  	p4 =	sgt.u32 @!p3 s12, $0x9C3;
	s12 =	simm.s32 @!p3 $0x7  }
0x49: {  	p4 =	por p4, p3;
	_ =	swait.ge @!p3 [sflag:s12], $0x4000  }
0x4a: {  	s14 =	sadd.s32 @!p4 $0xFFFFFE00, s25;
	[sflag:s12] =	ssyncset.done @!p3 $0x0;
	s24 =	simm.s32 @!p4 $0x4E400  }
0x4b: {  	s9 =	simm.s32 @!p4 $0x0;
	s14 =	sand.u32 @!p4 $0xFF80, s14;
	[sflag:s12] =	ssyncadd.s32 @!p3 $0xFFFFC000  }
0x4c: {  	p3 =	sge.u32 s2, s16;
	s12 =	sadd.s32 @!p4 s14, s20;
	s14 =	simm.s32 @!p4 $0x80  }
0x4d: {  	[tilespmem:s9], [sflag:$0x1] =	stream.strided.gather @!p4 [hbm4b:s12+s14], $0x100, s24, s14, $0x38;
	[tilespmem:$0x1FB80] =	vst v63  }
0x4e: {  	s9 =	simm.s32 @!p3 $0x3  }
0x4f: {  	_ =	swait.ge @!p3 [sflag:s9], $0x100  }
0x50: {  	s12 =	simm.s32 @!p3 $0x200;
	s14 =	simm.s32 @!p3 $0x8300;
	[sflag:s9] =	ssyncset.done @!p3 $0x0  }
0x51: {  	p4 =	sge.u32 s2, s17;
	[sflag:s9] =	ssyncadd.s32 @!p3 $0xFFFFFF00;
	s9 =	simm.s32 @!p3 $0x80  }
0x52: {  	[tilespmem:s14], [sflag:$0x6] =	stream.indirect.gather @!p3 [hbm4b:s23+s9], $0x80, s12, s9, $0xb8;
	[tilespmem:$0x1FB80] =	vst v63  }
0x53: {  	s12 =	simm.s32 @!p4 $0x5  }
0x54: {  	_ =	swait.ge @!p4 [sflag:s12], $0x4000  }
0x55: {  	s24 =	simm.s32 @!p4 $0x180;
	[sflag:s12] =	ssyncset.done @!p4 $0x0  }
0x56: {  	s11 =	simm.s32 @!p4 $0x4300;
	[sflag:s12] =	ssyncadd.s32 @!p4 $0xFFFFC000;
	s12 =	simm.s32 @!p4 $0x80  }
0x57: {  	[spmem:s1] =	stream.indirect.scatter.add.f32 @!p4 [tilespmem:s11], [sflag:$0x7], $0x80, s24, s12, $0xb8;
	[tilespmem:$0x1FB80] =	vst v63  }
0x58: {  	s11 =	sadd.s32 @!p4 s2, s3  }
0x59: {  	s11 =	sadd.s32 @!p4 $0x40, s11  }
0x5a: {  	p5 =	sgt.u32 @!p4 s11, $0x9C3;
	s11 =	simm.s32 @!p4 $0x7  }
0x5b: {  	p5 =	por p5, p4;
	_ =	swait.ge @!p4 [sflag:s11], $0x4000  }
0x5c: {  	s12 =	sadd.s32 @!p5 $0xFFFFFF00, s25;
	[sflag:s11] =	ssyncset.done @!p4 $0x0;
	s24 =	simm.s32 @!p5 $0x4E400  }
0x5d: {  	s29 =	simm.s32 @!p5 $0x100;
	s12 =	sand.u32 @!p5 $0xFF80, s12;
	[sflag:s11] =	ssyncadd.s32 @!p4 $0xFFFFC000  }
0x5e: {  	p4 =	sge.u32 s2, s18;
	s11 =	sadd.s32 @!p5 s12, s20;
	s12 =	simm.s32 @!p5 $0x80  }
0x5f: {  	[tilespmem:s29], [sflag:$0x2] =	stream.strided.gather @!p5 [hbm4b:s11+s12], $0x100, s24, s12, $0x38;
	[tilespmem:$0x1FB80] =	vst v63  }
0x60: {  	s11 =	simm.s32 @!p4 $0x1  }
0x61: {  	_ =	swait.ge @!p4 [sflag:s11], $0x100  }
0x62: {  	s12 =	simm.s32 @!p4 $0x0;
	[sflag:s11] =	ssyncset.done @!p4 $0x0  }
0x63: {  	s24 =	simm.s32 @!p4 $0x300;
	[sflag:s11] =	ssyncadd.s32 @!p4 $0xFFFFFF00;
	s11 =	simm.s32 @!p4 $0x80  }
0x64: {  	[tilespmem:s24], [sflag:$0x4] =	stream.indirect.gather @!p4 [hbm4b:s23+s11], $0x80, s12, s11, $0xb8;
	[tilespmem:$0x1FB80] =	vst v63  }
0x65: {  	s11 =	simm.s32 @!p3 $0x6  }
0x66: {  	_ =	swait.ge @!p3 [sflag:s11], $0x4000  }
0x67: {  	[sflag:s11] =	ssyncset.done @!p3 $0x0  }
0x68: {  	[sflag:s11] =	ssyncadd.s32 @!p3 $0xFFFFC000;
	s11 =	simm.s32 @!p3 $0x280  }
0x69: {  	[spmem:s1] =	stream.indirect.scatter.add.f32 @!p3 [tilespmem:s14], [sflag:$0x7], $0x80, s11, s9, $0xb8;
	[tilespmem:$0x1FB80] =	vst v63  }
0x6a: {  	s9 =	sadd.s32 @!p3 s2, s3;
	s11 =	simm.s32 @!p3 $0x7  }
0x6b: {  	s9 =	sadd.s32 @!p3 $0x50, s9;
	_ =	swait.ge @!p3 [sflag:s11], $0x4000  }
0x6c: {  	p4 =	sgt.u32 @!p3 s9, $0x9C3;
	[sflag:s11] =	ssyncset.done @!p3 $0x0  }
0x6d: {  	p4 =	por p4, p3;
	[sflag:s11] =	ssyncadd.s32 @!p3 $0xFFFFC000;
	p3 =	sge.u32 s2, s19  }
.Ltmp4:
0x6e: {  	_ = 	snop;
	(pc) =	sbr.rel @p3 .LBB2_7-.Ltmp4, $4  }
0x6f: {  	_ = 	snop  }
0x70: {  	s13 =	sadd.s32 $0x1, s13;
	s9 =	sand.u32 @!p4 $0xFF80, s25;
	s11 =	simm.s32 @!p4 $0x80  }
0x71: {  	s12 =	simm.s32 @!p4 $0x4E400;
	s14 =	simm.s32 @!p4 $0x200;
	s9 =	sadd.s32 @!p4 s9, s20  }
0x72: {  	[tilespmem:s14], [sflag:$0x3] =	stream.strided.gather @!p4 [hbm4b:s9+s11], $0x100, s12, s11, $0x38;
	[tilespmem:$0x1FB80] =	vst v63  }
.Ltmp5:
0x73: {  	(pc) =	sbr.rel @!p0 .LBB2_9-.Ltmp5, $4  }
0x74: {  	_ = 	snop  }
0x75: {  	_ =	swait.ge [sflag:s7], $0x100  }
0x76: {  	[sflag:s7] =	ssyncset.done $0x0  }
0x77: {  	p3 =	sne.s32 s21, $0x0;
	[sflag:s7] =	ssyncadd.s32 $0xFFFFFF00  }
.Ltmp6:
0x78: {  	(pc) =	sbr.rel @p3 .LBB2_8-.Ltmp6, $4  }
.Ltmp7:
0x79: {  	(pc) =	sbr.rel @!p3 .LBB2_5-.Ltmp7, $4  }
0x7a: {  	_ = 	snop  }
0x7b: {  	_ = 	snop  }
0x7c: {  	[tilespmem:s8], [sflag:$0x5] =	stream.indirect.gather [hbm4b:s5+s28], $0x80, s30, s28, $0xb8;
	[tilespmem:$0x1FB80] =	vst v63  }
0x7d: {  	_ = 	snop  }
.LBB2_9:
.Ltmp8:
0x7e: {  	(pc) =	sbr.rel @p3 .LBB2_8-.Ltmp8, $2  }
0x7f: {  	_ =	sdelay $0x2  }
0x80: {  	[tilespmem:s8], [sflag:$0x5] =	stream.indirect.gather [hbm4b:s4+s28], $0x80, s30, s28, $0xb8;
	[tilespmem:$0x1FB80] =	vst v63  }
.Ltmp9:
0x81: {  	(pc) =	sbr.rel .LBB2_12-.Ltmp9, $2  }
0x82: {  	_ =	sdelay $0x1  }
0x83: {  	[bflag:$0x0] =	sbarrier.arrive $0xFFFF;
	_ =	sdelay $0x1  }
.LBB2_11:
.Ltmp10:
0x84: {  	(pc) =	sbr.rel @p0 .LBB2_6-.Ltmp10, $2  }
0x85: {  	_ =	sdelay $0x1  }
0x86: {  	[bflag:$0x0] =	sbarrier.arrive $0xFFFF;
	_ =	sdelay $0x1  }
.LBB2_12:
0x87: {  	s2 =	rddreg [dreg:$0xa]  }
0x88: {  	[hbm:s2], [sflag:s10] =	dma.local [spmem:s0], $0x2780  }
.Ltmp11:
0x89: {  	_ = 	snop;
	(pc) =	sbr.rel @!p2 .LBB2_14-.Ltmp11, $4  }
.Ltmp12:
0x8a: {  	_ = 	snop;
	(pc) =	sbr.rel @p2 .LBB2_13-.Ltmp12, $4  }
0x8b: {  	_ =	swait.ge [sflag:s26], $0x2780  }
0x8c: {  	[sflag:s26] =	ssyncset.done $0x0  }
0x8d: {  	s0 =	rddreg [dreg:$0x3];
	[sflag:s26] =	ssyncadd.s32 $0xFFFFD880  }
0x8e: {  	_ = 	snop  }
.LBB2_5:
0x8f: {  	[bflag:$0x0] =	sbarrier.arrive $0xFFFF  }
.LBB2_6:
0x90: {  	s2 =	rddreg [dreg:$0xb]  }
0x91: {  	[hbm:s2], [sflag:s10] =	dma.local [spmem:s0], $0x2780  }
.Ltmp13:
0x92: {  	_ = 	snop;
	(pc) =	sbr.rel @p1 .LBB2_14-.Ltmp13, $4  }
.Ltmp14:
0x93: {  	_ = 	snop;
	(pc) =	sbr.rel @!p1 .LBB2_13-.Ltmp14, $4  }
0x94: {  	_ =	swait.ge [sflag:s26], $0x2780  }
0x95: {  	[sflag:s26] =	ssyncset.done $0x0  }
0x96: {  	s0 =	rddreg [dreg:$0x4];
	[sflag:s26] =	ssyncadd.s32 $0xFFFFD880  }
0x97: {  	_ = 	snop  }
.LBB2_15:
0x98: {  	_ =	sfence.sel $0x180000  }
0x99: {  	[bflag:$0x0] =	sbarrier.arrive $0xFFFF  }
0x9a: {  	_ =	strace $0x9000004D  }
0x9b: {  	[bflag:$0x2] =	sbarrier.arrive $0xFFFF  }
0x9c: {  	p0 =	sne.s32 s3, $0x0;
	s0 =	rddreg [dreg:$0x2]  }
0x9d: {  	s0 =	sadd.s32 @!p0 $0x100000, s0  }
0x9e: {  	[sflag:s0] =	ssyncadd.tile.s32 @!p0 $0x1;
	_ =	shalt  }
.Lfunc_end2:
_tile_overlayer_lowered:
.L_overlay_start_2:
0x9f: {  	(tag) =	ssettag $0x2  }
0xa0: {  	s0 =	rddreg [dreg:$0x0];
	s2 =	stileid.u32  }
0xa1: {  	s1 =	rddreg [dreg:$0x1];
	p0 =	sne.s32 s2, $0x0  }
0xa2: {  	s3 =	rddreg [dreg:$0x2];
	[bflag:$0x3] =	sbarrier.arrive $0xFFFF;
	s2 =	simm.s32 @!p0 $0x1C07  }
0xa3: {  	[timem:s3], [sflag:s2] =	dma.local @!p0 [hbm:s0], s1  }
0xa4: {  	s0 =	simm.s32 @!p0 $0x7  }
0xa5: {  	_ =	swait.ge @!p0 [sflag:s0], s1  }
0xa6: {  	s1 =	ssub.s32 @!p0 $0x0, s1;
	[sflag:s0] =	ssyncset.done @!p0 $0x0  }
0xa7: {  	[sflag:s0] =	ssyncadd.s32 @!p0 s1  }
0xa8: {  	[bflag:$0x3] =	sbarrier.arrive $0xFFFF  }
0xa9: {  	_ =	shalt  }

// kernel: kernel.22.cloned.1.call-start
scs
__scs_entry_jumppad:
0x0: {  	(pc) =	sbr.rel $0x88, $3  }
0x1: {  	(tag) =	ssettag $0x0;
	lr =	simm.s32 $0x1  }
0x2: {  	[smem:$0x3F91] =	sst lr;
	_ =	strace $0xD0000000  }
0x3: {  	_ = 	snop  }
0x4: {  	_ = 	snop  }
0x5: {  	_ = 	snop  }
0x6: {  	_ = 	snop  }
0x7: {  	_ = 	snop  }
__scs_overlays_trampoline_lowered:
0x8: {  	[smem:$0x3FA0] =	sst s0  }
0x9: {  	[smem:$0x3FA1] =	sst s1  }
0xa: {  	[smem:$0x3FA2] =	sst s2  }
0xb: {  	[smem:$0x3FA3] =	sst s3  }
0xc: {  	[smem:$0x3FA4] =	sst s4  }
0xd: {  	[smem:$0x3FA5] =	sst s5  }
0xe: {  	[smem:$0x3FA6] =	sst s6  }
0xf: {  	[smem:$0x3FA7] =	sst s7  }
0x10: {  	[smem:$0x3FA8] =	sst s8  }
0x11: {  	[smem:$0x3FA9] =	sst s9;
	s0 =	simm.s32 @!p0 $0x0  }
0x12: {  	s1 =	sld [smem:$0x3F8F];
	s0 =	simm.s32 @p0 $0x1  }
0x13: {  	[smem:$0x3FAA] =	sst s0;
	s0 =	simm.s32 @!p1 $0x0  }
0x14: {  	s2 =	sld [smem:$0x3F8E];
	s0 =	simm.s32 @p1 $0x1  }
0x15: {  	[smem:$0x3FAB] =	sst s0;
	s0 =	simm.s32 @!p2 $0x0  }
0x16: {  	s3 =	sld [smem:$0x3FDB];
	s0 =	simm.s32 @p2 $0x1  }
0x17: {  	s4 =	simm.s32 $0x1BF5;
	[smem:$0x3FAD] =	sst s0  }
0x18: {  	s0 =	sld [smem:$0x3F90];
	_ =	swait.ge [sflag:s4], $0x0  }
0x19: {  	s7 =	sld [smem:$0x3F91]  }
0x1a: {  	s8 =	sadd.s32 $0xFFFFE003, lr  }
0x1b: {  	s9 =	sadd.s32 $0xFFFFFEF7, lr;
	s5 =	simm.s32 $0xFFFFFFFF;
	p2 =	slt.u32 s8, $0xFFFFF086  }
0x1c: {  	p1 =	slt.u32 s9, $0xF7A;
	s5 =	simm.s32 @!p2 $0x0  }
0x1d: {  	s5 =	simm.s32 @p1 $0x1;
	p0 =	seq.s32 s7, s2  }
0x1e: {  	s7 =	smul.u32 @!p0 $0xF7A, s2;
	p2 =	seq.s32 @!p0 s5, $0x0  }
0x1f: {  	s9 =	smul.u32 $0xF7A, s1;
	s8 =	simm.s32 @!p0 $0x1BF5;
	p2 =	por !p2, p0  }
0x20: {  	[sflag:s8] =	ssyncset.s32 @!p0 $0xFFFFF086;
	s6 =	sadd.s32 @!p0 s3, s7;
	s7 =	simm.s32 @!p0 $0x108  }
0x21: {  	s3 =	sadd.s32 s3, s9;
	s6 =	sadd.s32 @!p0 $0x88, s6;
	s7 =	simm.s32 @p2 $0x1082  }
0x22: {  	[simem:s7], [sflag:s8] =	dma.local @!p0 [hbm:s6], $0xF7A  }
0x23: {  	s9 =	sor.u32 $0xD0000000, s2;
	s6 =	simm.s32 $0x108;
	_ =	swait.ge @!p0 [sflag:s8], $0x0  }
0x24: {  	s3 =	sadd.s32 $0x88, s3;
	s6 =	simm.s32 @!p1 $0x1082;
	[sflag:s4] =	ssyncset.s32 $0xFFFFF086  }
0x25: {  	[simem:s6], [sflag:s4] =	dma.local [hbm:s3], $0xF7A  }
0x26: {  	[smem:$0x3F91] =	sst s1;
	(tag) =	ssettag s2;
	_ =	strace s9  }
0x27: {  	s1 =	sld [smem:$0x3FA1]  }
0x28: {  	s2 =	sld [smem:$0x3FA2]  }
0x29: {  	s4 =	sld [smem:$0x3FA4]  }
0x2a: {  	p0 =	seq.s32 s5, $0x0;
	s5 =	sld [smem:$0x3FA5]  }
0x2b: {  	s6 =	sld [smem:$0x3FA6]  }
0x2c: {  	s7 =	sld [smem:$0x3FA7]  }
0x2d: {  	s3 =	simm.s32 $0x108;
	s8 =	sld [smem:$0x3FA8]  }
0x2e: {  	s3 =	simm.s32 @!p0 $0x1082;
	s9 =	sld [smem:$0x3FA9]  }
0x2f: {  	lr =	sadd.s32 s0, s3;
	s0 =	sld [smem:$0x3FA0]  }
0x30: {  	s3 =	sld [smem:$0x3FA3]  }
0x31: {  	[smem:$0x3FAC] =	sst s10  }
0x32: {  	s10 =	sld [smem:$0x3FAA];
	_ =	sdelay $0x3  }
0x33: {  	p0 =	seq.s32 s10, $0x1;
	s10 =	sld [smem:$0x3FAC];
	_ =	sdelay $0x3  }
0x34: {  	[smem:$0x3FAC] =	sst s10  }
0x35: {  	s10 =	sld [smem:$0x3FAB];
	_ =	sdelay $0x3  }
0x36: {  	p1 =	seq.s32 s10, $0x1;
	s10 =	sld [smem:$0x3FAC];
	_ =	sdelay $0x3  }
0x37: {  	[smem:$0x3FAC] =	sst s10  }
0x38: {  	s10 =	sld [smem:$0x3FAD]  }
0x39: {  	_ = 	snop;
	(pc) =	sbr.ind lr, $3  }
0x3a: {  	_ = 	snop  }
0x3b: {  	_ = 	snop  }
0x3c: {  	p2 =	seq.s32 s10, $0x1;
	s10 =	sld [smem:$0x3FAC]  }
0x3d: {  	_ =	shalt  }
0x3e: {  	_ =	shalt  }
0x3f: {  	_ =	shalt  }
0x40: {  	_ =	shalt  }
0x41: {  	_ =	shalt  }
0x42: {  	_ =	shalt  }
0x43: {  	_ =	shalt  }
0x44: {  	_ =	shalt  }
0x45: {  	_ =	shalt  }
0x46: {  	_ =	shalt  }
0x47: {  	_ =	shalt  }
0x48: {  	_ =	shalt  }
0x49: {  	_ =	shalt  }
0x4a: {  	_ =	shalt  }
0x4b: {  	_ =	shalt  }
0x4c: {  	_ =	shalt  }
0x4d: {  	_ =	shalt  }
0x4e: {  	_ =	shalt  }
0x4f: {  	_ =	shalt  }
0x50: {  	_ =	shalt  }
0x51: {  	_ =	shalt  }
0x52: {  	_ =	shalt  }
0x53: {  	_ =	shalt  }
0x54: {  	_ =	shalt  }
0x55: {  	_ =	shalt  }
0x56: {  	_ =	shalt  }
0x57: {  	_ =	shalt  }
0x58: {  	_ =	shalt  }
0x59: {  	_ =	shalt  }
0x5a: {  	_ =	shalt  }
0x5b: {  	_ =	shalt  }
0x5c: {  	_ =	shalt  }
0x5d: {  	_ =	shalt  }
0x5e: {  	_ =	shalt  }
0x5f: {  	_ =	shalt  }
0x60: {  	_ =	shalt  }
0x61: {  	_ =	shalt  }
0x62: {  	_ =	shalt  }
0x63: {  	_ =	shalt  }
0x64: {  	_ =	shalt  }
0x65: {  	_ =	shalt  }
0x66: {  	_ =	shalt  }
0x67: {  	_ =	shalt  }
0x68: {  	_ =	shalt  }
0x69: {  	_ =	shalt  }
0x6a: {  	_ =	shalt  }
0x6b: {  	_ =	shalt  }
0x6c: {  	_ =	shalt  }
0x6d: {  	_ =	shalt  }
0x6e: {  	_ =	shalt  }
0x6f: {  	_ =	shalt  }
0x70: {  	_ =	shalt  }
0x71: {  	_ =	shalt  }
0x72: {  	_ =	shalt  }
0x73: {  	_ =	shalt  }
0x74: {  	_ =	shalt  }
0x75: {  	_ =	shalt  }
0x76: {  	_ =	shalt  }
0x77: {  	_ =	shalt  }
0x78: {  	_ =	shalt  }
0x79: {  	_ =	shalt  }
0x7a: {  	_ =	shalt  }
0x7b: {  	_ =	shalt  }
0x7c: {  	_ =	shalt  }
0x7d: {  	_ =	shalt  }
0x7e: {  	_ =	shalt  }
0x7f: {  	_ =	shalt  }
0x80: {  	_ =	shalt  }
0x81: {  	_ =	shalt  }
0x82: {  	_ =	shalt  }
0x83: {  	_ =	shalt  }
0x84: {  	_ =	shalt  }
0x85: {  	_ =	shalt  }
0x86: {  	_ =	shalt  }
0x87: {  	_ =	shalt  }
.Lfunc_end0:
.L_simem_size_0:
called_computation.3_lowered:
.L_overlay_start_0:
0x88: {  	s2 =	sld [smem:$0x3FD9]  }
0x89: {  	s3 =	sld [smem:$0x3FFE];
	_ =	sdelay $0x1  }
0x8a: {  	s1 =	srdreg.scid  }
0x8b: {  	s0 =	sand.u32 $0x1, s1  }
0x8c: {  	s16 =	sshll.u32 s0, $0xA;
	s2 =	sadd.s32 s3, s2  }
0x8d: {  	s2 =	sadd.s32 s2, s16  }
0x8e: {  	[smem:$0x3FB8] =	sst s2  }
0x8f: {  	_ = 	snop  }
0x90: {  	(tm) =	ssettm $0x1  }
0x91: {  	s17 =	sld [smem:$0x3FFB];
	_ =	sdelay $0x3  }
0x92: {  	_ =	strace s17  }
0x93: {  	s2 =	sld [smem:$0x3FFC];
	_ =	sdelay $0x3  }
0x94: {  	_ =	strace s2  }
0x95: {  	s2 =	sld [smem:$0x3FFD];
	_ =	sdelay $0x3  }
0x96: {  	_ =	strace s2  }
0x97: {  	_ =	strace $0x8FFFFFFF  }
0x98: {  	s18 =	sld [smem:$0x3FDB];
	_ =	sdelay $0x1  }
0x99: {  	s19 =	simm.s32 $_scs_section_size  }
0x9a: {  	s4 =	simm.s32 $_size__tile_overlayer_lowered;
	s5 =	simm.s32 $_tile_overlayer_lowered  }
0x9b: {  	s22 =	simm.s32 $0x1BFF;
	s21 =	sshll.u32 s5, $0x1;
	s2 =	sadd.s32 s19, s18  }
0x9c: {  	s6 =	simm.s32 $0x0;
	s20 =	sshll.u32 s4, $0x1;
	s4 =	sadd.s32 s21, s2  }
0x9d: {  	[timem:s6], [sflag:s22] =	dma.local [hbm:s4], s20  }
0x9e: {  	_ =	swait.ge [sflag:s22], s20  }
0x9f: {  	s3 =	ssub.s32 $0x0, s20;
	[sflag:s22] =	ssyncset.done $0x0  }
0xa0: {  	[sflag:s22] =	ssyncadd.s32 s3;
	_ =	sdelay $0x1  }
0xa1: {  	s23 =	simm.s32 $0x1B8B  }
0xa2: {  	_ =	swait.ge [sflag:s23], $0x1  }
0xa3: {  	[sflag:s23] =	ssyncset.done $0x0  }
0xa4: {  	s25 =	simm.s32 $0x1B8E;
	s24 =	sld [smem:$0x3FFE];
	[sflag:s23] =	ssyncadd.s32 $0xFFFFFFFF  }
0xa5: {  	s26 =	simm.s32 $execute0_lowered;
	[smem:$0x3FD2] =	sst s25  }
0xa6: {  	s4 =	sshll.u32 s26, $0x1;
	_ =	strace $0x8000004F;
	[dreg:$0x1] =	wrdreg $0xFFFFFFFF  }
0xa7: {  	s28 =	simm.s32 $_size_execute0_lowered;
	s2 =	sadd.s32 s2, s4;
	[dreg:$0x0] =	wrdreg $0x0  }
0xa8: {  	s4 =	sshll.u32 s28, $0x1;
	[dreg:$0x2] =	wrdreg s2  }
0xa9: {  	[dreg:$0x3] =	wrdreg s4  }
0xaa: {  	[dreg:$0x4] =	wrdreg $0xC0  }
0xab: {  	_ =	task [dreg:s6], $0x5FFFF  }
0xac: {  	[dreg:$0x1] =	wrdreg $0xFFFFFFFF  }
0xad: {  	[dreg:$0x0] =	wrdreg $0x60  }
0xae: {  	[dreg:$0x2] =	wrdreg s24  }
0xaf: {  	[dreg:$0x3] =	wrdreg $0xC3000  }
0xb0: {  	[dreg:$0x4] =	wrdreg $0x9  }
0xb1: {  	_ =	task.clear_ibuf [dreg:s6], $0x5FFFF;
	_ =	strace $0x9000004F  }
0xb2: {  	s29 =	simm.s32 $0x9;
	_ =	strace $0x80000051  }
0xb3: {  	_ =	swait.ge [sflag:s29], $0x1  }
0xb4: {  	[sflag:s29] =	ssyncadd.s32 $0xFFFFFFFF  }
0xb5: {  	_ =	strace $0x90000051  }
0xb6: {  	_ =	sfence  }
0xb7: {  	s30 =	sld [smem:$0x0];
	_ =	sdelay $0x2  }
0xb8: {  	s31 =	sshll.u32 s1, $0xD;
	s1 =	sshrl.u32 s1, $0x2  }
0xb9: {  	s3 =	sand.u32 $0x4000, s31;
	s1 =	sadd.s32 s1, s30  }
0xba: {  	s0 =	sor.u32 s3, s0;
	s1 =	sshll.u32 s1, $0x11  }
0xbb: {  	s0 =	sor.u32 s1, s0  }
0xbc: {  	s0 =	sadd.s32 $0x8F2B, s0  }
0xbd: {  	[sflag:s0] =	ssyncadd.remote.s32 $0x1  }
0xbe: {  	_ =	sfence.sel $0xFFFF  }
0xbf: {  	[dreg:$0x0] =	wrdreg $0xFFFFFFFF;
	(pc) =	sbr.abs _section_cstart, $3  }
0xc0: {  	[dreg:$0x1] =	wrdreg $0xFFFFFFFF  }
0xc1: {  	_ =	task.clear_ibuf [dreg:s6], $0x2FFFF;
	_ =	strace $0x9FFFFFFF  }
0xc2: {  	(tm) =	ssettm $0x7FFFFFFF  }
0xc3: {  	_ =	shalt  }
tec
execute0_lowered:
.L_overlay_start_1:
0x0: {  	(tag) =	ssettag $0x1  }
0x1: {  	s0 =	rddreg [dreg:$0x0]  }
0x2: {  	s1 =	rddreg [dreg:$0x1];
	s2 =	simm.s32 $0x0  }
0x3: {  	s17 =	srdreg.scid;
	s3 =	stileid.u32;
	s28 =	simm.s32 $0x80  }
0x4: {  	s30 =	simm.s32 $0x100;
	s31 =	simm.s32 $0x1;
	[smem:$0x7FF] =	sst s2  }
0x5: {  	s4 =	sadd.s32 $0x43400, s0;
	s5 =	sadd.s32 $0x6B400, s0;
	s7 =	sadd.s32 $0x6000, s0  }
0x6: {  	s2 =	sand.u32 $0x1, s17;
	s6 =	sadd.s32 $0x40C00, s0;
	s9 =	smul.u32 $0x4E000, s3  }
0x7: {  	s11 =	sadd.s32 $0x93400, s0;
	s12 =	sadd.s32 $0xBB400, s0;
	s20 =	sshll.u32 s3, $0x6  }
0x8: {  	s21 =	sshll.u32 s3, $0x4;
	s22 =	sadd.s32 $0x138400, s1;
	s15 =	ssub.s32 $0x9C4, s3  }
0x9: {  	s16 =	ssub.s32 $0x9A4, s3;
	s25 =	smul.u32 $0x2700, s3;
	s17 =	ssub.s32 $0x9B4, s3  }
0xa: {  	p1 =	sne.s32 s3, $0xF;
	p2 =	seq.s32 s3, $0xF;
	_ =	strace $0x80000050  }
0xb: {  	s8 =	ssub.s32 $0x2, s2;
	s10 =	sor.u32 $0x1C07, s20;
	[dreg:$0x6] =	wrdreg s22  }
0xc: {  	s13 =	sadd.s32 s7, s21;
	s23 =	sand.u32 $0x70, s21;
	[dreg:$0x3] =	wrdreg s11  }
0xd: {  	p0 =	seq.s32 s2, $0x1;
	[dreg:$0x4] =	wrdreg s12;
	s29 =	sor.u32 $0x500, s21  }
0xe: {  	s22 =	simm.s32 $0x0;
	s18 =	sshrl.u32 s8, $0x1;
	s19 =	sshrl.u32 s9, $0x2  }
0xf: {  	s14 =	sadd.s32 $0x100, s13;
	[dreg:$0x7] =	wrdreg s13;
	s24 =	sadd.s32 $0x200, s13  }
0x10: {  	s20 =	sadd.s32 s7, s23;
	s26 =	sadd.s32 s11, s25;
	[dreg:$0xd] =	wrdreg s29  }
0x11: {  	s2 =	sadd.s32 s12, s25;
	s23 =	smov.u32 s4;
	[dreg:$0x8] =	wrdreg s14  }
.Ltmp0:
0x12: {  	s7 =	simm.s32 $0x2;
	[dreg:$0x9] =	wrdreg s24;
	(pc) =	sbr.rel .LBB2_1-.Ltmp0, $4  }
0x13: {  	s0 =	ssub.s32 s8, s18;
	s8 =	sadd.s32 s19, s1;
	[dreg:$0xa] =	wrdreg s26  }
0x14: {  	s18 =	ssub.s32 $0x994, s3;
	s19 =	ssub.s32 $0x984, s3;
	[dreg:$0xb] =	wrdreg s2  }
0x15: {  	s23 =	smov.u32 @p0 s5;
	[dreg:$0x5] =	wrdreg s8;
	s0 =	smax.u32 s0, $0x1  }
0x16: {  	s26 =	simm.s32 $0x7;
	s8 =	simm.s32 $0x4300;
	[dreg:$0xc] =	wrdreg s0  }
.LBB2_13:
0x17: {  	s2 =	rddreg [dreg:$0x6]  }
0x18: {  	s0 =	sadd.s32 $0x27080, s0;
	s2 =	sshrl.u32 s2, $0x3  }
0x19: {  	[hbm:s0], [sflag:s10] =	dma.local [spmem:s2], $0x80  }
0x1a: {  	_ =	swait.ge [sflag:s26], $0x80  }
0x1b: {  	[sflag:s26] =	ssyncset.done $0x0  }
0x1c: {  	[sflag:s26] =	ssyncadd.s32 $0xFFFFFF80  }
.LBB2_14:
0x1d: {  	s22 =	sadd.s32 $0x1, s22;
	s0 =	rddreg [dreg:$0xc]  }
0x1e: {  	p3 =	sne.s32 s22, s0  }
.Ltmp1:
0x1f: {  	_ = 	snop;
	(pc) =	sbr.rel @!p3 .LBB2_15-.Ltmp1, $1  }
0x20: {  	_ =	sdelay $0x3  }
.LBB2_1:
0x21: {  	s0 =	rddreg [dreg:$0x5]  }
0x22: {  	s0 =	sshrl.u32 s0, $0x3  }
0x23: {  	[spmem:s0], [sflag:s10] =	dma.local [hbm:s6], $0x2780  }
0x24: {  	_ =	swait.ge [sflag:s26], $0x2780  }
0x25: {  	[sflag:s26] =	ssyncset.done $0x0;
	s2 =	rddreg [dreg:$0x6]  }
0x26: {  	[sflag:s26] =	ssyncadd.s32 $0xFFFFD880;
	s2 =	sshrl.u32 @!p1 s2, $0x3  }
0x27: {  	[spmem:s2], [sflag:s10] =	dma.local @!p1 [hbm:s6], $0x80  }
0x28: {  	s2 =	simm.s32 @!p1 $0x7  }
0x29: {  	_ =	swait.ge @!p1 [sflag:s2], $0x80  }
0x2a: {  	[sflag:s2] =	ssyncset.done @!p1 $0x0  }
0x2b: {  	[sflag:s2] =	ssyncadd.s32 @!p1 $0xFFFFFF80  }
0x2c: {  	[bflag:$0x0] =	sbarrier.arrive $0xFFFF  }
0x2d: {  	s14 =	simm.s32 $0x0;
	s11 =	simm.s32 $0x4E400;
	s9 =	rddreg [dreg:$0x7]  }
0x2e: {  	[tilespmem:s14], [sflag:$0x1] =	stream.strided.gather [hbm4b:s9+s28], $0x100, s11, s28, $0x38;
	[tilespmem:$0x1FB80] =	vst v63  }
0x2f: {  	s21 =	rddreg [dreg:$0x8]  }
0x30: {  	[tilespmem:s30], [sflag:$0x2] =	stream.strided.gather [hbm4b:s21+s28], $0x100, s11, s28, $0x38;
	[tilespmem:$0x1FB80] =	vst v63  }
0x31: {  	_ =	swait.ge [sflag:s31], $0x100  }
0x32: {  	[sflag:s31] =	ssyncset.done $0x0  }
0x33: {  	s24 =	simm.s32 $0x300;
	[sflag:s31] =	ssyncadd.s32 $0xFFFFFF00  }
0x34: {  	[tilespmem:s24], [sflag:$0x4] =	stream.indirect.gather [hbm4b:s23+s28], $0x80, s14, s28, $0xb8;
	[tilespmem:$0x1FB80] =	vst v63  }
0x35: {  	_ =	swait.ge [sflag:s7], $0x100  }
0x36: {  	[sflag:s7] =	ssyncset.done $0x0  }
.Ltmp2:
0x37: {  	[sflag:s7] =	ssyncadd.s32 $0xFFFFFF00;
	(pc) =	sbr.rel .LBB2_2-.Ltmp2, $4  }
0x38: {  	[tilespmem:s8], [sflag:$0x5] =	stream.indirect.gather [hbm4b:s23+s28], $0x80, s30, s28, $0xb8;
	[tilespmem:$0x1FB80] =	vst v63  }
0x39: {  	s29 =	simm.s32 $0x200;
	s13 =	simm.s32 $0x0;
	s25 =	rddreg [dreg:$0x9]  }
0x3a: {  	[tilespmem:s29], [sflag:$0x3] =	stream.strided.gather [hbm4b:s25+s28], $0x100, s11, s28, $0x38;
	[tilespmem:$0x1FB80] =	vst v63  }
0x3b: {  	s2 =	simm.s32 $0x0;
	s21 =	simm.s32 $0x34;
	s25 =	rddreg [dreg:$0xd]  }
.LBB2_7:
0x3c: {  	p3 =	seq.s32 s21, $0x0  }
.Ltmp3:
0x3d: {  	_ = 	snop;
	(pc) =	sbr.rel @p3 .LBB2_11-.Ltmp3, $1  }
0x3e: {  	_ =	sdelay $0x3  }
.LBB2_8:
0x3f: {  	s21 =	sadd.s32 $0xFFFFFFFF, s21;
	s25 =	sadd.s32 $0x300, s25;
	s2 =	sadd.s32 $0x30, s2  }
.LBB2_2:
0x40: {  	p3 =	sge.u32 s2, s15  }
0x41: {  	s14 =	simm.s32 @!p3 $0x4  }
0x42: {  	_ =	swait.ge @!p3 [sflag:s14], $0x4000  }
0x43: {  	[sflag:s14] =	ssyncset.done @!p3 $0x0  }
0x44: {  	s12 =	simm.s32 @!p3 $0x300;
	[sflag:s14] =	ssyncadd.s32 @!p3 $0xFFFFC000;
	s14 =	simm.s32 @!p3 $0x80  }
0x45: {  	[spmem:s1] =	stream.indirect.scatter.add.f32 @!p3 [tilespmem:s12], [sflag:$0x7], $0x80, s14, s14, $0xb8;
	[tilespmem:$0x1FB80] =	vst v63  }
0x46: {  	s12 =	sadd.s32 @!p3 s2, s3  }
0x47: {  	s12 =	sadd.s32 @!p3 $0x30, s12  }
0x48: {  	p4 =	sgt.u32 @!p3 s12, $0x9C3;
	s12 =	simm.s32 @!p3 $0x7  }
0x49: {  	p4 =	por p4, p3;
	_ =	swait.ge @!p3 [sflag:s12], $0x4000  }
0x4a: {  	s14 =	sadd.s32 @!p4 $0xFFFFFE00, s25;
	[sflag:s12] =	ssyncset.done @!p3 $0x0;
	s24 =	simm.s32 @!p4 $0x4E400  }
0x4b: {  	s9 =	simm.s32 @!p4 $0x0;
	s14 =	sand.u32 @!p4 $0xFF80, s14;
	[sflag:s12] =	ssyncadd.s32 @!p3 $0xFFFFC000  }
0x4c: {  	p3 =	sge.u32 s2, s16;
	s12 =	sadd.s32 @!p4 s14, s20;
	s14 =	simm.s32 @!p4 $0x80  }
0x4d: {  	[tilespmem:s9], [sflag:$0x1] =	stream.strided.gather @!p4 [hbm4b:s12+s14], $0x100, s24, s14, $0x38;
	[tilespmem:$0x1FB80] =	vst v63  }
0x4e: {  	s9 =	simm.s32 @!p3 $0x3  }
0x4f: {  	_ =	swait.ge @!p3 [sflag:s9], $0x100  }
0x50: {  	s12 =	simm.s32 @!p3 $0x200;
	s14 =	simm.s32 @!p3 $0x8300;
	[sflag:s9] =	ssyncset.done @!p3 $0x0  }
0x51: {  	p4 =	sge.u32 s2, s17;
	[sflag:s9] =	ssyncadd.s32 @!p3 $0xFFFFFF00;
	s9 =	simm.s32 @!p3 $0x80  }
0x52: {  	[tilespmem:s14], [sflag:$0x6] =	stream.indirect.gather @!p3 [hbm4b:s23+s9], $0x80, s12, s9, $0xb8;
	[tilespmem:$0x1FB80] =	vst v63  }
0x53: {  	s12 =	simm.s32 @!p4 $0x5  }
0x54: {  	_ =	swait.ge @!p4 [sflag:s12], $0x4000  }
0x55: {  	s24 =	simm.s32 @!p4 $0x180;
	[sflag:s12] =	ssyncset.done @!p4 $0x0  }
0x56: {  	s11 =	simm.s32 @!p4 $0x4300;
	[sflag:s12] =	ssyncadd.s32 @!p4 $0xFFFFC000;
	s12 =	simm.s32 @!p4 $0x80  }
0x57: {  	[spmem:s1] =	stream.indirect.scatter.add.f32 @!p4 [tilespmem:s11], [sflag:$0x7], $0x80, s24, s12, $0xb8;
	[tilespmem:$0x1FB80] =	vst v63  }
0x58: {  	s11 =	sadd.s32 @!p4 s2, s3  }
0x59: {  	s11 =	sadd.s32 @!p4 $0x40, s11  }
0x5a: {  	p5 =	sgt.u32 @!p4 s11, $0x9C3;
	s11 =	simm.s32 @!p4 $0x7  }
0x5b: {  	p5 =	por p5, p4;
	_ =	swait.ge @!p4 [sflag:s11], $0x4000  }
0x5c: {  	s12 =	sadd.s32 @!p5 $0xFFFFFF00, s25;
	[sflag:s11] =	ssyncset.done @!p4 $0x0;
	s24 =	simm.s32 @!p5 $0x4E400  }
0x5d: {  	s29 =	simm.s32 @!p5 $0x100;
	s12 =	sand.u32 @!p5 $0xFF80, s12;
	[sflag:s11] =	ssyncadd.s32 @!p4 $0xFFFFC000  }
0x5e: {  	p4 =	sge.u32 s2, s18;
	s11 =	sadd.s32 @!p5 s12, s20;
	s12 =	simm.s32 @!p5 $0x80  }
0x5f: {  	[tilespmem:s29], [sflag:$0x2] =	stream.strided.gather @!p5 [hbm4b:s11+s12], $0x100, s24, s12, $0x38;
	[tilespmem:$0x1FB80] =	vst v63  }
0x60: {  	s11 =	simm.s32 @!p4 $0x1  }
0x61: {  	_ =	swait.ge @!p4 [sflag:s11], $0x100  }
0x62: {  	s12 =	simm.s32 @!p4 $0x0;
	[sflag:s11] =	ssyncset.done @!p4 $0x0  }
0x63: {  	s24 =	simm.s32 @!p4 $0x300;
	[sflag:s11] =	ssyncadd.s32 @!p4 $0xFFFFFF00;
	s11 =	simm.s32 @!p4 $0x80  }
0x64: {  	[tilespmem:s24], [sflag:$0x4] =	stream.indirect.gather @!p4 [hbm4b:s23+s11], $0x80, s12, s11, $0xb8;
	[tilespmem:$0x1FB80] =	vst v63  }
0x65: {  	s11 =	simm.s32 @!p3 $0x6  }
0x66: {  	_ =	swait.ge @!p3 [sflag:s11], $0x4000  }
0x67: {  	[sflag:s11] =	ssyncset.done @!p3 $0x0  }
0x68: {  	[sflag:s11] =	ssyncadd.s32 @!p3 $0xFFFFC000;
	s11 =	simm.s32 @!p3 $0x280  }
0x69: {  	[spmem:s1] =	stream.indirect.scatter.add.f32 @!p3 [tilespmem:s14], [sflag:$0x7], $0x80, s11, s9, $0xb8;
	[tilespmem:$0x1FB80] =	vst v63  }
0x6a: {  	s9 =	sadd.s32 @!p3 s2, s3;
	s11 =	simm.s32 @!p3 $0x7  }
0x6b: {  	s9 =	sadd.s32 @!p3 $0x50, s9;
	_ =	swait.ge @!p3 [sflag:s11], $0x4000  }
0x6c: {  	p4 =	sgt.u32 @!p3 s9, $0x9C3;
	[sflag:s11] =	ssyncset.done @!p3 $0x0  }
0x6d: {  	p4 =	por p4, p3;
	[sflag:s11] =	ssyncadd.s32 @!p3 $0xFFFFC000;
	p3 =	sge.u32 s2, s19  }
.Ltmp4:
0x6e: {  	_ = 	snop;
	(pc) =	sbr.rel @p3 .LBB2_7-.Ltmp4, $4  }
0x6f: {  	_ = 	snop  }
0x70: {  	s13 =	sadd.s32 $0x1, s13;
	s9 =	sand.u32 @!p4 $0xFF80, s25;
	s11 =	simm.s32 @!p4 $0x80  }
0x71: {  	s12 =	simm.s32 @!p4 $0x4E400;
	s14 =	simm.s32 @!p4 $0x200;
	s9 =	sadd.s32 @!p4 s9, s20  }
0x72: {  	[tilespmem:s14], [sflag:$0x3] =	stream.strided.gather @!p4 [hbm4b:s9+s11], $0x100, s12, s11, $0x38;
	[tilespmem:$0x1FB80] =	vst v63  }
.Ltmp5:
0x73: {  	(pc) =	sbr.rel @!p0 .LBB2_9-.Ltmp5, $4  }
0x74: {  	_ = 	snop  }
0x75: {  	_ =	swait.ge [sflag:s7], $0x100  }
0x76: {  	[sflag:s7] =	ssyncset.done $0x0  }
0x77: {  	p3 =	sne.s32 s21, $0x0;
	[sflag:s7] =	ssyncadd.s32 $0xFFFFFF00  }
.Ltmp6:
0x78: {  	(pc) =	sbr.rel @p3 .LBB2_8-.Ltmp6, $4  }
.Ltmp7:
0x79: {  	(pc) =	sbr.rel @!p3 .LBB2_5-.Ltmp7, $4  }
0x7a: {  	_ = 	snop  }
0x7b: {  	_ = 	snop  }
0x7c: {  	[tilespmem:s8], [sflag:$0x5] =	stream.indirect.gather [hbm4b:s5+s28], $0x80, s30, s28, $0xb8;
	[tilespmem:$0x1FB80] =	vst v63  }
0x7d: {  	_ = 	snop  }
.LBB2_9:
.Ltmp8:
0x7e: {  	(pc) =	sbr.rel @p3 .LBB2_8-.Ltmp8, $2  }
0x7f: {  	_ =	sdelay $0x2  }
0x80: {  	[tilespmem:s8], [sflag:$0x5] =	stream.indirect.gather [hbm4b:s4+s28], $0x80, s30, s28, $0xb8;
	[tilespmem:$0x1FB80] =	vst v63  }
.Ltmp9:
0x81: {  	(pc) =	sbr.rel .LBB2_12-.Ltmp9, $2  }
0x82: {  	_ =	sdelay $0x1  }
0x83: {  	[bflag:$0x0] =	sbarrier.arrive $0xFFFF;
	_ =	sdelay $0x1  }
.LBB2_11:
.Ltmp10:
0x84: {  	(pc) =	sbr.rel @p0 .LBB2_6-.Ltmp10, $2  }
0x85: {  	_ =	sdelay $0x1  }
0x86: {  	[bflag:$0x0] =	sbarrier.arrive $0xFFFF;
	_ =	sdelay $0x1  }
.LBB2_12:
0x87: {  	s2 =	rddreg [dreg:$0xa]  }
0x88: {  	[hbm:s2], [sflag:s10] =	dma.local [spmem:s0], $0x2780  }
.Ltmp11:
0x89: {  	_ = 	snop;
	(pc) =	sbr.rel @!p2 .LBB2_14-.Ltmp11, $4  }
.Ltmp12:
0x8a: {  	_ = 	snop;
	(pc) =	sbr.rel @p2 .LBB2_13-.Ltmp12, $4  }
0x8b: {  	_ =	swait.ge [sflag:s26], $0x2780  }
0x8c: {  	[sflag:s26] =	ssyncset.done $0x0  }
0x8d: {  	s0 =	rddreg [dreg:$0x3];
	[sflag:s26] =	ssyncadd.s32 $0xFFFFD880  }
0x8e: {  	_ = 	snop  }
.LBB2_5:
0x8f: {  	[bflag:$0x0] =	sbarrier.arrive $0xFFFF  }
.LBB2_6:
0x90: {  	s2 =	rddreg [dreg:$0xb]  }
0x91: {  	[hbm:s2], [sflag:s10] =	dma.local [spmem:s0], $0x2780  }
.Ltmp13:
0x92: {  	_ = 	snop;
	(pc) =	sbr.rel @p1 .LBB2_14-.Ltmp13, $4  }
.Ltmp14:
0x93: {  	_ = 	snop;
	(pc) =	sbr.rel @!p1 .LBB2_13-.Ltmp14, $4  }
0x94: {  	_ =	swait.ge [sflag:s26], $0x2780  }
0x95: {  	[sflag:s26] =	ssyncset.done $0x0  }
0x96: {  	s0 =	rddreg [dreg:$0x4];
	[sflag:s26] =	ssyncadd.s32 $0xFFFFD880  }
0x97: {  	_ = 	snop  }
.LBB2_15:
0x98: {  	_ =	sfence.sel $0x180000  }
0x99: {  	[bflag:$0x0] =	sbarrier.arrive $0xFFFF  }
0x9a: {  	_ =	strace $0x90000050  }
0x9b: {  	[bflag:$0x2] =	sbarrier.arrive $0xFFFF  }
0x9c: {  	p0 =	sne.s32 s3, $0x0;
	s0 =	rddreg [dreg:$0x2]  }
0x9d: {  	s0 =	sadd.s32 @!p0 $0x100000, s0  }
0x9e: {  	[sflag:s0] =	ssyncadd.tile.s32 @!p0 $0x1;
	_ =	shalt  }
.Lfunc_end2:
_tile_overlayer_lowered:
.L_overlay_start_2:
0x9f: {  	(tag) =	ssettag $0x2  }
0xa0: {  	s0 =	rddreg [dreg:$0x0];
	s2 =	stileid.u32  }
0xa1: {  	s1 =	rddreg [dreg:$0x1];
	p0 =	sne.s32 s2, $0x0  }
0xa2: {  	s3 =	rddreg [dreg:$0x2];
	[bflag:$0x3] =	sbarrier.arrive $0xFFFF;
	s2 =	simm.s32 @!p0 $0x1C07  }
0xa3: {  	[timem:s3], [sflag:s2] =	dma.local @!p0 [hbm:s0], s1  }
0xa4: {  	s0 =	simm.s32 @!p0 $0x7  }
0xa5: {  	_ =	swait.ge @!p0 [sflag:s0], s1  }
0xa6: {  	s1 =	ssub.s32 @!p0 $0x0, s1;
	[sflag:s0] =	ssyncset.done @!p0 $0x0  }
0xa7: {  	[sflag:s0] =	ssyncadd.s32 @!p0 s1  }
0xa8: {  	[bflag:$0x3] =	sbarrier.arrive $0xFFFF  }
0xa9: {  	_ =	shalt  }

</sc_bundles>
